<compile_context>
chip_gen: v7x
topology: tpu7x:2x2x1
jax: 0.10.2.dev20260603
libtpu: 0.0.44.dev20260713+nightly
codegen_flags: <defaults>
</compile_context>

<pallas_src>
import functools

import jax
import jax.numpy as jnp
from jax import lax
from jax.experimental import pallas as pl
from jax.experimental.pallas import tpu as pltpu
from jax.experimental.pallas import tpu_sc as plsc

NC = 2
NS = 16
NW = NC * NS
L = 16


_SC_PARAMS = pltpu.CompilerParams(needs_layout_passes=False)


def _vmesh():
    return plsc.VectorSubcoreMesh(core_axis_name="c", subcore_axis_name="s",
                                  num_cores=NC, num_subcores=NS)


def _wid():
    return lax.axis_index("s") * NC + lax.axis_index("c")


def _deg_kernel(E, NP):
    EW = E // NW

    @functools.partial(
        pl.kernel,
        out_type=jax.ShapeDtypeStruct((NW, NP), jnp.float32),
        mesh=_vmesh(),
        compiler_params=_SC_PARAMS,
        scratch_types=[
            pltpu.VMEM((EW,), jnp.int32),
            pltpu.VMEM((EW,), jnp.float32),
            pltpu.VMEM((NP,), jnp.float32),
        ],
    )
    def k(col_hbm, w_hbm, degp_hbm, col_v, w_v, deg_v):
        wid = _wid()
        base = wid * EW
        pltpu.sync_copy(col_hbm.at[pl.ds(base, EW)], col_v)
        pltpu.sync_copy(w_hbm.at[pl.ds(base, EW)], w_v)
        z = jnp.zeros((L,), jnp.float32)

        def zb(i, c):
            deg_v[pl.ds(i * L, L)] = z
            return c
        lax.fori_loop(0, NP // L, zb, 0, unroll=4)

        def eb(i, c):
            s = pl.ds(i * L, L)
            plsc.addupdate_scatter(deg_v, [col_v[s]], w_v[s])
            return c
        lax.fori_loop(0, EW // L, eb, 0, unroll=4)
        pltpu.sync_copy(deg_v, degp_hbm.at[wid])

    return k


def _dis_kernel(NP):
    SL = NP // NW

    @functools.partial(
        pl.kernel,
        out_type=(jax.ShapeDtypeStruct((NP,), jnp.float32),
                  jax.ShapeDtypeStruct((NP,), jnp.float32)),
        mesh=_vmesh(),
        compiler_params=_SC_PARAMS,
        scratch_types=[
            pltpu.VMEM((NW, SL), jnp.float32),
            pltpu.VMEM((SL,), jnp.float32),
            pltpu.VMEM((SL,), jnp.float32),
        ],
    )
    def k(degp_hbm, dis_hbm, dis2_hbm, pb_v, dis_v, dis2_v):
        wid = _wid()
        base = wid * SL
        pltpu.sync_copy(degp_hbm.at[:, pl.ds(base, SL)], pb_v)

        def rs(i, c):
            s = pl.ds(i * L, L)
            a = pb_v[0, s]
            for p in range(1, NW):
                a = a + pb_v[p, s]
            d = a + 1.0
            y = plsc.bitcast(jnp.int32(0x5F3759DF)
                             - (plsc.bitcast(d, jnp.int32) >> 1), jnp.float32)
            hf = 0.5 * d
            y = y * (1.5 - hf * y * y)
            y = y * (1.5 - hf * y * y)
            y = y * (1.5 - hf * y * y)
            dis_v[s] = y
            dis2_v[s] = y * y
            return c
        lax.fori_loop(0, SL // L, rs, 0, unroll=2)
        pltpu.sync_copy(dis_v, dis_hbm.at[pl.ds(base, SL)])
        pltpu.sync_copy(dis2_v, dis2_hbm.at[pl.ds(base, SL)])

    return k


def _norm_kernel(E, NP):
    EW = E // NW

    @functools.partial(
        pl.kernel,
        out_type=(jax.ShapeDtypeStruct((E,), jnp.float32),
                  jax.ShapeDtypeStruct((E,), jnp.int32)),
        mesh=_vmesh(),
        compiler_params=_SC_PARAMS,
        scratch_types=[
            pltpu.VMEM((NP,), jnp.float32),
            pltpu.VMEM((EW,), jnp.int32),
            pltpu.VMEM((EW,), jnp.int32),
            pltpu.VMEM((EW,), jnp.float32),
            pltpu.VMEM((EW,), jnp.float32),
            pltpu.VMEM((EW,), jnp.int32),
        ],
    )
    def k(dis_hbm, row_hbm, col_hbm, w_hbm, norm_hbm, rc_hbm,
          dis_v, row_v, col_v, w_v, nrm_v, rc_v):
        wid = _wid()
        pltpu.sync_copy(dis_hbm, dis_v)
        base = wid * EW
        pltpu.sync_copy(row_hbm.at[pl.ds(base, EW)], row_v)
        pltpu.sync_copy(col_hbm.at[pl.ds(base, EW)], col_v)
        pltpu.sync_copy(w_hbm.at[pl.ds(base, EW)], w_v)

        def nb(i, c):
            s = pl.ds(i * L, L)
            r = row_v[s]
            cc = col_v[s]
            a = plsc.load_gather(dis_v, [r])
            b = plsc.load_gather(dis_v, [cc])
            nrm_v[s] = a * w_v[s] * b
            rc_v[s] = r | (cc << 16)
            return c
        lax.fori_loop(0, EW // L, nb, 0, unroll=4)
        pltpu.sync_copy(nrm_v, norm_hbm.at[pl.ds(base, EW)])
        pltpu.sync_copy(rc_v, rc_hbm.at[pl.ds(base, EW)])

    return k


def _pack_pairs(he, ho):
    ue = lax.bitcast_convert_type(he, jnp.uint32)
    uo = lax.bitcast_convert_type(ho, jnp.uint32)
    hi = (ue + jnp.uint32(0x8000)) & jnp.uint32(0xFFFF0000)
    lo = (uo + jnp.uint32(0x8000)) >> 16
    return lax.bitcast_convert_type(hi | lo, jnp.int32)


def _mm_T_packed(x, We, Wo):
    n, d = x.shape
    hp = We.shape[1]

    def body(x_ref, we_ref, wo_ref, o_ref):
        he = lax.dot_general(we_ref[...], x_ref[...], (((0,), (1,)), ((), ())),
                             preferred_element_type=jnp.float32)
        ho = lax.dot_general(wo_ref[...], x_ref[...], (((0,), (1,)), ((), ())),
                             preferred_element_type=jnp.float32)
        o_ref[...] = _pack_pairs(he, ho)

    return pl.pallas_call(
        body,
        out_shape=jax.ShapeDtypeStruct((hp, n), jnp.int32),
    )(x, We, Wo)


def _unpack_hi(p):
    return plsc.bitcast(p & jnp.int32(-65536), jnp.float32)


def _unpack_lo(p):
    return plsc.bitcast(p << 16, jnp.float32)


def _spmm_part_kernel(E, N, FT, EG, CH=4000):
    GF = NW // EG
    F = GF * FT
    EE = E // EG
    NCHK = EE // CH

    FP = FT // 2
    scratch = ([pltpu.VMEM((N,), jnp.int32) for _ in range(FP)]
               + [pltpu.VMEM((N,), jnp.float32) for _ in range(FT)]
               + [pltpu.VMEM((CH,), jnp.int32) for _ in range(2)]
               + [pltpu.VMEM((CH,), jnp.float32) for _ in range(2)]
               + [pltpu.SemaphoreType.DMA for _ in range(2)])

    @functools.partial(
        pl.kernel,
        out_type=jax.ShapeDtypeStruct((EG, F, N), jnp.float32),
        mesh=_vmesh(),
        compiler_params=_SC_PARAMS,
        scratch_types=scratch,
    )
    def k(hTp_hbm, rc_hbm, nrm_hbm, out_hbm, *scr):
        hv = scr[0:FP]
        ov = scr[FP:FP + FT]
        rc_b = scr[FP + FT:FP + FT + 2]
        nrm_b = scr[FP + FT + 2:FP + FT + 4]
        sem = scr[FP + FT + 4:FP + FT + 6]
        wid = _wid()
        eg = wid // GF
        fs = wid % GF
        ebase = eg * EE
        for q in range(FP):
            pltpu.sync_copy(hTp_hbm.at[fs * FP + q], hv[q])

        z = jnp.zeros((L,), jnp.float32)

        @plsc.parallel_loop(0, N, step=L, unroll=4)
        def _zb(i):
            s = pl.ds(i, L)
            for f in range(FT):
                ov[f][s] = z

        def start(g, b):
            base = ebase + g * CH
            pltpu.async_copy(rc_hbm.at[pl.ds(base, CH)], rc_b[b], sem[b])
            pltpu.async_copy(nrm_hbm.at[pl.ds(base, CH)], nrm_b[b], sem[b])

        def drain(g, b):
            base = ebase + g * CH
            pltpu.make_async_copy(rc_hbm.at[pl.ds(base, CH)], rc_b[b], sem[b]).wait()
            pltpu.make_async_copy(nrm_hbm.at[pl.ds(base, CH)], nrm_b[b], sem[b]).wait()

        start(0, 0)
        start(1, 1)

        def pair(g0, c):
            for b in range(2):
                g = g0 * 2 + b
                drain(g, b)

                @plsc.parallel_loop(0, CH, step=L, unroll=4)
                def _eb(i):
                    s = pl.ds(i, L)
                    p = rc_b[b][s]
                    r = p & jnp.int32(0xFFFF)
                    cc = p >> 16
                    nm = nrm_b[b][s]
                    for q in range(FP):
                        g16 = plsc.load_gather(hv[q], [r])
                        plsc.addupdate_scatter(ov[2 * q], [cc], _unpack_hi(g16) * nm)
                        plsc.addupdate_scatter(ov[2 * q + 1], [cc], _unpack_lo(g16) * nm)

                @pl.when(g + 2 < NCHK)
                def _():
                    start(g + 2, b)
            return c
        lax.fori_loop(0, NCHK // 2, pair, 0)

        OFF = F // 2
        for q in range(FP):
            pltpu.sync_copy(ov[2 * q], out_hbm.at[eg, fs * FP + q])
            pltpu.sync_copy(ov[2 * q + 1], out_hbm.at[eg, fs * FP + q + OFF])

    return k


def _combine1_mm2(part, hTp, dis2n, bcol, We, Wo):
    eg, f, n = part.shape
    hp2 = We.shape[1]

    def body(p_ref, h_ref, d_ref, b_ref, we_ref, wo_ref, o_ref):
        s = p_ref[0]
        for g in range(1, eg):
            s = s + p_ref[g]
        hp = h_ref[...]
        he = lax.bitcast_convert_type(hp & jnp.int32(-65536), jnp.float32)
        ho = lax.bitcast_convert_type(hp << 16, jnp.float32)
        hfull = jnp.concatenate([he, ho], axis=0)
        a1 = jnp.maximum(s + d_ref[...] * hfull + b_ref[...], 0.0)
        h2e = lax.dot_general(we_ref[...], a1, (((0,), (0,)), ((), ())),
                              preferred_element_type=jnp.float32)
        h2o = lax.dot_general(wo_ref[...], a1, (((0,), (0,)), ((), ())),
                              preferred_element_type=jnp.float32)
        o_ref[...] = _pack_pairs(h2e, h2o)

    return pl.pallas_call(
        body,
        out_shape=jax.ShapeDtypeStruct((hp2, n), jnp.int32),
    )(part, hTp, dis2n, bcol, We, Wo)


def _combine2(part, hTp, dis2n, bcol):
    eg, f, n = part.shape

    def body(p_ref, h_ref, d_ref, b_ref, o_ref):
        s = p_ref[0]
        for g in range(1, eg):
            s = s + p_ref[g]
        hp = h_ref[...]
        he = lax.bitcast_convert_type(
            hp & jnp.int32(-65536), jnp.float32)
        ho = lax.bitcast_convert_type(hp << 16, jnp.float32)
        hfull = jnp.concatenate([he, ho], axis=0)
        o_ref[...] = s + d_ref[...] * hfull + b_ref[...]

    return pl.pallas_call(
        body,
        out_shape=jax.ShapeDtypeStruct((f, n), jnp.float32),
    )(part, hTp, dis2n, bcol)


def kernel(x, edge_index, edge_weight, W1, b1, W2, b2):
    n, d = x.shape
    e = edge_weight.shape[0]
    h = W1.shape[1]
    o = W2.shape[1]
    op = NW
    row = edge_index[0]
    col = edge_index[1]

    sl = ((n + NW - 1) // NW + 127) // 128 * 128
    np_ = NW * sl
    degp = _deg_kernel(e, np_)(col, edge_weight)
    dis, dis2 = _dis_kernel(np_)(degp)
    norm, rcp = _norm_kernel(e, np_)(dis, row, col, edge_weight)
    h1Tp = _mm_T_packed(x, W1[:, :h // 2], W1[:, h // 2:])
    part1 = _spmm_part_kernel(e, n, 8, 2, 1600)(h1Tp, rcp, norm)
    W2p = jnp.zeros((h, op), W2.dtype).at[:, :o].set(W2)
    b2p = jnp.zeros((op,), b2.dtype).at[:o].set(b2)
    h2Tp = _combine1_mm2(part1, h1Tp, dis2[:n].reshape(1, n),
                         b1.reshape(h, 1),
                         W2p[:, :op // 2], W2p[:, op // 2:])
    part2 = _spmm_part_kernel(e, n, 4, 4)(h2Tp, rcp, norm)
    outT = _combine2(part2, h2Tp, dis2[:n].reshape(1, n), b2p.reshape(op, 1))
    return outT[:o].T

# --- scband reference (transcript-rebuilt; emitter-appended) ---
"""Pipeline reference for scband-gcn-22436909154907 (READ-ONLY COPY).

The authoritative reference and input builder live on the scoring server;
editing this copy changes nothing except your own understanding.
"""

import jax, jax.numpy as jnp
import numpy as np

N = 10000
E = 320000
D = 128
H = 128
O = 20


def setup_inputs(seed: int = 0) -> dict:
    key = jax.random.key(seed)
    k1, k2, k3, k4, k5, k6, k7 = jax.random.split(key, 7)
    x = jax.random.normal(k1, (N, D), dtype=jnp.float32)
    edge_index = jax.random.randint(k2, (2, E), 0, N, dtype=jnp.int32)
    edge_weight = jax.random.uniform(k3, (E,), dtype=jnp.float32)
    W1 = jax.random.normal(k4, (D, H), dtype=jnp.float32) * 0.05
    b1 = jnp.zeros((H,), dtype=jnp.float32)
    W2 = jax.random.normal(k5, (H, O), dtype=jnp.float32) * 0.05
    b2 = jnp.zeros((O,), dtype=jnp.float32)
    return {"x": x, "edge_index": edge_index, "edge_weight": edge_weight,
            "W1": W1, "b1": b1, "W2": W2, "b2": b2}


def _gcn_layer(x, edge_index, edge_weight, W, b):
    # PyG GCNConv with gcn_norm (add_self_loops=True, improved=False)
    row = edge_index[0]
    col = edge_index[1]
    loop = jnp.arange(N, dtype=row.dtype)
    row = jnp.concatenate([row, loop])
    col = jnp.concatenate([col, loop])
    w = jnp.concatenate([edge_weight, jnp.ones((N,), dtype=edge_weight.dtype)])
    # degree computed at destination (col) with edge weights
    deg = jnp.zeros((N,), dtype=x.dtype).at[col].add(w)
    deg_inv_sqrt = jnp.where(deg > 0, 1.0 / jnp.sqrt(deg), 0.0)
    norm = deg_inv_sqrt[row] * w * deg_inv_sqrt[col]
    h = x @ W
    msg = h[row] * norm[:, None]
    out = jnp.zeros((N, h.shape[1]), dtype=h.dtype).at[col].add(msg)
    return out + b


def reference(x, edge_index, edge_weight, W1, b1, W2, b2):
    # forward of GCN: relu(conv1) -> dropout(eval: identity) -> conv2 -> dropout(identity)
    h = jax.nn.relu(_gcn_layer(x, edge_index, edge_weight, W1, b1))
    out = _gcn_layer(h, edge_index, edge_weight, W2, b2)
    return out

if __name__ == "__main__":
    import jax
    _d = setup_inputs()
    print(jax.jit(kernel)(*tuple(_d.values())))

</pallas_src>

<mosaic_0001>
#map = affine_map<(d0, d1) -> (0)>
#map1 = affine_map<(d0, d1) -> (0, 0)>
module attributes {stable_mosaic.version = 14 : i64} {
  func.func @k(%arg0: i32, %arg1: i32, %arg2: memref<320000xi32, #tpu.memory_space<hbm>>, %arg3: memref<320000xf32, #tpu.memory_space<hbm>>, %arg4: memref<32x12288xf32, #tpu.memory_space<hbm>>, %arg5: memref<10000xi32, #tpu.memory_space<vmem>>, %arg6: memref<10000xf32, #tpu.memory_space<vmem>>, %arg7: memref<12288xf32, #tpu.memory_space<vmem>>) attributes {dimension_semantics = [#tpu.dimension_semantics<core_parallel>, #tpu.dimension_semantics<subcore_parallel>], iteration_bounds = array<i64: 2, 16>, scalar_prefetch = 0 : i64, scratch_operands = 3 : i64, tpu.core_type = #tpu.core_type<sc_vector_subcore>, window_params = [{transform_indices = #map}, {transform_indices = #map}, {transform_indices = #map1}]} {
    %mul3A = arith.constant 2 : i32
    %mul3A_0 = arith.muli %arg1, %mul3A : i32
    %add3A = arith.addi %mul3A_0, %arg0 : i32
    %mul3A_1 = arith.constant 10000 : i32
    %mul3A_2 = arith.muli %add3A, %mul3A_1 : i32
    "tpu.region"() ({
      %run_scoped3A = tpu.sem_alloc : memref<!tpu.dma_semaphore, #tpu.memory_space<semaphore_mem>>
      %dma_start3A = tpu.memref_slice %arg2[%mul3A_2] : memref<320000xi32, #tpu.memory_space<hbm>> -> memref<10000xi32, #tpu.memory_space<hbm>>
      %dma_start3A_22 = tpu.memref_slice %arg2[%mul3A_2] : memref<320000xi32, #tpu.memory_space<hbm>> -> memref<10000xi32, #tpu.memory_space<hbm>>
      tpu.enqueue_dma source(%dma_start3A_22 : memref<10000xi32, #tpu.memory_space<hbm>>) target(%arg5 : memref<10000xi32, #tpu.memory_space<vmem>>) target_semaphore(%run_scoped3A : memref<!tpu.dma_semaphore, #tpu.memory_space<semaphore_mem>>)
      %dma_wait3A = tpu.memref_slice %arg2[%mul3A_2] : memref<320000xi32, #tpu.memory_space<hbm>> -> memref<10000xi32, #tpu.memory_space<hbm>>
      %dma_wait3A_23 = tpu.memref_slice %arg2[%mul3A_2] : memref<320000xi32, #tpu.memory_space<hbm>> -> memref<10000xi32, #tpu.memory_space<hbm>>
      tpu.wait_dma2 semaphore(%run_scoped3A : memref<!tpu.dma_semaphore, #tpu.memory_space<semaphore_mem>>) src(%dma_wait3A_23 : memref<10000xi32, #tpu.memory_space<hbm>>) dst(%arg5 : memref<10000xi32, #tpu.memory_space<vmem>>)
      tpu.yield
    }) : () -> ()
    "tpu.region"() ({
      %run_scoped3A = tpu.sem_alloc : memref<!tpu.dma_semaphore, #tpu.memory_space<semaphore_mem>>
      %dma_start3A = tpu.memref_slice %arg3[%mul3A_2] : memref<320000xf32, #tpu.memory_space<hbm>> -> memref<10000xf32, #tpu.memory_space<hbm>>
      %dma_start3A_22 = tpu.memref_slice %arg3[%mul3A_2] : memref<320000xf32, #tpu.memory_space<hbm>> -> memref<10000xf32, #tpu.memory_space<hbm>>
      tpu.enqueue_dma source(%dma_start3A_22 : memref<10000xf32, #tpu.memory_space<hbm>>) target(%arg6 : memref<10000xf32, #tpu.memory_space<vmem>>) target_semaphore(%run_scoped3A : memref<!tpu.dma_semaphore, #tpu.memory_space<semaphore_mem>>)
      %dma_wait3A = tpu.memref_slice %arg3[%mul3A_2] : memref<320000xf32, #tpu.memory_space<hbm>> -> memref<10000xf32, #tpu.memory_space<hbm>>
      %dma_wait3A_23 = tpu.memref_slice %arg3[%mul3A_2] : memref<320000xf32, #tpu.memory_space<hbm>> -> memref<10000xf32, #tpu.memory_space<hbm>>
      tpu.wait_dma2 semaphore(%run_scoped3A : memref<!tpu.dma_semaphore, #tpu.memory_space<semaphore_mem>>) src(%dma_wait3A_23 : memref<10000xf32, #tpu.memory_space<hbm>>) dst(%arg6 : memref<10000xf32, #tpu.memory_space<vmem>>)
      tpu.yield
    }) : () -> ()
    %broadcast_in_dim3A = arith.constant 0.000000e+00 : f32
    %broadcast_in_dim3A_3 = vector.broadcast %broadcast_in_dim3A : f32 to vector<16xf32>
    %scan3A = arith.constant 0 : i32
    %scan3A_4 = arith.constant 0 : i32
    %scan3A_5 = arith.constant 768 : i32
    %scan3A_6 = arith.addi %scan3A_4, %scan3A_5 : i32
    %scan3A_7 = arith.constant 4 : i32
    scf.for %scan3A_22 = %scan3A_4 to %scan3A_6 step %scan3A_7  : i32 {
      %mul3A_23 = arith.constant 16 : i32
      %mul3A_24 = arith.muli %scan3A_22, %mul3A_23 : i32
      %swap3A = arith.index_cast %mul3A_24 : i32 to index
      %swap3A_25 = tpu.vector_load %arg7[%swap3A] {strides = array<i32>} : memref<12288xf32, #tpu.memory_space<vmem>>, vector<16xf32>,
      tpu.vector_store %arg7[%swap3A], %broadcast_in_dim3A_3 {strides = array<i32>} : memref<12288xf32, #tpu.memory_space<vmem>>, vector<16xf32>,
      %scan3A_26 = arith.constant 1 : i32
      %scan3A_27 = arith.addi %scan3A_22, %scan3A_26 : i32
      %mul3A_28 = arith.constant 16 : i32
      %mul3A_29 = arith.muli %scan3A_27, %mul3A_28 : i32
      %swap3A_30 = arith.index_cast %mul3A_29 : i32 to index
      %swap3A_31 = tpu.vector_load %arg7[%swap3A_30] {strides = array<i32>} : memref<12288xf32, #tpu.memory_space<vmem>>, vector<16xf32>,
      tpu.vector_store %arg7[%swap3A_30], %broadcast_in_dim3A_3 {strides = array<i32>} : memref<12288xf32, #tpu.memory_space<vmem>>, vector<16xf32>,
      %scan3A_32 = arith.constant 2 : i32
      %scan3A_33 = arith.addi %scan3A_22, %scan3A_32 : i32
      %mul3A_34 = arith.constant 16 : i32
      %mul3A_35 = arith.muli %scan3A_33, %mul3A_34 : i32
      %swap3A_36 = arith.index_cast %mul3A_35 : i32 to index
      %swap3A_37 = tpu.vector_load %arg7[%swap3A_36] {strides = array<i32>} : memref<12288xf32, #tpu.memory_space<vmem>>, vector<16xf32>,
      tpu.vector_store %arg7[%swap3A_36], %broadcast_in_dim3A_3 {strides = array<i32>} : memref<12288xf32, #tpu.memory_space<vmem>>, vector<16xf32>,
      %scan3A_38 = arith.constant 3 : i32
      %scan3A_39 = arith.addi %scan3A_22, %scan3A_38 : i32
      %mul3A_40 = arith.constant 16 : i32
      %mul3A_41 = arith.muli %scan3A_39, %mul3A_40 : i32
      %swap3A_42 = arith.index_cast %mul3A_41 : i32 to index
      %swap3A_43 = tpu.vector_load %arg7[%swap3A_42] {strides = array<i32>} : memref<12288xf32, #tpu.memory_space<vmem>>, vector<16xf32>,
      tpu.vector_store %arg7[%swap3A_42], %broadcast_in_dim3A_3 {strides = array<i32>} : memref<12288xf32, #tpu.memory_space<vmem>>, vector<16xf32>,
    }
    %scan3A_8 = arith.constant 768 : i32
    %scan3A_9 = arith.constant 0 : i32
    %scan3A_10 = arith.constant 0 : i32
    %scan3A_11 = arith.constant 624 : i32
    %scan3A_12 = arith.addi %scan3A_10, %scan3A_11 : i32
    %scan3A_13 = arith.constant 4 : i32
    scf.for %scan3A_22 = %scan3A_10 to %scan3A_12 step %scan3A_13  : i32 {
      %mul3A_23 = arith.constant 16 : i32
      %mul3A_24 = arith.muli %scan3A_22, %mul3A_23 : i32
      %get3A_25 = arith.index_cast %mul3A_24 : i32 to index
      %get3A_26 = tpu.vector_load %arg5[%get3A_25] {strides = array<i32>} : memref<10000xi32, #tpu.memory_space<vmem>>, vector<16xi32>,
      %get3A_27 = arith.index_cast %mul3A_24 : i32 to index
      %get3A_28 = tpu.vector_load %arg6[%get3A_27] {strides = array<i32>} : memref<10000xf32, #tpu.memory_space<vmem>>, vector<16xf32>,
      tpu.vector_store_idx %arg7[%get3A_26], %get3A_28 {add = true} : memref<12288xf32, #tpu.memory_space<vmem>>[vector<16xi32>], vector<16xf32>,
      %scan3A_29 = arith.constant 1 : i32
      %scan3A_30 = arith.addi %scan3A_22, %scan3A_29 : i32
      %mul3A_31 = arith.constant 16 : i32
      %mul3A_32 = arith.muli %scan3A_30, %mul3A_31 : i32
      %get3A_33 = arith.index_cast %mul3A_32 : i32 to index
      %get3A_34 = tpu.vector_load %arg5[%get3A_33] {strides = array<i32>} : memref<10000xi32, #tpu.memory_space<vmem>>, vector<16xi32>,
      %get3A_35 = arith.index_cast %mul3A_32 : i32 to index
      %get3A_36 = tpu.vector_load %arg6[%get3A_35] {strides = array<i32>} : memref<10000xf32, #tpu.memory_space<vmem>>, vector<16xf32>,
      tpu.vector_store_idx %arg7[%get3A_34], %get3A_36 {add = true} : memref<12288xf32, #tpu.memory_space<vmem>>[vector<16xi32>], vector<16xf32>,
      %scan3A_37 = arith.constant 2 : i32
      %scan3A_38 = arith.addi %scan3A_22, %scan3A_37 : i32
      %mul3A_39 = arith.constant 16 : i32
      %mul3A_40 = arith.muli %scan3A_38, %mul3A_39 : i32
      %get3A_41 = arith.index_cast %mul3A_40 : i32 to index
      %get3A_42 = tpu.vector_load %arg5[%get3A_41] {strides = array<i32>} : memref<10000xi32, #tpu.memory_space<vmem>>, vector<16xi32>,
      %get3A_43 = arith.index_cast %mul3A_40 : i32 to index
      %get3A_44 = tpu.vector_load %arg6[%get3A_43] {strides = array<i32>} : memref<10000xf32, #tpu.memory_space<vmem>>, vector<16xf32>,
      tpu.vector_store_idx %arg7[%get3A_42], %get3A_44 {add = true} : memref<12288xf32, #tpu.memory_space<vmem>>[vector<16xi32>], vector<16xf32>,
      %scan3A_45 = arith.constant 3 : i32
      %scan3A_46 = arith.addi %scan3A_22, %scan3A_45 : i32
      %mul3A_47 = arith.constant 16 : i32
      %mul3A_48 = arith.muli %scan3A_46, %mul3A_47 : i32
      %get3A_49 = arith.index_cast %mul3A_48 : i32 to index
      %get3A_50 = tpu.vector_load %arg5[%get3A_49] {strides = array<i32>} : memref<10000xi32, #tpu.memory_space<vmem>>, vector<16xi32>,
      %get3A_51 = arith.index_cast %mul3A_48 : i32 to index
      %get3A_52 = tpu.vector_load %arg6[%get3A_51] {strides = array<i32>} : memref<10000xf32, #tpu.memory_space<vmem>>, vector<16xf32>,
      tpu.vector_store_idx %arg7[%get3A_50], %get3A_52 {add = true} : memref<12288xf32, #tpu.memory_space<vmem>>[vector<16xi32>], vector<16xf32>,
    }
    %scan3A_14 = arith.constant 624 : i32
    %scan3A_15 = arith.addi %scan3A_10, %scan3A_14 : i32
    %mul3A_16 = arith.constant 16 : i32
    %mul3A_17 = arith.muli %scan3A_15, %mul3A_16 : i32
    %get3A = arith.index_cast %mul3A_17 : i32 to index
    %get3A_18 = tpu.vector_load %arg5[%get3A] {strides = array<i32>} : memref<10000xi32, #tpu.memory_space<vmem>>, vector<16xi32>,
    %get3A_19 = arith.index_cast %mul3A_17 : i32 to index
    %get3A_20 = tpu.vector_load %arg6[%get3A_19] {strides = array<i32>} : memref<10000xf32, #tpu.memory_space<vmem>>, vector<16xf32>,
    tpu.vector_store_idx %arg7[%get3A_18], %get3A_20 {add = true} : memref<12288xf32, #tpu.memory_space<vmem>>[vector<16xi32>], vector<16xf32>,
    %scan3A_21 = arith.constant 625 : i32
    "tpu.region"() ({
      %run_scoped3A = tpu.sem_alloc : memref<!tpu.dma_semaphore, #tpu.memory_space<semaphore_mem>>
      %dma_start3A = arith.constant 0 : i32
      %dma_start3A_22 = tpu.memref_slice %arg4[%add3A, %dma_start3A] : memref<32x12288xf32, #tpu.memory_space<hbm>> -> memref<1x12288xf32, #tpu.memory_space<hbm>>
      %dma_start3A_23 = tpu.memref_squeeze %dma_start3A_22 : memref<1x12288xf32, #tpu.memory_space<hbm>> -> memref<12288xf32, #tpu.memory_space<hbm>>
      %dma_start3A_24 = arith.constant 0 : i32
      %dma_start3A_25 = tpu.memref_slice %arg4[%add3A, %dma_start3A_24] : memref<32x12288xf32, #tpu.memory_space<hbm>> -> memref<1x12288xf32, #tpu.memory_space<hbm>>
      %dma_start3A_26 = tpu.memref_squeeze %dma_start3A_25 : memref<1x12288xf32, #tpu.memory_space<hbm>> -> memref<12288xf32, #tpu.memory_space<hbm>>
      tpu.enqueue_dma source(%arg7 : memref<12288xf32, #tpu.memory_space<vmem>>) target(%dma_start3A_26 : memref<12288xf32, #tpu.memory_space<hbm>>) target_semaphore(%run_scoped3A : memref<!tpu.dma_semaphore, #tpu.memory_space<semaphore_mem>>)
      %dma_wait3A = arith.constant 0 : i32
      %dma_wait3A_27 = tpu.memref_slice %arg4[%add3A, %dma_wait3A] : memref<32x12288xf32, #tpu.memory_space<hbm>> -> memref<1x12288xf32, #tpu.memory_space<hbm>>
      %dma_wait3A_28 = tpu.memref_squeeze %dma_wait3A_27 : memref<1x12288xf32, #tpu.memory_space<hbm>> -> memref<12288xf32, #tpu.memory_space<hbm>>
      %dma_wait3A_29 = arith.constant 0 : i32
      %dma_wait3A_30 = tpu.memref_slice %arg4[%add3A, %dma_wait3A_29] : memref<32x12288xf32, #tpu.memory_space<hbm>> -> memref<1x12288xf32, #tpu.memory_space<hbm>>
      %dma_wait3A_31 = tpu.memref_squeeze %dma_wait3A_30 : memref<1x12288xf32, #tpu.memory_space<hbm>> -> memref<12288xf32, #tpu.memory_space<hbm>>
      tpu.wait_dma2 semaphore(%run_scoped3A : memref<!tpu.dma_semaphore, #tpu.memory_space<semaphore_mem>>) src(%arg7 : memref<12288xf32, #tpu.memory_space<vmem>>) dst(%dma_wait3A_31 : memref<12288xf32, #tpu.memory_space<hbm>>)
      tpu.yield
    }) : () -> ()
    return
  }
}

#map = affine_map<(d0, d1) -> (0)>
module attributes {stable_mosaic.version = 14 : i64} {
  func.func @k(%arg0: i32, %arg1: i32, %arg2: memref<12288xf32, #tpu.memory_space<hbm>>, %arg3: memref<320000xi32, #tpu.memory_space<hbm>>, %arg4: memref<320000xi32, #tpu.memory_space<hbm>>, %arg5: memref<320000xf32, #tpu.memory_space<hbm>>, %arg6: memref<320000xf32, #tpu.memory_space<hbm>>, %arg7: memref<320000xi32, #tpu.memory_space<hbm>>, %arg8: memref<12288xf32, #tpu.memory_space<vmem>>, %arg9: memref<10000xi32, #tpu.memory_space<vmem>>, %arg10: memref<10000xi32, #tpu.memory_space<vmem>>, %arg11: memref<10000xf32, #tpu.memory_space<vmem>>, %arg12: memref<10000xf32, #tpu.memory_space<vmem>>, %arg13: memref<10000xi32, #tpu.memory_space<vmem>>) attributes {dimension_semantics = [#tpu.dimension_semantics<core_parallel>, #tpu.dimension_semantics<subcore_parallel>], iteration_bounds = array<i64: 2, 16>, scalar_prefetch = 0 : i64, scratch_operands = 6 : i64, tpu.core_type = #tpu.core_type<sc_vector_subcore>, window_params = [{transform_indices = #map}, {transform_indices = #map}, {transform_indices = #map}, {transform_indices = #map}, {transform_indices = #map}, {transform_indices = #map}]} {
    %mul3A = arith.constant 2 : i32
    %mul3A_0 = arith.muli %arg1, %mul3A : i32
    %add3A = arith.addi %mul3A_0, %arg0 : i32
    "tpu.region"() ({
      %run_scoped3A = tpu.sem_alloc : memref<!tpu.dma_semaphore, #tpu.memory_space<semaphore_mem>>
      tpu.enqueue_dma source(%arg2 : memref<12288xf32, #tpu.memory_space<hbm>>) target(%arg8 : memref<12288xf32, #tpu.memory_space<vmem>>) target_semaphore(%run_scoped3A : memref<!tpu.dma_semaphore, #tpu.memory_space<semaphore_mem>>)
      tpu.wait_dma2 semaphore(%run_scoped3A : memref<!tpu.dma_semaphore, #tpu.memory_space<semaphore_mem>>) src(%arg2 : memref<12288xf32, #tpu.memory_space<hbm>>) dst(%arg8 : memref<12288xf32, #tpu.memory_space<vmem>>)
      tpu.yield
    }) : () -> ()
    %mul3A_1 = arith.constant 10000 : i32
    %mul3A_2 = arith.muli %add3A, %mul3A_1 : i32
    "tpu.region"() ({
      %run_scoped3A = tpu.sem_alloc : memref<!tpu.dma_semaphore, #tpu.memory_space<semaphore_mem>>
      %dma_start3A = tpu.memref_slice %arg3[%mul3A_2] : memref<320000xi32, #tpu.memory_space<hbm>> -> memref<10000xi32, #tpu.memory_space<hbm>>
      %dma_start3A_25 = tpu.memref_slice %arg3[%mul3A_2] : memref<320000xi32, #tpu.memory_space<hbm>> -> memref<10000xi32, #tpu.memory_space<hbm>>
      tpu.enqueue_dma source(%dma_start3A_25 : memref<10000xi32, #tpu.memory_space<hbm>>) target(%arg9 : memref<10000xi32, #tpu.memory_space<vmem>>) target_semaphore(%run_scoped3A : memref<!tpu.dma_semaphore, #tpu.memory_space<semaphore_mem>>)
      %dma_wait3A = tpu.memref_slice %arg3[%mul3A_2] : memref<320000xi32, #tpu.memory_space<hbm>> -> memref<10000xi32, #tpu.memory_space<hbm>>
      %dma_wait3A_26 = tpu.memref_slice %arg3[%mul3A_2] : memref<320000xi32, #tpu.memory_space<hbm>> -> memref<10000xi32, #tpu.memory_space<hbm>>
      tpu.wait_dma2 semaphore(%run_scoped3A : memref<!tpu.dma_semaphore, #tpu.memory_space<semaphore_mem>>) src(%dma_wait3A_26 : memref<10000xi32, #tpu.memory_space<hbm>>) dst(%arg9 : memref<10000xi32, #tpu.memory_space<vmem>>)
      tpu.yield
    }) : () -> ()
    "tpu.region"() ({
      %run_scoped3A = tpu.sem_alloc : memref<!tpu.dma_semaphore, #tpu.memory_space<semaphore_mem>>
      %dma_start3A = tpu.memref_slice %arg4[%mul3A_2] : memref<320000xi32, #tpu.memory_space<hbm>> -> memref<10000xi32, #tpu.memory_space<hbm>>
      %dma_start3A_25 = tpu.memref_slice %arg4[%mul3A_2] : memref<320000xi32, #tpu.memory_space<hbm>> -> memref<10000xi32, #tpu.memory_space<hbm>>
      tpu.enqueue_dma source(%dma_start3A_25 : memref<10000xi32, #tpu.memory_space<hbm>>) target(%arg10 : memref<10000xi32, #tpu.memory_space<vmem>>) target_semaphore(%run_scoped3A : memref<!tpu.dma_semaphore, #tpu.memory_space<semaphore_mem>>)
      %dma_wait3A = tpu.memref_slice %arg4[%mul3A_2] : memref<320000xi32, #tpu.memory_space<hbm>> -> memref<10000xi32, #tpu.memory_space<hbm>>
      %dma_wait3A_26 = tpu.memref_slice %arg4[%mul3A_2] : memref<320000xi32, #tpu.memory_space<hbm>> -> memref<10000xi32, #tpu.memory_space<hbm>>
      tpu.wait_dma2 semaphore(%run_scoped3A : memref<!tpu.dma_semaphore, #tpu.memory_space<semaphore_mem>>) src(%dma_wait3A_26 : memref<10000xi32, #tpu.memory_space<hbm>>) dst(%arg10 : memref<10000xi32, #tpu.memory_space<vmem>>)
      tpu.yield
    }) : () -> ()
    "tpu.region"() ({
      %run_scoped3A = tpu.sem_alloc : memref<!tpu.dma_semaphore, #tpu.memory_space<semaphore_mem>>
      %dma_start3A = tpu.memref_slice %arg5[%mul3A_2] : memref<320000xf32, #tpu.memory_space<hbm>> -> memref<10000xf32, #tpu.memory_space<hbm>>
      %dma_start3A_25 = tpu.memref_slice %arg5[%mul3A_2] : memref<320000xf32, #tpu.memory_space<hbm>> -> memref<10000xf32, #tpu.memory_space<hbm>>
      tpu.enqueue_dma source(%dma_start3A_25 : memref<10000xf32, #tpu.memory_space<hbm>>) target(%arg11 : memref<10000xf32, #tpu.memory_space<vmem>>) target_semaphore(%run_scoped3A : memref<!tpu.dma_semaphore, #tpu.memory_space<semaphore_mem>>)
      %dma_wait3A = tpu.memref_slice %arg5[%mul3A_2] : memref<320000xf32, #tpu.memory_space<hbm>> -> memref<10000xf32, #tpu.memory_space<hbm>>
      %dma_wait3A_26 = tpu.memref_slice %arg5[%mul3A_2] : memref<320000xf32, #tpu.memory_space<hbm>> -> memref<10000xf32, #tpu.memory_space<hbm>>
      tpu.wait_dma2 semaphore(%run_scoped3A : memref<!tpu.dma_semaphore, #tpu.memory_space<semaphore_mem>>) src(%dma_wait3A_26 : memref<10000xf32, #tpu.memory_space<hbm>>) dst(%arg11 : memref<10000xf32, #tpu.memory_space<vmem>>)
      tpu.yield
    }) : () -> ()
    %scan3A = arith.constant 0 : i32
    %scan3A_3 = arith.constant 0 : i32
    %scan3A_4 = arith.constant 624 : i32
    %scan3A_5 = arith.addi %scan3A_3, %scan3A_4 : i32
    %scan3A_6 = arith.constant 4 : i32
    scf.for %scan3A_25 = %scan3A_3 to %scan3A_5 step %scan3A_6  : i32 {
      %mul3A_26 = arith.constant 16 : i32
      %mul3A_27 = arith.muli %scan3A_25, %mul3A_26 : i32
      %get3A_28 = arith.index_cast %mul3A_27 : i32 to index
      %get3A_29 = tpu.vector_load %arg9[%get3A_28] {strides = array<i32>} : memref<10000xi32, #tpu.memory_space<vmem>>, vector<16xi32>,
      %get3A_30 = arith.index_cast %mul3A_27 : i32 to index
      %get3A_31 = tpu.vector_load %arg10[%get3A_30] {strides = array<i32>} : memref<10000xi32, #tpu.memory_space<vmem>>, vector<16xi32>,
      %gather3A_32 = tpu.vector_load_idx %arg8[%get3A_29] : memref<12288xf32, #tpu.memory_space<vmem>>[vector<16xi32>], vector<16xf32>,
      %gather3A_33 = tpu.vector_load_idx %arg8[%get3A_31] : memref<12288xf32, #tpu.memory_space<vmem>>[vector<16xi32>], vector<16xf32>,
      %get3A_34 = arith.index_cast %mul3A_27 : i32 to index
      %get3A_35 = tpu.vector_load %arg11[%get3A_34] {strides = array<i32>} : memref<10000xf32, #tpu.memory_space<vmem>>, vector<16xf32>,
      %mul3A_36 = arith.mulf %gather3A_32, %get3A_35 : vector<16xf32>
      %mul3A_37 = arith.mulf %mul3A_36, %gather3A_33 : vector<16xf32>
      %swap3A_38 = arith.index_cast %mul3A_27 : i32 to index
      %swap3A_39 = tpu.vector_load %arg12[%swap3A_38] {strides = array<i32>} : memref<10000xf32, #tpu.memory_space<vmem>>, vector<16xf32>,
      tpu.vector_store %arg12[%swap3A_38], %mul3A_37 {strides = array<i32>} : memref<10000xf32, #tpu.memory_space<vmem>>, vector<16xf32>,
      %shift_left3A_40 = arith.constant 16 : i32
      %shift_left3A_41 = vector.broadcast %shift_left3A_40 : i32 to vector<16xi32>
      %shift_left3A_42 = arith.shli %get3A_31, %shift_left3A_41 : vector<16xi32>
      %or3A_43 = arith.ori %get3A_29, %shift_left3A_42 : vector<16xi32>
      %swap3A_44 = arith.index_cast %mul3A_27 : i32 to index
      %swap3A_45 = tpu.vector_load %arg13[%swap3A_44] {strides = array<i32>} : memref<10000xi32, #tpu.memory_space<vmem>>, vector<16xi32>,
      tpu.vector_store %arg13[%swap3A_44], %or3A_43 {strides = array<i32>} : memref<10000xi32, #tpu.memory_space<vmem>>, vector<16xi32>,
      %scan3A_46 = arith.constant 1 : i32
      %scan3A_47 = arith.addi %scan3A_25, %scan3A_46 : i32
      %mul3A_48 = arith.constant 16 : i32
      %mul3A_49 = arith.muli %scan3A_47, %mul3A_48 : i32
      %get3A_50 = arith.index_cast %mul3A_49 : i32 to index
      %get3A_51 = tpu.vector_load %arg9[%get3A_50] {strides = array<i32>} : memref<10000xi32, #tpu.memory_space<vmem>>, vector<16xi32>,
      %get3A_52 = arith.index_cast %mul3A_49 : i32 to index
      %get3A_53 = tpu.vector_load %arg10[%get3A_52] {strides = array<i32>} : memref<10000xi32, #tpu.memory_space<vmem>>, vector<16xi32>,
      %gather3A_54 = tpu.vector_load_idx %arg8[%get3A_51] : memref<12288xf32, #tpu.memory_space<vmem>>[vector<16xi32>], vector<16xf32>,
      %gather3A_55 = tpu.vector_load_idx %arg8[%get3A_53] : memref<12288xf32, #tpu.memory_space<vmem>>[vector<16xi32>], vector<16xf32>,
      %get3A_56 = arith.index_cast %mul3A_49 : i32 to index
      %get3A_57 = tpu.vector_load %arg11[%get3A_56] {strides = array<i32>} : memref<10000xf32, #tpu.memory_space<vmem>>, vector<16xf32>,
      %mul3A_58 = arith.mulf %gather3A_54, %get3A_57 : vector<16xf32>
      %mul3A_59 = arith.mulf %mul3A_58, %gather3A_55 : vector<16xf32>
      %swap3A_60 = arith.index_cast %mul3A_49 : i32 to index
      %swap3A_61 = tpu.vector_load %arg12[%swap3A_60] {strides = array<i32>} : memref<10000xf32, #tpu.memory_space<vmem>>, vector<16xf32>,
      tpu.vector_store %arg12[%swap3A_60], %mul3A_59 {strides = array<i32>} : memref<10000xf32, #tpu.memory_space<vmem>>, vector<16xf32>,
      %shift_left3A_62 = arith.constant 16 : i32
      %shift_left3A_63 = vector.broadcast %shift_left3A_62 : i32 to vector<16xi32>
      %shift_left3A_64 = arith.shli %get3A_53, %shift_left3A_63 : vector<16xi32>
      %or3A_65 = arith.ori %get3A_51, %shift_left3A_64 : vector<16xi32>
      %swap3A_66 = arith.index_cast %mul3A_49 : i32 to index
      %swap3A_67 = tpu.vector_load %arg13[%swap3A_66] {strides = array<i32>} : memref<10000xi32, #tpu.memory_space<vmem>>, vector<16xi32>,
      tpu.vector_store %arg13[%swap3A_66], %or3A_65 {strides = array<i32>} : memref<10000xi32, #tpu.memory_space<vmem>>, vector<16xi32>,
      %scan3A_68 = arith.constant 2 : i32
      %scan3A_69 = arith.addi %scan3A_25, %scan3A_68 : i32
      %mul3A_70 = arith.constant 16 : i32
      %mul3A_71 = arith.muli %scan3A_69, %mul3A_70 : i32
      %get3A_72 = arith.index_cast %mul3A_71 : i32 to index
      %get3A_73 = tpu.vector_load %arg9[%get3A_72] {strides = array<i32>} : memref<10000xi32, #tpu.memory_space<vmem>>, vector<16xi32>,
      %get3A_74 = arith.index_cast %mul3A_71 : i32 to index
      %get3A_75 = tpu.vector_load %arg10[%get3A_74] {strides = array<i32>} : memref<10000xi32, #tpu.memory_space<vmem>>, vector<16xi32>,
      %gather3A_76 = tpu.vector_load_idx %arg8[%get3A_73] : memref<12288xf32, #tpu.memory_space<vmem>>[vector<16xi32>], vector<16xf32>,
      %gather3A_77 = tpu.vector_load_idx %arg8[%get3A_75] : memref<12288xf32, #tpu.memory_space<vmem>>[vector<16xi32>], vector<16xf32>,
      %get3A_78 = arith.index_cast %mul3A_71 : i32 to index
      %get3A_79 = tpu.vector_load %arg11[%get3A_78] {strides = array<i32>} : memref<10000xf32, #tpu.memory_space<vmem>>, vector<16xf32>,
      %mul3A_80 = arith.mulf %gather3A_76, %get3A_79 : vector<16xf32>
      %mul3A_81 = arith.mulf %mul3A_80, %gather3A_77 : vector<16xf32>
      %swap3A_82 = arith.index_cast %mul3A_71 : i32 to index
      %swap3A_83 = tpu.vector_load %arg12[%swap3A_82] {strides = array<i32>} : memref<10000xf32, #tpu.memory_space<vmem>>, vector<16xf32>,
      tpu.vector_store %arg12[%swap3A_82], %mul3A_81 {strides = array<i32>} : memref<10000xf32, #tpu.memory_space<vmem>>, vector<16xf32>,
      %shift_left3A_84 = arith.constant 16 : i32
      %shift_left3A_85 = vector.broadcast %shift_left3A_84 : i32 to vector<16xi32>
      %shift_left3A_86 = arith.shli %get3A_75, %shift_left3A_85 : vector<16xi32>
      %or3A_87 = arith.ori %get3A_73, %shift_left3A_86 : vector<16xi32>
      %swap3A_88 = arith.index_cast %mul3A_71 : i32 to index
      %swap3A_89 = tpu.vector_load %arg13[%swap3A_88] {strides = array<i32>} : memref<10000xi32, #tpu.memory_space<vmem>>, vector<16xi32>,
      tpu.vector_store %arg13[%swap3A_88], %or3A_87 {strides = array<i32>} : memref<10000xi32, #tpu.memory_space<vmem>>, vector<16xi32>,
      %scan3A_90 = arith.constant 3 : i32
      %scan3A_91 = arith.addi %scan3A_25, %scan3A_90 : i32
      %mul3A_92 = arith.constant 16 : i32
      %mul3A_93 = arith.muli %scan3A_91, %mul3A_92 : i32
      %get3A_94 = arith.index_cast %mul3A_93 : i32 to index
      %get3A_95 = tpu.vector_load %arg9[%get3A_94] {strides = array<i32>} : memref<10000xi32, #tpu.memory_space<vmem>>, vector<16xi32>,
      %get3A_96 = arith.index_cast %mul3A_93 : i32 to index
      %get3A_97 = tpu.vector_load %arg10[%get3A_96] {strides = array<i32>} : memref<10000xi32, #tpu.memory_space<vmem>>, vector<16xi32>,
      %gather3A_98 = tpu.vector_load_idx %arg8[%get3A_95] : memref<12288xf32, #tpu.memory_space<vmem>>[vector<16xi32>], vector<16xf32>,
      %gather3A_99 = tpu.vector_load_idx %arg8[%get3A_97] : memref<12288xf32, #tpu.memory_space<vmem>>[vector<16xi32>], vector<16xf32>,
      %get3A_100 = arith.index_cast %mul3A_93 : i32 to index
      %get3A_101 = tpu.vector_load %arg11[%get3A_100] {strides = array<i32>} : memref<10000xf32, #tpu.memory_space<vmem>>, vector<16xf32>,
      %mul3A_102 = arith.mulf %gather3A_98, %get3A_101 : vector<16xf32>
      %mul3A_103 = arith.mulf %mul3A_102, %gather3A_99 : vector<16xf32>
      %swap3A_104 = arith.index_cast %mul3A_93 : i32 to index
      %swap3A_105 = tpu.vector_load %arg12[%swap3A_104] {strides = array<i32>} : memref<10000xf32, #tpu.memory_space<vmem>>, vector<16xf32>,
      tpu.vector_store %arg12[%swap3A_104], %mul3A_103 {strides = array<i32>} : memref<10000xf32, #tpu.memory_space<vmem>>, vector<16xf32>,
      %shift_left3A_106 = arith.constant 16 : i32
      %shift_left3A_107 = vector.broadcast %shift_left3A_106 : i32 to vector<16xi32>
      %shift_left3A_108 = arith.shli %get3A_97, %shift_left3A_107 : vector<16xi32>
      %or3A_109 = arith.ori %get3A_95, %shift_left3A_108 : vector<16xi32>
      %swap3A_110 = arith.index_cast %mul3A_93 : i32 to index
      %swap3A_111 = tpu.vector_load %arg13[%swap3A_110] {strides = array<i32>} : memref<10000xi32, #tpu.memory_space<vmem>>, vector<16xi32>,
      tpu.vector_store %arg13[%swap3A_110], %or3A_109 {strides = array<i32>} : memref<10000xi32, #tpu.memory_space<vmem>>, vector<16xi32>,
    }
    %scan3A_7 = arith.constant 624 : i32
    %scan3A_8 = arith.addi %scan3A_3, %scan3A_7 : i32
    %mul3A_9 = arith.constant 16 : i32
    %mul3A_10 = arith.muli %scan3A_8, %mul3A_9 : i32
    %get3A = arith.index_cast %mul3A_10 : i32 to index
    %get3A_11 = tpu.vector_load %arg9[%get3A] {strides = array<i32>} : memref<10000xi32, #tpu.memory_space<vmem>>, vector<16xi32>,
    %get3A_12 = arith.index_cast %mul3A_10 : i32 to index
    %get3A_13 = tpu.vector_load %arg10[%get3A_12] {strides = array<i32>} : memref<10000xi32, #tpu.memory_space<vmem>>, vector<16xi32>,
    %gather3A = tpu.vector_load_idx %arg8[%get3A_11] : memref<12288xf32, #tpu.memory_space<vmem>>[vector<16xi32>], vector<16xf32>,
    %gather3A_14 = tpu.vector_load_idx %arg8[%get3A_13] : memref<12288xf32, #tpu.memory_space<vmem>>[vector<16xi32>], vector<16xf32>,
    %get3A_15 = arith.index_cast %mul3A_10 : i32 to index
    %get3A_16 = tpu.vector_load %arg11[%get3A_15] {strides = array<i32>} : memref<10000xf32, #tpu.memory_space<vmem>>, vector<16xf32>,
    %mul3A_17 = arith.mulf %gather3A, %get3A_16 : vector<16xf32>
    %mul3A_18 = arith.mulf %mul3A_17, %gather3A_14 : vector<16xf32>
    %swap3A = arith.index_cast %mul3A_10 : i32 to index
    %swap3A_19 = tpu.vector_load %arg12[%swap3A] {strides = array<i32>} : memref<10000xf32, #tpu.memory_space<vmem>>, vector<16xf32>,
    tpu.vector_store %arg12[%swap3A], %mul3A_18 {strides = array<i32>} : memref<10000xf32, #tpu.memory_space<vmem>>, vector<16xf32>,
    %shift_left3A = arith.constant 16 : i32
    %shift_left3A_20 = vector.broadcast %shift_left3A : i32 to vector<16xi32>
    %shift_left3A_21 = arith.shli %get3A_13, %shift_left3A_20 : vector<16xi32>
    %or3A = arith.ori %get3A_11, %shift_left3A_21 : vector<16xi32>
    %swap3A_22 = arith.index_cast %mul3A_10 : i32 to index
    %swap3A_23 = tpu.vector_load %arg13[%swap3A_22] {strides = array<i32>} : memref<10000xi32, #tpu.memory_space<vmem>>, vector<16xi32>,
    tpu.vector_store %arg13[%swap3A_22], %or3A {strides = array<i32>} : memref<10000xi32, #tpu.memory_space<vmem>>, vector<16xi32>,
    %scan3A_24 = arith.constant 625 : i32
    "tpu.region"() ({
      %run_scoped3A = tpu.sem_alloc : memref<!tpu.dma_semaphore, #tpu.memory_space<semaphore_mem>>
      %dma_start3A = tpu.memref_slice %arg6[%mul3A_2] : memref<320000xf32, #tpu.memory_space<hbm>> -> memref<10000xf32, #tpu.memory_space<hbm>>
      %dma_start3A_25 = tpu.memref_slice %arg6[%mul3A_2] : memref<320000xf32, #tpu.memory_space<hbm>> -> memref<10000xf32, #tpu.memory_space<hbm>>
      tpu.enqueue_dma source(%arg12 : memref<10000xf32, #tpu.memory_space<vmem>>) target(%dma_start3A_25 : memref<10000xf32, #tpu.memory_space<hbm>>) target_semaphore(%run_scoped3A : memref<!tpu.dma_semaphore, #tpu.memory_space<semaphore_mem>>)
      %dma_wait3A = tpu.memref_slice %arg6[%mul3A_2] : memref<320000xf32, #tpu.memory_space<hbm>> -> memref<10000xf32, #tpu.memory_space<hbm>>
      %dma_wait3A_26 = tpu.memref_slice %arg6[%mul3A_2] : memref<320000xf32, #tpu.memory_space<hbm>> -> memref<10000xf32, #tpu.memory_space<hbm>>
      tpu.wait_dma2 semaphore(%run_scoped3A : memref<!tpu.dma_semaphore, #tpu.memory_space<semaphore_mem>>) src(%arg12 : memref<10000xf32, #tpu.memory_space<vmem>>) dst(%dma_wait3A_26 : memref<10000xf32, #tpu.memory_space<hbm>>)
      tpu.yield
    }) : () -> ()
    "tpu.region"() ({
      %run_scoped3A = tpu.sem_alloc : memref<!tpu.dma_semaphore, #tpu.memory_space<semaphore_mem>>
      %dma_start3A = tpu.memref_slice %arg7[%mul3A_2] : memref<320000xi32, #tpu.memory_space<hbm>> -> memref<10000xi32, #tpu.memory_space<hbm>>
      %dma_start3A_25 = tpu.memref_slice %arg7[%mul3A_2] : memref<320000xi32, #tpu.memory_space<hbm>> -> memref<10000xi32, #tpu.memory_space<hbm>>
      tpu.enqueue_dma source(%arg13 : memref<10000xi32, #tpu.memory_space<vmem>>) target(%dma_start3A_25 : memref<10000xi32, #tpu.memory_space<hbm>>) target_semaphore(%run_scoped3A : memref<!tpu.dma_semaphore, #tpu.memory_space<semaphore_mem>>)
      %dma_wait3A = tpu.memref_slice %arg7[%mul3A_2] : memref<320000xi32, #tpu.memory_space<hbm>> -> memref<10000xi32, #tpu.memory_space<hbm>>
      %dma_wait3A_26 = tpu.memref_slice %arg7[%mul3A_2] : memref<320000xi32, #tpu.memory_space<hbm>> -> memref<10000xi32, #tpu.memory_space<hbm>>
      tpu.wait_dma2 semaphore(%run_scoped3A : memref<!tpu.dma_semaphore, #tpu.memory_space<semaphore_mem>>) src(%arg13 : memref<10000xi32, #tpu.memory_space<vmem>>) dst(%dma_wait3A_26 : memref<10000xi32, #tpu.memory_space<hbm>>)
      tpu.yield
    }) : () -> ()
    return
  }
}

#map = affine_map<(d0, d1) -> (0, 0)>
#map1 = affine_map<(d0, d1) -> (0)>
module attributes {stable_mosaic.version = 14 : i64} {
  func.func @k(%arg0: i32, %arg1: i32, %arg2: memref<32x12288xf32, #tpu.memory_space<hbm>>, %arg3: memref<12288xf32, #tpu.memory_space<hbm>>, %arg4: memref<12288xf32, #tpu.memory_space<hbm>>, %arg5: memref<32x384xf32, #tpu.memory_space<vmem>>, %arg6: memref<384xf32, #tpu.memory_space<vmem>>, %arg7: memref<384xf32, #tpu.memory_space<vmem>>) attributes {dimension_semantics = [#tpu.dimension_semantics<core_parallel>, #tpu.dimension_semantics<subcore_parallel>], iteration_bounds = array<i64: 2, 16>, scalar_prefetch = 0 : i64, scratch_operands = 3 : i64, tpu.core_type = #tpu.core_type<sc_vector_subcore>, window_params = [{transform_indices = #map}, {transform_indices = #map1}, {transform_indices = #map1}]} {
    %mul3A = arith.constant 2 : i32
    %mul3A_0 = arith.muli %arg1, %mul3A : i32
    %add3A = arith.addi %mul3A_0, %arg0 : i32
    %mul3A_1 = arith.constant 384 : i32
    %mul3A_2 = arith.muli %add3A, %mul3A_1 : i32
    "tpu.region"() ({
      %run_scoped3A = tpu.sem_alloc : memref<!tpu.dma_semaphore, #tpu.memory_space<semaphore_mem>>
      %dma_start3A = arith.constant 0 : i32
      %dma_start3A_8 = tpu.memref_slice %arg2[%dma_start3A, %mul3A_2] : memref<32x12288xf32, #tpu.memory_space<hbm>> -> memref<32x384xf32, #tpu.memory_space<hbm>>
      %dma_start3A_9 = arith.constant 0 : i32
      %dma_start3A_10 = tpu.memref_slice %arg2[%dma_start3A_9, %mul3A_2] : memref<32x12288xf32, #tpu.memory_space<hbm>> -> memref<32x384xf32, #tpu.memory_space<hbm>>
      tpu.enqueue_dma source(%dma_start3A_10 : memref<32x384xf32, #tpu.memory_space<hbm>>) target(%arg5 : memref<32x384xf32, #tpu.memory_space<vmem>>) target_semaphore(%run_scoped3A : memref<!tpu.dma_semaphore, #tpu.memory_space<semaphore_mem>>)
      %dma_wait3A = arith.constant 0 : i32
      %dma_wait3A_11 = tpu.memref_slice %arg2[%dma_wait3A, %mul3A_2] : memref<32x12288xf32, #tpu.memory_space<hbm>> -> memref<32x384xf32, #tpu.memory_space<hbm>>
      %dma_wait3A_12 = arith.constant 0 : i32
      %dma_wait3A_13 = tpu.memref_slice %arg2[%dma_wait3A_12, %mul3A_2] : memref<32x12288xf32, #tpu.memory_space<hbm>> -> memref<32x384xf32, #tpu.memory_space<hbm>>
      tpu.wait_dma2 semaphore(%run_scoped3A : memref<!tpu.dma_semaphore, #tpu.memory_space<semaphore_mem>>) src(%dma_wait3A_13 : memref<32x384xf32, #tpu.memory_space<hbm>>) dst(%arg5 : memref<32x384xf32, #tpu.memory_space<vmem>>)
      tpu.yield
    }) : () -> ()
    %scan3A = arith.constant 0 : i32
    %scan3A_3 = arith.constant 0 : i32
    %scan3A_4 = arith.constant 24 : i32
    %scan3A_5 = arith.addi %scan3A_3, %scan3A_4 : i32
    %scan3A_6 = arith.constant 2 : i32
    scf.for %scan3A_8 = %scan3A_3 to %scan3A_5 step %scan3A_6  : i32 {
      %mul3A_9 = arith.constant 16 : i32
      %mul3A_10 = arith.muli %scan3A_8, %mul3A_9 : i32
      %get3A = arith.constant 0 : i32
      %get3A_11 = arith.index_cast %get3A : i32 to index
      %get3A_12 = arith.index_cast %mul3A_10 : i32 to index
      %get3A_13 = tpu.vector_load %arg5[%get3A_11, %get3A_12] {strides = array<i32>} : memref<32x384xf32, #tpu.memory_space<vmem>>, vector<16xf32>,
      %get3A_14 = arith.constant 1 : i32
      %get3A_15 = arith.index_cast %get3A_14 : i32 to index
      %get3A_16 = arith.index_cast %mul3A_10 : i32 to index
      %get3A_17 = tpu.vector_load %arg5[%get3A_15, %get3A_16] {strides = array<i32>} : memref<32x384xf32, #tpu.memory_space<vmem>>, vector<16xf32>,
      %add3A_18 = arith.addf %get3A_13, %get3A_17 : vector<16xf32>
      %get3A_19 = arith.constant 2 : i32
      %get3A_20 = arith.index_cast %get3A_19 : i32 to index
      %get3A_21 = arith.index_cast %mul3A_10 : i32 to index
      %get3A_22 = tpu.vector_load %arg5[%get3A_20, %get3A_21] {strides = array<i32>} : memref<32x384xf32, #tpu.memory_space<vmem>>, vector<16xf32>,
      %add3A_23 = arith.addf %add3A_18, %get3A_22 : vector<16xf32>
      %get3A_24 = arith.constant 3 : i32
      %get3A_25 = arith.index_cast %get3A_24 : i32 to index
      %get3A_26 = arith.index_cast %mul3A_10 : i32 to index
      %get3A_27 = tpu.vector_load %arg5[%get3A_25, %get3A_26] {strides = array<i32>} : memref<32x384xf32, #tpu.memory_space<vmem>>, vector<16xf32>,
      %add3A_28 = arith.addf %add3A_23, %get3A_27 : vector<16xf32>
      %get3A_29 = arith.constant 4 : i32
      %get3A_30 = arith.index_cast %get3A_29 : i32 to index
      %get3A_31 = arith.index_cast %mul3A_10 : i32 to index
      %get3A_32 = tpu.vector_load %arg5[%get3A_30, %get3A_31] {strides = array<i32>} : memref<32x384xf32, #tpu.memory_space<vmem>>, vector<16xf32>,
      %add3A_33 = arith.addf %add3A_28, %get3A_32 : vector<16xf32>
      %get3A_34 = arith.constant 5 : i32
      %get3A_35 = arith.index_cast %get3A_34 : i32 to index
      %get3A_36 = arith.index_cast %mul3A_10 : i32 to index
      %get3A_37 = tpu.vector_load %arg5[%get3A_35, %get3A_36] {strides = array<i32>} : memref<32x384xf32, #tpu.memory_space<vmem>>, vector<16xf32>,
      %add3A_38 = arith.addf %add3A_33, %get3A_37 : vector<16xf32>
      %get3A_39 = arith.constant 6 : i32
      %get3A_40 = arith.index_cast %get3A_39 : i32 to index
      %get3A_41 = arith.index_cast %mul3A_10 : i32 to index
      %get3A_42 = tpu.vector_load %arg5[%get3A_40, %get3A_41] {strides = array<i32>} : memref<32x384xf32, #tpu.memory_space<vmem>>, vector<16xf32>,
      %add3A_43 = arith.addf %add3A_38, %get3A_42 : vector<16xf32>
      %get3A_44 = arith.constant 7 : i32
      %get3A_45 = arith.index_cast %get3A_44 : i32 to index
      %get3A_46 = arith.index_cast %mul3A_10 : i32 to index
      %get3A_47 = tpu.vector_load %arg5[%get3A_45, %get3A_46] {strides = array<i32>} : memref<32x384xf32, #tpu.memory_space<vmem>>, vector<16xf32>,
      %add3A_48 = arith.addf %add3A_43, %get3A_47 : vector<16xf32>
      %get3A_49 = arith.constant 8 : i32
      %get3A_50 = arith.index_cast %get3A_49 : i32 to index
      %get3A_51 = arith.index_cast %mul3A_10 : i32 to index
      %get3A_52 = tpu.vector_load %arg5[%get3A_50, %get3A_51] {strides = array<i32>} : memref<32x384xf32, #tpu.memory_space<vmem>>, vector<16xf32>,
      %add3A_53 = arith.addf %add3A_48, %get3A_52 : vector<16xf32>
      %get3A_54 = arith.constant 9 : i32
      %get3A_55 = arith.index_cast %get3A_54 : i32 to index
      %get3A_56 = arith.index_cast %mul3A_10 : i32 to index
      %get3A_57 = tpu.vector_load %arg5[%get3A_55, %get3A_56] {strides = array<i32>} : memref<32x384xf32, #tpu.memory_space<vmem>>, vector<16xf32>,
      %add3A_58 = arith.addf %add3A_53, %get3A_57 : vector<16xf32>
      %get3A_59 = arith.constant 10 : i32
      %get3A_60 = arith.index_cast %get3A_59 : i32 to index
      %get3A_61 = arith.index_cast %mul3A_10 : i32 to index
      %get3A_62 = tpu.vector_load %arg5[%get3A_60, %get3A_61] {strides = array<i32>} : memref<32x384xf32, #tpu.memory_space<vmem>>, vector<16xf32>,
      %add3A_63 = arith.addf %add3A_58, %get3A_62 : vector<16xf32>
      %get3A_64 = arith.constant 11 : i32
      %get3A_65 = arith.index_cast %get3A_64 : i32 to index
      %get3A_66 = arith.index_cast %mul3A_10 : i32 to index
      %get3A_67 = tpu.vector_load %arg5[%get3A_65, %get3A_66] {strides = array<i32>} : memref<32x384xf32, #tpu.memory_space<vmem>>, vector<16xf32>,
      %add3A_68 = arith.addf %add3A_63, %get3A_67 : vector<16xf32>
      %get3A_69 = arith.constant 12 : i32
      %get3A_70 = arith.index_cast %get3A_69 : i32 to index
      %get3A_71 = arith.index_cast %mul3A_10 : i32 to index
      %get3A_72 = tpu.vector_load %arg5[%get3A_70, %get3A_71] {strides = array<i32>} : memref<32x384xf32, #tpu.memory_space<vmem>>, vector<16xf32>,
      %add3A_73 = arith.addf %add3A_68, %get3A_72 : vector<16xf32>
      %get3A_74 = arith.constant 13 : i32
      %get3A_75 = arith.index_cast %get3A_74 : i32 to index
      %get3A_76 = arith.index_cast %mul3A_10 : i32 to index
      %get3A_77 = tpu.vector_load %arg5[%get3A_75, %get3A_76] {strides = array<i32>} : memref<32x384xf32, #tpu.memory_space<vmem>>, vector<16xf32>,
      %add3A_78 = arith.addf %add3A_73, %get3A_77 : vector<16xf32>
      %get3A_79 = arith.constant 14 : i32
      %get3A_80 = arith.index_cast %get3A_79 : i32 to index
      %get3A_81 = arith.index_cast %mul3A_10 : i32 to index
      %get3A_82 = tpu.vector_load %arg5[%get3A_80, %get3A_81] {strides = array<i32>} : memref<32x384xf32, #tpu.memory_space<vmem>>, vector<16xf32>,
      %add3A_83 = arith.addf %add3A_78, %get3A_82 : vector<16xf32>
      %get3A_84 = arith.constant 15 : i32
      %get3A_85 = arith.index_cast %get3A_84 : i32 to index
      %get3A_86 = arith.index_cast %mul3A_10 : i32 to index
      %get3A_87 = tpu.vector_load %arg5[%get3A_85, %get3A_86] {strides = array<i32>} : memref<32x384xf32, #tpu.memory_space<vmem>>, vector<16xf32>,
      %add3A_88 = arith.addf %add3A_83, %get3A_87 : vector<16xf32>
      %get3A_89 = arith.constant 16 : i32
      %get3A_90 = arith.index_cast %get3A_89 : i32 to index
      %get3A_91 = arith.index_cast %mul3A_10 : i32 to index
      %get3A_92 = tpu.vector_load %arg5[%get3A_90, %get3A_91] {strides = array<i32>} : memref<32x384xf32, #tpu.memory_space<vmem>>, vector<16xf32>,
      %add3A_93 = arith.addf %add3A_88, %get3A_92 : vector<16xf32>
      %get3A_94 = arith.constant 17 : i32
      %get3A_95 = arith.index_cast %get3A_94 : i32 to index
      %get3A_96 = arith.index_cast %mul3A_10 : i32 to index
      %get3A_97 = tpu.vector_load %arg5[%get3A_95, %get3A_96] {strides = array<i32>} : memref<32x384xf32, #tpu.memory_space<vmem>>, vector<16xf32>,
      %add3A_98 = arith.addf %add3A_93, %get3A_97 : vector<16xf32>
      %get3A_99 = arith.constant 18 : i32
      %get3A_100 = arith.index_cast %get3A_99 : i32 to index
      %get3A_101 = arith.index_cast %mul3A_10 : i32 to index
      %get3A_102 = tpu.vector_load %arg5[%get3A_100, %get3A_101] {strides = array<i32>} : memref<32x384xf32, #tpu.memory_space<vmem>>, vector<16xf32>,
      %add3A_103 = arith.addf %add3A_98, %get3A_102 : vector<16xf32>
      %get3A_104 = arith.constant 19 : i32
      %get3A_105 = arith.index_cast %get3A_104 : i32 to index
      %get3A_106 = arith.index_cast %mul3A_10 : i32 to index
      %get3A_107 = tpu.vector_load %arg5[%get3A_105, %get3A_106] {strides = array<i32>} : memref<32x384xf32, #tpu.memory_space<vmem>>, vector<16xf32>,
      %add3A_108 = arith.addf %add3A_103, %get3A_107 : vector<16xf32>
      %get3A_109 = arith.constant 20 : i32
      %get3A_110 = arith.index_cast %get3A_109 : i32 to index
      %get3A_111 = arith.index_cast %mul3A_10 : i32 to index
      %get3A_112 = tpu.vector_load %arg5[%get3A_110, %get3A_111] {strides = array<i32>} : memref<32x384xf32, #tpu.memory_space<vmem>>, vector<16xf32>,
      %add3A_113 = arith.addf %add3A_108, %get3A_112 : vector<16xf32>
      %get3A_114 = arith.constant 21 : i32
      %get3A_115 = arith.index_cast %get3A_114 : i32 to index
      %get3A_116 = arith.index_cast %mul3A_10 : i32 to index
      %get3A_117 = tpu.vector_load %arg5[%get3A_115, %get3A_116] {strides = array<i32>} : memref<32x384xf32, #tpu.memory_space<vmem>>, vector<16xf32>,
      %add3A_118 = arith.addf %add3A_113, %get3A_117 : vector<16xf32>
      %get3A_119 = arith.constant 22 : i32
      %get3A_120 = arith.index_cast %get3A_119 : i32 to index
      %get3A_121 = arith.index_cast %mul3A_10 : i32 to index
      %get3A_122 = tpu.vector_load %arg5[%get3A_120, %get3A_121] {strides = array<i32>} : memref<32x384xf32, #tpu.memory_space<vmem>>, vector<16xf32>,
      %add3A_123 = arith.addf %add3A_118, %get3A_122 : vector<16xf32>
      %get3A_124 = arith.constant 23 : i32
      %get3A_125 = arith.index_cast %get3A_124 : i32 to index
      %get3A_126 = arith.index_cast %mul3A_10 : i32 to index
      %get3A_127 = tpu.vector_load %arg5[%get3A_125, %get3A_126] {strides = array<i32>} : memref<32x384xf32, #tpu.memory_space<vmem>>, vector<16xf32>,
      %add3A_128 = arith.addf %add3A_123, %get3A_127 : vector<16xf32>
      %get3A_129 = arith.constant 24 : i32
      %get3A_130 = arith.index_cast %get3A_129 : i32 to index
      %get3A_131 = arith.index_cast %mul3A_10 : i32 to index
      %get3A_132 = tpu.vector_load %arg5[%get3A_130, %get3A_131] {strides = array<i32>} : memref<32x384xf32, #tpu.memory_space<vmem>>, vector<16xf32>,
      %add3A_133 = arith.addf %add3A_128, %get3A_132 : vector<16xf32>
      %get3A_134 = arith.constant 25 : i32
      %get3A_135 = arith.index_cast %get3A_134 : i32 to index
      %get3A_136 = arith.index_cast %mul3A_10 : i32 to index
      %get3A_137 = tpu.vector_load %arg5[%get3A_135, %get3A_136] {strides = array<i32>} : memref<32x384xf32, #tpu.memory_space<vmem>>, vector<16xf32>,
      %add3A_138 = arith.addf %add3A_133, %get3A_137 : vector<16xf32>
      %get3A_139 = arith.constant 26 : i32
      %get3A_140 = arith.index_cast %get3A_139 : i32 to index
      %get3A_141 = arith.index_cast %mul3A_10 : i32 to index
      %get3A_142 = tpu.vector_load %arg5[%get3A_140, %get3A_141] {strides = array<i32>} : memref<32x384xf32, #tpu.memory_space<vmem>>, vector<16xf32>,
      %add3A_143 = arith.addf %add3A_138, %get3A_142 : vector<16xf32>
      %get3A_144 = arith.constant 27 : i32
      %get3A_145 = arith.index_cast %get3A_144 : i32 to index
      %get3A_146 = arith.index_cast %mul3A_10 : i32 to index
      %get3A_147 = tpu.vector_load %arg5[%get3A_145, %get3A_146] {strides = array<i32>} : memref<32x384xf32, #tpu.memory_space<vmem>>, vector<16xf32>,
      %add3A_148 = arith.addf %add3A_143, %get3A_147 : vector<16xf32>
      %get3A_149 = arith.constant 28 : i32
      %get3A_150 = arith.index_cast %get3A_149 : i32 to index
      %get3A_151 = arith.index_cast %mul3A_10 : i32 to index
      %get3A_152 = tpu.vector_load %arg5[%get3A_150, %get3A_151] {strides = array<i32>} : memref<32x384xf32, #tpu.memory_space<vmem>>, vector<16xf32>,
      %add3A_153 = arith.addf %add3A_148, %get3A_152 : vector<16xf32>
      %get3A_154 = arith.constant 29 : i32
      %get3A_155 = arith.index_cast %get3A_154 : i32 to index
      %get3A_156 = arith.index_cast %mul3A_10 : i32 to index
      %get3A_157 = tpu.vector_load %arg5[%get3A_155, %get3A_156] {strides = array<i32>} : memref<32x384xf32, #tpu.memory_space<vmem>>, vector<16xf32>,
      %add3A_158 = arith.addf %add3A_153, %get3A_157 : vector<16xf32>
      %get3A_159 = arith.constant 30 : i32
      %get3A_160 = arith.index_cast %get3A_159 : i32 to index
      %get3A_161 = arith.index_cast %mul3A_10 : i32 to index
      %get3A_162 = tpu.vector_load %arg5[%get3A_160, %get3A_161] {strides = array<i32>} : memref<32x384xf32, #tpu.memory_space<vmem>>, vector<16xf32>,
      %add3A_163 = arith.addf %add3A_158, %get3A_162 : vector<16xf32>
      %get3A_164 = arith.constant 31 : i32
      %get3A_165 = arith.index_cast %get3A_164 : i32 to index
      %get3A_166 = arith.index_cast %mul3A_10 : i32 to index
      %get3A_167 = tpu.vector_load %arg5[%get3A_165, %get3A_166] {strides = array<i32>} : memref<32x384xf32, #tpu.memory_space<vmem>>, vector<16xf32>,
      %add3A_168 = arith.addf %add3A_163, %get3A_167 : vector<16xf32>
      %add3A_169 = arith.constant 1.000000e+00 : f32
      %add3A_170 = vector.broadcast %add3A_169 : f32 to vector<16xf32>
      %add3A_171 = arith.addf %add3A_168, %add3A_170 : vector<16xf32>
      %bitcast3A = vector.bitcast %add3A_171 : vector<16xf32> to vector<16xi32>
      %shift_right_arithmetic3A = arith.constant 1 : i32
      %shift_right_arithmetic3A_172 = vector.broadcast %shift_right_arithmetic3A : i32 to vector<16xi32>
      %shift_right_arithmetic3A_173 = arith.shrsi %bitcast3A, %shift_right_arithmetic3A_172 : vector<16xi32>
      %sub3A = arith.constant 1597463007 : i32
      %sub3A_174 = vector.broadcast %sub3A : i32 to vector<16xi32>
      %sub3A_175 = arith.subi %sub3A_174, %shift_right_arithmetic3A_173 : vector<16xi32>
      %bitcast3A_176 = vector.bitcast %sub3A_175 : vector<16xi32> to vector<16xf32>
      %mul3A_177 = arith.constant 5.000000e-01 : f32
      %mul3A_178 = vector.broadcast %mul3A_177 : f32 to vector<16xf32>
      %mul3A_179 = arith.mulf %mul3A_178, %add3A_171 : vector<16xf32>
      %mul3A_180 = arith.mulf %mul3A_179, %bitcast3A_176 : vector<16xf32>
      %mul3A_181 = arith.mulf %mul3A_180, %bitcast3A_176 : vector<16xf32>
      %sub3A_182 = arith.constant 1.500000e+00 : f32
      %sub3A_183 = vector.broadcast %sub3A_182 : f32 to vector<16xf32>
      %sub3A_184 = arith.subf %sub3A_183, %mul3A_181 : vector<16xf32>
      %mul3A_185 = arith.mulf %bitcast3A_176, %sub3A_184 : vector<16xf32>
      %mul3A_186 = arith.mulf %mul3A_179, %mul3A_185 : vector<16xf32>
      %mul3A_187 = arith.mulf %mul3A_186, %mul3A_185 : vector<16xf32>
      %sub3A_188 = arith.constant 1.500000e+00 : f32
      %sub3A_189 = vector.broadcast %sub3A_188 : f32 to vector<16xf32>
      %sub3A_190 = arith.subf %sub3A_189, %mul3A_187 : vector<16xf32>
      %mul3A_191 = arith.mulf %mul3A_185, %sub3A_190 : vector<16xf32>
      %mul3A_192 = arith.mulf %mul3A_179, %mul3A_191 : vector<16xf32>
      %mul3A_193 = arith.mulf %mul3A_192, %mul3A_191 : vector<16xf32>
      %sub3A_194 = arith.constant 1.500000e+00 : f32
      %sub3A_195 = vector.broadcast %sub3A_194 : f32 to vector<16xf32>
      %sub3A_196 = arith.subf %sub3A_195, %mul3A_193 : vector<16xf32>
      %mul3A_197 = arith.mulf %mul3A_191, %sub3A_196 : vector<16xf32>
      %swap3A = arith.index_cast %mul3A_10 : i32 to index
      %swap3A_198 = tpu.vector_load %arg6[%swap3A] {strides = array<i32>} : memref<384xf32, #tpu.memory_space<vmem>>, vector<16xf32>,
      tpu.vector_store %arg6[%swap3A], %mul3A_197 {strides = array<i32>} : memref<384xf32, #tpu.memory_space<vmem>>, vector<16xf32>,
      %mul3A_199 = arith.mulf %mul3A_197, %mul3A_197 : vector<16xf32>
      %swap3A_200 = arith.index_cast %mul3A_10 : i32 to index
      %swap3A_201 = tpu.vector_load %arg7[%swap3A_200] {strides = array<i32>} : memref<384xf32, #tpu.memory_space<vmem>>, vector<16xf32>,
      tpu.vector_store %arg7[%swap3A_200], %mul3A_199 {strides = array<i32>} : memref<384xf32, #tpu.memory_space<vmem>>, vector<16xf32>,
      %scan3A_202 = arith.constant 1 : i32
      %scan3A_203 = arith.addi %scan3A_8, %scan3A_202 : i32
      %mul3A_204 = arith.constant 16 : i32
      %mul3A_205 = arith.muli %scan3A_203, %mul3A_204 : i32
      %get3A_206 = arith.constant 0 : i32
      %get3A_207 = arith.index_cast %get3A_206 : i32 to index
      %get3A_208 = arith.index_cast %mul3A_205 : i32 to index
      %get3A_209 = tpu.vector_load %arg5[%get3A_207, %get3A_208] {strides = array<i32>} : memref<32x384xf32, #tpu.memory_space<vmem>>, vector<16xf32>,
      %get3A_210 = arith.constant 1 : i32
      %get3A_211 = arith.index_cast %get3A_210 : i32 to index
      %get3A_212 = arith.index_cast %mul3A_205 : i32 to index
      %get3A_213 = tpu.vector_load %arg5[%get3A_211, %get3A_212] {strides = array<i32>} : memref<32x384xf32, #tpu.memory_space<vmem>>, vector<16xf32>,
      %add3A_214 = arith.addf %get3A_209, %get3A_213 : vector<16xf32>
      %get3A_215 = arith.constant 2 : i32
      %get3A_216 = arith.index_cast %get3A_215 : i32 to index
      %get3A_217 = arith.index_cast %mul3A_205 : i32 to index
      %get3A_218 = tpu.vector_load %arg5[%get3A_216, %get3A_217] {strides = array<i32>} : memref<32x384xf32, #tpu.memory_space<vmem>>, vector<16xf32>,
      %add3A_219 = arith.addf %add3A_214, %get3A_218 : vector<16xf32>
      %get3A_220 = arith.constant 3 : i32
      %get3A_221 = arith.index_cast %get3A_220 : i32 to index
      %get3A_222 = arith.index_cast %mul3A_205 : i32 to index
      %get3A_223 = tpu.vector_load %arg5[%get3A_221, %get3A_222] {strides = array<i32>} : memref<32x384xf32, #tpu.memory_space<vmem>>, vector<16xf32>,
      %add3A_224 = arith.addf %add3A_219, %get3A_223 : vector<16xf32>
      %get3A_225 = arith.constant 4 : i32
      %get3A_226 = arith.index_cast %get3A_225 : i32 to index
      %get3A_227 = arith.index_cast %mul3A_205 : i32 to index
      %get3A_228 = tpu.vector_load %arg5[%get3A_226, %get3A_227] {strides = array<i32>} : memref<32x384xf32, #tpu.memory_space<vmem>>, vector<16xf32>,
      %add3A_229 = arith.addf %add3A_224, %get3A_228 : vector<16xf32>
      %get3A_230 = arith.constant 5 : i32
      %get3A_231 = arith.index_cast %get3A_230 : i32 to index
      %get3A_232 = arith.index_cast %mul3A_205 : i32 to index
      %get3A_233 = tpu.vector_load %arg5[%get3A_231, %get3A_232] {strides = array<i32>} : memref<32x384xf32, #tpu.memory_space<vmem>>, vector<16xf32>,
      %add3A_234 = arith.addf %add3A_229, %get3A_233 : vector<16xf32>
      %get3A_235 = arith.constant 6 : i32
      %get3A_236 = arith.index_cast %get3A_235 : i32 to index
      %get3A_237 = arith.index_cast %mul3A_205 : i32 to index
      %get3A_238 = tpu.vector_load %arg5[%get3A_236, %get3A_237] {strides = array<i32>} : memref<32x384xf32, #tpu.memory_space<vmem>>, vector<16xf32>,
      %add3A_239 = arith.addf %add3A_234, %get3A_238 : vector<16xf32>
      %get3A_240 = arith.constant 7 : i32
      %get3A_241 = arith.index_cast %get3A_240 : i32 to index
      %get3A_242 = arith.index_cast %mul3A_205 : i32 to index
      %get3A_243 = tpu.vector_load %arg5[%get3A_241, %get3A_242] {strides = array<i32>} : memref<32x384xf32, #tpu.memory_space<vmem>>, vector<16xf32>,
      %add3A_244 = arith.addf %add3A_239, %get3A_243 : vector<16xf32>
      %get3A_245 = arith.constant 8 : i32
      %get3A_246 = arith.index_cast %get3A_245 : i32 to index
      %get3A_247 = arith.index_cast %mul3A_205 : i32 to index
      %get3A_248 = tpu.vector_load %arg5[%get3A_246, %get3A_247] {strides = array<i32>} : memref<32x384xf32, #tpu.memory_space<vmem>>, vector<16xf32>,
      %add3A_249 = arith.addf %add3A_244, %get3A_248 : vector<16xf32>
      %get3A_250 = arith.constant 9 : i32
      %get3A_251 = arith.index_cast %get3A_250 : i32 to index
      %get3A_252 = arith.index_cast %mul3A_205 : i32 to index
      %get3A_253 = tpu.vector_load %arg5[%get3A_251, %get3A_252] {strides = array<i32>} : memref<32x384xf32, #tpu.memory_space<vmem>>, vector<16xf32>,
      %add3A_254 = arith.addf %add3A_249, %get3A_253 : vector<16xf32>
      %get3A_255 = arith.constant 10 : i32
      %get3A_256 = arith.index_cast %get3A_255 : i32 to index
      %get3A_257 = arith.index_cast %mul3A_205 : i32 to index
      %get3A_258 = tpu.vector_load %arg5[%get3A_256, %get3A_257] {strides = array<i32>} : memref<32x384xf32, #tpu.memory_space<vmem>>, vector<16xf32>,
      %add3A_259 = arith.addf %add3A_254, %get3A_258 : vector<16xf32>
      %get3A_260 = arith.constant 11 : i32
      %get3A_261 = arith.index_cast %get3A_260 : i32 to index
      %get3A_262 = arith.index_cast %mul3A_205 : i32 to index
      %get3A_263 = tpu.vector_load %arg5[%get3A_261, %get3A_262] {strides = array<i32>} : memref<32x384xf32, #tpu.memory_space<vmem>>, vector<16xf32>,
      %add3A_264 = arith.addf %add3A_259, %get3A_263 : vector<16xf32>
      %get3A_265 = arith.constant 12 : i32
      %get3A_266 = arith.index_cast %get3A_265 : i32 to index
      %get3A_267 = arith.index_cast %mul3A_205 : i32 to index
      %get3A_268 = tpu.vector_load %arg5[%get3A_266, %get3A_267] {strides = array<i32>} : memref<32x384xf32, #tpu.memory_space<vmem>>, vector<16xf32>,
      %add3A_269 = arith.addf %add3A_264, %get3A_268 : vector<16xf32>
      %get3A_270 = arith.constant 13 : i32
      %get3A_271 = arith.index_cast %get3A_270 : i32 to index
      %get3A_272 = arith.index_cast %mul3A_205 : i32 to index
      %get3A_273 = tpu.vector_load %arg5[%get3A_271, %get3A_272] {strides = array<i32>} : memref<32x384xf32, #tpu.memory_space<vmem>>, vector<16xf32>,
      %add3A_274 = arith.addf %add3A_269, %get3A_273 : vector<16xf32>
      %get3A_275 = arith.constant 14 : i32
      %get3A_276 = arith.index_cast %get3A_275 : i32 to index
      %get3A_277 = arith.index_cast %mul3A_205 : i32 to index
      %get3A_278 = tpu.vector_load %arg5[%get3A_276, %get3A_277] {strides = array<i32>} : memref<32x384xf32, #tpu.memory_space<vmem>>, vector<16xf32>,
      %add3A_279 = arith.addf %add3A_274, %get3A_278 : vector<16xf32>
      %get3A_280 = arith.constant 15 : i32
      %get3A_281 = arith.index_cast %get3A_280 : i32 to index
      %get3A_282 = arith.index_cast %mul3A_205 : i32 to index
      %get3A_283 = tpu.vector_load %arg5[%get3A_281, %get3A_282] {strides = array<i32>} : memref<32x384xf32, #tpu.memory_space<vmem>>, vector<16xf32>,
      %add3A_284 = arith.addf %add3A_279, %get3A_283 : vector<16xf32>
      %get3A_285 = arith.constant 16 : i32
      %get3A_286 = arith.index_cast %get3A_285 : i32 to index
      %get3A_287 = arith.index_cast %mul3A_205 : i32 to index
      %get3A_288 = tpu.vector_load %arg5[%get3A_286, %get3A_287] {strides = array<i32>} : memref<32x384xf32, #tpu.memory_space<vmem>>, vector<16xf32>,
      %add3A_289 = arith.addf %add3A_284, %get3A_288 : vector<16xf32>
      %get3A_290 = arith.constant 17 : i32
      %get3A_291 = arith.index_cast %get3A_290 : i32 to index
      %get3A_292 = arith.index_cast %mul3A_205 : i32 to index
      %get3A_293 = tpu.vector_load %arg5[%get3A_291, %get3A_292] {strides = array<i32>} : memref<32x384xf32, #tpu.memory_space<vmem>>, vector<16xf32>,
      %add3A_294 = arith.addf %add3A_289, %get3A_293 : vector<16xf32>
      %get3A_295 = arith.constant 18 : i32
      %get3A_296 = arith.index_cast %get3A_295 : i32 to index
      %get3A_297 = arith.index_cast %mul3A_205 : i32 to index
      %get3A_298 = tpu.vector_load %arg5[%get3A_296, %get3A_297] {strides = array<i32>} : memref<32x384xf32, #tpu.memory_space<vmem>>, vector<16xf32>,
      %add3A_299 = arith.addf %add3A_294, %get3A_298 : vector<16xf32>
      %get3A_300 = arith.constant 19 : i32
      %get3A_301 = arith.index_cast %get3A_300 : i32 to index
      %get3A_302 = arith.index_cast %mul3A_205 : i32 to index
      %get3A_303 = tpu.vector_load %arg5[%get3A_301, %get3A_302] {strides = array<i32>} : memref<32x384xf32, #tpu.memory_space<vmem>>, vector<16xf32>,
      %add3A_304 = arith.addf %add3A_299, %get3A_303 : vector<16xf32>
      %get3A_305 = arith.constant 20 : i32
      %get3A_306 = arith.index_cast %get3A_305 : i32 to index
      %get3A_307 = arith.index_cast %mul3A_205 : i32 to index
      %get3A_308 = tpu.vector_load %arg5[%get3A_306, %get3A_307] {strides = array<i32>} : memref<32x384xf32, #tpu.memory_space<vmem>>, vector<16xf32>,
      %add3A_309 = arith.addf %add3A_304, %get3A_308 : vector<16xf32>
      %get3A_310 = arith.constant 21 : i32
      %get3A_311 = arith.index_cast %get3A_310 : i32 to index
      %get3A_312 = arith.index_cast %mul3A_205 : i32 to index
      %get3A_313 = tpu.vector_load %arg5[%get3A_311, %get3A_312] {strides = array<i32>} : memref<32x384xf32, #tpu.memory_space<vmem>>, vector<16xf32>,
      %add3A_314 = arith.addf %add3A_309, %get3A_313 : vector<16xf32>
      %get3A_315 = arith.constant 22 : i32
      %get3A_316 = arith.index_cast %get3A_315 : i32 to index
      %get3A_317 = arith.index_cast %mul3A_205 : i32 to index
      %get3A_318 = tpu.vector_load %arg5[%get3A_316, %get3A_317] {strides = array<i32>} : memref<32x384xf32, #tpu.memory_space<vmem>>, vector<16xf32>,
      %add3A_319 = arith.addf %add3A_314, %get3A_318 : vector<16xf32>
      %get3A_320 = arith.constant 23 : i32
      %get3A_321 = arith.index_cast %get3A_320 : i32 to index
      %get3A_322 = arith.index_cast %mul3A_205 : i32 to index
      %get3A_323 = tpu.vector_load %arg5[%get3A_321, %get3A_322] {strides = array<i32>} : memref<32x384xf32, #tpu.memory_space<vmem>>, vector<16xf32>,
      %add3A_324 = arith.addf %add3A_319, %get3A_323 : vector<16xf32>
      %get3A_325 = arith.constant 24 : i32
      %get3A_326 = arith.index_cast %get3A_325 : i32 to index
      %get3A_327 = arith.index_cast %mul3A_205 : i32 to index
      %get3A_328 = tpu.vector_load %arg5[%get3A_326, %get3A_327] {strides = array<i32>} : memref<32x384xf32, #tpu.memory_space<vmem>>, vector<16xf32>,
      %add3A_329 = arith.addf %add3A_324, %get3A_328 : vector<16xf32>
      %get3A_330 = arith.constant 25 : i32
      %get3A_331 = arith.index_cast %get3A_330 : i32 to index
      %get3A_332 = arith.index_cast %mul3A_205 : i32 to index
      %get3A_333 = tpu.vector_load %arg5[%get3A_331, %get3A_332] {strides = array<i32>} : memref<32x384xf32, #tpu.memory_space<vmem>>, vector<16xf32>,
      %add3A_334 = arith.addf %add3A_329, %get3A_333 : vector<16xf32>
      %get3A_335 = arith.constant 26 : i32
      %get3A_336 = arith.index_cast %get3A_335 : i32 to index
      %get3A_337 = arith.index_cast %mul3A_205 : i32 to index
      %get3A_338 = tpu.vector_load %arg5[%get3A_336, %get3A_337] {strides = array<i32>} : memref<32x384xf32, #tpu.memory_space<vmem>>, vector<16xf32>,
      %add3A_339 = arith.addf %add3A_334, %get3A_338 : vector<16xf32>
      %get3A_340 = arith.constant 27 : i32
      %get3A_341 = arith.index_cast %get3A_340 : i32 to index
      %get3A_342 = arith.index_cast %mul3A_205 : i32 to index
      %get3A_343 = tpu.vector_load %arg5[%get3A_341, %get3A_342] {strides = array<i32>} : memref<32x384xf32, #tpu.memory_space<vmem>>, vector<16xf32>,
      %add3A_344 = arith.addf %add3A_339, %get3A_343 : vector<16xf32>
      %get3A_345 = arith.constant 28 : i32
      %get3A_346 = arith.index_cast %get3A_345 : i32 to index
      %get3A_347 = arith.index_cast %mul3A_205 : i32 to index
      %get3A_348 = tpu.vector_load %arg5[%get3A_346, %get3A_347] {strides = array<i32>} : memref<32x384xf32, #tpu.memory_space<vmem>>, vector<16xf32>,
      %add3A_349 = arith.addf %add3A_344, %get3A_348 : vector<16xf32>
      %get3A_350 = arith.constant 29 : i32
      %get3A_351 = arith.index_cast %get3A_350 : i32 to index
      %get3A_352 = arith.index_cast %mul3A_205 : i32 to index
      %get3A_353 = tpu.vector_load %arg5[%get3A_351, %get3A_352] {strides = array<i32>} : memref<32x384xf32, #tpu.memory_space<vmem>>, vector<16xf32>,
      %add3A_354 = arith.addf %add3A_349, %get3A_353 : vector<16xf32>
      %get3A_355 = arith.constant 30 : i32
      %get3A_356 = arith.index_cast %get3A_355 : i32 to index
      %get3A_357 = arith.index_cast %mul3A_205 : i32 to index
      %get3A_358 = tpu.vector_load %arg5[%get3A_356, %get3A_357] {strides = array<i32>} : memref<32x384xf32, #tpu.memory_space<vmem>>, vector<16xf32>,
      %add3A_359 = arith.addf %add3A_354, %get3A_358 : vector<16xf32>
      %get3A_360 = arith.constant 31 : i32
      %get3A_361 = arith.index_cast %get3A_360 : i32 to index
      %get3A_362 = arith.index_cast %mul3A_205 : i32 to index
      %get3A_363 = tpu.vector_load %arg5[%get3A_361, %get3A_362] {strides = array<i32>} : memref<32x384xf32, #tpu.memory_space<vmem>>, vector<16xf32>,
      %add3A_364 = arith.addf %add3A_359, %get3A_363 : vector<16xf32>
      %add3A_365 = arith.constant 1.000000e+00 : f32
      %add3A_366 = vector.broadcast %add3A_365 : f32 to vector<16xf32>
      %add3A_367 = arith.addf %add3A_364, %add3A_366 : vector<16xf32>
      %bitcast3A_368 = vector.bitcast %add3A_367 : vector<16xf32> to vector<16xi32>
      %shift_right_arithmetic3A_369 = arith.constant 1 : i32
      %shift_right_arithmetic3A_370 = vector.broadcast %shift_right_arithmetic3A_369 : i32 to vector<16xi32>
      %shift_right_arithmetic3A_371 = arith.shrsi %bitcast3A_368, %shift_right_arithmetic3A_370 : vector<16xi32>
      %sub3A_372 = arith.constant 1597463007 : i32
      %sub3A_373 = vector.broadcast %sub3A_372 : i32 to vector<16xi32>
      %sub3A_374 = arith.subi %sub3A_373, %shift_right_arithmetic3A_371 : vector<16xi32>
      %bitcast3A_375 = vector.bitcast %sub3A_374 : vector<16xi32> to vector<16xf32>
      %mul3A_376 = arith.constant 5.000000e-01 : f32
      %mul3A_377 = vector.broadcast %mul3A_376 : f32 to vector<16xf32>
      %mul3A_378 = arith.mulf %mul3A_377, %add3A_367 : vector<16xf32>
      %mul3A_379 = arith.mulf %mul3A_378, %bitcast3A_375 : vector<16xf32>
      %mul3A_380 = arith.mulf %mul3A_379, %bitcast3A_375 : vector<16xf32>
      %sub3A_381 = arith.constant 1.500000e+00 : f32
      %sub3A_382 = vector.broadcast %sub3A_381 : f32 to vector<16xf32>
      %sub3A_383 = arith.subf %sub3A_382, %mul3A_380 : vector<16xf32>
      %mul3A_384 = arith.mulf %bitcast3A_375, %sub3A_383 : vector<16xf32>
      %mul3A_385 = arith.mulf %mul3A_378, %mul3A_384 : vector<16xf32>
      %mul3A_386 = arith.mulf %mul3A_385, %mul3A_384 : vector<16xf32>
      %sub3A_387 = arith.constant 1.500000e+00 : f32
      %sub3A_388 = vector.broadcast %sub3A_387 : f32 to vector<16xf32>
      %sub3A_389 = arith.subf %sub3A_388, %mul3A_386 : vector<16xf32>
      %mul3A_390 = arith.mulf %mul3A_384, %sub3A_389 : vector<16xf32>
      %mul3A_391 = arith.mulf %mul3A_378, %mul3A_390 : vector<16xf32>
      %mul3A_392 = arith.mulf %mul3A_391, %mul3A_390 : vector<16xf32>
      %sub3A_393 = arith.constant 1.500000e+00 : f32
      %sub3A_394 = vector.broadcast %sub3A_393 : f32 to vector<16xf32>
      %sub3A_395 = arith.subf %sub3A_394, %mul3A_392 : vector<16xf32>
      %mul3A_396 = arith.mulf %mul3A_390, %sub3A_395 : vector<16xf32>
      %swap3A_397 = arith.index_cast %mul3A_205 : i32 to index
      %swap3A_398 = tpu.vector_load %arg6[%swap3A_397] {strides = array<i32>} : memref<384xf32, #tpu.memory_space<vmem>>, vector<16xf32>,
      tpu.vector_store %arg6[%swap3A_397], %mul3A_396 {strides = array<i32>} : memref<384xf32, #tpu.memory_space<vmem>>, vector<16xf32>,
      %mul3A_399 = arith.mulf %mul3A_396, %mul3A_396 : vector<16xf32>
      %swap3A_400 = arith.index_cast %mul3A_205 : i32 to index
      %swap3A_401 = tpu.vector_load %arg7[%swap3A_400] {strides = array<i32>} : memref<384xf32, #tpu.memory_space<vmem>>, vector<16xf32>,
      tpu.vector_store %arg7[%swap3A_400], %mul3A_399 {strides = array<i32>} : memref<384xf32, #tpu.memory_space<vmem>>, vector<16xf32>,
    }
    %scan3A_7 = arith.constant 24 : i32
    "tpu.region"() ({
      %run_scoped3A = tpu.sem_alloc : memref<!tpu.dma_semaphore, #tpu.memory_space<semaphore_mem>>
      %dma_start3A = tpu.memref_slice %arg3[%mul3A_2] : memref<12288xf32, #tpu.memory_space<hbm>> -> memref<384xf32, #tpu.memory_space<hbm>>
      %dma_start3A_8 = tpu.memref_slice %arg3[%mul3A_2] : memref<12288xf32, #tpu.memory_space<hbm>> -> memref<384xf32, #tpu.memory_space<hbm>>
      tpu.enqueue_dma source(%arg6 : memref<384xf32, #tpu.memory_space<vmem>>) target(%dma_start3A_8 : memref<384xf32, #tpu.memory_space<hbm>>) target_semaphore(%run_scoped3A : memref<!tpu.dma_semaphore, #tpu.memory_space<semaphore_mem>>)
      %dma_wait3A = tpu.memref_slice %arg3[%mul3A_2] : memref<12288xf32, #tpu.memory_space<hbm>> -> memref<384xf32, #tpu.memory_space<hbm>>
      %dma_wait3A_9 = tpu.memref_slice %arg3[%mul3A_2] : memref<12288xf32, #tpu.memory_space<hbm>> -> memref<384xf32, #tpu.memory_space<hbm>>
      tpu.wait_dma2 semaphore(%run_scoped3A : memref<!tpu.dma_semaphore, #tpu.memory_space<semaphore_mem>>) src(%arg6 : memref<384xf32, #tpu.memory_space<vmem>>) dst(%dma_wait3A_9 : memref<384xf32, #tpu.memory_space<hbm>>)
      tpu.yield
    }) : () -> ()
    "tpu.region"() ({
      %run_scoped3A = tpu.sem_alloc : memref<!tpu.dma_semaphore, #tpu.memory_space<semaphore_mem>>
      %dma_start3A = tpu.memref_slice %arg4[%mul3A_2] : memref<12288xf32, #tpu.memory_space<hbm>> -> memref<384xf32, #tpu.memory_space<hbm>>
      %dma_start3A_8 = tpu.memref_slice %arg4[%mul3A_2] : memref<12288xf32, #tpu.memory_space<hbm>> -> memref<384xf32, #tpu.memory_space<hbm>>
      tpu.enqueue_dma source(%arg7 : memref<384xf32, #tpu.memory_space<vmem>>) target(%dma_start3A_8 : memref<384xf32, #tpu.memory_space<hbm>>) target_semaphore(%run_scoped3A : memref<!tpu.dma_semaphore, #tpu.memory_space<semaphore_mem>>)
      %dma_wait3A = tpu.memref_slice %arg4[%mul3A_2] : memref<12288xf32, #tpu.memory_space<hbm>> -> memref<384xf32, #tpu.memory_space<hbm>>
      %dma_wait3A_9 = tpu.memref_slice %arg4[%mul3A_2] : memref<12288xf32, #tpu.memory_space<hbm>> -> memref<384xf32, #tpu.memory_space<hbm>>
      tpu.wait_dma2 semaphore(%run_scoped3A : memref<!tpu.dma_semaphore, #tpu.memory_space<semaphore_mem>>) src(%arg7 : memref<384xf32, #tpu.memory_space<vmem>>) dst(%dma_wait3A_9 : memref<384xf32, #tpu.memory_space<hbm>>)
      tpu.yield
    }) : () -> ()
    return
  }
}

#map = affine_map<(d0, d1) -> (0, 0)>
#map1 = affine_map<(d0, d1) -> (0)>
#map2 = affine_map<(d0, d1) -> (0, 0, 0)>
module attributes {stable_mosaic.version = 14 : i64} {
  func.func @k(%arg0: i32, %arg1: i32, %arg2: memref<64x10000xi32, #tpu.memory_space<hbm>>, %arg3: memref<320000xi32, #tpu.memory_space<hbm>>, %arg4: memref<320000xf32, #tpu.memory_space<hbm>>, %arg5: memref<2x128x10000xf32, #tpu.memory_space<hbm>>, %arg6: memref<10000xi32, #tpu.memory_space<vmem>>, %arg7: memref<10000xi32, #tpu.memory_space<vmem>>, %arg8: memref<10000xi32, #tpu.memory_space<vmem>>, %arg9: memref<10000xi32, #tpu.memory_space<vmem>>, %arg10: memref<10000xf32, #tpu.memory_space<vmem>>, %arg11: memref<10000xf32, #tpu.memory_space<vmem>>, %arg12: memref<10000xf32, #tpu.memory_space<vmem>>, %arg13: memref<10000xf32, #tpu.memory_space<vmem>>, %arg14: memref<10000xf32, #tpu.memory_space<vmem>>, %arg15: memref<10000xf32, #tpu.memory_space<vmem>>, %arg16: memref<10000xf32, #tpu.memory_space<vmem>>, %arg17: memref<10000xf32, #tpu.memory_space<vmem>>, %arg18: memref<1600xi32, #tpu.memory_space<vmem>>, %arg19: memref<1600xi32, #tpu.memory_space<vmem>>, %arg20: memref<1600xf32, #tpu.memory_space<vmem>>, %arg21: memref<1600xf32, #tpu.memory_space<vmem>>, %arg22: memref<!tpu.dma_semaphore, #tpu.memory_space<semaphore_mem>>, %arg23: memref<!tpu.dma_semaphore, #tpu.memory_space<semaphore_mem>>) attributes {dimension_semantics = [#tpu.dimension_semantics<core_parallel>, #tpu.dimension_semantics<subcore_parallel>], iteration_bounds = array<i64: 2, 16>, scalar_prefetch = 0 : i64, scratch_operands = 18 : i64, tpu.core_type = #tpu.core_type<sc_vector_subcore>, window_params = [{transform_indices = #map}, {transform_indices = #map1}, {transform_indices = #map1}, {transform_indices = #map2}]} {
    %mul3A = arith.constant 2 : i32
    %mul3A_0 = arith.muli %arg1, %mul3A : i32
    %add3A = arith.addi %mul3A_0, %arg0 : i32
    %jit3A = arith.constant 16 : i32
    %div3A = arith.divsi %add3A, %jit3A : i32
    %sign3A = arith.constant 0 : i32
    %sign3A_1 = arith.cmpi sgt, %add3A, %sign3A : i32
    %sign3A_2 = arith.extui %sign3A_1 : i1 to i32
    %sign3A_3 = arith.constant 0 : i32
    %sign3A_4 = arith.cmpi slt, %add3A, %sign3A_3 : i32
    %sign3A_5 = arith.extui %sign3A_4 : i1 to i32
    %sign3A_6 = arith.subi %sign3A_2, %sign3A_5 : i32
    %sign3A_7 = arith.constant 0 : i32
    %sign3A_8 = arith.cmpi sgt, %jit3A, %sign3A_7 : i32
    %sign3A_9 = arith.extui %sign3A_8 : i1 to i32
    %sign3A_10 = arith.constant 0 : i32
    %sign3A_11 = arith.cmpi slt, %jit3A, %sign3A_10 : i32
    %sign3A_12 = arith.extui %sign3A_11 : i1 to i32
    %sign3A_13 = arith.subi %sign3A_9, %sign3A_12 : i32
    %ne3A = arith.cmpi ne, %sign3A_6, %sign3A_13 : i32
    %rem3A = arith.remsi %add3A, %jit3A : i32
    %ne3A_14 = arith.constant 0 : i32
    %ne3A_15 = arith.cmpi ne, %rem3A, %ne3A_14 : i32
    %and3A = arith.andi %ne3A, %ne3A_15 : i1
    %sub3A = arith.constant 1 : i32
    %sub3A_16 = arith.subi %div3A, %sub3A : i32
    %select_n3A = arith.select %and3A, %sub3A_16, %div3A : i32
    %jit3A_17 = arith.constant 16 : i32
    %eq3A = arith.constant 0 : i32
    %eq3A_18 = arith.cmpi eq, %jit3A_17, %eq3A : i32
    %jit3A_19 = arith.constant 1 : i32
    %select_n3A_20 = arith.select %eq3A_18, %jit3A_19, %jit3A_17 : i32
    %rem3A_21 = arith.remsi %add3A, %select_n3A_20 : i32
    %ne3A_22 = arith.constant 0 : i32
    %ne3A_23 = arith.cmpi ne, %rem3A_21, %ne3A_22 : i32
    %lt3A = arith.constant 0 : i32
    %lt3A_24 = arith.cmpi slt, %rem3A_21, %lt3A : i32
    %lt3A_25 = arith.constant 0 : i32
    %lt3A_26 = arith.cmpi slt, %select_n3A_20, %lt3A_25 : i32
    %ne3A_27 = arith.xori %lt3A_24, %lt3A_26 : i1
    %and3A_28 = arith.andi %ne3A_27, %ne3A_23 : i1
    %add3A_29 = arith.addi %rem3A_21, %select_n3A_20 : i32
    %select_n3A_30 = arith.select %and3A_28, %add3A_29, %rem3A_21 : i32
    %mul3A_31 = arith.constant 160000 : i32
    %mul3A_32 = arith.muli %select_n3A, %mul3A_31 : i32
    %mul3A_33 = arith.constant 4 : i32
    %mul3A_34 = arith.muli %select_n3A_30, %mul3A_33 : i32
    %add3A_35 = arith.constant 0 : i32
    %add3A_36 = arith.addi %mul3A_34, %add3A_35 : i32
    "tpu.region"() ({
      %run_scoped3A = tpu.sem_alloc : memref<!tpu.dma_semaphore, #tpu.memory_space<semaphore_mem>>
      %dma_start3A_108 = arith.constant 0 : i32
      %dma_start3A_109 = tpu.memref_slice %arg2[%add3A_36, %dma_start3A_108] : memref<64x10000xi32, #tpu.memory_space<hbm>> -> memref<1x10000xi32, #tpu.memory_space<hbm>>
      %dma_start3A_110 = tpu.memref_squeeze %dma_start3A_109 : memref<1x10000xi32, #tpu.memory_space<hbm>> -> memref<10000xi32, #tpu.memory_space<hbm>>
      %dma_start3A_111 = arith.constant 0 : i32
      %dma_start3A_112 = tpu.memref_slice %arg2[%add3A_36, %dma_start3A_111] : memref<64x10000xi32, #tpu.memory_space<hbm>> -> memref<1x10000xi32, #tpu.memory_space<hbm>>
      %dma_start3A_113 = tpu.memref_squeeze %dma_start3A_112 : memref<1x10000xi32, #tpu.memory_space<hbm>> -> memref<10000xi32, #tpu.memory_space<hbm>>
      tpu.enqueue_dma source(%dma_start3A_113 : memref<10000xi32, #tpu.memory_space<hbm>>) target(%arg6 : memref<10000xi32, #tpu.memory_space<vmem>>) target_semaphore(%run_scoped3A : memref<!tpu.dma_semaphore, #tpu.memory_space<semaphore_mem>>)
      %dma_wait3A = arith.constant 0 : i32
      %dma_wait3A_114 = tpu.memref_slice %arg2[%add3A_36, %dma_wait3A] : memref<64x10000xi32, #tpu.memory_space<hbm>> -> memref<1x10000xi32, #tpu.memory_space<hbm>>
      %dma_wait3A_115 = tpu.memref_squeeze %dma_wait3A_114 : memref<1x10000xi32, #tpu.memory_space<hbm>> -> memref<10000xi32, #tpu.memory_space<hbm>>
      %dma_wait3A_116 = arith.constant 0 : i32
      %dma_wait3A_117 = tpu.memref_slice %arg2[%add3A_36, %dma_wait3A_116] : memref<64x10000xi32, #tpu.memory_space<hbm>> -> memref<1x10000xi32, #tpu.memory_space<hbm>>
      %dma_wait3A_118 = tpu.memref_squeeze %dma_wait3A_117 : memref<1x10000xi32, #tpu.memory_space<hbm>> -> memref<10000xi32, #tpu.memory_space<hbm>>
      tpu.wait_dma2 semaphore(%run_scoped3A : memref<!tpu.dma_semaphore, #tpu.memory_space<semaphore_mem>>) src(%dma_wait3A_118 : memref<10000xi32, #tpu.memory_space<hbm>>) dst(%arg6 : memref<10000xi32, #tpu.memory_space<vmem>>)
      tpu.yield
    }) : () -> ()
    %mul3A_37 = arith.constant 4 : i32
    %mul3A_38 = arith.muli %select_n3A_30, %mul3A_37 : i32
    %add3A_39 = arith.constant 1 : i32
    %add3A_40 = arith.addi %mul3A_38, %add3A_39 : i32
    "tpu.region"() ({
      %run_scoped3A = tpu.sem_alloc : memref<!tpu.dma_semaphore, #tpu.memory_space<semaphore_mem>>
      %dma_start3A_108 = arith.constant 0 : i32
      %dma_start3A_109 = tpu.memref_slice %arg2[%add3A_40, %dma_start3A_108] : memref<64x10000xi32, #tpu.memory_space<hbm>> -> memref<1x10000xi32, #tpu.memory_space<hbm>>
      %dma_start3A_110 = tpu.memref_squeeze %dma_start3A_109 : memref<1x10000xi32, #tpu.memory_space<hbm>> -> memref<10000xi32, #tpu.memory_space<hbm>>
      %dma_start3A_111 = arith.constant 0 : i32
      %dma_start3A_112 = tpu.memref_slice %arg2[%add3A_40, %dma_start3A_111] : memref<64x10000xi32, #tpu.memory_space<hbm>> -> memref<1x10000xi32, #tpu.memory_space<hbm>>
      %dma_start3A_113 = tpu.memref_squeeze %dma_start3A_112 : memref<1x10000xi32, #tpu.memory_space<hbm>> -> memref<10000xi32, #tpu.memory_space<hbm>>
      tpu.enqueue_dma source(%dma_start3A_113 : memref<10000xi32, #tpu.memory_space<hbm>>) target(%arg7 : memref<10000xi32, #tpu.memory_space<vmem>>) target_semaphore(%run_scoped3A : memref<!tpu.dma_semaphore, #tpu.memory_space<semaphore_mem>>)
      %dma_wait3A = arith.constant 0 : i32
      %dma_wait3A_114 = tpu.memref_slice %arg2[%add3A_40, %dma_wait3A] : memref<64x10000xi32, #tpu.memory_space<hbm>> -> memref<1x10000xi32, #tpu.memory_space<hbm>>
      %dma_wait3A_115 = tpu.memref_squeeze %dma_wait3A_114 : memref<1x10000xi32, #tpu.memory_space<hbm>> -> memref<10000xi32, #tpu.memory_space<hbm>>
      %dma_wait3A_116 = arith.constant 0 : i32
      %dma_wait3A_117 = tpu.memref_slice %arg2[%add3A_40, %dma_wait3A_116] : memref<64x10000xi32, #tpu.memory_space<hbm>> -> memref<1x10000xi32, #tpu.memory_space<hbm>>
      %dma_wait3A_118 = tpu.memref_squeeze %dma_wait3A_117 : memref<1x10000xi32, #tpu.memory_space<hbm>> -> memref<10000xi32, #tpu.memory_space<hbm>>
      tpu.wait_dma2 semaphore(%run_scoped3A : memref<!tpu.dma_semaphore, #tpu.memory_space<semaphore_mem>>) src(%dma_wait3A_118 : memref<10000xi32, #tpu.memory_space<hbm>>) dst(%arg7 : memref<10000xi32, #tpu.memory_space<vmem>>)
      tpu.yield
    }) : () -> ()
    %mul3A_41 = arith.constant 4 : i32
    %mul3A_42 = arith.muli %select_n3A_30, %mul3A_41 : i32
    %add3A_43 = arith.constant 2 : i32
    %add3A_44 = arith.addi %mul3A_42, %add3A_43 : i32
    "tpu.region"() ({
      %run_scoped3A = tpu.sem_alloc : memref<!tpu.dma_semaphore, #tpu.memory_space<semaphore_mem>>
      %dma_start3A_108 = arith.constant 0 : i32
      %dma_start3A_109 = tpu.memref_slice %arg2[%add3A_44, %dma_start3A_108] : memref<64x10000xi32, #tpu.memory_space<hbm>> -> memref<1x10000xi32, #tpu.memory_space<hbm>>
      %dma_start3A_110 = tpu.memref_squeeze %dma_start3A_109 : memref<1x10000xi32, #tpu.memory_space<hbm>> -> memref<10000xi32, #tpu.memory_space<hbm>>
      %dma_start3A_111 = arith.constant 0 : i32
      %dma_start3A_112 = tpu.memref_slice %arg2[%add3A_44, %dma_start3A_111] : memref<64x10000xi32, #tpu.memory_space<hbm>> -> memref<1x10000xi32, #tpu.memory_space<hbm>>
      %dma_start3A_113 = tpu.memref_squeeze %dma_start3A_112 : memref<1x10000xi32, #tpu.memory_space<hbm>> -> memref<10000xi32, #tpu.memory_space<hbm>>
      tpu.enqueue_dma source(%dma_start3A_113 : memref<10000xi32, #tpu.memory_space<hbm>>) target(%arg8 : memref<10000xi32, #tpu.memory_space<vmem>>) target_semaphore(%run_scoped3A : memref<!tpu.dma_semaphore, #tpu.memory_space<semaphore_mem>>)
      %dma_wait3A = arith.constant 0 : i32
      %dma_wait3A_114 = tpu.memref_slice %arg2[%add3A_44, %dma_wait3A] : memref<64x10000xi32, #tpu.memory_space<hbm>> -> memref<1x10000xi32, #tpu.memory_space<hbm>>
      %dma_wait3A_115 = tpu.memref_squeeze %dma_wait3A_114 : memref<1x10000xi32, #tpu.memory_space<hbm>> -> memref<10000xi32, #tpu.memory_space<hbm>>
      %dma_wait3A_116 = arith.constant 0 : i32
      %dma_wait3A_117 = tpu.memref_slice %arg2[%add3A_44, %dma_wait3A_116] : memref<64x10000xi32, #tpu.memory_space<hbm>> -> memref<1x10000xi32, #tpu.memory_space<hbm>>
      %dma_wait3A_118 = tpu.memref_squeeze %dma_wait3A_117 : memref<1x10000xi32, #tpu.memory_space<hbm>> -> memref<10000xi32, #tpu.memory_space<hbm>>
      tpu.wait_dma2 semaphore(%run_scoped3A : memref<!tpu.dma_semaphore, #tpu.memory_space<semaphore_mem>>) src(%dma_wait3A_118 : memref<10000xi32, #tpu.memory_space<hbm>>) dst(%arg8 : memref<10000xi32, #tpu.memory_space<vmem>>)
      tpu.yield
    }) : () -> ()
    %mul3A_45 = arith.constant 4 : i32
    %mul3A_46 = arith.muli %select_n3A_30, %mul3A_45 : i32
    %add3A_47 = arith.constant 3 : i32
    %add3A_48 = arith.addi %mul3A_46, %add3A_47 : i32
    "tpu.region"() ({
      %run_scoped3A = tpu.sem_alloc : memref<!tpu.dma_semaphore, #tpu.memory_space<semaphore_mem>>
      %dma_start3A_108 = arith.constant 0 : i32
      %dma_start3A_109 = tpu.memref_slice %arg2[%add3A_48, %dma_start3A_108] : memref<64x10000xi32, #tpu.memory_space<hbm>> -> memref<1x10000xi32, #tpu.memory_space<hbm>>
      %dma_start3A_110 = tpu.memref_squeeze %dma_start3A_109 : memref<1x10000xi32, #tpu.memory_space<hbm>> -> memref<10000xi32, #tpu.memory_space<hbm>>
      %dma_start3A_111 = arith.constant 0 : i32
      %dma_start3A_112 = tpu.memref_slice %arg2[%add3A_48, %dma_start3A_111] : memref<64x10000xi32, #tpu.memory_space<hbm>> -> memref<1x10000xi32, #tpu.memory_space<hbm>>
      %dma_start3A_113 = tpu.memref_squeeze %dma_start3A_112 : memref<1x10000xi32, #tpu.memory_space<hbm>> -> memref<10000xi32, #tpu.memory_space<hbm>>
      tpu.enqueue_dma source(%dma_start3A_113 : memref<10000xi32, #tpu.memory_space<hbm>>) target(%arg9 : memref<10000xi32, #tpu.memory_space<vmem>>) target_semaphore(%run_scoped3A : memref<!tpu.dma_semaphore, #tpu.memory_space<semaphore_mem>>)
      %dma_wait3A = arith.constant 0 : i32
      %dma_wait3A_114 = tpu.memref_slice %arg2[%add3A_48, %dma_wait3A] : memref<64x10000xi32, #tpu.memory_space<hbm>> -> memref<1x10000xi32, #tpu.memory_space<hbm>>
      %dma_wait3A_115 = tpu.memref_squeeze %dma_wait3A_114 : memref<1x10000xi32, #tpu.memory_space<hbm>> -> memref<10000xi32, #tpu.memory_space<hbm>>
      %dma_wait3A_116 = arith.constant 0 : i32
      %dma_wait3A_117 = tpu.memref_slice %arg2[%add3A_48, %dma_wait3A_116] : memref<64x10000xi32, #tpu.memory_space<hbm>> -> memref<1x10000xi32, #tpu.memory_space<hbm>>
      %dma_wait3A_118 = tpu.memref_squeeze %dma_wait3A_117 : memref<1x10000xi32, #tpu.memory_space<hbm>> -> memref<10000xi32, #tpu.memory_space<hbm>>
      tpu.wait_dma2 semaphore(%run_scoped3A : memref<!tpu.dma_semaphore, #tpu.memory_space<semaphore_mem>>) src(%dma_wait3A_118 : memref<10000xi32, #tpu.memory_space<hbm>>) dst(%arg9 : memref<10000xi32, #tpu.memory_space<vmem>>)
      tpu.yield
    }) : () -> ()
    %broadcast_in_dim3A = arith.constant 0.000000e+00 : f32
    %broadcast_in_dim3A_49 = vector.broadcast %broadcast_in_dim3A : f32 to vector<16xf32>
    %parallel_loop3A = arith.constant 0 : i32
    %parallel_loop3A_50 = arith.constant 10000 : i32
    %parallel_loop3A_51 = arith.constant 16 : i32
    scf.for %parallel_loop3A_108 = %parallel_loop3A to %parallel_loop3A_50 step %parallel_loop3A_51  : i32 {
      %parallel_loop3A_109 = arith.index_cast %parallel_loop3A_108 : i32 to index
      %parallel_loop3A_110 = tpu.vector_load %arg10[%parallel_loop3A_109] {strides = array<i32>} : memref<10000xf32, #tpu.memory_space<vmem>>, vector<16xf32>,
      tpu.vector_store %arg10[%parallel_loop3A_109], %broadcast_in_dim3A_49 {strides = array<i32>} : memref<10000xf32, #tpu.memory_space<vmem>>, vector<16xf32>,
      %parallel_loop3A_111 = arith.index_cast %parallel_loop3A_108 : i32 to index
      %parallel_loop3A_112 = tpu.vector_load %arg11[%parallel_loop3A_111] {strides = array<i32>} : memref<10000xf32, #tpu.memory_space<vmem>>, vector<16xf32>,
      tpu.vector_store %arg11[%parallel_loop3A_111], %broadcast_in_dim3A_49 {strides = array<i32>} : memref<10000xf32, #tpu.memory_space<vmem>>, vector<16xf32>,
      %parallel_loop3A_113 = arith.index_cast %parallel_loop3A_108 : i32 to index
      %parallel_loop3A_114 = tpu.vector_load %arg12[%parallel_loop3A_113] {strides = array<i32>} : memref<10000xf32, #tpu.memory_space<vmem>>, vector<16xf32>,
      tpu.vector_store %arg12[%parallel_loop3A_113], %broadcast_in_dim3A_49 {strides = array<i32>} : memref<10000xf32, #tpu.memory_space<vmem>>, vector<16xf32>,
      %parallel_loop3A_115 = arith.index_cast %parallel_loop3A_108 : i32 to index
      %parallel_loop3A_116 = tpu.vector_load %arg13[%parallel_loop3A_115] {strides = array<i32>} : memref<10000xf32, #tpu.memory_space<vmem>>, vector<16xf32>,
      tpu.vector_store %arg13[%parallel_loop3A_115], %broadcast_in_dim3A_49 {strides = array<i32>} : memref<10000xf32, #tpu.memory_space<vmem>>, vector<16xf32>,
      %parallel_loop3A_117 = arith.index_cast %parallel_loop3A_108 : i32 to index
      %parallel_loop3A_118 = tpu.vector_load %arg14[%parallel_loop3A_117] {strides = array<i32>} : memref<10000xf32, #tpu.memory_space<vmem>>, vector<16xf32>,
      tpu.vector_store %arg14[%parallel_loop3A_117], %broadcast_in_dim3A_49 {strides = array<i32>} : memref<10000xf32, #tpu.memory_space<vmem>>, vector<16xf32>,
      %parallel_loop3A_119 = arith.index_cast %parallel_loop3A_108 : i32 to index
      %parallel_loop3A_120 = tpu.vector_load %arg15[%parallel_loop3A_119] {strides = array<i32>} : memref<10000xf32, #tpu.memory_space<vmem>>, vector<16xf32>,
      tpu.vector_store %arg15[%parallel_loop3A_119], %broadcast_in_dim3A_49 {strides = array<i32>} : memref<10000xf32, #tpu.memory_space<vmem>>, vector<16xf32>,
      %parallel_loop3A_121 = arith.index_cast %parallel_loop3A_108 : i32 to index
      %parallel_loop3A_122 = tpu.vector_load %arg16[%parallel_loop3A_121] {strides = array<i32>} : memref<10000xf32, #tpu.memory_space<vmem>>, vector<16xf32>,
      tpu.vector_store %arg16[%parallel_loop3A_121], %broadcast_in_dim3A_49 {strides = array<i32>} : memref<10000xf32, #tpu.memory_space<vmem>>, vector<16xf32>,
      %parallel_loop3A_123 = arith.index_cast %parallel_loop3A_108 : i32 to index
      %parallel_loop3A_124 = tpu.vector_load %arg17[%parallel_loop3A_123] {strides = array<i32>} : memref<10000xf32, #tpu.memory_space<vmem>>, vector<16xf32>,
      tpu.vector_store %arg17[%parallel_loop3A_123], %broadcast_in_dim3A_49 {strides = array<i32>} : memref<10000xf32, #tpu.memory_space<vmem>>, vector<16xf32>,
    } {sc.loop_unroll_factor = 4 : i64, sc.parallel_access}
    %add3A_52 = arith.constant 0 : i32
    %add3A_53 = arith.addi %mul3A_32, %add3A_52 : i32
    %dma_start3A = tpu.memref_slice %arg3[%add3A_53] : memref<320000xi32, #tpu.memory_space<hbm>> -> memref<1600xi32, #tpu.memory_space<hbm>>
    %dma_start3A_54 = tpu.memref_slice %arg3[%add3A_53] : memref<320000xi32, #tpu.memory_space<hbm>> -> memref<1600xi32, #tpu.memory_space<hbm>>
    tpu.enqueue_dma source(%dma_start3A_54 : memref<1600xi32, #tpu.memory_space<hbm>>) target(%arg18 : memref<1600xi32, #tpu.memory_space<vmem>>) target_semaphore(%arg22 : memref<!tpu.dma_semaphore, #tpu.memory_space<semaphore_mem>>)
    %dma_start3A_55 = tpu.memref_slice %arg4[%add3A_53] : memref<320000xf32, #tpu.memory_space<hbm>> -> memref<1600xf32, #tpu.memory_space<hbm>>
    %dma_start3A_56 = tpu.memref_slice %arg4[%add3A_53] : memref<320000xf32, #tpu.memory_space<hbm>> -> memref<1600xf32, #tpu.memory_space<hbm>>
    tpu.enqueue_dma source(%dma_start3A_56 : memref<1600xf32, #tpu.memory_space<hbm>>) target(%arg20 : memref<1600xf32, #tpu.memory_space<vmem>>) target_semaphore(%arg22 : memref<!tpu.dma_semaphore, #tpu.memory_space<semaphore_mem>>)
    %add3A_57 = arith.constant 1600 : i32
    %add3A_58 = arith.addi %mul3A_32, %add3A_57 : i32
    %dma_start3A_59 = tpu.memref_slice %arg3[%add3A_58] : memref<320000xi32, #tpu.memory_space<hbm>> -> memref<1600xi32, #tpu.memory_space<hbm>>
    %dma_start3A_60 = tpu.memref_slice %arg3[%add3A_58] : memref<320000xi32, #tpu.memory_space<hbm>> -> memref<1600xi32, #tpu.memory_space<hbm>>
    tpu.enqueue_dma source(%dma_start3A_60 : memref<1600xi32, #tpu.memory_space<hbm>>) target(%arg19 : memref<1600xi32, #tpu.memory_space<vmem>>) target_semaphore(%arg23 : memref<!tpu.dma_semaphore, #tpu.memory_space<semaphore_mem>>)
    %dma_start3A_61 = tpu.memref_slice %arg4[%add3A_58] : memref<320000xf32, #tpu.memory_space<hbm>> -> memref<1600xf32, #tpu.memory_space<hbm>>
    %dma_start3A_62 = tpu.memref_slice %arg4[%add3A_58] : memref<320000xf32, #tpu.memory_space<hbm>> -> memref<1600xf32, #tpu.memory_space<hbm>>
    tpu.enqueue_dma source(%dma_start3A_62 : memref<1600xf32, #tpu.memory_space<hbm>>) target(%arg21 : memref<1600xf32, #tpu.memory_space<vmem>>) target_semaphore(%arg23 : memref<!tpu.dma_semaphore, #tpu.memory_space<semaphore_mem>>)
    %scan3A = arith.constant 0 : i32
    %scan3A_63 = arith.constant 0 : i32
    %scan3A_64 = arith.constant 50 : i32
    %scan3A_65 = arith.addi %scan3A_63, %scan3A_64 : i32
    %scan3A_66 = arith.constant 1 : i32
    scf.for %scan3A_108 = %scan3A_63 to %scan3A_65 step %scan3A_66  : i32 {
      %mul3A_109 = arith.constant 2 : i32
      %mul3A_110 = arith.muli %scan3A_108, %mul3A_109 : i32
      %add3A_111 = arith.constant 0 : i32
      %add3A_112 = arith.addi %mul3A_110, %add3A_111 : i32
      %mul3A_113 = arith.constant 1600 : i32
      %mul3A_114 = arith.muli %add3A_112, %mul3A_113 : i32
      %add3A_115 = arith.addi %mul3A_32, %mul3A_114 : i32
      %dma_wait3A = tpu.memref_slice %arg3[%add3A_115] : memref<320000xi32, #tpu.memory_space<hbm>> -> memref<1600xi32, #tpu.memory_space<hbm>>
      %dma_wait3A_116 = tpu.memref_slice %arg3[%add3A_115] : memref<320000xi32, #tpu.memory_space<hbm>> -> memref<1600xi32, #tpu.memory_space<hbm>>
      tpu.wait_dma2 semaphore(%arg22 : memref<!tpu.dma_semaphore, #tpu.memory_space<semaphore_mem>>) src(%dma_wait3A_116 : memref<1600xi32, #tpu.memory_space<hbm>>) dst(%arg18 : memref<1600xi32, #tpu.memory_space<vmem>>)
      %dma_wait3A_117 = tpu.memref_slice %arg4[%add3A_115] : memref<320000xf32, #tpu.memory_space<hbm>> -> memref<1600xf32, #tpu.memory_space<hbm>>
      %dma_wait3A_118 = tpu.memref_slice %arg4[%add3A_115] : memref<320000xf32, #tpu.memory_space<hbm>> -> memref<1600xf32, #tpu.memory_space<hbm>>
      tpu.wait_dma2 semaphore(%arg22 : memref<!tpu.dma_semaphore, #tpu.memory_space<semaphore_mem>>) src(%dma_wait3A_118 : memref<1600xf32, #tpu.memory_space<hbm>>) dst(%arg20 : memref<1600xf32, #tpu.memory_space<vmem>>)
      %parallel_loop3A_119 = arith.constant 0 : i32
      %parallel_loop3A_120 = arith.constant 1600 : i32
      %parallel_loop3A_121 = arith.constant 16 : i32
      scf.for %parallel_loop3A_148 = %parallel_loop3A_119 to %parallel_loop3A_120 step %parallel_loop3A_121  : i32 {
        %parallel_loop3A_149 = arith.index_cast %parallel_loop3A_148 : i32 to index
        %parallel_loop3A_150 = tpu.vector_load %arg18[%parallel_loop3A_149] {strides = array<i32>} : memref<1600xi32, #tpu.memory_space<vmem>>, vector<16xi32>,
        %parallel_loop3A_151 = arith.constant 65535 : i32
        %parallel_loop3A_152 = vector.broadcast %parallel_loop3A_151 : i32 to vector<16xi32>
        %parallel_loop3A_153 = arith.andi %parallel_loop3A_150, %parallel_loop3A_152 : vector<16xi32>
        %parallel_loop3A_154 = arith.constant 16 : i32
        %parallel_loop3A_155 = vector.broadcast %parallel_loop3A_154 : i32 to vector<16xi32>
        %parallel_loop3A_156 = arith.shrsi %parallel_loop3A_150, %parallel_loop3A_155 : vector<16xi32>
        %parallel_loop3A_157 = arith.index_cast %parallel_loop3A_148 : i32 to index
        %parallel_loop3A_158 = tpu.vector_load %arg20[%parallel_loop3A_157] {strides = array<i32>} : memref<1600xf32, #tpu.memory_space<vmem>>, vector<16xf32>,
        %parallel_loop3A_159 = tpu.vector_load_idx %arg6[%parallel_loop3A_153] : memref<10000xi32, #tpu.memory_space<vmem>>[vector<16xi32>], vector<16xi32>,
        %parallel_loop3A_160 = arith.constant -65536 : i32
        %parallel_loop3A_161 = vector.broadcast %parallel_loop3A_160 : i32 to vector<16xi32>
        %parallel_loop3A_162 = arith.andi %parallel_loop3A_159, %parallel_loop3A_161 : vector<16xi32>
        %parallel_loop3A_163 = vector.bitcast %parallel_loop3A_162 : vector<16xi32> to vector<16xf32>
        %parallel_loop3A_164 = arith.mulf %parallel_loop3A_163, %parallel_loop3A_158 : vector<16xf32>
        tpu.vector_store_idx %arg10[%parallel_loop3A_156], %parallel_loop3A_164 {add = true} : memref<10000xf32, #tpu.memory_space<vmem>>[vector<16xi32>], vector<16xf32>,
        %parallel_loop3A_165 = arith.constant 16 : i32
        %parallel_loop3A_166 = vector.broadcast %parallel_loop3A_165 : i32 to vector<16xi32>
        %parallel_loop3A_167 = arith.shli %parallel_loop3A_159, %parallel_loop3A_166 : vector<16xi32>
        %parallel_loop3A_168 = vector.bitcast %parallel_loop3A_167 : vector<16xi32> to vector<16xf32>
        %parallel_loop3A_169 = arith.mulf %parallel_loop3A_168, %parallel_loop3A_158 : vector<16xf32>
        tpu.vector_store_idx %arg11[%parallel_loop3A_156], %parallel_loop3A_169 {add = true} : memref<10000xf32, #tpu.memory_space<vmem>>[vector<16xi32>], vector<16xf32>,
        %parallel_loop3A_170 = tpu.vector_load_idx %arg7[%parallel_loop3A_153] : memref<10000xi32, #tpu.memory_space<vmem>>[vector<16xi32>], vector<16xi32>,
        %parallel_loop3A_171 = arith.constant -65536 : i32
        %parallel_loop3A_172 = vector.broadcast %parallel_loop3A_171 : i32 to vector<16xi32>
        %parallel_loop3A_173 = arith.andi %parallel_loop3A_170, %parallel_loop3A_172 : vector<16xi32>
        %parallel_loop3A_174 = vector.bitcast %parallel_loop3A_173 : vector<16xi32> to vector<16xf32>
        %parallel_loop3A_175 = arith.mulf %parallel_loop3A_174, %parallel_loop3A_158 : vector<16xf32>
        tpu.vector_store_idx %arg12[%parallel_loop3A_156], %parallel_loop3A_175 {add = true} : memref<10000xf32, #tpu.memory_space<vmem>>[vector<16xi32>], vector<16xf32>,
        %parallel_loop3A_176 = arith.constant 16 : i32
        %parallel_loop3A_177 = vector.broadcast %parallel_loop3A_176 : i32 to vector<16xi32>
        %parallel_loop3A_178 = arith.shli %parallel_loop3A_170, %parallel_loop3A_177 : vector<16xi32>
        %parallel_loop3A_179 = vector.bitcast %parallel_loop3A_178 : vector<16xi32> to vector<16xf32>
        %parallel_loop3A_180 = arith.mulf %parallel_loop3A_179, %parallel_loop3A_158 : vector<16xf32>
        tpu.vector_store_idx %arg13[%parallel_loop3A_156], %parallel_loop3A_180 {add = true} : memref<10000xf32, #tpu.memory_space<vmem>>[vector<16xi32>], vector<16xf32>,
        %parallel_loop3A_181 = tpu.vector_load_idx %arg8[%parallel_loop3A_153] : memref<10000xi32, #tpu.memory_space<vmem>>[vector<16xi32>], vector<16xi32>,
        %parallel_loop3A_182 = arith.constant -65536 : i32
        %parallel_loop3A_183 = vector.broadcast %parallel_loop3A_182 : i32 to vector<16xi32>
        %parallel_loop3A_184 = arith.andi %parallel_loop3A_181, %parallel_loop3A_183 : vector<16xi32>
        %parallel_loop3A_185 = vector.bitcast %parallel_loop3A_184 : vector<16xi32> to vector<16xf32>
        %parallel_loop3A_186 = arith.mulf %parallel_loop3A_185, %parallel_loop3A_158 : vector<16xf32>
        tpu.vector_store_idx %arg14[%parallel_loop3A_156], %parallel_loop3A_186 {add = true} : memref<10000xf32, #tpu.memory_space<vmem>>[vector<16xi32>], vector<16xf32>,
        %parallel_loop3A_187 = arith.constant 16 : i32
        %parallel_loop3A_188 = vector.broadcast %parallel_loop3A_187 : i32 to vector<16xi32>
        %parallel_loop3A_189 = arith.shli %parallel_loop3A_181, %parallel_loop3A_188 : vector<16xi32>
        %parallel_loop3A_190 = vector.bitcast %parallel_loop3A_189 : vector<16xi32> to vector<16xf32>
        %parallel_loop3A_191 = arith.mulf %parallel_loop3A_190, %parallel_loop3A_158 : vector<16xf32>
        tpu.vector_store_idx %arg15[%parallel_loop3A_156], %parallel_loop3A_191 {add = true} : memref<10000xf32, #tpu.memory_space<vmem>>[vector<16xi32>], vector<16xf32>,
        %parallel_loop3A_192 = tpu.vector_load_idx %arg9[%parallel_loop3A_153] : memref<10000xi32, #tpu.memory_space<vmem>>[vector<16xi32>], vector<16xi32>,
        %parallel_loop3A_193 = arith.constant -65536 : i32
        %parallel_loop3A_194 = vector.broadcast %parallel_loop3A_193 : i32 to vector<16xi32>
        %parallel_loop3A_195 = arith.andi %parallel_loop3A_192, %parallel_loop3A_194 : vector<16xi32>
        %parallel_loop3A_196 = vector.bitcast %parallel_loop3A_195 : vector<16xi32> to vector<16xf32>
        %parallel_loop3A_197 = arith.mulf %parallel_loop3A_196, %parallel_loop3A_158 : vector<16xf32>
        tpu.vector_store_idx %arg16[%parallel_loop3A_156], %parallel_loop3A_197 {add = true} : memref<10000xf32, #tpu.memory_space<vmem>>[vector<16xi32>], vector<16xf32>,
        %parallel_loop3A_198 = arith.constant 16 : i32
        %parallel_loop3A_199 = vector.broadcast %parallel_loop3A_198 : i32 to vector<16xi32>
        %parallel_loop3A_200 = arith.shli %parallel_loop3A_192, %parallel_loop3A_199 : vector<16xi32>
        %parallel_loop3A_201 = vector.bitcast %parallel_loop3A_200 : vector<16xi32> to vector<16xf32>
        %parallel_loop3A_202 = arith.mulf %parallel_loop3A_201, %parallel_loop3A_158 : vector<16xf32>
        tpu.vector_store_idx %arg17[%parallel_loop3A_156], %parallel_loop3A_202 {add = true} : memref<10000xf32, #tpu.memory_space<vmem>>[vector<16xi32>], vector<16xf32>,
      } {sc.loop_unroll_factor = 4 : i64, sc.parallel_access}
      %add3A_122 = arith.constant 2 : i32
      %add3A_123 = arith.addi %add3A_112, %add3A_122 : i32
      %lt3A_124 = arith.constant 100 : i32
      %lt3A_125 = arith.cmpi slt, %add3A_123, %lt3A_124 : i32
      %convert_element_type3A = arith.extui %lt3A_125 : i1 to i32
      %cond3A = arith.constant 0 : i32
      %cond3A_126 = arith.cmpi ne, %convert_element_type3A, %cond3A : i32
      scf.if %cond3A_126 {
        %add3A_148 = arith.constant 2 : i32
        %add3A_149 = arith.addi %add3A_112, %add3A_148 : i32
        %mul3A_150 = arith.constant 1600 : i32
        %mul3A_151 = arith.muli %add3A_149, %mul3A_150 : i32
        %add3A_152 = arith.addi %mul3A_32, %mul3A_151 : i32
        %dma_start3A_153 = tpu.memref_slice %arg3[%add3A_152] : memref<320000xi32, #tpu.memory_space<hbm>> -> memref<1600xi32, #tpu.memory_space<hbm>>
        %dma_start3A_154 = tpu.memref_slice %arg3[%add3A_152] : memref<320000xi32, #tpu.memory_space<hbm>> -> memref<1600xi32, #tpu.memory_space<hbm>>
        tpu.enqueue_dma source(%dma_start3A_154 : memref<1600xi32, #tpu.memory_space<hbm>>) target(%arg18 : memref<1600xi32, #tpu.memory_space<vmem>>) target_semaphore(%arg22 : memref<!tpu.dma_semaphore, #tpu.memory_space<semaphore_mem>>)
        %dma_start3A_155 = tpu.memref_slice %arg4[%add3A_152] : memref<320000xf32, #tpu.memory_space<hbm>> -> memref<1600xf32, #tpu.memory_space<hbm>>
        %dma_start3A_156 = tpu.memref_slice %arg4[%add3A_152] : memref<320000xf32, #tpu.memory_space<hbm>> -> memref<1600xf32, #tpu.memory_space<hbm>>
        tpu.enqueue_dma source(%dma_start3A_156 : memref<1600xf32, #tpu.memory_space<hbm>>) target(%arg20 : memref<1600xf32, #tpu.memory_space<vmem>>) target_semaphore(%arg22 : memref<!tpu.dma_semaphore, #tpu.memory_space<semaphore_mem>>)
      } else {
      }
      %mul3A_127 = arith.constant 2 : i32
      %mul3A_128 = arith.muli %scan3A_108, %mul3A_127 : i32
      %add3A_129 = arith.constant 1 : i32
      %add3A_130 = arith.addi %mul3A_128, %add3A_129 : i32
      %mul3A_131 = arith.constant 1600 : i32
      %mul3A_132 = arith.muli %add3A_130, %mul3A_131 : i32
      %add3A_133 = arith.addi %mul3A_32, %mul3A_132 : i32
      %dma_wait3A_134 = tpu.memref_slice %arg3[%add3A_133] : memref<320000xi32, #tpu.memory_space<hbm>> -> memref<1600xi32, #tpu.memory_space<hbm>>
      %dma_wait3A_135 = tpu.memref_slice %arg3[%add3A_133] : memref<320000xi32, #tpu.memory_space<hbm>> -> memref<1600xi32, #tpu.memory_space<hbm>>
      tpu.wait_dma2 semaphore(%arg23 : memref<!tpu.dma_semaphore, #tpu.memory_space<semaphore_mem>>) src(%dma_wait3A_135 : memref<1600xi32, #tpu.memory_space<hbm>>) dst(%arg19 : memref<1600xi32, #tpu.memory_space<vmem>>)
      %dma_wait3A_136 = tpu.memref_slice %arg4[%add3A_133] : memref<320000xf32, #tpu.memory_space<hbm>> -> memref<1600xf32, #tpu.memory_space<hbm>>
      %dma_wait3A_137 = tpu.memref_slice %arg4[%add3A_133] : memref<320000xf32, #tpu.memory_space<hbm>> -> memref<1600xf32, #tpu.memory_space<hbm>>
      tpu.wait_dma2 semaphore(%arg23 : memref<!tpu.dma_semaphore, #tpu.memory_space<semaphore_mem>>) src(%dma_wait3A_137 : memref<1600xf32, #tpu.memory_space<hbm>>) dst(%arg21 : memref<1600xf32, #tpu.memory_space<vmem>>)
      %parallel_loop3A_138 = arith.constant 0 : i32
      %parallel_loop3A_139 = arith.constant 1600 : i32
      %parallel_loop3A_140 = arith.constant 16 : i32
      scf.for %parallel_loop3A_148 = %parallel_loop3A_138 to %parallel_loop3A_139 step %parallel_loop3A_140  : i32 {
        %parallel_loop3A_149 = arith.index_cast %parallel_loop3A_148 : i32 to index
        %parallel_loop3A_150 = tpu.vector_load %arg19[%parallel_loop3A_149] {strides = array<i32>} : memref<1600xi32, #tpu.memory_space<vmem>>, vector<16xi32>,
        %parallel_loop3A_151 = arith.constant 65535 : i32
        %parallel_loop3A_152 = vector.broadcast %parallel_loop3A_151 : i32 to vector<16xi32>
        %parallel_loop3A_153 = arith.andi %parallel_loop3A_150, %parallel_loop3A_152 : vector<16xi32>
        %parallel_loop3A_154 = arith.constant 16 : i32
        %parallel_loop3A_155 = vector.broadcast %parallel_loop3A_154 : i32 to vector<16xi32>
        %parallel_loop3A_156 = arith.shrsi %parallel_loop3A_150, %parallel_loop3A_155 : vector<16xi32>
        %parallel_loop3A_157 = arith.index_cast %parallel_loop3A_148 : i32 to index
        %parallel_loop3A_158 = tpu.vector_load %arg21[%parallel_loop3A_157] {strides = array<i32>} : memref<1600xf32, #tpu.memory_space<vmem>>, vector<16xf32>,
        %parallel_loop3A_159 = tpu.vector_load_idx %arg6[%parallel_loop3A_153] : memref<10000xi32, #tpu.memory_space<vmem>>[vector<16xi32>], vector<16xi32>,
        %parallel_loop3A_160 = arith.constant -65536 : i32
        %parallel_loop3A_161 = vector.broadcast %parallel_loop3A_160 : i32 to vector<16xi32>
        %parallel_loop3A_162 = arith.andi %parallel_loop3A_159, %parallel_loop3A_161 : vector<16xi32>
        %parallel_loop3A_163 = vector.bitcast %parallel_loop3A_162 : vector<16xi32> to vector<16xf32>
        %parallel_loop3A_164 = arith.mulf %parallel_loop3A_163, %parallel_loop3A_158 : vector<16xf32>
        tpu.vector_store_idx %arg10[%parallel_loop3A_156], %parallel_loop3A_164 {add = true} : memref<10000xf32, #tpu.memory_space<vmem>>[vector<16xi32>], vector<16xf32>,
        %parallel_loop3A_165 = arith.constant 16 : i32
        %parallel_loop3A_166 = vector.broadcast %parallel_loop3A_165 : i32 to vector<16xi32>
        %parallel_loop3A_167 = arith.shli %parallel_loop3A_159, %parallel_loop3A_166 : vector<16xi32>
        %parallel_loop3A_168 = vector.bitcast %parallel_loop3A_167 : vector<16xi32> to vector<16xf32>
        %parallel_loop3A_169 = arith.mulf %parallel_loop3A_168, %parallel_loop3A_158 : vector<16xf32>
        tpu.vector_store_idx %arg11[%parallel_loop3A_156], %parallel_loop3A_169 {add = true} : memref<10000xf32, #tpu.memory_space<vmem>>[vector<16xi32>], vector<16xf32>,
        %parallel_loop3A_170 = tpu.vector_load_idx %arg7[%parallel_loop3A_153] : memref<10000xi32, #tpu.memory_space<vmem>>[vector<16xi32>], vector<16xi32>,
        %parallel_loop3A_171 = arith.constant -65536 : i32
        %parallel_loop3A_172 = vector.broadcast %parallel_loop3A_171 : i32 to vector<16xi32>
        %parallel_loop3A_173 = arith.andi %parallel_loop3A_170, %parallel_loop3A_172 : vector<16xi32>
        %parallel_loop3A_174 = vector.bitcast %parallel_loop3A_173 : vector<16xi32> to vector<16xf32>
        %parallel_loop3A_175 = arith.mulf %parallel_loop3A_174, %parallel_loop3A_158 : vector<16xf32>
        tpu.vector_store_idx %arg12[%parallel_loop3A_156], %parallel_loop3A_175 {add = true} : memref<10000xf32, #tpu.memory_space<vmem>>[vector<16xi32>], vector<16xf32>,
        %parallel_loop3A_176 = arith.constant 16 : i32
        %parallel_loop3A_177 = vector.broadcast %parallel_loop3A_176 : i32 to vector<16xi32>
        %parallel_loop3A_178 = arith.shli %parallel_loop3A_170, %parallel_loop3A_177 : vector<16xi32>
        %parallel_loop3A_179 = vector.bitcast %parallel_loop3A_178 : vector<16xi32> to vector<16xf32>
        %parallel_loop3A_180 = arith.mulf %parallel_loop3A_179, %parallel_loop3A_158 : vector<16xf32>
        tpu.vector_store_idx %arg13[%parallel_loop3A_156], %parallel_loop3A_180 {add = true} : memref<10000xf32, #tpu.memory_space<vmem>>[vector<16xi32>], vector<16xf32>,
        %parallel_loop3A_181 = tpu.vector_load_idx %arg8[%parallel_loop3A_153] : memref<10000xi32, #tpu.memory_space<vmem>>[vector<16xi32>], vector<16xi32>,
        %parallel_loop3A_182 = arith.constant -65536 : i32
        %parallel_loop3A_183 = vector.broadcast %parallel_loop3A_182 : i32 to vector<16xi32>
        %parallel_loop3A_184 = arith.andi %parallel_loop3A_181, %parallel_loop3A_183 : vector<16xi32>
        %parallel_loop3A_185 = vector.bitcast %parallel_loop3A_184 : vector<16xi32> to vector<16xf32>
        %parallel_loop3A_186 = arith.mulf %parallel_loop3A_185, %parallel_loop3A_158 : vector<16xf32>
        tpu.vector_store_idx %arg14[%parallel_loop3A_156], %parallel_loop3A_186 {add = true} : memref<10000xf32, #tpu.memory_space<vmem>>[vector<16xi32>], vector<16xf32>,
        %parallel_loop3A_187 = arith.constant 16 : i32
        %parallel_loop3A_188 = vector.broadcast %parallel_loop3A_187 : i32 to vector<16xi32>
        %parallel_loop3A_189 = arith.shli %parallel_loop3A_181, %parallel_loop3A_188 : vector<16xi32>
        %parallel_loop3A_190 = vector.bitcast %parallel_loop3A_189 : vector<16xi32> to vector<16xf32>
        %parallel_loop3A_191 = arith.mulf %parallel_loop3A_190, %parallel_loop3A_158 : vector<16xf32>
        tpu.vector_store_idx %arg15[%parallel_loop3A_156], %parallel_loop3A_191 {add = true} : memref<10000xf32, #tpu.memory_space<vmem>>[vector<16xi32>], vector<16xf32>,
        %parallel_loop3A_192 = tpu.vector_load_idx %arg9[%parallel_loop3A_153] : memref<10000xi32, #tpu.memory_space<vmem>>[vector<16xi32>], vector<16xi32>,
        %parallel_loop3A_193 = arith.constant -65536 : i32
        %parallel_loop3A_194 = vector.broadcast %parallel_loop3A_193 : i32 to vector<16xi32>
        %parallel_loop3A_195 = arith.andi %parallel_loop3A_192, %parallel_loop3A_194 : vector<16xi32>
        %parallel_loop3A_196 = vector.bitcast %parallel_loop3A_195 : vector<16xi32> to vector<16xf32>
        %parallel_loop3A_197 = arith.mulf %parallel_loop3A_196, %parallel_loop3A_158 : vector<16xf32>
        tpu.vector_store_idx %arg16[%parallel_loop3A_156], %parallel_loop3A_197 {add = true} : memref<10000xf32, #tpu.memory_space<vmem>>[vector<16xi32>], vector<16xf32>,
        %parallel_loop3A_198 = arith.constant 16 : i32
        %parallel_loop3A_199 = vector.broadcast %parallel_loop3A_198 : i32 to vector<16xi32>
        %parallel_loop3A_200 = arith.shli %parallel_loop3A_192, %parallel_loop3A_199 : vector<16xi32>
        %parallel_loop3A_201 = vector.bitcast %parallel_loop3A_200 : vector<16xi32> to vector<16xf32>
        %parallel_loop3A_202 = arith.mulf %parallel_loop3A_201, %parallel_loop3A_158 : vector<16xf32>
        tpu.vector_store_idx %arg17[%parallel_loop3A_156], %parallel_loop3A_202 {add = true} : memref<10000xf32, #tpu.memory_space<vmem>>[vector<16xi32>], vector<16xf32>,
      } {sc.loop_unroll_factor = 4 : i64, sc.parallel_access}
      %add3A_141 = arith.constant 2 : i32
      %add3A_142 = arith.addi %add3A_130, %add3A_141 : i32
      %lt3A_143 = arith.constant 100 : i32
      %lt3A_144 = arith.cmpi slt, %add3A_142, %lt3A_143 : i32
      %convert_element_type3A_145 = arith.extui %lt3A_144 : i1 to i32
      %cond3A_146 = arith.constant 0 : i32
      %cond3A_147 = arith.cmpi ne, %convert_element_type3A_145, %cond3A_146 : i32
      scf.if %cond3A_147 {
        %add3A_148 = arith.constant 2 : i32
        %add3A_149 = arith.addi %add3A_130, %add3A_148 : i32
        %mul3A_150 = arith.constant 1600 : i32
        %mul3A_151 = arith.muli %add3A_149, %mul3A_150 : i32
        %add3A_152 = arith.addi %mul3A_32, %mul3A_151 : i32
        %dma_start3A_153 = tpu.memref_slice %arg3[%add3A_152] : memref<320000xi32, #tpu.memory_space<hbm>> -> memref<1600xi32, #tpu.memory_space<hbm>>
        %dma_start3A_154 = tpu.memref_slice %arg3[%add3A_152] : memref<320000xi32, #tpu.memory_space<hbm>> -> memref<1600xi32, #tpu.memory_space<hbm>>
        tpu.enqueue_dma source(%dma_start3A_154 : memref<1600xi32, #tpu.memory_space<hbm>>) target(%arg19 : memref<1600xi32, #tpu.memory_space<vmem>>) target_semaphore(%arg23 : memref<!tpu.dma_semaphore, #tpu.memory_space<semaphore_mem>>)
        %dma_start3A_155 = tpu.memref_slice %arg4[%add3A_152] : memref<320000xf32, #tpu.memory_space<hbm>> -> memref<1600xf32, #tpu.memory_space<hbm>>
        %dma_start3A_156 = tpu.memref_slice %arg4[%add3A_152] : memref<320000xf32, #tpu.memory_space<hbm>> -> memref<1600xf32, #tpu.memory_space<hbm>>
        tpu.enqueue_dma source(%dma_start3A_156 : memref<1600xf32, #tpu.memory_space<hbm>>) target(%arg21 : memref<1600xf32, #tpu.memory_space<vmem>>) target_semaphore(%arg23 : memref<!tpu.dma_semaphore, #tpu.memory_space<semaphore_mem>>)
      } else {
      }
    }
    %scan3A_67 = arith.constant 50 : i32
    %mul3A_68 = arith.constant 4 : i32
    %mul3A_69 = arith.muli %select_n3A_30, %mul3A_68 : i32
    %add3A_70 = arith.constant 0 : i32
    %add3A_71 = arith.addi %mul3A_69, %add3A_70 : i32
    "tpu.region"() ({
      %run_scoped3A = tpu.sem_alloc : memref<!tpu.dma_semaphore, #tpu.memory_space<semaphore_mem>>
      %dma_start3A_108 = arith.constant 0 : i32
      %dma_start3A_109 = tpu.memref_slice %arg5[%select_n3A, %add3A_71, %dma_start3A_108] : memref<2x128x10000xf32, #tpu.memory_space<hbm>> -> memref<1x1x10000xf32, #tpu.memory_space<hbm>>
      %dma_start3A_110 = tpu.memref_squeeze %dma_start3A_109 : memref<1x1x10000xf32, #tpu.memory_space<hbm>> -> memref<10000xf32, #tpu.memory_space<hbm>>
      %dma_start3A_111 = arith.constant 0 : i32
      %dma_start3A_112 = tpu.memref_slice %arg5[%select_n3A, %add3A_71, %dma_start3A_111] : memref<2x128x10000xf32, #tpu.memory_space<hbm>> -> memref<1x1x10000xf32, #tpu.memory_space<hbm>>
      %dma_start3A_113 = tpu.memref_squeeze %dma_start3A_112 : memref<1x1x10000xf32, #tpu.memory_space<hbm>> -> memref<10000xf32, #tpu.memory_space<hbm>>
      tpu.enqueue_dma source(%arg10 : memref<10000xf32, #tpu.memory_space<vmem>>) target(%dma_start3A_113 : memref<10000xf32, #tpu.memory_space<hbm>>) target_semaphore(%run_scoped3A : memref<!tpu.dma_semaphore, #tpu.memory_space<semaphore_mem>>)
      %dma_wait3A = arith.constant 0 : i32
      %dma_wait3A_114 = tpu.memref_slice %arg5[%select_n3A, %add3A_71, %dma_wait3A] : memref<2x128x10000xf32, #tpu.memory_space<hbm>> -> memref<1x1x10000xf32, #tpu.memory_space<hbm>>
      %dma_wait3A_115 = tpu.memref_squeeze %dma_wait3A_114 : memref<1x1x10000xf32, #tpu.memory_space<hbm>> -> memref<10000xf32, #tpu.memory_space<hbm>>
      %dma_wait3A_116 = arith.constant 0 : i32
      %dma_wait3A_117 = tpu.memref_slice %arg5[%select_n3A, %add3A_71, %dma_wait3A_116] : memref<2x128x10000xf32, #tpu.memory_space<hbm>> -> memref<1x1x10000xf32, #tpu.memory_space<hbm>>
      %dma_wait3A_118 = tpu.memref_squeeze %dma_wait3A_117 : memref<1x1x10000xf32, #tpu.memory_space<hbm>> -> memref<10000xf32, #tpu.memory_space<hbm>>
      tpu.wait_dma2 semaphore(%run_scoped3A : memref<!tpu.dma_semaphore, #tpu.memory_space<semaphore_mem>>) src(%arg10 : memref<10000xf32, #tpu.memory_space<vmem>>) dst(%dma_wait3A_118 : memref<10000xf32, #tpu.memory_space<hbm>>)
      tpu.yield
    }) : () -> ()
    %mul3A_72 = arith.constant 4 : i32
    %mul3A_73 = arith.muli %select_n3A_30, %mul3A_72 : i32
    %add3A_74 = arith.constant 0 : i32
    %add3A_75 = arith.addi %mul3A_73, %add3A_74 : i32
    %add3A_76 = arith.constant 64 : i32
    %add3A_77 = arith.addi %add3A_75, %add3A_76 : i32
    "tpu.region"() ({
      %run_scoped3A = tpu.sem_alloc : memref<!tpu.dma_semaphore, #tpu.memory_space<semaphore_mem>>
      %dma_start3A_108 = arith.constant 0 : i32
      %dma_start3A_109 = tpu.memref_slice %arg5[%select_n3A, %add3A_77, %dma_start3A_108] : memref<2x128x10000xf32, #tpu.memory_space<hbm>> -> memref<1x1x10000xf32, #tpu.memory_space<hbm>>
      %dma_start3A_110 = tpu.memref_squeeze %dma_start3A_109 : memref<1x1x10000xf32, #tpu.memory_space<hbm>> -> memref<10000xf32, #tpu.memory_space<hbm>>
      %dma_start3A_111 = arith.constant 0 : i32
      %dma_start3A_112 = tpu.memref_slice %arg5[%select_n3A, %add3A_77, %dma_start3A_111] : memref<2x128x10000xf32, #tpu.memory_space<hbm>> -> memref<1x1x10000xf32, #tpu.memory_space<hbm>>
      %dma_start3A_113 = tpu.memref_squeeze %dma_start3A_112 : memref<1x1x10000xf32, #tpu.memory_space<hbm>> -> memref<10000xf32, #tpu.memory_space<hbm>>
      tpu.enqueue_dma source(%arg11 : memref<10000xf32, #tpu.memory_space<vmem>>) target(%dma_start3A_113 : memref<10000xf32, #tpu.memory_space<hbm>>) target_semaphore(%run_scoped3A : memref<!tpu.dma_semaphore, #tpu.memory_space<semaphore_mem>>)
      %dma_wait3A = arith.constant 0 : i32
      %dma_wait3A_114 = tpu.memref_slice %arg5[%select_n3A, %add3A_77, %dma_wait3A] : memref<2x128x10000xf32, #tpu.memory_space<hbm>> -> memref<1x1x10000xf32, #tpu.memory_space<hbm>>
      %dma_wait3A_115 = tpu.memref_squeeze %dma_wait3A_114 : memref<1x1x10000xf32, #tpu.memory_space<hbm>> -> memref<10000xf32, #tpu.memory_space<hbm>>
      %dma_wait3A_116 = arith.constant 0 : i32
      %dma_wait3A_117 = tpu.memref_slice %arg5[%select_n3A, %add3A_77, %dma_wait3A_116] : memref<2x128x10000xf32, #tpu.memory_space<hbm>> -> memref<1x1x10000xf32, #tpu.memory_space<hbm>>
      %dma_wait3A_118 = tpu.memref_squeeze %dma_wait3A_117 : memref<1x1x10000xf32, #tpu.memory_space<hbm>> -> memref<10000xf32, #tpu.memory_space<hbm>>
      tpu.wait_dma2 semaphore(%run_scoped3A : memref<!tpu.dma_semaphore, #tpu.memory_space<semaphore_mem>>) src(%arg11 : memref<10000xf32, #tpu.memory_space<vmem>>) dst(%dma_wait3A_118 : memref<10000xf32, #tpu.memory_space<hbm>>)
      tpu.yield
    }) : () -> ()
    %mul3A_78 = arith.constant 4 : i32
    %mul3A_79 = arith.muli %select_n3A_30, %mul3A_78 : i32
    %add3A_80 = arith.constant 1 : i32
    %add3A_81 = arith.addi %mul3A_79, %add3A_80 : i32
    "tpu.region"() ({
      %run_scoped3A = tpu.sem_alloc : memref<!tpu.dma_semaphore, #tpu.memory_space<semaphore_mem>>
      %dma_start3A_108 = arith.constant 0 : i32
      %dma_start3A_109 = tpu.memref_slice %arg5[%select_n3A, %add3A_81, %dma_start3A_108] : memref<2x128x10000xf32, #tpu.memory_space<hbm>> -> memref<1x1x10000xf32, #tpu.memory_space<hbm>>
      %dma_start3A_110 = tpu.memref_squeeze %dma_start3A_109 : memref<1x1x10000xf32, #tpu.memory_space<hbm>> -> memref<10000xf32, #tpu.memory_space<hbm>>
      %dma_start3A_111 = arith.constant 0 : i32
      %dma_start3A_112 = tpu.memref_slice %arg5[%select_n3A, %add3A_81, %dma_start3A_111] : memref<2x128x10000xf32, #tpu.memory_space<hbm>> -> memref<1x1x10000xf32, #tpu.memory_space<hbm>>
      %dma_start3A_113 = tpu.memref_squeeze %dma_start3A_112 : memref<1x1x10000xf32, #tpu.memory_space<hbm>> -> memref<10000xf32, #tpu.memory_space<hbm>>
      tpu.enqueue_dma source(%arg12 : memref<10000xf32, #tpu.memory_space<vmem>>) target(%dma_start3A_113 : memref<10000xf32, #tpu.memory_space<hbm>>) target_semaphore(%run_scoped3A : memref<!tpu.dma_semaphore, #tpu.memory_space<semaphore_mem>>)
      %dma_wait3A = arith.constant 0 : i32
      %dma_wait3A_114 = tpu.memref_slice %arg5[%select_n3A, %add3A_81, %dma_wait3A] : memref<2x128x10000xf32, #tpu.memory_space<hbm>> -> memref<1x1x10000xf32, #tpu.memory_space<hbm>>
      %dma_wait3A_115 = tpu.memref_squeeze %dma_wait3A_114 : memref<1x1x10000xf32, #tpu.memory_space<hbm>> -> memref<10000xf32, #tpu.memory_space<hbm>>
      %dma_wait3A_116 = arith.constant 0 : i32
      %dma_wait3A_117 = tpu.memref_slice %arg5[%select_n3A, %add3A_81, %dma_wait3A_116] : memref<2x128x10000xf32, #tpu.memory_space<hbm>> -> memref<1x1x10000xf32, #tpu.memory_space<hbm>>
      %dma_wait3A_118 = tpu.memref_squeeze %dma_wait3A_117 : memref<1x1x10000xf32, #tpu.memory_space<hbm>> -> memref<10000xf32, #tpu.memory_space<hbm>>
      tpu.wait_dma2 semaphore(%run_scoped3A : memref<!tpu.dma_semaphore, #tpu.memory_space<semaphore_mem>>) src(%arg12 : memref<10000xf32, #tpu.memory_space<vmem>>) dst(%dma_wait3A_118 : memref<10000xf32, #tpu.memory_space<hbm>>)
      tpu.yield
    }) : () -> ()
    %mul3A_82 = arith.constant 4 : i32
    %mul3A_83 = arith.muli %select_n3A_30, %mul3A_82 : i32
    %add3A_84 = arith.constant 1 : i32
    %add3A_85 = arith.addi %mul3A_83, %add3A_84 : i32
    %add3A_86 = arith.constant 64 : i32
    %add3A_87 = arith.addi %add3A_85, %add3A_86 : i32
    "tpu.region"() ({
      %run_scoped3A = tpu.sem_alloc : memref<!tpu.dma_semaphore, #tpu.memory_space<semaphore_mem>>
      %dma_start3A_108 = arith.constant 0 : i32
      %dma_start3A_109 = tpu.memref_slice %arg5[%select_n3A, %add3A_87, %dma_start3A_108] : memref<2x128x10000xf32, #tpu.memory_space<hbm>> -> memref<1x1x10000xf32, #tpu.memory_space<hbm>>
      %dma_start3A_110 = tpu.memref_squeeze %dma_start3A_109 : memref<1x1x10000xf32, #tpu.memory_space<hbm>> -> memref<10000xf32, #tpu.memory_space<hbm>>
      %dma_start3A_111 = arith.constant 0 : i32
      %dma_start3A_112 = tpu.memref_slice %arg5[%select_n3A, %add3A_87, %dma_start3A_111] : memref<2x128x10000xf32, #tpu.memory_space<hbm>> -> memref<1x1x10000xf32, #tpu.memory_space<hbm>>
      %dma_start3A_113 = tpu.memref_squeeze %dma_start3A_112 : memref<1x1x10000xf32, #tpu.memory_space<hbm>> -> memref<10000xf32, #tpu.memory_space<hbm>>
      tpu.enqueue_dma source(%arg13 : memref<10000xf32, #tpu.memory_space<vmem>>) target(%dma_start3A_113 : memref<10000xf32, #tpu.memory_space<hbm>>) target_semaphore(%run_scoped3A : memref<!tpu.dma_semaphore, #tpu.memory_space<semaphore_mem>>)
      %dma_wait3A = arith.constant 0 : i32
      %dma_wait3A_114 = tpu.memref_slice %arg5[%select_n3A, %add3A_87, %dma_wait3A] : memref<2x128x10000xf32, #tpu.memory_space<hbm>> -> memref<1x1x10000xf32, #tpu.memory_space<hbm>>
      %dma_wait3A_115 = tpu.memref_squeeze %dma_wait3A_114 : memref<1x1x10000xf32, #tpu.memory_space<hbm>> -> memref<10000xf32, #tpu.memory_space<hbm>>
      %dma_wait3A_116 = arith.constant 0 : i32
      %dma_wait3A_117 = tpu.memref_slice %arg5[%select_n3A, %add3A_87, %dma_wait3A_116] : memref<2x128x10000xf32, #tpu.memory_space<hbm>> -> memref<1x1x10000xf32, #tpu.memory_space<hbm>>
      %dma_wait3A_118 = tpu.memref_squeeze %dma_wait3A_117 : memref<1x1x10000xf32, #tpu.memory_space<hbm>> -> memref<10000xf32, #tpu.memory_space<hbm>>
      tpu.wait_dma2 semaphore(%run_scoped3A : memref<!tpu.dma_semaphore, #tpu.memory_space<semaphore_mem>>) src(%arg13 : memref<10000xf32, #tpu.memory_space<vmem>>) dst(%dma_wait3A_118 : memref<10000xf32, #tpu.memory_space<hbm>>)
      tpu.yield
    }) : () -> ()
    %mul3A_88 = arith.constant 4 : i32
    %mul3A_89 = arith.muli %select_n3A_30, %mul3A_88 : i32
    %add3A_90 = arith.constant 2 : i32
    %add3A_91 = arith.addi %mul3A_89, %add3A_90 : i32
    "tpu.region"() ({
      %run_scoped3A = tpu.sem_alloc : memref<!tpu.dma_semaphore, #tpu.memory_space<semaphore_mem>>
      %dma_start3A_108 = arith.constant 0 : i32
      %dma_start3A_109 = tpu.memref_slice %arg5[%select_n3A, %add3A_91, %dma_start3A_108] : memref<2x128x10000xf32, #tpu.memory_space<hbm>> -> memref<1x1x10000xf32, #tpu.memory_space<hbm>>
      %dma_start3A_110 = tpu.memref_squeeze %dma_start3A_109 : memref<1x1x10000xf32, #tpu.memory_space<hbm>> -> memref<10000xf32, #tpu.memory_space<hbm>>
      %dma_start3A_111 = arith.constant 0 : i32
      %dma_start3A_112 = tpu.memref_slice %arg5[%select_n3A, %add3A_91, %dma_start3A_111] : memref<2x128x10000xf32, #tpu.memory_space<hbm>> -> memref<1x1x10000xf32, #tpu.memory_space<hbm>>
      %dma_start3A_113 = tpu.memref_squeeze %dma_start3A_112 : memref<1x1x10000xf32, #tpu.memory_space<hbm>> -> memref<10000xf32, #tpu.memory_space<hbm>>
      tpu.enqueue_dma source(%arg14 : memref<10000xf32, #tpu.memory_space<vmem>>) target(%dma_start3A_113 : memref<10000xf32, #tpu.memory_space<hbm>>) target_semaphore(%run_scoped3A : memref<!tpu.dma_semaphore, #tpu.memory_space<semaphore_mem>>)
      %dma_wait3A = arith.constant 0 : i32
      %dma_wait3A_114 = tpu.memref_slice %arg5[%select_n3A, %add3A_91, %dma_wait3A] : memref<2x128x10000xf32, #tpu.memory_space<hbm>> -> memref<1x1x10000xf32, #tpu.memory_space<hbm>>
      %dma_wait3A_115 = tpu.memref_squeeze %dma_wait3A_114 : memref<1x1x10000xf32, #tpu.memory_space<hbm>> -> memref<10000xf32, #tpu.memory_space<hbm>>
      %dma_wait3A_116 = arith.constant 0 : i32
      %dma_wait3A_117 = tpu.memref_slice %arg5[%select_n3A, %add3A_91, %dma_wait3A_116] : memref<2x128x10000xf32, #tpu.memory_space<hbm>> -> memref<1x1x10000xf32, #tpu.memory_space<hbm>>
      %dma_wait3A_118 = tpu.memref_squeeze %dma_wait3A_117 : memref<1x1x10000xf32, #tpu.memory_space<hbm>> -> memref<10000xf32, #tpu.memory_space<hbm>>
      tpu.wait_dma2 semaphore(%run_scoped3A : memref<!tpu.dma_semaphore, #tpu.memory_space<semaphore_mem>>) src(%arg14 : memref<10000xf32, #tpu.memory_space<vmem>>) dst(%dma_wait3A_118 : memref<10000xf32, #tpu.memory_space<hbm>>)
      tpu.yield
    }) : () -> ()
    %mul3A_92 = arith.constant 4 : i32
    %mul3A_93 = arith.muli %select_n3A_30, %mul3A_92 : i32
    %add3A_94 = arith.constant 2 : i32
    %add3A_95 = arith.addi %mul3A_93, %add3A_94 : i32
    %add3A_96 = arith.constant 64 : i32
    %add3A_97 = arith.addi %add3A_95, %add3A_96 : i32
    "tpu.region"() ({
      %run_scoped3A = tpu.sem_alloc : memref<!tpu.dma_semaphore, #tpu.memory_space<semaphore_mem>>
      %dma_start3A_108 = arith.constant 0 : i32
      %dma_start3A_109 = tpu.memref_slice %arg5[%select_n3A, %add3A_97, %dma_start3A_108] : memref<2x128x10000xf32, #tpu.memory_space<hbm>> -> memref<1x1x10000xf32, #tpu.memory_space<hbm>>
      %dma_start3A_110 = tpu.memref_squeeze %dma_start3A_109 : memref<1x1x10000xf32, #tpu.memory_space<hbm>> -> memref<10000xf32, #tpu.memory_space<hbm>>
      %dma_start3A_111 = arith.constant 0 : i32
      %dma_start3A_112 = tpu.memref_slice %arg5[%select_n3A, %add3A_97, %dma_start3A_111] : memref<2x128x10000xf32, #tpu.memory_space<hbm>> -> memref<1x1x10000xf32, #tpu.memory_space<hbm>>
      %dma_start3A_113 = tpu.memref_squeeze %dma_start3A_112 : memref<1x1x10000xf32, #tpu.memory_space<hbm>> -> memref<10000xf32, #tpu.memory_space<hbm>>
      tpu.enqueue_dma source(%arg15 : memref<10000xf32, #tpu.memory_space<vmem>>) target(%dma_start3A_113 : memref<10000xf32, #tpu.memory_space<hbm>>) target_semaphore(%run_scoped3A : memref<!tpu.dma_semaphore, #tpu.memory_space<semaphore_mem>>)
      %dma_wait3A = arith.constant 0 : i32
      %dma_wait3A_114 = tpu.memref_slice %arg5[%select_n3A, %add3A_97, %dma_wait3A] : memref<2x128x10000xf32, #tpu.memory_space<hbm>> -> memref<1x1x10000xf32, #tpu.memory_space<hbm>>
      %dma_wait3A_115 = tpu.memref_squeeze %dma_wait3A_114 : memref<1x1x10000xf32, #tpu.memory_space<hbm>> -> memref<10000xf32, #tpu.memory_space<hbm>>
      %dma_wait3A_116 = arith.constant 0 : i32
      %dma_wait3A_117 = tpu.memref_slice %arg5[%select_n3A, %add3A_97, %dma_wait3A_116] : memref<2x128x10000xf32, #tpu.memory_space<hbm>> -> memref<1x1x10000xf32, #tpu.memory_space<hbm>>
      %dma_wait3A_118 = tpu.memref_squeeze %dma_wait3A_117 : memref<1x1x10000xf32, #tpu.memory_space<hbm>> -> memref<10000xf32, #tpu.memory_space<hbm>>
      tpu.wait_dma2 semaphore(%run_scoped3A : memref<!tpu.dma_semaphore, #tpu.memory_space<semaphore_mem>>) src(%arg15 : memref<10000xf32, #tpu.memory_space<vmem>>) dst(%dma_wait3A_118 : memref<10000xf32, #tpu.memory_space<hbm>>)
      tpu.yield
    }) : () -> ()
    %mul3A_98 = arith.constant 4 : i32
    %mul3A_99 = arith.muli %select_n3A_30, %mul3A_98 : i32
    %add3A_100 = arith.constant 3 : i32
    %add3A_101 = arith.addi %mul3A_99, %add3A_100 : i32
    "tpu.region"() ({
      %run_scoped3A = tpu.sem_alloc : memref<!tpu.dma_semaphore, #tpu.memory_space<semaphore_mem>>
      %dma_start3A_108 = arith.constant 0 : i32
      %dma_start3A_109 = tpu.memref_slice %arg5[%select_n3A, %add3A_101, %dma_start3A_108] : memref<2x128x10000xf32, #tpu.memory_space<hbm>> -> memref<1x1x10000xf32, #tpu.memory_space<hbm>>
      %dma_start3A_110 = tpu.memref_squeeze %dma_start3A_109 : memref<1x1x10000xf32, #tpu.memory_space<hbm>> -> memref<10000xf32, #tpu.memory_space<hbm>>
      %dma_start3A_111 = arith.constant 0 : i32
      %dma_start3A_112 = tpu.memref_slice %arg5[%select_n3A, %add3A_101, %dma_start3A_111] : memref<2x128x10000xf32, #tpu.memory_space<hbm>> -> memref<1x1x10000xf32, #tpu.memory_space<hbm>>
      %dma_start3A_113 = tpu.memref_squeeze %dma_start3A_112 : memref<1x1x10000xf32, #tpu.memory_space<hbm>> -> memref<10000xf32, #tpu.memory_space<hbm>>
      tpu.enqueue_dma source(%arg16 : memref<10000xf32, #tpu.memory_space<vmem>>) target(%dma_start3A_113 : memref<10000xf32, #tpu.memory_space<hbm>>) target_semaphore(%run_scoped3A : memref<!tpu.dma_semaphore, #tpu.memory_space<semaphore_mem>>)
      %dma_wait3A = arith.constant 0 : i32
      %dma_wait3A_114 = tpu.memref_slice %arg5[%select_n3A, %add3A_101, %dma_wait3A] : memref<2x128x10000xf32, #tpu.memory_space<hbm>> -> memref<1x1x10000xf32, #tpu.memory_space<hbm>>
      %dma_wait3A_115 = tpu.memref_squeeze %dma_wait3A_114 : memref<1x1x10000xf32, #tpu.memory_space<hbm>> -> memref<10000xf32, #tpu.memory_space<hbm>>
      %dma_wait3A_116 = arith.constant 0 : i32
      %dma_wait3A_117 = tpu.memref_slice %arg5[%select_n3A, %add3A_101, %dma_wait3A_116] : memref<2x128x10000xf32, #tpu.memory_space<hbm>> -> memref<1x1x10000xf32, #tpu.memory_space<hbm>>
      %dma_wait3A_118 = tpu.memref_squeeze %dma_wait3A_117 : memref<1x1x10000xf32, #tpu.memory_space<hbm>> -> memref<10000xf32, #tpu.memory_space<hbm>>
      tpu.wait_dma2 semaphore(%run_scoped3A : memref<!tpu.dma_semaphore, #tpu.memory_space<semaphore_mem>>) src(%arg16 : memref<10000xf32, #tpu.memory_space<vmem>>) dst(%dma_wait3A_118 : memref<10000xf32, #tpu.memory_space<hbm>>)
      tpu.yield
    }) : () -> ()
    %mul3A_102 = arith.constant 4 : i32
    %mul3A_103 = arith.muli %select_n3A_30, %mul3A_102 : i32
    %add3A_104 = arith.constant 3 : i32
    %add3A_105 = arith.addi %mul3A_103, %add3A_104 : i32
    %add3A_106 = arith.constant 64 : i32
    %add3A_107 = arith.addi %add3A_105, %add3A_106 : i32
    "tpu.region"() ({
      %run_scoped3A = tpu.sem_alloc : memref<!tpu.dma_semaphore, #tpu.memory_space<semaphore_mem>>
      %dma_start3A_108 = arith.constant 0 : i32
      %dma_start3A_109 = tpu.memref_slice %arg5[%select_n3A, %add3A_107, %dma_start3A_108] : memref<2x128x10000xf32, #tpu.memory_space<hbm>> -> memref<1x1x10000xf32, #tpu.memory_space<hbm>>
      %dma_start3A_110 = tpu.memref_squeeze %dma_start3A_109 : memref<1x1x10000xf32, #tpu.memory_space<hbm>> -> memref<10000xf32, #tpu.memory_space<hbm>>
      %dma_start3A_111 = arith.constant 0 : i32
      %dma_start3A_112 = tpu.memref_slice %arg5[%select_n3A, %add3A_107, %dma_start3A_111] : memref<2x128x10000xf32, #tpu.memory_space<hbm>> -> memref<1x1x10000xf32, #tpu.memory_space<hbm>>
      %dma_start3A_113 = tpu.memref_squeeze %dma_start3A_112 : memref<1x1x10000xf32, #tpu.memory_space<hbm>> -> memref<10000xf32, #tpu.memory_space<hbm>>
      tpu.enqueue_dma source(%arg17 : memref<10000xf32, #tpu.memory_space<vmem>>) target(%dma_start3A_113 : memref<10000xf32, #tpu.memory_space<hbm>>) target_semaphore(%run_scoped3A : memref<!tpu.dma_semaphore, #tpu.memory_space<semaphore_mem>>)
      %dma_wait3A = arith.constant 0 : i32
      %dma_wait3A_114 = tpu.memref_slice %arg5[%select_n3A, %add3A_107, %dma_wait3A] : memref<2x128x10000xf32, #tpu.memory_space<hbm>> -> memref<1x1x10000xf32, #tpu.memory_space<hbm>>
      %dma_wait3A_115 = tpu.memref_squeeze %dma_wait3A_114 : memref<1x1x10000xf32, #tpu.memory_space<hbm>> -> memref<10000xf32, #tpu.memory_space<hbm>>
      %dma_wait3A_116 = arith.constant 0 : i32
      %dma_wait3A_117 = tpu.memref_slice %arg5[%select_n3A, %add3A_107, %dma_wait3A_116] : memref<2x128x10000xf32, #tpu.memory_space<hbm>> -> memref<1x1x10000xf32, #tpu.memory_space<hbm>>
      %dma_wait3A_118 = tpu.memref_squeeze %dma_wait3A_117 : memref<1x1x10000xf32, #tpu.memory_space<hbm>> -> memref<10000xf32, #tpu.memory_space<hbm>>
      tpu.wait_dma2 semaphore(%run_scoped3A : memref<!tpu.dma_semaphore, #tpu.memory_space<semaphore_mem>>) src(%arg17 : memref<10000xf32, #tpu.memory_space<vmem>>) dst(%dma_wait3A_118 : memref<10000xf32, #tpu.memory_space<hbm>>)
      tpu.yield
    }) : () -> ()
    return
  }
}

#map = affine_map<(d0, d1) -> (0, 0)>
#map1 = affine_map<(d0, d1) -> (0)>
#map2 = affine_map<(d0, d1) -> (0, 0, 0)>
module attributes {stable_mosaic.version = 14 : i64} {
  func.func @k(%arg0: i32, %arg1: i32, %arg2: memref<16x10000xi32, #tpu.memory_space<hbm>>, %arg3: memref<320000xi32, #tpu.memory_space<hbm>>, %arg4: memref<320000xf32, #tpu.memory_space<hbm>>, %arg5: memref<4x32x10000xf32, #tpu.memory_space<hbm>>, %arg6: memref<10000xi32, #tpu.memory_space<vmem>>, %arg7: memref<10000xi32, #tpu.memory_space<vmem>>, %arg8: memref<10000xf32, #tpu.memory_space<vmem>>, %arg9: memref<10000xf32, #tpu.memory_space<vmem>>, %arg10: memref<10000xf32, #tpu.memory_space<vmem>>, %arg11: memref<10000xf32, #tpu.memory_space<vmem>>, %arg12: memref<4000xi32, #tpu.memory_space<vmem>>, %arg13: memref<4000xi32, #tpu.memory_space<vmem>>, %arg14: memref<4000xf32, #tpu.memory_space<vmem>>, %arg15: memref<4000xf32, #tpu.memory_space<vmem>>, %arg16: memref<!tpu.dma_semaphore, #tpu.memory_space<semaphore_mem>>, %arg17: memref<!tpu.dma_semaphore, #tpu.memory_space<semaphore_mem>>) attributes {dimension_semantics = [#tpu.dimension_semantics<core_parallel>, #tpu.dimension_semantics<subcore_parallel>], iteration_bounds = array<i64: 2, 16>, scalar_prefetch = 0 : i64, scratch_operands = 12 : i64, tpu.core_type = #tpu.core_type<sc_vector_subcore>, window_params = [{transform_indices = #map}, {transform_indices = #map1}, {transform_indices = #map1}, {transform_indices = #map2}]} {
    %mul3A = arith.constant 2 : i32
    %mul3A_0 = arith.muli %arg1, %mul3A : i32
    %add3A = arith.addi %mul3A_0, %arg0 : i32
    %jit3A = arith.constant 8 : i32
    %div3A = arith.divsi %add3A, %jit3A : i32
    %sign3A = arith.constant 0 : i32
    %sign3A_1 = arith.cmpi sgt, %add3A, %sign3A : i32
    %sign3A_2 = arith.extui %sign3A_1 : i1 to i32
    %sign3A_3 = arith.constant 0 : i32
    %sign3A_4 = arith.cmpi slt, %add3A, %sign3A_3 : i32
    %sign3A_5 = arith.extui %sign3A_4 : i1 to i32
    %sign3A_6 = arith.subi %sign3A_2, %sign3A_5 : i32
    %sign3A_7 = arith.constant 0 : i32
    %sign3A_8 = arith.cmpi sgt, %jit3A, %sign3A_7 : i32
    %sign3A_9 = arith.extui %sign3A_8 : i1 to i32
    %sign3A_10 = arith.constant 0 : i32
    %sign3A_11 = arith.cmpi slt, %jit3A, %sign3A_10 : i32
    %sign3A_12 = arith.extui %sign3A_11 : i1 to i32
    %sign3A_13 = arith.subi %sign3A_9, %sign3A_12 : i32
    %ne3A = arith.cmpi ne, %sign3A_6, %sign3A_13 : i32
    %rem3A = arith.remsi %add3A, %jit3A : i32
    %ne3A_14 = arith.constant 0 : i32
    %ne3A_15 = arith.cmpi ne, %rem3A, %ne3A_14 : i32
    %and3A = arith.andi %ne3A, %ne3A_15 : i1
    %sub3A = arith.constant 1 : i32
    %sub3A_16 = arith.subi %div3A, %sub3A : i32
    %select_n3A = arith.select %and3A, %sub3A_16, %div3A : i32
    %jit3A_17 = arith.constant 8 : i32
    %eq3A = arith.constant 0 : i32
    %eq3A_18 = arith.cmpi eq, %jit3A_17, %eq3A : i32
    %jit3A_19 = arith.constant 1 : i32
    %select_n3A_20 = arith.select %eq3A_18, %jit3A_19, %jit3A_17 : i32
    %rem3A_21 = arith.remsi %add3A, %select_n3A_20 : i32
    %ne3A_22 = arith.constant 0 : i32
    %ne3A_23 = arith.cmpi ne, %rem3A_21, %ne3A_22 : i32
    %lt3A = arith.constant 0 : i32
    %lt3A_24 = arith.cmpi slt, %rem3A_21, %lt3A : i32
    %lt3A_25 = arith.constant 0 : i32
    %lt3A_26 = arith.cmpi slt, %select_n3A_20, %lt3A_25 : i32
    %ne3A_27 = arith.xori %lt3A_24, %lt3A_26 : i1
    %and3A_28 = arith.andi %ne3A_27, %ne3A_23 : i1
    %add3A_29 = arith.addi %rem3A_21, %select_n3A_20 : i32
    %select_n3A_30 = arith.select %and3A_28, %add3A_29, %rem3A_21 : i32
    %mul3A_31 = arith.constant 80000 : i32
    %mul3A_32 = arith.muli %select_n3A, %mul3A_31 : i32
    %mul3A_33 = arith.constant 2 : i32
    %mul3A_34 = arith.muli %select_n3A_30, %mul3A_33 : i32
    %add3A_35 = arith.constant 0 : i32
    %add3A_36 = arith.addi %mul3A_34, %add3A_35 : i32
    "tpu.region"() ({
      %run_scoped3A = tpu.sem_alloc : memref<!tpu.dma_semaphore, #tpu.memory_space<semaphore_mem>>
      %dma_start3A_80 = arith.constant 0 : i32
      %dma_start3A_81 = tpu.memref_slice %arg2[%add3A_36, %dma_start3A_80] : memref<16x10000xi32, #tpu.memory_space<hbm>> -> memref<1x10000xi32, #tpu.memory_space<hbm>>
      %dma_start3A_82 = tpu.memref_squeeze %dma_start3A_81 : memref<1x10000xi32, #tpu.memory_space<hbm>> -> memref<10000xi32, #tpu.memory_space<hbm>>
      %dma_start3A_83 = arith.constant 0 : i32
      %dma_start3A_84 = tpu.memref_slice %arg2[%add3A_36, %dma_start3A_83] : memref<16x10000xi32, #tpu.memory_space<hbm>> -> memref<1x10000xi32, #tpu.memory_space<hbm>>
      %dma_start3A_85 = tpu.memref_squeeze %dma_start3A_84 : memref<1x10000xi32, #tpu.memory_space<hbm>> -> memref<10000xi32, #tpu.memory_space<hbm>>
      tpu.enqueue_dma source(%dma_start3A_85 : memref<10000xi32, #tpu.memory_space<hbm>>) target(%arg6 : memref<10000xi32, #tpu.memory_space<vmem>>) target_semaphore(%run_scoped3A : memref<!tpu.dma_semaphore, #tpu.memory_space<semaphore_mem>>)
      %dma_wait3A = arith.constant 0 : i32
      %dma_wait3A_86 = tpu.memref_slice %arg2[%add3A_36, %dma_wait3A] : memref<16x10000xi32, #tpu.memory_space<hbm>> -> memref<1x10000xi32, #tpu.memory_space<hbm>>
      %dma_wait3A_87 = tpu.memref_squeeze %dma_wait3A_86 : memref<1x10000xi32, #tpu.memory_space<hbm>> -> memref<10000xi32, #tpu.memory_space<hbm>>
      %dma_wait3A_88 = arith.constant 0 : i32
      %dma_wait3A_89 = tpu.memref_slice %arg2[%add3A_36, %dma_wait3A_88] : memref<16x10000xi32, #tpu.memory_space<hbm>> -> memref<1x10000xi32, #tpu.memory_space<hbm>>
      %dma_wait3A_90 = tpu.memref_squeeze %dma_wait3A_89 : memref<1x10000xi32, #tpu.memory_space<hbm>> -> memref<10000xi32, #tpu.memory_space<hbm>>
      tpu.wait_dma2 semaphore(%run_scoped3A : memref<!tpu.dma_semaphore, #tpu.memory_space<semaphore_mem>>) src(%dma_wait3A_90 : memref<10000xi32, #tpu.memory_space<hbm>>) dst(%arg6 : memref<10000xi32, #tpu.memory_space<vmem>>)
      tpu.yield
    }) : () -> ()
    %mul3A_37 = arith.constant 2 : i32
    %mul3A_38 = arith.muli %select_n3A_30, %mul3A_37 : i32
    %add3A_39 = arith.constant 1 : i32
    %add3A_40 = arith.addi %mul3A_38, %add3A_39 : i32
    "tpu.region"() ({
      %run_scoped3A = tpu.sem_alloc : memref<!tpu.dma_semaphore, #tpu.memory_space<semaphore_mem>>
      %dma_start3A_80 = arith.constant 0 : i32
      %dma_start3A_81 = tpu.memref_slice %arg2[%add3A_40, %dma_start3A_80] : memref<16x10000xi32, #tpu.memory_space<hbm>> -> memref<1x10000xi32, #tpu.memory_space<hbm>>
      %dma_start3A_82 = tpu.memref_squeeze %dma_start3A_81 : memref<1x10000xi32, #tpu.memory_space<hbm>> -> memref<10000xi32, #tpu.memory_space<hbm>>
      %dma_start3A_83 = arith.constant 0 : i32
      %dma_start3A_84 = tpu.memref_slice %arg2[%add3A_40, %dma_start3A_83] : memref<16x10000xi32, #tpu.memory_space<hbm>> -> memref<1x10000xi32, #tpu.memory_space<hbm>>
      %dma_start3A_85 = tpu.memref_squeeze %dma_start3A_84 : memref<1x10000xi32, #tpu.memory_space<hbm>> -> memref<10000xi32, #tpu.memory_space<hbm>>
      tpu.enqueue_dma source(%dma_start3A_85 : memref<10000xi32, #tpu.memory_space<hbm>>) target(%arg7 : memref<10000xi32, #tpu.memory_space<vmem>>) target_semaphore(%run_scoped3A : memref<!tpu.dma_semaphore, #tpu.memory_space<semaphore_mem>>)
      %dma_wait3A = arith.constant 0 : i32
      %dma_wait3A_86 = tpu.memref_slice %arg2[%add3A_40, %dma_wait3A] : memref<16x10000xi32, #tpu.memory_space<hbm>> -> memref<1x10000xi32, #tpu.memory_space<hbm>>
      %dma_wait3A_87 = tpu.memref_squeeze %dma_wait3A_86 : memref<1x10000xi32, #tpu.memory_space<hbm>> -> memref<10000xi32, #tpu.memory_space<hbm>>
      %dma_wait3A_88 = arith.constant 0 : i32
      %dma_wait3A_89 = tpu.memref_slice %arg2[%add3A_40, %dma_wait3A_88] : memref<16x10000xi32, #tpu.memory_space<hbm>> -> memref<1x10000xi32, #tpu.memory_space<hbm>>
      %dma_wait3A_90 = tpu.memref_squeeze %dma_wait3A_89 : memref<1x10000xi32, #tpu.memory_space<hbm>> -> memref<10000xi32, #tpu.memory_space<hbm>>
      tpu.wait_dma2 semaphore(%run_scoped3A : memref<!tpu.dma_semaphore, #tpu.memory_space<semaphore_mem>>) src(%dma_wait3A_90 : memref<10000xi32, #tpu.memory_space<hbm>>) dst(%arg7 : memref<10000xi32, #tpu.memory_space<vmem>>)
      tpu.yield
    }) : () -> ()
    %broadcast_in_dim3A = arith.constant 0.000000e+00 : f32
    %broadcast_in_dim3A_41 = vector.broadcast %broadcast_in_dim3A : f32 to vector<16xf32>
    %parallel_loop3A = arith.constant 0 : i32
    %parallel_loop3A_42 = arith.constant 10000 : i32
    %parallel_loop3A_43 = arith.constant 16 : i32
    scf.for %parallel_loop3A_80 = %parallel_loop3A to %parallel_loop3A_42 step %parallel_loop3A_43  : i32 {
      %parallel_loop3A_81 = arith.index_cast %parallel_loop3A_80 : i32 to index
      %parallel_loop3A_82 = tpu.vector_load %arg8[%parallel_loop3A_81] {strides = array<i32>} : memref<10000xf32, #tpu.memory_space<vmem>>, vector<16xf32>,
      tpu.vector_store %arg8[%parallel_loop3A_81], %broadcast_in_dim3A_41 {strides = array<i32>} : memref<10000xf32, #tpu.memory_space<vmem>>, vector<16xf32>,
      %parallel_loop3A_83 = arith.index_cast %parallel_loop3A_80 : i32 to index
      %parallel_loop3A_84 = tpu.vector_load %arg9[%parallel_loop3A_83] {strides = array<i32>} : memref<10000xf32, #tpu.memory_space<vmem>>, vector<16xf32>,
      tpu.vector_store %arg9[%parallel_loop3A_83], %broadcast_in_dim3A_41 {strides = array<i32>} : memref<10000xf32, #tpu.memory_space<vmem>>, vector<16xf32>,
      %parallel_loop3A_85 = arith.index_cast %parallel_loop3A_80 : i32 to index
      %parallel_loop3A_86 = tpu.vector_load %arg10[%parallel_loop3A_85] {strides = array<i32>} : memref<10000xf32, #tpu.memory_space<vmem>>, vector<16xf32>,
      tpu.vector_store %arg10[%parallel_loop3A_85], %broadcast_in_dim3A_41 {strides = array<i32>} : memref<10000xf32, #tpu.memory_space<vmem>>, vector<16xf32>,
      %parallel_loop3A_87 = arith.index_cast %parallel_loop3A_80 : i32 to index
      %parallel_loop3A_88 = tpu.vector_load %arg11[%parallel_loop3A_87] {strides = array<i32>} : memref<10000xf32, #tpu.memory_space<vmem>>, vector<16xf32>,
      tpu.vector_store %arg11[%parallel_loop3A_87], %broadcast_in_dim3A_41 {strides = array<i32>} : memref<10000xf32, #tpu.memory_space<vmem>>, vector<16xf32>,
    } {sc.loop_unroll_factor = 4 : i64, sc.parallel_access}
    %add3A_44 = arith.constant 0 : i32
    %add3A_45 = arith.addi %mul3A_32, %add3A_44 : i32
    %dma_start3A = tpu.memref_slice %arg3[%add3A_45] : memref<320000xi32, #tpu.memory_space<hbm>> -> memref<4000xi32, #tpu.memory_space<hbm>>
    %dma_start3A_46 = tpu.memref_slice %arg3[%add3A_45] : memref<320000xi32, #tpu.memory_space<hbm>> -> memref<4000xi32, #tpu.memory_space<hbm>>
    tpu.enqueue_dma source(%dma_start3A_46 : memref<4000xi32, #tpu.memory_space<hbm>>) target(%arg12 : memref<4000xi32, #tpu.memory_space<vmem>>) target_semaphore(%arg16 : memref<!tpu.dma_semaphore, #tpu.memory_space<semaphore_mem>>)
    %dma_start3A_47 = tpu.memref_slice %arg4[%add3A_45] : memref<320000xf32, #tpu.memory_space<hbm>> -> memref<4000xf32, #tpu.memory_space<hbm>>
    %dma_start3A_48 = tpu.memref_slice %arg4[%add3A_45] : memref<320000xf32, #tpu.memory_space<hbm>> -> memref<4000xf32, #tpu.memory_space<hbm>>
    tpu.enqueue_dma source(%dma_start3A_48 : memref<4000xf32, #tpu.memory_space<hbm>>) target(%arg14 : memref<4000xf32, #tpu.memory_space<vmem>>) target_semaphore(%arg16 : memref<!tpu.dma_semaphore, #tpu.memory_space<semaphore_mem>>)
    %add3A_49 = arith.constant 4000 : i32
    %add3A_50 = arith.addi %mul3A_32, %add3A_49 : i32
    %dma_start3A_51 = tpu.memref_slice %arg3[%add3A_50] : memref<320000xi32, #tpu.memory_space<hbm>> -> memref<4000xi32, #tpu.memory_space<hbm>>
    %dma_start3A_52 = tpu.memref_slice %arg3[%add3A_50] : memref<320000xi32, #tpu.memory_space<hbm>> -> memref<4000xi32, #tpu.memory_space<hbm>>
    tpu.enqueue_dma source(%dma_start3A_52 : memref<4000xi32, #tpu.memory_space<hbm>>) target(%arg13 : memref<4000xi32, #tpu.memory_space<vmem>>) target_semaphore(%arg17 : memref<!tpu.dma_semaphore, #tpu.memory_space<semaphore_mem>>)
    %dma_start3A_53 = tpu.memref_slice %arg4[%add3A_50] : memref<320000xf32, #tpu.memory_space<hbm>> -> memref<4000xf32, #tpu.memory_space<hbm>>
    %dma_start3A_54 = tpu.memref_slice %arg4[%add3A_50] : memref<320000xf32, #tpu.memory_space<hbm>> -> memref<4000xf32, #tpu.memory_space<hbm>>
    tpu.enqueue_dma source(%dma_start3A_54 : memref<4000xf32, #tpu.memory_space<hbm>>) target(%arg15 : memref<4000xf32, #tpu.memory_space<vmem>>) target_semaphore(%arg17 : memref<!tpu.dma_semaphore, #tpu.memory_space<semaphore_mem>>)
    %scan3A = arith.constant 0 : i32
    %scan3A_55 = arith.constant 0 : i32
    %scan3A_56 = arith.constant 10 : i32
    %scan3A_57 = arith.addi %scan3A_55, %scan3A_56 : i32
    %scan3A_58 = arith.constant 1 : i32
    scf.for %scan3A_80 = %scan3A_55 to %scan3A_57 step %scan3A_58  : i32 {
      %mul3A_81 = arith.constant 2 : i32
      %mul3A_82 = arith.muli %scan3A_80, %mul3A_81 : i32
      %add3A_83 = arith.constant 0 : i32
      %add3A_84 = arith.addi %mul3A_82, %add3A_83 : i32
      %mul3A_85 = arith.constant 4000 : i32
      %mul3A_86 = arith.muli %add3A_84, %mul3A_85 : i32
      %add3A_87 = arith.addi %mul3A_32, %mul3A_86 : i32
      %dma_wait3A = tpu.memref_slice %arg3[%add3A_87] : memref<320000xi32, #tpu.memory_space<hbm>> -> memref<4000xi32, #tpu.memory_space<hbm>>
      %dma_wait3A_88 = tpu.memref_slice %arg3[%add3A_87] : memref<320000xi32, #tpu.memory_space<hbm>> -> memref<4000xi32, #tpu.memory_space<hbm>>
      tpu.wait_dma2 semaphore(%arg16 : memref<!tpu.dma_semaphore, #tpu.memory_space<semaphore_mem>>) src(%dma_wait3A_88 : memref<4000xi32, #tpu.memory_space<hbm>>) dst(%arg12 : memref<4000xi32, #tpu.memory_space<vmem>>)
      %dma_wait3A_89 = tpu.memref_slice %arg4[%add3A_87] : memref<320000xf32, #tpu.memory_space<hbm>> -> memref<4000xf32, #tpu.memory_space<hbm>>
      %dma_wait3A_90 = tpu.memref_slice %arg4[%add3A_87] : memref<320000xf32, #tpu.memory_space<hbm>> -> memref<4000xf32, #tpu.memory_space<hbm>>
      tpu.wait_dma2 semaphore(%arg16 : memref<!tpu.dma_semaphore, #tpu.memory_space<semaphore_mem>>) src(%dma_wait3A_90 : memref<4000xf32, #tpu.memory_space<hbm>>) dst(%arg14 : memref<4000xf32, #tpu.memory_space<vmem>>)
      %parallel_loop3A_91 = arith.constant 0 : i32
      %parallel_loop3A_92 = arith.constant 4000 : i32
      %parallel_loop3A_93 = arith.constant 16 : i32
      scf.for %parallel_loop3A_120 = %parallel_loop3A_91 to %parallel_loop3A_92 step %parallel_loop3A_93  : i32 {
        %parallel_loop3A_121 = arith.index_cast %parallel_loop3A_120 : i32 to index
        %parallel_loop3A_122 = tpu.vector_load %arg12[%parallel_loop3A_121] {strides = array<i32>} : memref<4000xi32, #tpu.memory_space<vmem>>, vector<16xi32>,
        %parallel_loop3A_123 = arith.constant 65535 : i32
        %parallel_loop3A_124 = vector.broadcast %parallel_loop3A_123 : i32 to vector<16xi32>
        %parallel_loop3A_125 = arith.andi %parallel_loop3A_122, %parallel_loop3A_124 : vector<16xi32>
        %parallel_loop3A_126 = arith.constant 16 : i32
        %parallel_loop3A_127 = vector.broadcast %parallel_loop3A_126 : i32 to vector<16xi32>
        %parallel_loop3A_128 = arith.shrsi %parallel_loop3A_122, %parallel_loop3A_127 : vector<16xi32>
        %parallel_loop3A_129 = arith.index_cast %parallel_loop3A_120 : i32 to index
        %parallel_loop3A_130 = tpu.vector_load %arg14[%parallel_loop3A_129] {strides = array<i32>} : memref<4000xf32, #tpu.memory_space<vmem>>, vector<16xf32>,
        %parallel_loop3A_131 = tpu.vector_load_idx %arg6[%parallel_loop3A_125] : memref<10000xi32, #tpu.memory_space<vmem>>[vector<16xi32>], vector<16xi32>,
        %parallel_loop3A_132 = arith.constant -65536 : i32
        %parallel_loop3A_133 = vector.broadcast %parallel_loop3A_132 : i32 to vector<16xi32>
        %parallel_loop3A_134 = arith.andi %parallel_loop3A_131, %parallel_loop3A_133 : vector<16xi32>
        %parallel_loop3A_135 = vector.bitcast %parallel_loop3A_134 : vector<16xi32> to vector<16xf32>
        %parallel_loop3A_136 = arith.mulf %parallel_loop3A_135, %parallel_loop3A_130 : vector<16xf32>
        tpu.vector_store_idx %arg8[%parallel_loop3A_128], %parallel_loop3A_136 {add = true} : memref<10000xf32, #tpu.memory_space<vmem>>[vector<16xi32>], vector<16xf32>,
        %parallel_loop3A_137 = arith.constant 16 : i32
        %parallel_loop3A_138 = vector.broadcast %parallel_loop3A_137 : i32 to vector<16xi32>
        %parallel_loop3A_139 = arith.shli %parallel_loop3A_131, %parallel_loop3A_138 : vector<16xi32>
        %parallel_loop3A_140 = vector.bitcast %parallel_loop3A_139 : vector<16xi32> to vector<16xf32>
        %parallel_loop3A_141 = arith.mulf %parallel_loop3A_140, %parallel_loop3A_130 : vector<16xf32>
        tpu.vector_store_idx %arg9[%parallel_loop3A_128], %parallel_loop3A_141 {add = true} : memref<10000xf32, #tpu.memory_space<vmem>>[vector<16xi32>], vector<16xf32>,
        %parallel_loop3A_142 = tpu.vector_load_idx %arg7[%parallel_loop3A_125] : memref<10000xi32, #tpu.memory_space<vmem>>[vector<16xi32>], vector<16xi32>,
        %parallel_loop3A_143 = arith.constant -65536 : i32
        %parallel_loop3A_144 = vector.broadcast %parallel_loop3A_143 : i32 to vector<16xi32>
        %parallel_loop3A_145 = arith.andi %parallel_loop3A_142, %parallel_loop3A_144 : vector<16xi32>
        %parallel_loop3A_146 = vector.bitcast %parallel_loop3A_145 : vector<16xi32> to vector<16xf32>
        %parallel_loop3A_147 = arith.mulf %parallel_loop3A_146, %parallel_loop3A_130 : vector<16xf32>
        tpu.vector_store_idx %arg10[%parallel_loop3A_128], %parallel_loop3A_147 {add = true} : memref<10000xf32, #tpu.memory_space<vmem>>[vector<16xi32>], vector<16xf32>,
        %parallel_loop3A_148 = arith.constant 16 : i32
        %parallel_loop3A_149 = vector.broadcast %parallel_loop3A_148 : i32 to vector<16xi32>
        %parallel_loop3A_150 = arith.shli %parallel_loop3A_142, %parallel_loop3A_149 : vector<16xi32>
        %parallel_loop3A_151 = vector.bitcast %parallel_loop3A_150 : vector<16xi32> to vector<16xf32>
        %parallel_loop3A_152 = arith.mulf %parallel_loop3A_151, %parallel_loop3A_130 : vector<16xf32>
        tpu.vector_store_idx %arg11[%parallel_loop3A_128], %parallel_loop3A_152 {add = true} : memref<10000xf32, #tpu.memory_space<vmem>>[vector<16xi32>], vector<16xf32>,
      } {sc.loop_unroll_factor = 4 : i64, sc.parallel_access}
      %add3A_94 = arith.constant 2 : i32
      %add3A_95 = arith.addi %add3A_84, %add3A_94 : i32
      %lt3A_96 = arith.constant 20 : i32
      %lt3A_97 = arith.cmpi slt, %add3A_95, %lt3A_96 : i32
      %convert_element_type3A = arith.extui %lt3A_97 : i1 to i32
      %cond3A = arith.constant 0 : i32
      %cond3A_98 = arith.cmpi ne, %convert_element_type3A, %cond3A : i32
      scf.if %cond3A_98 {
        %add3A_120 = arith.constant 2 : i32
        %add3A_121 = arith.addi %add3A_84, %add3A_120 : i32
        %mul3A_122 = arith.constant 4000 : i32
        %mul3A_123 = arith.muli %add3A_121, %mul3A_122 : i32
        %add3A_124 = arith.addi %mul3A_32, %mul3A_123 : i32
        %dma_start3A_125 = tpu.memref_slice %arg3[%add3A_124] : memref<320000xi32, #tpu.memory_space<hbm>> -> memref<4000xi32, #tpu.memory_space<hbm>>
        %dma_start3A_126 = tpu.memref_slice %arg3[%add3A_124] : memref<320000xi32, #tpu.memory_space<hbm>> -> memref<4000xi32, #tpu.memory_space<hbm>>
        tpu.enqueue_dma source(%dma_start3A_126 : memref<4000xi32, #tpu.memory_space<hbm>>) target(%arg12 : memref<4000xi32, #tpu.memory_space<vmem>>) target_semaphore(%arg16 : memref<!tpu.dma_semaphore, #tpu.memory_space<semaphore_mem>>)
        %dma_start3A_127 = tpu.memref_slice %arg4[%add3A_124] : memref<320000xf32, #tpu.memory_space<hbm>> -> memref<4000xf32, #tpu.memory_space<hbm>>
        %dma_start3A_128 = tpu.memref_slice %arg4[%add3A_124] : memref<320000xf32, #tpu.memory_space<hbm>> -> memref<4000xf32, #tpu.memory_space<hbm>>
        tpu.enqueue_dma source(%dma_start3A_128 : memref<4000xf32, #tpu.memory_space<hbm>>) target(%arg14 : memref<4000xf32, #tpu.memory_space<vmem>>) target_semaphore(%arg16 : memref<!tpu.dma_semaphore, #tpu.memory_space<semaphore_mem>>)
      } else {
      }
      %mul3A_99 = arith.constant 2 : i32
      %mul3A_100 = arith.muli %scan3A_80, %mul3A_99 : i32
      %add3A_101 = arith.constant 1 : i32
      %add3A_102 = arith.addi %mul3A_100, %add3A_101 : i32
      %mul3A_103 = arith.constant 4000 : i32
      %mul3A_104 = arith.muli %add3A_102, %mul3A_103 : i32
      %add3A_105 = arith.addi %mul3A_32, %mul3A_104 : i32
      %dma_wait3A_106 = tpu.memref_slice %arg3[%add3A_105] : memref<320000xi32, #tpu.memory_space<hbm>> -> memref<4000xi32, #tpu.memory_space<hbm>>
      %dma_wait3A_107 = tpu.memref_slice %arg3[%add3A_105] : memref<320000xi32, #tpu.memory_space<hbm>> -> memref<4000xi32, #tpu.memory_space<hbm>>
      tpu.wait_dma2 semaphore(%arg17 : memref<!tpu.dma_semaphore, #tpu.memory_space<semaphore_mem>>) src(%dma_wait3A_107 : memref<4000xi32, #tpu.memory_space<hbm>>) dst(%arg13 : memref<4000xi32, #tpu.memory_space<vmem>>)
      %dma_wait3A_108 = tpu.memref_slice %arg4[%add3A_105] : memref<320000xf32, #tpu.memory_space<hbm>> -> memref<4000xf32, #tpu.memory_space<hbm>>
      %dma_wait3A_109 = tpu.memref_slice %arg4[%add3A_105] : memref<320000xf32, #tpu.memory_space<hbm>> -> memref<4000xf32, #tpu.memory_space<hbm>>
      tpu.wait_dma2 semaphore(%arg17 : memref<!tpu.dma_semaphore, #tpu.memory_space<semaphore_mem>>) src(%dma_wait3A_109 : memref<4000xf32, #tpu.memory_space<hbm>>) dst(%arg15 : memref<4000xf32, #tpu.memory_space<vmem>>)
      %parallel_loop3A_110 = arith.constant 0 : i32
      %parallel_loop3A_111 = arith.constant 4000 : i32
      %parallel_loop3A_112 = arith.constant 16 : i32
      scf.for %parallel_loop3A_120 = %parallel_loop3A_110 to %parallel_loop3A_111 step %parallel_loop3A_112  : i32 {
        %parallel_loop3A_121 = arith.index_cast %parallel_loop3A_120 : i32 to index
        %parallel_loop3A_122 = tpu.vector_load %arg13[%parallel_loop3A_121] {strides = array<i32>} : memref<4000xi32, #tpu.memory_space<vmem>>, vector<16xi32>,
        %parallel_loop3A_123 = arith.constant 65535 : i32
        %parallel_loop3A_124 = vector.broadcast %parallel_loop3A_123 : i32 to vector<16xi32>
        %parallel_loop3A_125 = arith.andi %parallel_loop3A_122, %parallel_loop3A_124 : vector<16xi32>
        %parallel_loop3A_126 = arith.constant 16 : i32
        %parallel_loop3A_127 = vector.broadcast %parallel_loop3A_126 : i32 to vector<16xi32>
        %parallel_loop3A_128 = arith.shrsi %parallel_loop3A_122, %parallel_loop3A_127 : vector<16xi32>
        %parallel_loop3A_129 = arith.index_cast %parallel_loop3A_120 : i32 to index
        %parallel_loop3A_130 = tpu.vector_load %arg15[%parallel_loop3A_129] {strides = array<i32>} : memref<4000xf32, #tpu.memory_space<vmem>>, vector<16xf32>,
        %parallel_loop3A_131 = tpu.vector_load_idx %arg6[%parallel_loop3A_125] : memref<10000xi32, #tpu.memory_space<vmem>>[vector<16xi32>], vector<16xi32>,
        %parallel_loop3A_132 = arith.constant -65536 : i32
        %parallel_loop3A_133 = vector.broadcast %parallel_loop3A_132 : i32 to vector<16xi32>
        %parallel_loop3A_134 = arith.andi %parallel_loop3A_131, %parallel_loop3A_133 : vector<16xi32>
        %parallel_loop3A_135 = vector.bitcast %parallel_loop3A_134 : vector<16xi32> to vector<16xf32>
        %parallel_loop3A_136 = arith.mulf %parallel_loop3A_135, %parallel_loop3A_130 : vector<16xf32>
        tpu.vector_store_idx %arg8[%parallel_loop3A_128], %parallel_loop3A_136 {add = true} : memref<10000xf32, #tpu.memory_space<vmem>>[vector<16xi32>], vector<16xf32>,
        %parallel_loop3A_137 = arith.constant 16 : i32
        %parallel_loop3A_138 = vector.broadcast %parallel_loop3A_137 : i32 to vector<16xi32>
        %parallel_loop3A_139 = arith.shli %parallel_loop3A_131, %parallel_loop3A_138 : vector<16xi32>
        %parallel_loop3A_140 = vector.bitcast %parallel_loop3A_139 : vector<16xi32> to vector<16xf32>
        %parallel_loop3A_141 = arith.mulf %parallel_loop3A_140, %parallel_loop3A_130 : vector<16xf32>
        tpu.vector_store_idx %arg9[%parallel_loop3A_128], %parallel_loop3A_141 {add = true} : memref<10000xf32, #tpu.memory_space<vmem>>[vector<16xi32>], vector<16xf32>,
        %parallel_loop3A_142 = tpu.vector_load_idx %arg7[%parallel_loop3A_125] : memref<10000xi32, #tpu.memory_space<vmem>>[vector<16xi32>], vector<16xi32>,
        %parallel_loop3A_143 = arith.constant -65536 : i32
        %parallel_loop3A_144 = vector.broadcast %parallel_loop3A_143 : i32 to vector<16xi32>
        %parallel_loop3A_145 = arith.andi %parallel_loop3A_142, %parallel_loop3A_144 : vector<16xi32>
        %parallel_loop3A_146 = vector.bitcast %parallel_loop3A_145 : vector<16xi32> to vector<16xf32>
        %parallel_loop3A_147 = arith.mulf %parallel_loop3A_146, %parallel_loop3A_130 : vector<16xf32>
        tpu.vector_store_idx %arg10[%parallel_loop3A_128], %parallel_loop3A_147 {add = true} : memref<10000xf32, #tpu.memory_space<vmem>>[vector<16xi32>], vector<16xf32>,
        %parallel_loop3A_148 = arith.constant 16 : i32
        %parallel_loop3A_149 = vector.broadcast %parallel_loop3A_148 : i32 to vector<16xi32>
        %parallel_loop3A_150 = arith.shli %parallel_loop3A_142, %parallel_loop3A_149 : vector<16xi32>
        %parallel_loop3A_151 = vector.bitcast %parallel_loop3A_150 : vector<16xi32> to vector<16xf32>
        %parallel_loop3A_152 = arith.mulf %parallel_loop3A_151, %parallel_loop3A_130 : vector<16xf32>
        tpu.vector_store_idx %arg11[%parallel_loop3A_128], %parallel_loop3A_152 {add = true} : memref<10000xf32, #tpu.memory_space<vmem>>[vector<16xi32>], vector<16xf32>,
      } {sc.loop_unroll_factor = 4 : i64, sc.parallel_access}
      %add3A_113 = arith.constant 2 : i32
      %add3A_114 = arith.addi %add3A_102, %add3A_113 : i32
      %lt3A_115 = arith.constant 20 : i32
      %lt3A_116 = arith.cmpi slt, %add3A_114, %lt3A_115 : i32
      %convert_element_type3A_117 = arith.extui %lt3A_116 : i1 to i32
      %cond3A_118 = arith.constant 0 : i32
      %cond3A_119 = arith.cmpi ne, %convert_element_type3A_117, %cond3A_118 : i32
      scf.if %cond3A_119 {
        %add3A_120 = arith.constant 2 : i32
        %add3A_121 = arith.addi %add3A_102, %add3A_120 : i32
        %mul3A_122 = arith.constant 4000 : i32
        %mul3A_123 = arith.muli %add3A_121, %mul3A_122 : i32
        %add3A_124 = arith.addi %mul3A_32, %mul3A_123 : i32
        %dma_start3A_125 = tpu.memref_slice %arg3[%add3A_124] : memref<320000xi32, #tpu.memory_space<hbm>> -> memref<4000xi32, #tpu.memory_space<hbm>>
        %dma_start3A_126 = tpu.memref_slice %arg3[%add3A_124] : memref<320000xi32, #tpu.memory_space<hbm>> -> memref<4000xi32, #tpu.memory_space<hbm>>
        tpu.enqueue_dma source(%dma_start3A_126 : memref<4000xi32, #tpu.memory_space<hbm>>) target(%arg13 : memref<4000xi32, #tpu.memory_space<vmem>>) target_semaphore(%arg17 : memref<!tpu.dma_semaphore, #tpu.memory_space<semaphore_mem>>)
        %dma_start3A_127 = tpu.memref_slice %arg4[%add3A_124] : memref<320000xf32, #tpu.memory_space<hbm>> -> memref<4000xf32, #tpu.memory_space<hbm>>
        %dma_start3A_128 = tpu.memref_slice %arg4[%add3A_124] : memref<320000xf32, #tpu.memory_space<hbm>> -> memref<4000xf32, #tpu.memory_space<hbm>>
        tpu.enqueue_dma source(%dma_start3A_128 : memref<4000xf32, #tpu.memory_space<hbm>>) target(%arg15 : memref<4000xf32, #tpu.memory_space<vmem>>) target_semaphore(%arg17 : memref<!tpu.dma_semaphore, #tpu.memory_space<semaphore_mem>>)
      } else {
      }
    }
    %scan3A_59 = arith.constant 10 : i32
    %mul3A_60 = arith.constant 2 : i32
    %mul3A_61 = arith.muli %select_n3A_30, %mul3A_60 : i32
    %add3A_62 = arith.constant 0 : i32
    %add3A_63 = arith.addi %mul3A_61, %add3A_62 : i32
    "tpu.region"() ({
      %run_scoped3A = tpu.sem_alloc : memref<!tpu.dma_semaphore, #tpu.memory_space<semaphore_mem>>
      %dma_start3A_80 = arith.constant 0 : i32
      %dma_start3A_81 = tpu.memref_slice %arg5[%select_n3A, %add3A_63, %dma_start3A_80] : memref<4x32x10000xf32, #tpu.memory_space<hbm>> -> memref<1x1x10000xf32, #tpu.memory_space<hbm>>
      %dma_start3A_82 = tpu.memref_squeeze %dma_start3A_81 : memref<1x1x10000xf32, #tpu.memory_space<hbm>> -> memref<10000xf32, #tpu.memory_space<hbm>>
      %dma_start3A_83 = arith.constant 0 : i32
      %dma_start3A_84 = tpu.memref_slice %arg5[%select_n3A, %add3A_63, %dma_start3A_83] : memref<4x32x10000xf32, #tpu.memory_space<hbm>> -> memref<1x1x10000xf32, #tpu.memory_space<hbm>>
      %dma_start3A_85 = tpu.memref_squeeze %dma_start3A_84 : memref<1x1x10000xf32, #tpu.memory_space<hbm>> -> memref<10000xf32, #tpu.memory_space<hbm>>
      tpu.enqueue_dma source(%arg8 : memref<10000xf32, #tpu.memory_space<vmem>>) target(%dma_start3A_85 : memref<10000xf32, #tpu.memory_space<hbm>>) target_semaphore(%run_scoped3A : memref<!tpu.dma_semaphore, #tpu.memory_space<semaphore_mem>>)
      %dma_wait3A = arith.constant 0 : i32
      %dma_wait3A_86 = tpu.memref_slice %arg5[%select_n3A, %add3A_63, %dma_wait3A] : memref<4x32x10000xf32, #tpu.memory_space<hbm>> -> memref<1x1x10000xf32, #tpu.memory_space<hbm>>
      %dma_wait3A_87 = tpu.memref_squeeze %dma_wait3A_86 : memref<1x1x10000xf32, #tpu.memory_space<hbm>> -> memref<10000xf32, #tpu.memory_space<hbm>>
      %dma_wait3A_88 = arith.constant 0 : i32
      %dma_wait3A_89 = tpu.memref_slice %arg5[%select_n3A, %add3A_63, %dma_wait3A_88] : memref<4x32x10000xf32, #tpu.memory_space<hbm>> -> memref<1x1x10000xf32, #tpu.memory_space<hbm>>
      %dma_wait3A_90 = tpu.memref_squeeze %dma_wait3A_89 : memref<1x1x10000xf32, #tpu.memory_space<hbm>> -> memref<10000xf32, #tpu.memory_space<hbm>>
      tpu.wait_dma2 semaphore(%run_scoped3A : memref<!tpu.dma_semaphore, #tpu.memory_space<semaphore_mem>>) src(%arg8 : memref<10000xf32, #tpu.memory_space<vmem>>) dst(%dma_wait3A_90 : memref<10000xf32, #tpu.memory_space<hbm>>)
      tpu.yield
    }) : () -> ()
    %mul3A_64 = arith.constant 2 : i32
    %mul3A_65 = arith.muli %select_n3A_30, %mul3A_64 : i32
    %add3A_66 = arith.constant 0 : i32
    %add3A_67 = arith.addi %mul3A_65, %add3A_66 : i32
    %add3A_68 = arith.constant 16 : i32
    %add3A_69 = arith.addi %add3A_67, %add3A_68 : i32
    "tpu.region"() ({
      %run_scoped3A = tpu.sem_alloc : memref<!tpu.dma_semaphore, #tpu.memory_space<semaphore_mem>>
      %dma_start3A_80 = arith.constant 0 : i32
      %dma_start3A_81 = tpu.memref_slice %arg5[%select_n3A, %add3A_69, %dma_start3A_80] : memref<4x32x10000xf32, #tpu.memory_space<hbm>> -> memref<1x1x10000xf32, #tpu.memory_space<hbm>>
      %dma_start3A_82 = tpu.memref_squeeze %dma_start3A_81 : memref<1x1x10000xf32, #tpu.memory_space<hbm>> -> memref<10000xf32, #tpu.memory_space<hbm>>
      %dma_start3A_83 = arith.constant 0 : i32
      %dma_start3A_84 = tpu.memref_slice %arg5[%select_n3A, %add3A_69, %dma_start3A_83] : memref<4x32x10000xf32, #tpu.memory_space<hbm>> -> memref<1x1x10000xf32, #tpu.memory_space<hbm>>
      %dma_start3A_85 = tpu.memref_squeeze %dma_start3A_84 : memref<1x1x10000xf32, #tpu.memory_space<hbm>> -> memref<10000xf32, #tpu.memory_space<hbm>>
      tpu.enqueue_dma source(%arg9 : memref<10000xf32, #tpu.memory_space<vmem>>) target(%dma_start3A_85 : memref<10000xf32, #tpu.memory_space<hbm>>) target_semaphore(%run_scoped3A : memref<!tpu.dma_semaphore, #tpu.memory_space<semaphore_mem>>)
      %dma_wait3A = arith.constant 0 : i32
      %dma_wait3A_86 = tpu.memref_slice %arg5[%select_n3A, %add3A_69, %dma_wait3A] : memref<4x32x10000xf32, #tpu.memory_space<hbm>> -> memref<1x1x10000xf32, #tpu.memory_space<hbm>>
      %dma_wait3A_87 = tpu.memref_squeeze %dma_wait3A_86 : memref<1x1x10000xf32, #tpu.memory_space<hbm>> -> memref<10000xf32, #tpu.memory_space<hbm>>
      %dma_wait3A_88 = arith.constant 0 : i32
      %dma_wait3A_89 = tpu.memref_slice %arg5[%select_n3A, %add3A_69, %dma_wait3A_88] : memref<4x32x10000xf32, #tpu.memory_space<hbm>> -> memref<1x1x10000xf32, #tpu.memory_space<hbm>>
      %dma_wait3A_90 = tpu.memref_squeeze %dma_wait3A_89 : memref<1x1x10000xf32, #tpu.memory_space<hbm>> -> memref<10000xf32, #tpu.memory_space<hbm>>
      tpu.wait_dma2 semaphore(%run_scoped3A : memref<!tpu.dma_semaphore, #tpu.memory_space<semaphore_mem>>) src(%arg9 : memref<10000xf32, #tpu.memory_space<vmem>>) dst(%dma_wait3A_90 : memref<10000xf32, #tpu.memory_space<hbm>>)
      tpu.yield
    }) : () -> ()
    %mul3A_70 = arith.constant 2 : i32
    %mul3A_71 = arith.muli %select_n3A_30, %mul3A_70 : i32
    %add3A_72 = arith.constant 1 : i32
    %add3A_73 = arith.addi %mul3A_71, %add3A_72 : i32
    "tpu.region"() ({
      %run_scoped3A = tpu.sem_alloc : memref<!tpu.dma_semaphore, #tpu.memory_space<semaphore_mem>>
      %dma_start3A_80 = arith.constant 0 : i32
      %dma_start3A_81 = tpu.memref_slice %arg5[%select_n3A, %add3A_73, %dma_start3A_80] : memref<4x32x10000xf32, #tpu.memory_space<hbm>> -> memref<1x1x10000xf32, #tpu.memory_space<hbm>>
      %dma_start3A_82 = tpu.memref_squeeze %dma_start3A_81 : memref<1x1x10000xf32, #tpu.memory_space<hbm>> -> memref<10000xf32, #tpu.memory_space<hbm>>
      %dma_start3A_83 = arith.constant 0 : i32
      %dma_start3A_84 = tpu.memref_slice %arg5[%select_n3A, %add3A_73, %dma_start3A_83] : memref<4x32x10000xf32, #tpu.memory_space<hbm>> -> memref<1x1x10000xf32, #tpu.memory_space<hbm>>
      %dma_start3A_85 = tpu.memref_squeeze %dma_start3A_84 : memref<1x1x10000xf32, #tpu.memory_space<hbm>> -> memref<10000xf32, #tpu.memory_space<hbm>>
      tpu.enqueue_dma source(%arg10 : memref<10000xf32, #tpu.memory_space<vmem>>) target(%dma_start3A_85 : memref<10000xf32, #tpu.memory_space<hbm>>) target_semaphore(%run_scoped3A : memref<!tpu.dma_semaphore, #tpu.memory_space<semaphore_mem>>)
      %dma_wait3A = arith.constant 0 : i32
      %dma_wait3A_86 = tpu.memref_slice %arg5[%select_n3A, %add3A_73, %dma_wait3A] : memref<4x32x10000xf32, #tpu.memory_space<hbm>> -> memref<1x1x10000xf32, #tpu.memory_space<hbm>>
      %dma_wait3A_87 = tpu.memref_squeeze %dma_wait3A_86 : memref<1x1x10000xf32, #tpu.memory_space<hbm>> -> memref<10000xf32, #tpu.memory_space<hbm>>
      %dma_wait3A_88 = arith.constant 0 : i32
      %dma_wait3A_89 = tpu.memref_slice %arg5[%select_n3A, %add3A_73, %dma_wait3A_88] : memref<4x32x10000xf32, #tpu.memory_space<hbm>> -> memref<1x1x10000xf32, #tpu.memory_space<hbm>>
      %dma_wait3A_90 = tpu.memref_squeeze %dma_wait3A_89 : memref<1x1x10000xf32, #tpu.memory_space<hbm>> -> memref<10000xf32, #tpu.memory_space<hbm>>
      tpu.wait_dma2 semaphore(%run_scoped3A : memref<!tpu.dma_semaphore, #tpu.memory_space<semaphore_mem>>) src(%arg10 : memref<10000xf32, #tpu.memory_space<vmem>>) dst(%dma_wait3A_90 : memref<10000xf32, #tpu.memory_space<hbm>>)
      tpu.yield
    }) : () -> ()
    %mul3A_74 = arith.constant 2 : i32
    %mul3A_75 = arith.muli %select_n3A_30, %mul3A_74 : i32
    %add3A_76 = arith.constant 1 : i32
    %add3A_77 = arith.addi %mul3A_75, %add3A_76 : i32
    %add3A_78 = arith.constant 16 : i32
    %add3A_79 = arith.addi %add3A_77, %add3A_78 : i32
    "tpu.region"() ({
      %run_scoped3A = tpu.sem_alloc : memref<!tpu.dma_semaphore, #tpu.memory_space<semaphore_mem>>
      %dma_start3A_80 = arith.constant 0 : i32
      %dma_start3A_81 = tpu.memref_slice %arg5[%select_n3A, %add3A_79, %dma_start3A_80] : memref<4x32x10000xf32, #tpu.memory_space<hbm>> -> memref<1x1x10000xf32, #tpu.memory_space<hbm>>
      %dma_start3A_82 = tpu.memref_squeeze %dma_start3A_81 : memref<1x1x10000xf32, #tpu.memory_space<hbm>> -> memref<10000xf32, #tpu.memory_space<hbm>>
      %dma_start3A_83 = arith.constant 0 : i32
      %dma_start3A_84 = tpu.memref_slice %arg5[%select_n3A, %add3A_79, %dma_start3A_83] : memref<4x32x10000xf32, #tpu.memory_space<hbm>> -> memref<1x1x10000xf32, #tpu.memory_space<hbm>>
      %dma_start3A_85 = tpu.memref_squeeze %dma_start3A_84 : memref<1x1x10000xf32, #tpu.memory_space<hbm>> -> memref<10000xf32, #tpu.memory_space<hbm>>
      tpu.enqueue_dma source(%arg11 : memref<10000xf32, #tpu.memory_space<vmem>>) target(%dma_start3A_85 : memref<10000xf32, #tpu.memory_space<hbm>>) target_semaphore(%run_scoped3A : memref<!tpu.dma_semaphore, #tpu.memory_space<semaphore_mem>>)
      %dma_wait3A = arith.constant 0 : i32
      %dma_wait3A_86 = tpu.memref_slice %arg5[%select_n3A, %add3A_79, %dma_wait3A] : memref<4x32x10000xf32, #tpu.memory_space<hbm>> -> memref<1x1x10000xf32, #tpu.memory_space<hbm>>
      %dma_wait3A_87 = tpu.memref_squeeze %dma_wait3A_86 : memref<1x1x10000xf32, #tpu.memory_space<hbm>> -> memref<10000xf32, #tpu.memory_space<hbm>>
      %dma_wait3A_88 = arith.constant 0 : i32
      %dma_wait3A_89 = tpu.memref_slice %arg5[%select_n3A, %add3A_79, %dma_wait3A_88] : memref<4x32x10000xf32, #tpu.memory_space<hbm>> -> memref<1x1x10000xf32, #tpu.memory_space<hbm>>
      %dma_wait3A_90 = tpu.memref_squeeze %dma_wait3A_89 : memref<1x1x10000xf32, #tpu.memory_space<hbm>> -> memref<10000xf32, #tpu.memory_space<hbm>>
      tpu.wait_dma2 semaphore(%run_scoped3A : memref<!tpu.dma_semaphore, #tpu.memory_space<semaphore_mem>>) src(%arg11 : memref<10000xf32, #tpu.memory_space<vmem>>) dst(%dma_wait3A_90 : memref<10000xf32, #tpu.memory_space<hbm>>)
      tpu.yield
    }) : () -> ()
    return
  }
}

module attributes {stable_mosaic.version = 14 : i64} {
  func.func @body(%arg0: memref<10000x128xf32, #tpu.memory_space<vmem>>, %arg1: memref<128x64xf32, #tpu.memory_space<vmem>>, %arg2: memref<128x64xf32, #tpu.memory_space<vmem>>, %arg3: memref<64x10000xi32, #tpu.memory_space<vmem>>) attributes {dimension_semantics = [], scalar_prefetch = 0 : i64, scratch_operands = 0 : i64, tpu.core_type = #tpu.core_type<tc>} {
    %get3A = arith.constant 0 : index
    %get3A_0 = arith.constant 0 : index
    %get3A_1 = vector.load %arg1[%get3A, %get3A_0] : memref<128x64xf32, #tpu.memory_space<vmem>>, vector<128x64xf32>
    %get3A_2 = arith.constant 0 : index
    %get3A_3 = arith.constant 0 : index
    %get3A_4 = vector.load %arg0[%get3A_2, %get3A_3] : memref<10000x128xf32, #tpu.memory_space<vmem>>, vector<10000x128xf32>
    %dot_general3A = arith.constant dense<0.000000e+00> : vector<64x10000xf32>
    %dot_general3A_5 = tpu.matmul %get3A_1, %get3A_4, %dot_general3A {dimension_numbers = #tpu.dot_dimension_numbers<[0], [1], [1], [0], [0, 1, 1, 0], [], []>, transpose_lhs_hint = false} : vector<128x64xf32>, vector<10000x128xf32>, vector<64x10000xf32> -> vector<64x10000xf32>
    %get3A_6 = arith.constant 0 : index
    %get3A_7 = arith.constant 0 : index
    %get3A_8 = vector.load %arg2[%get3A_6, %get3A_7] : memref<128x64xf32, #tpu.memory_space<vmem>>, vector<128x64xf32>
    %get3A_9 = arith.constant 0 : index
    %get3A_10 = arith.constant 0 : index
    %get3A_11 = vector.load %arg0[%get3A_9, %get3A_10] : memref<10000x128xf32, #tpu.memory_space<vmem>>, vector<10000x128xf32>
    %dot_general3A_12 = arith.constant dense<0.000000e+00> : vector<64x10000xf32>
    %dot_general3A_13 = tpu.matmul %get3A_8, %get3A_11, %dot_general3A_12 {dimension_numbers = #tpu.dot_dimension_numbers<[0], [1], [1], [0], [0, 1, 1, 0], [], []>, transpose_lhs_hint = false} : vector<128x64xf32>, vector<10000x128xf32>, vector<64x10000xf32> -> vector<64x10000xf32>
    %bitcast_convert_type3A = tpu.bitcast %dot_general3A_5 : vector<64x10000xf32> -> vector<64x10000xi32>
    %bitcast_convert_type3A_14 = tpu.bitcast %dot_general3A_13 : vector<64x10000xf32> -> vector<64x10000xi32>
    %add3A = arith.constant 32768 : i32
    %add3A_15 = vector.broadcast %add3A : i32 to vector<64x10000xi32>
    %add3A_16 = arith.addi %bitcast_convert_type3A, %add3A_15 : vector<64x10000xi32>
    %and3A = arith.constant -65536 : i32
    %and3A_17 = vector.broadcast %and3A : i32 to vector<64x10000xi32>
    %and3A_18 = arith.andi %add3A_16, %and3A_17 : vector<64x10000xi32>
    %add3A_19 = arith.constant 32768 : i32
    %add3A_20 = vector.broadcast %add3A_19 : i32 to vector<64x10000xi32>
    %add3A_21 = arith.addi %bitcast_convert_type3A_14, %add3A_20 : vector<64x10000xi32>
    %shift_right_logical3A = arith.constant 16 : i32
    %shift_right_logical3A_22 = vector.broadcast %shift_right_logical3A : i32 to vector<64x10000xi32>
    %shift_right_logical3A_23 = arith.shrui %add3A_21, %shift_right_logical3A_22 : vector<64x10000xi32>
    %or3A = arith.ori %and3A_18, %shift_right_logical3A_23 : vector<64x10000xi32>
    %bitcast_convert_type3A_24 = tpu.bitcast %or3A : vector<64x10000xi32> -> vector<64x10000xi32>
    %swap3A = arith.constant 0 : index
    %swap3A_25 = arith.constant 0 : index
    %swap3A_26 = vector.load %arg3[%swap3A, %swap3A_25] : memref<64x10000xi32, #tpu.memory_space<vmem>>, vector<64x10000xi32>
    tpu.vector_store %arg3[%swap3A, %swap3A_25], %bitcast_convert_type3A_24 {strides = array<i32>} : memref<64x10000xi32, #tpu.memory_space<vmem>>, vector<64x10000xi32>,
    return
  }
}

module attributes {stable_mosaic.version = 14 : i64} {
  func.func @body(%arg0: memref<2x128x10000xf32, #tpu.memory_space<vmem>>, %arg1: memref<64x10000xi32, #tpu.memory_space<vmem>>, %arg2: memref<1x10000xf32, #tpu.memory_space<vmem>>, %arg3: memref<128x1xf32, #tpu.memory_space<vmem>>, %arg4: memref<128x16xf32, #tpu.memory_space<vmem>>, %arg5: memref<128x16xf32, #tpu.memory_space<vmem>>, %arg6: memref<16x10000xi32, #tpu.memory_space<vmem>>) attributes {dimension_semantics = [], scalar_prefetch = 0 : i64, scratch_operands = 0 : i64, tpu.core_type = #tpu.core_type<tc>} {
    %get3A = arith.constant 0 : index
    %get3A_0 = arith.constant 0 : index
    %get3A_1 = arith.constant 0 : index
    %get3A_2 = vector.load %arg0[%get3A, %get3A_0, %get3A_1] : memref<2x128x10000xf32, #tpu.memory_space<vmem>>, vector<1x128x10000xf32>
    %get3A_3 = vector.shape_cast %get3A_2 : vector<1x128x10000xf32> to vector<128x10000xf32>
    %get3A_4 = arith.constant 1 : index
    %get3A_5 = arith.constant 0 : index
    %get3A_6 = arith.constant 0 : index
    %get3A_7 = vector.load %arg0[%get3A_4, %get3A_5, %get3A_6] : memref<2x128x10000xf32, #tpu.memory_space<vmem>>, vector<1x128x10000xf32>
    %get3A_8 = vector.shape_cast %get3A_7 : vector<1x128x10000xf32> to vector<128x10000xf32>
    %add3A = arith.addf %get3A_3, %get3A_8 : vector<128x10000xf32>
    %get3A_9 = arith.constant 0 : index
    %get3A_10 = arith.constant 0 : index
    %get3A_11 = vector.load %arg1[%get3A_9, %get3A_10] : memref<64x10000xi32, #tpu.memory_space<vmem>>, vector<64x10000xi32>
    %and3A = arith.constant -65536 : i32
    %and3A_12 = vector.broadcast %and3A : i32 to vector<64x10000xi32>
    %and3A_13 = arith.andi %get3A_11, %and3A_12 : vector<64x10000xi32>
    %bitcast_convert_type3A = tpu.bitcast %and3A_13 : vector<64x10000xi32> -> vector<64x10000xf32>
    %shift_left3A = arith.constant 16 : i32
    %shift_left3A_14 = vector.broadcast %shift_left3A : i32 to vector<64x10000xi32>
    %shift_left3A_15 = arith.shli %get3A_11, %shift_left3A_14 : vector<64x10000xi32>
    %bitcast_convert_type3A_16 = tpu.bitcast %shift_left3A_15 : vector<64x10000xi32> -> vector<64x10000xf32>
    %concatenate3A = tpu.concatenate %bitcast_convert_type3A, %bitcast_convert_type3A_16 in 0 : vector<64x10000xf32>, vector<64x10000xf32> -> vector<128x10000xf32>
    %get3A_17 = arith.constant 0 : index
    %get3A_18 = arith.constant 0 : index
    %get3A_19 = vector.load %arg2[%get3A_17, %get3A_18] : memref<1x10000xf32, #tpu.memory_space<vmem>>, vector<1x10000xf32>
    %mul3A = vector.broadcast %get3A_19 : vector<1x10000xf32> to vector<128x10000xf32>
    %mul3A_20 = arith.mulf %mul3A, %concatenate3A : vector<128x10000xf32>
    %add3A_21 = arith.addf %add3A, %mul3A_20 : vector<128x10000xf32>
    %get3A_22 = arith.constant 0 : index
    %get3A_23 = arith.constant 0 : index
    %get3A_24 = vector.load %arg3[%get3A_22, %get3A_23] : memref<128x1xf32, #tpu.memory_space<vmem>>, vector<128x1xf32>
    %add3A_25 = vector.broadcast %get3A_24 : vector<128x1xf32> to vector<128x10000xf32>
    %add3A_26 = arith.addf %add3A_21, %add3A_25 : vector<128x10000xf32>
    %max3A = arith.constant 0.000000e+00 : f32
    %max3A_27 = vector.broadcast %max3A : f32 to vector<128x10000xf32>
    %max3A_28 = arith.maximumf %add3A_26, %max3A_27 : vector<128x10000xf32>
    %get3A_29 = arith.constant 0 : index
    %get3A_30 = arith.constant 0 : index
    %get3A_31 = vector.load %arg4[%get3A_29, %get3A_30] : memref<128x16xf32, #tpu.memory_space<vmem>>, vector<128x16xf32>
    %dot_general3A = arith.constant dense<0.000000e+00> : vector<16x10000xf32>
    %dot_general3A_32 = tpu.matmul %get3A_31, %max3A_28, %dot_general3A {dimension_numbers = #tpu.dot_dimension_numbers<[0], [0], [1], [1], [0, 1, 1, 1], [], []>, transpose_lhs_hint = false} : vector<128x16xf32>, vector<128x10000xf32>, vector<16x10000xf32> -> vector<16x10000xf32>
    %get3A_33 = arith.constant 0 : index
    %get3A_34 = arith.constant 0 : index
    %get3A_35 = vector.load %arg5[%get3A_33, %get3A_34] : memref<128x16xf32, #tpu.memory_space<vmem>>, vector<128x16xf32>
    %dot_general3A_36 = arith.constant dense<0.000000e+00> : vector<16x10000xf32>
    %dot_general3A_37 = tpu.matmul %get3A_35, %max3A_28, %dot_general3A_36 {dimension_numbers = #tpu.dot_dimension_numbers<[0], [0], [1], [1], [0, 1, 1, 1], [], []>, transpose_lhs_hint = false} : vector<128x16xf32>, vector<128x10000xf32>, vector<16x10000xf32> -> vector<16x10000xf32>
    %bitcast_convert_type3A_38 = tpu.bitcast %dot_general3A_32 : vector<16x10000xf32> -> vector<16x10000xi32>
    %bitcast_convert_type3A_39 = tpu.bitcast %dot_general3A_37 : vector<16x10000xf32> -> vector<16x10000xi32>
    %add3A_40 = arith.constant 32768 : i32
    %add3A_41 = vector.broadcast %add3A_40 : i32 to vector<16x10000xi32>
    %add3A_42 = arith.addi %bitcast_convert_type3A_38, %add3A_41 : vector<16x10000xi32>
    %and3A_43 = arith.constant -65536 : i32
    %and3A_44 = vector.broadcast %and3A_43 : i32 to vector<16x10000xi32>
    %and3A_45 = arith.andi %add3A_42, %and3A_44 : vector<16x10000xi32>
    %add3A_46 = arith.constant 32768 : i32
    %add3A_47 = vector.broadcast %add3A_46 : i32 to vector<16x10000xi32>
    %add3A_48 = arith.addi %bitcast_convert_type3A_39, %add3A_47 : vector<16x10000xi32>
    %shift_right_logical3A = arith.constant 16 : i32
    %shift_right_logical3A_49 = vector.broadcast %shift_right_logical3A : i32 to vector<16x10000xi32>
    %shift_right_logical3A_50 = arith.shrui %add3A_48, %shift_right_logical3A_49 : vector<16x10000xi32>
    %or3A = arith.ori %and3A_45, %shift_right_logical3A_50 : vector<16x10000xi32>
    %bitcast_convert_type3A_51 = tpu.bitcast %or3A : vector<16x10000xi32> -> vector<16x10000xi32>
    %swap3A = arith.constant 0 : index
    %swap3A_52 = arith.constant 0 : index
    %swap3A_53 = vector.load %arg6[%swap3A, %swap3A_52] : memref<16x10000xi32, #tpu.memory_space<vmem>>, vector<16x10000xi32>
    tpu.vector_store %arg6[%swap3A, %swap3A_52], %bitcast_convert_type3A_51 {strides = array<i32>} : memref<16x10000xi32, #tpu.memory_space<vmem>>, vector<16x10000xi32>,
    return
  }
}

module attributes {stable_mosaic.version = 14 : i64} {
  func.func @body(%arg0: memref<4x32x10000xf32, #tpu.memory_space<vmem>>, %arg1: memref<16x10000xi32, #tpu.memory_space<vmem>>, %arg2: memref<1x10000xf32, #tpu.memory_space<vmem>>, %arg3: memref<32x1xf32, #tpu.memory_space<vmem>>, %arg4: memref<32x10000xf32, #tpu.memory_space<vmem>>) attributes {dimension_semantics = [], scalar_prefetch = 0 : i64, scratch_operands = 0 : i64, tpu.core_type = #tpu.core_type<tc>} {
    %get3A = arith.constant 0 : index
    %get3A_0 = arith.constant 0 : index
    %get3A_1 = arith.constant 0 : index
    %get3A_2 = vector.load %arg0[%get3A, %get3A_0, %get3A_1] : memref<4x32x10000xf32, #tpu.memory_space<vmem>>, vector<1x32x10000xf32>
    %get3A_3 = vector.shape_cast %get3A_2 : vector<1x32x10000xf32> to vector<32x10000xf32>
    %get3A_4 = arith.constant 1 : index
    %get3A_5 = arith.constant 0 : index
    %get3A_6 = arith.constant 0 : index
    %get3A_7 = vector.load %arg0[%get3A_4, %get3A_5, %get3A_6] : memref<4x32x10000xf32, #tpu.memory_space<vmem>>, vector<1x32x10000xf32>
    %get3A_8 = vector.shape_cast %get3A_7 : vector<1x32x10000xf32> to vector<32x10000xf32>
    %add3A = arith.addf %get3A_3, %get3A_8 : vector<32x10000xf32>
    %get3A_9 = arith.constant 2 : index
    %get3A_10 = arith.constant 0 : index
    %get3A_11 = arith.constant 0 : index
    %get3A_12 = vector.load %arg0[%get3A_9, %get3A_10, %get3A_11] : memref<4x32x10000xf32, #tpu.memory_space<vmem>>, vector<1x32x10000xf32>
    %get3A_13 = vector.shape_cast %get3A_12 : vector<1x32x10000xf32> to vector<32x10000xf32>
    %add3A_14 = arith.addf %add3A, %get3A_13 : vector<32x10000xf32>
    %get3A_15 = arith.constant 3 : index
    %get3A_16 = arith.constant 0 : index
    %get3A_17 = arith.constant 0 : index
    %get3A_18 = vector.load %arg0[%get3A_15, %get3A_16, %get3A_17] : memref<4x32x10000xf32, #tpu.memory_space<vmem>>, vector<1x32x10000xf32>
    %get3A_19 = vector.shape_cast %get3A_18 : vector<1x32x10000xf32> to vector<32x10000xf32>
    %add3A_20 = arith.addf %add3A_14, %get3A_19 : vector<32x10000xf32>
    %get3A_21 = arith.constant 0 : index
    %get3A_22 = arith.constant 0 : index
    %get3A_23 = vector.load %arg1[%get3A_21, %get3A_22] : memref<16x10000xi32, #tpu.memory_space<vmem>>, vector<16x10000xi32>
    %and3A = arith.constant -65536 : i32
    %and3A_24 = vector.broadcast %and3A : i32 to vector<16x10000xi32>
    %and3A_25 = arith.andi %get3A_23, %and3A_24 : vector<16x10000xi32>
    %bitcast_convert_type3A = tpu.bitcast %and3A_25 : vector<16x10000xi32> -> vector<16x10000xf32>
    %shift_left3A = arith.constant 16 : i32
    %shift_left3A_26 = vector.broadcast %shift_left3A : i32 to vector<16x10000xi32>
    %shift_left3A_27 = arith.shli %get3A_23, %shift_left3A_26 : vector<16x10000xi32>
    %bitcast_convert_type3A_28 = tpu.bitcast %shift_left3A_27 : vector<16x10000xi32> -> vector<16x10000xf32>
    %concatenate3A = tpu.concatenate %bitcast_convert_type3A, %bitcast_convert_type3A_28 in 0 : vector<16x10000xf32>, vector<16x10000xf32> -> vector<32x10000xf32>
    %get3A_29 = arith.constant 0 : index
    %get3A_30 = arith.constant 0 : index
    %get3A_31 = vector.load %arg2[%get3A_29, %get3A_30] : memref<1x10000xf32, #tpu.memory_space<vmem>>, vector<1x10000xf32>
    %mul3A = vector.broadcast %get3A_31 : vector<1x10000xf32> to vector<32x10000xf32>
    %mul3A_32 = arith.mulf %mul3A, %concatenate3A : vector<32x10000xf32>
    %add3A_33 = arith.addf %add3A_20, %mul3A_32 : vector<32x10000xf32>
    %get3A_34 = arith.constant 0 : index
    %get3A_35 = arith.constant 0 : index
    %get3A_36 = vector.load %arg3[%get3A_34, %get3A_35] : memref<32x1xf32, #tpu.memory_space<vmem>>, vector<32x1xf32>
    %add3A_37 = vector.broadcast %get3A_36 : vector<32x1xf32> to vector<32x10000xf32>
    %add3A_38 = arith.addf %add3A_33, %add3A_37 : vector<32x10000xf32>
    %swap3A = arith.constant 0 : index
    %swap3A_39 = arith.constant 0 : index
    %swap3A_40 = vector.load %arg4[%swap3A, %swap3A_39] : memref<32x10000xf32, #tpu.memory_space<vmem>>, vector<32x10000xf32>
    tpu.vector_store %arg4[%swap3A, %swap3A_39], %add3A_38 {strides = array<i32>} : memref<32x10000xf32, #tpu.memory_space<vmem>>, vector<32x10000xf32>,
    return
  }
}

</mosaic_0001>

<sc_bundles>
// kernel: kernel.10.cloned.1.call-start
scs
__scs_entry_jumppad:
0x0: {  	(pc) =	sbr.rel $0x88, $3  }
0x1: {  	(tag) =	ssettag $0x0;
	lr =	simm.s32 $0x1  }
0x2: {  	[smem:$0x3F9A] =	sst lr;
	_ =	strace $0xD0000000  }
0x3: {  	_ = 	snop  }
0x4: {  	_ = 	snop  }
0x5: {  	_ = 	snop  }
0x6: {  	_ = 	snop  }
0x7: {  	_ = 	snop  }
__scs_overlays_trampoline_lowered:
0x8: {  	[smem:$0x3FA9] =	sst s0  }
0x9: {  	[smem:$0x3FAA] =	sst s1  }
0xa: {  	[smem:$0x3FAB] =	sst s2  }
0xb: {  	[smem:$0x3FAC] =	sst s3  }
0xc: {  	[smem:$0x3FAD] =	sst s4  }
0xd: {  	[smem:$0x3FAE] =	sst s5  }
0xe: {  	[smem:$0x3FAF] =	sst s6  }
0xf: {  	[smem:$0x3FB0] =	sst s7  }
0x10: {  	[smem:$0x3FB1] =	sst s8  }
0x11: {  	[smem:$0x3FB2] =	sst s9;
	s0 =	simm.s32 @!p0 $0x0  }
0x12: {  	s1 =	sld [smem:$0x3F98];
	s0 =	simm.s32 @p0 $0x1  }
0x13: {  	[smem:$0x3FB3] =	sst s0;
	s0 =	simm.s32 @!p1 $0x0  }
0x14: {  	s2 =	sld [smem:$0x3F97];
	s0 =	simm.s32 @p1 $0x1  }
0x15: {  	[smem:$0x3FB4] =	sst s0;
	s0 =	simm.s32 @!p2 $0x0  }
0x16: {  	s3 =	sld [smem:$0x3FDB];
	s0 =	simm.s32 @p2 $0x1  }
0x17: {  	s4 =	simm.s32 $0x1BF5;
	[smem:$0x3FB6] =	sst s0  }
0x18: {  	s0 =	sld [smem:$0x3F99];
	_ =	swait.ge [sflag:s4], $0x0  }
0x19: {  	s7 =	sld [smem:$0x3F9A]  }
0x1a: {  	s8 =	sadd.s32 $0xFFFFE003, lr  }
0x1b: {  	s9 =	sadd.s32 $0xFFFFFEF7, lr;
	s5 =	simm.s32 $0xFFFFFFFF;
	p2 =	slt.u32 s8, $0xFFFFF086  }
0x1c: {  	p1 =	slt.u32 s9, $0xF7A;
	s5 =	simm.s32 @!p2 $0x0  }
0x1d: {  	s5 =	simm.s32 @p1 $0x1;
	p0 =	seq.s32 s7, s2  }
0x1e: {  	s7 =	smul.u32 @!p0 $0xF7A, s2;
	p2 =	seq.s32 @!p0 s5, $0x0  }
0x1f: {  	s9 =	smul.u32 $0xF7A, s1;
	s8 =	simm.s32 @!p0 $0x1BF5;
	p2 =	por !p2, p0  }
0x20: {  	[sflag:s8] =	ssyncset.s32 @!p0 $0xFFFFF086;
	s6 =	sadd.s32 @!p0 s3, s7;
	s7 =	simm.s32 @!p0 $0x108  }
0x21: {  	s3 =	sadd.s32 s3, s9;
	s6 =	sadd.s32 @!p0 $0x88, s6;
	s7 =	simm.s32 @p2 $0x1082  }
0x22: {  	[simem:s7], [sflag:s8] =	dma.local @!p0 [hbm:s6], $0xF7A  }
0x23: {  	s9 =	sor.u32 $0xD0000000, s2;
	s6 =	simm.s32 $0x108;
	_ =	swait.ge @!p0 [sflag:s8], $0x0  }
0x24: {  	s3 =	sadd.s32 $0x88, s3;
	s6 =	simm.s32 @!p1 $0x1082;
	[sflag:s4] =	ssyncset.s32 $0xFFFFF086  }
0x25: {  	[simem:s6], [sflag:s4] =	dma.local [hbm:s3], $0xF7A  }
0x26: {  	[smem:$0x3F9A] =	sst s1;
	(tag) =	ssettag s2;
	_ =	strace s9  }
0x27: {  	s1 =	sld [smem:$0x3FAA]  }
0x28: {  	s2 =	sld [smem:$0x3FAB]  }
0x29: {  	s4 =	sld [smem:$0x3FAD]  }
0x2a: {  	p0 =	seq.s32 s5, $0x0;
	s5 =	sld [smem:$0x3FAE]  }
0x2b: {  	s6 =	sld [smem:$0x3FAF]  }
0x2c: {  	s7 =	sld [smem:$0x3FB0]  }
0x2d: {  	s3 =	simm.s32 $0x108;
	s8 =	sld [smem:$0x3FB1]  }
0x2e: {  	s3 =	simm.s32 @!p0 $0x1082;
	s9 =	sld [smem:$0x3FB2]  }
0x2f: {  	lr =	sadd.s32 s0, s3;
	s0 =	sld [smem:$0x3FA9]  }
0x30: {  	s3 =	sld [smem:$0x3FAC]  }
0x31: {  	[smem:$0x3FB5] =	sst s10  }
0x32: {  	s10 =	sld [smem:$0x3FB3];
	_ =	sdelay $0x3  }
0x33: {  	p0 =	seq.s32 s10, $0x1;
	s10 =	sld [smem:$0x3FB5];
	_ =	sdelay $0x3  }
0x34: {  	[smem:$0x3FB5] =	sst s10  }
0x35: {  	s10 =	sld [smem:$0x3FB4];
	_ =	sdelay $0x3  }
0x36: {  	p1 =	seq.s32 s10, $0x1;
	s10 =	sld [smem:$0x3FB5];
	_ =	sdelay $0x3  }
0x37: {  	[smem:$0x3FB5] =	sst s10  }
0x38: {  	s10 =	sld [smem:$0x3FB6]  }
0x39: {  	_ = 	snop;
	(pc) =	sbr.ind lr, $3  }
0x3a: {  	_ = 	snop  }
0x3b: {  	_ = 	snop  }
0x3c: {  	p2 =	seq.s32 s10, $0x1;
	s10 =	sld [smem:$0x3FB5]  }
0x3d: {  	_ =	shalt  }
0x3e: {  	_ =	shalt  }
0x3f: {  	_ =	shalt  }
0x40: {  	_ =	shalt  }
0x41: {  	_ =	shalt  }
0x42: {  	_ =	shalt  }
0x43: {  	_ =	shalt  }
0x44: {  	_ =	shalt  }
0x45: {  	_ =	shalt  }
0x46: {  	_ =	shalt  }
0x47: {  	_ =	shalt  }
0x48: {  	_ =	shalt  }
0x49: {  	_ =	shalt  }
0x4a: {  	_ =	shalt  }
0x4b: {  	_ =	shalt  }
0x4c: {  	_ =	shalt  }
0x4d: {  	_ =	shalt  }
0x4e: {  	_ =	shalt  }
0x4f: {  	_ =	shalt  }
0x50: {  	_ =	shalt  }
0x51: {  	_ =	shalt  }
0x52: {  	_ =	shalt  }
0x53: {  	_ =	shalt  }
0x54: {  	_ =	shalt  }
0x55: {  	_ =	shalt  }
0x56: {  	_ =	shalt  }
0x57: {  	_ =	shalt  }
0x58: {  	_ =	shalt  }
0x59: {  	_ =	shalt  }
0x5a: {  	_ =	shalt  }
0x5b: {  	_ =	shalt  }
0x5c: {  	_ =	shalt  }
0x5d: {  	_ =	shalt  }
0x5e: {  	_ =	shalt  }
0x5f: {  	_ =	shalt  }
0x60: {  	_ =	shalt  }
0x61: {  	_ =	shalt  }
0x62: {  	_ =	shalt  }
0x63: {  	_ =	shalt  }
0x64: {  	_ =	shalt  }
0x65: {  	_ =	shalt  }
0x66: {  	_ =	shalt  }
0x67: {  	_ =	shalt  }
0x68: {  	_ =	shalt  }
0x69: {  	_ =	shalt  }
0x6a: {  	_ =	shalt  }
0x6b: {  	_ =	shalt  }
0x6c: {  	_ =	shalt  }
0x6d: {  	_ =	shalt  }
0x6e: {  	_ =	shalt  }
0x6f: {  	_ =	shalt  }
0x70: {  	_ =	shalt  }
0x71: {  	_ =	shalt  }
0x72: {  	_ =	shalt  }
0x73: {  	_ =	shalt  }
0x74: {  	_ =	shalt  }
0x75: {  	_ =	shalt  }
0x76: {  	_ =	shalt  }
0x77: {  	_ =	shalt  }
0x78: {  	_ =	shalt  }
0x79: {  	_ =	shalt  }
0x7a: {  	_ =	shalt  }
0x7b: {  	_ =	shalt  }
0x7c: {  	_ =	shalt  }
0x7d: {  	_ =	shalt  }
0x7e: {  	_ =	shalt  }
0x7f: {  	_ =	shalt  }
0x80: {  	_ =	shalt  }
0x81: {  	_ =	shalt  }
0x82: {  	_ =	shalt  }
0x83: {  	_ =	shalt  }
0x84: {  	_ =	shalt  }
0x85: {  	_ =	shalt  }
0x86: {  	_ =	shalt  }
0x87: {  	_ =	shalt  }
.Lfunc_end0:
.L_simem_size_0:
called_computation_lowered:
.L_overlay_start_0:
0x88: {  	s2 =	sld [smem:$0x3FD9]  }
0x89: {  	s3 =	sld [smem:$0x3FFE];
	_ =	sdelay $0x1  }
0x8a: {  	s1 =	srdreg.scid  }
0x8b: {  	s0 =	sand.u32 $0x1, s1  }
0x8c: {  	s17 =	sshll.u32 s0, $0xA;
	s2 =	sadd.s32 s3, s2  }
0x8d: {  	s2 =	sadd.s32 s2, s17  }
0x8e: {  	[smem:$0x3FC1] =	sst s2  }
0x8f: {  	_ = 	snop  }
0x90: {  	s2 =	sld [smem:$0x3FC7];
	(tm) =	ssettm $0x1  }
0x91: {  	s18 =	sld [smem:$0x3FFB];
	_ =	sdelay $0x3  }
0x92: {  	_ =	strace s18  }
0x93: {  	s3 =	sld [smem:$0x3FFC];
	_ =	sdelay $0x3  }
0x94: {  	_ =	strace s3  }
0x95: {  	s3 =	sld [smem:$0x3FFD];
	_ =	sdelay $0x3  }
0x96: {  	_ =	strace s3  }
0x97: {  	_ =	strace $0x8FFFFFFF  }
0x98: {  	s19 =	sld [smem:$0x3FDB];
	_ =	sdelay $0x1  }
0x99: {  	s4 =	simm.s32 $_scs_section_size  }
0x9a: {  	s5 =	simm.s32 $_size__tile_overlayer_lowered;
	s6 =	simm.s32 $_tile_overlayer_lowered  }
0x9b: {  	s22 =	simm.s32 $0x1BFF;
	s21 =	sshll.u32 s6, $0x1;
	s3 =	sadd.s32 s4, s19  }
0x9c: {  	s7 =	simm.s32 $0x0;
	s20 =	sshll.u32 s5, $0x1;
	s5 =	sadd.s32 s21, s3  }
0x9d: {  	[timem:s7], [sflag:s22] =	dma.local [hbm:s5], s20  }
0x9e: {  	_ =	swait.ge [sflag:s22], s20  }
0x9f: {  	s4 =	ssub.s32 $0x0, s20;
	[sflag:s22] =	ssyncset.done $0x0  }
0xa0: {  	[sflag:s22] =	ssyncadd.s32 s4;
	_ =	sdelay $0x1  }
0xa1: {  	s23 =	simm.s32 $0x1B8B  }
0xa2: {  	_ =	swait.ge [sflag:s23], $0x1  }
0xa3: {  	[sflag:s23] =	ssyncset.done $0x0  }
0xa4: {  	s25 =	simm.s32 $0x1B8E;
	s24 =	sld [smem:$0x3FFE];
	[sflag:s23] =	ssyncadd.s32 $0xFFFFFFFF  }
0xa5: {  	s26 =	simm.s32 $execute0_lowered;
	[smem:$0x3FD2] =	sst s25  }
0xa6: {  	s5 =	sshll.u32 s26, $0x1;
	_ =	strace $0x80000046;
	[dreg:$0x1] =	wrdreg $0xFFFFFFFF  }
0xa7: {  	s28 =	simm.s32 $_size_execute0_lowered;
	s3 =	sadd.s32 s3, s5;
	[dreg:$0x0] =	wrdreg $0x0  }
0xa8: {  	s5 =	sshll.u32 s28, $0x1;
	[dreg:$0x2] =	wrdreg s3  }
0xa9: {  	[dreg:$0x3] =	wrdreg s5  }
0xaa: {  	[dreg:$0x4] =	wrdreg $0xC0  }
0xab: {  	_ =	task [dreg:s7], $0x5FFFF  }
0xac: {  	[dreg:$0x1] =	wrdreg $0xFFFFFFFF  }
0xad: {  	[dreg:$0x0] =	wrdreg $0x60  }
0xae: {  	[dreg:$0x2] =	wrdreg s24  }
0xaf: {  	[dreg:$0x3] =	wrdreg s2  }
0xb0: {  	[dreg:$0x4] =	wrdreg $0x9  }
0xb1: {  	_ =	task.clear_ibuf [dreg:s7], $0x5FFFF;
	_ =	strace $0x90000046  }
0xb2: {  	s29 =	simm.s32 $0x9;
	_ =	strace $0x80000048  }
0xb3: {  	_ =	swait.ge [sflag:s29], $0x1  }
0xb4: {  	[sflag:s29] =	ssyncadd.s32 $0xFFFFFFFF  }
0xb5: {  	_ =	strace $0x90000048  }
0xb6: {  	_ =	sfence  }
0xb7: {  	s30 =	sld [smem:$0x0];
	_ =	sdelay $0x2  }
0xb8: {  	s31 =	sshll.u32 s1, $0xD;
	s1 =	sshrl.u32 s1, $0x2  }
0xb9: {  	s3 =	sand.u32 $0x4000, s31;
	s1 =	sadd.s32 s1, s30  }
0xba: {  	s0 =	sor.u32 s3, s0;
	s1 =	sshll.u32 s1, $0x11  }
0xbb: {  	s0 =	sor.u32 s1, s0  }
0xbc: {  	s0 =	sadd.s32 $0x8F2B, s0  }
0xbd: {  	[sflag:s0] =	ssyncadd.remote.s32 $0x1  }
0xbe: {  	_ =	sfence.sel $0xFFFF  }
0xbf: {  	[dreg:$0x0] =	wrdreg $0xFFFFFFFF;
	(pc) =	sbr.abs _section_cstart, $3  }
0xc0: {  	[dreg:$0x1] =	wrdreg $0xFFFFFFFF  }
0xc1: {  	_ =	task.clear_ibuf [dreg:s7], $0x2FFFF;
	_ =	strace $0x9FFFFFFF  }
0xc2: {  	(tm) =	ssettm $0x7FFFFFFF  }
0xc3: {  	_ =	shalt  }
tec
execute0_lowered:
.L_overlay_start_1:
0x0: {  	(tag) =	ssettag $0x1  }
0x1: {  	s3 =	rddreg [dreg:$0x0]  }
0x2: {  	s1 =	srdreg.scid;
	s0 =	stileid.u32  }
0x3: {  	s4 =	rddreg [dreg:$0x1];
	s10 =	simm.s32 $0x80;
	s11 =	simm.s32 $0x400  }
0x4: {  	s12 =	simm.s32 $0x0;
	s5 =	sand.u32 $0x1, s1;
	s2 =	sshll.u32 s0, $0x1  }
0x5: {  	s1 =	rddreg [dreg:$0x2];
	s7 =	sshrl.u32 s0, $0x2;
	s6 =	sor.u32 s5, s2  }
0x6: {  	s2 =	simm.s32 $0x0;
	s7 =	smul.u32 $0x18000, s7;
	s5 =	ssub.s32 $0x2, s5  }
0x7: {  	s8 =	sshll.u32 s6, $0x7;
	[smem:$0x7FF] =	sst s2;
	s6 =	smul.u32 $0x4E2, s6  }
0x8: {  	s9 =	sshrl.u32 s5, $0x1;
	s8 =	sand.u32 $0x380, s8;
	_ =	strace $0x80000047  }
0x9: {  	s9 =	ssub.s32 s5, s9;
	s7 =	sor.u32 s7, s8;
	s31 =	sadd.s32 s6, s3  }
0xa: {  	s4 =	sadd.s32 s4, s6;
	s6 =	smax.u32 s9, $0x1;
	s7 =	sshrl.u32 s7, $0x3  }
0xb: {  	s8 =	simm.s32 $0x2780;
	s9 =	simm.s32 $0x4F00;
	s7 =	sadd.s32 s7, s3  }
0xc: {  	v0 =	vimm.f32 $0.0e+00;
	s3 =	sadd.s32 $0xCE00, s31;
	s5 =	sadd.s32 $0x16C00, s7;
	s7 =	simm.s32 $0x1  }
.LBB2_1:
0xd: {  	[tilespmem:s2], [sflag:$0x1] =	stream.linear.gather [hbm4b:s3+s2], $0x2710, $0x38;
	[tilespmem:$0x7F00] =	vst v63  }
0xe: {  	_ =	swait.ge [sflag:s7], $0x2710  }
0xf: {  	[sflag:s7] =	ssyncset.done $0x0  }
0x10: {  	[sflag:s7] =	ssyncadd.s32 $0xFFFFD8F0  }
0x11: {  	[tilespmem:s8], [sflag:$0x1] =	stream.linear.gather [hbm4b:s4+s2], $0x2710, $0x38;
	[tilespmem:$0x7F00] =	vst v63  }
0x12: {  	_ =	swait.ge [sflag:s7], $0x2710  }
0x13: {  	[sflag:s7] =	ssyncset.done $0x0  }
0x14: {  	s16 =	simm.s32 $0x4F20;
	[sflag:s7] =	ssyncadd.s32 $0xFFFFD8F0  }
0x15: {  	[tilespmem:s16+$0xFFFFFFE0] =	vst v0  }
0x16: {  	[tilespmem:s16+$0x10] =	vst v0  }
0x17: {  	s13 =	simm.s32 $0xFFFFFFFC;
	s17 =	simm.s32 $0x0;
	s14 =	simm.s32 $0x20;
	[tilespmem:s16+$0x0] =	vst v0  }
.LBB2_2:
0x18: {  	s17 =	sadd.s32 $0x4, s17  }
0x19: {  	[tilespmem:s16+$0xFFFFFFF0] =	vst v0;
	s16 =	sadd.s32 $0x40, s16;
	s15 =	simm.s32 $0x27A0;
	p0 =	slt.u32 s17, $0x2FC  }
.Ltmp0:
0x1a: {  	[tilespmem:s16+$0xFFFFFFE0] =	vst v0;
	(pc) =	sbr.rel @p0 .LBB2_2-.Ltmp0, $3  }
0x1b: {  	_ =	sdelay $0x1  }
0x1c: {  	[tilespmem:s16+$0x10] =	vst v0  }
0x1d: {  	[tilespmem:s16+$0x0] =	vst v0  }
0x1e: {  	[tilespmem:s16+$0xFFFFFFF0] =	vst v0  }
.LBB2_4:
0x1f: {  	v1 =	vld [tilespmem:s14+$0xFFFFFFE0];
	_ =	sdelay $0x2  }
0x20: {  	v2 =	vld [tilespmem:s15+$0xFFFFFFE0];
	_ =	sdelay $0x4  }
0x21: {  	[tilespmem:v1+s9+$0x0] =	vst.idx.add.f32.msk $0xffff, v2  }
0x22: {  	v1 =	vld [tilespmem:s14+$0xFFFFFFF0];
	_ =	sdelay $0x2  }
0x23: {  	v2 =	vld [tilespmem:s15+$0xFFFFFFF0];
	_ =	sdelay $0x4  }
0x24: {  	[tilespmem:v1+s9+$0x0] =	vst.idx.add.f32.msk $0xffff, v2  }
0x25: {  	v1 =	vld [tilespmem:s14+$0x0];
	_ =	sdelay $0x2  }
0x26: {  	v2 =	vld [tilespmem:s15+$0x0];
	_ =	sdelay $0x4  }
0x27: {  	[tilespmem:v1+s9+$0x0] =	vst.idx.add.f32.msk $0xffff, v2  }
0x28: {  	v1 =	vld [tilespmem:s14+$0x10];
	_ =	sdelay $0x1  }
0x29: {  	s13 =	sadd.s32 $0x4, s13  }
0x2a: {  	p0 =	slt.u32 s13, $0x26C;
	v2 =	vld [tilespmem:s15+$0x10]  }
.Ltmp1:
0x2b: {  	_ = 	snop;
	(pc) =	sbr.rel @p0 .LBB2_4-.Ltmp1, $2  }
0x2c: {  	_ =	sdelay $0x2  }
0x2d: {  	s15 =	sadd.s32 $0x40, s15;
	s14 =	sadd.s32 $0x40, s14;
	[tilespmem:v1+s9+$0x0] =	vst.idx.add.f32.msk $0xffff, v2  }
0x2e: {  	v1 =	vld [tilespmem:$0x2700];
	_ =	sdelay $0x2  }
0x2f: {  	v2 =	vld [tilespmem:$0x4E80];
	_ =	sdelay $0x2  }
0x30: {  	s12 =	sadd.s32 $0x1, s12  }
0x31: {  	p0 =	sne.s32 s12, s6  }
.Ltmp2:
0x32: {  	[tilespmem:v1+s9+$0x0] =	vst.idx.add.f32.msk $0xffff, v2;
	(pc) =	sbr.rel @p0 .LBB2_1-.Ltmp2, $4  }
0x33: {  	[hbm4b:s5+s10] =	stream.strided.scatter [tilespmem:s9], [sflag:$0x1], $0x3000, s11, s10, $0x38;
	[tilespmem:$0x7F00] =	vst v63  }
0x34: {  	_ =	swait.ge [sflag:s7], $0x3000  }
0x35: {  	[sflag:s7] =	ssyncset.done $0x0  }
0x36: {  	[sflag:s7] =	ssyncadd.s32 $0xFFFFD000  }
0x37: {  	_ =	sfence.sel $0x180000  }
0x38: {  	[bflag:$0x0] =	sbarrier.arrive $0xFFFF  }
0x39: {  	p0 =	sne.s32 s0, $0x0;
	_ =	strace $0x90000047  }
0x3a: {  	s0 =	sadd.s32 @!p0 $0x100000, s1;
	[bflag:$0x2] =	sbarrier.arrive $0xFFFF  }
0x3b: {  	[sflag:s0] =	ssyncadd.tile.s32 @!p0 $0x1;
	_ =	shalt  }
.Lfunc_end2:
_tile_overlayer_lowered:
.L_overlay_start_2:
0x3c: {  	(tag) =	ssettag $0x2  }
0x3d: {  	s0 =	rddreg [dreg:$0x0];
	s2 =	stileid.u32  }
0x3e: {  	s1 =	rddreg [dreg:$0x1];
	p0 =	sne.s32 s2, $0x0  }
0x3f: {  	s3 =	rddreg [dreg:$0x2];
	[bflag:$0x3] =	sbarrier.arrive $0xFFFF;
	s2 =	simm.s32 @!p0 $0x1C01  }
0x40: {  	[timem:s3], [sflag:s2] =	dma.local @!p0 [hbm:s0], s1  }
0x41: {  	s0 =	simm.s32 @!p0 $0x1  }
0x42: {  	_ =	swait.ge @!p0 [sflag:s0], s1  }
0x43: {  	s1 =	ssub.s32 @!p0 $0x0, s1;
	[sflag:s0] =	ssyncset.done @!p0 $0x0  }
0x44: {  	[sflag:s0] =	ssyncadd.s32 @!p0 s1  }
0x45: {  	[bflag:$0x3] =	sbarrier.arrive $0xFFFF  }
0x46: {  	_ =	shalt  }

// kernel: kernel.13.cloned.1.call-start
scs
__scs_entry_jumppad:
0x0: {  	(pc) =	sbr.rel $0x88, $3  }
0x1: {  	(tag) =	ssettag $0x0;
	lr =	simm.s32 $0x1  }
0x2: {  	[smem:$0x3F9A] =	sst lr;
	_ =	strace $0xD0000000  }
0x3: {  	_ = 	snop  }
0x4: {  	_ = 	snop  }
0x5: {  	_ = 	snop  }
0x6: {  	_ = 	snop  }
0x7: {  	_ = 	snop  }
__scs_overlays_trampoline_lowered:
0x8: {  	[smem:$0x3FA9] =	sst s0  }
0x9: {  	[smem:$0x3FAA] =	sst s1  }
0xa: {  	[smem:$0x3FAB] =	sst s2  }
0xb: {  	[smem:$0x3FAC] =	sst s3  }
0xc: {  	[smem:$0x3FAD] =	sst s4  }
0xd: {  	[smem:$0x3FAE] =	sst s5  }
0xe: {  	[smem:$0x3FAF] =	sst s6  }
0xf: {  	[smem:$0x3FB0] =	sst s7  }
0x10: {  	[smem:$0x3FB1] =	sst s8  }
0x11: {  	[smem:$0x3FB2] =	sst s9;
	s0 =	simm.s32 @!p0 $0x0  }
0x12: {  	s1 =	sld [smem:$0x3F98];
	s0 =	simm.s32 @p0 $0x1  }
0x13: {  	[smem:$0x3FB3] =	sst s0;
	s0 =	simm.s32 @!p1 $0x0  }
0x14: {  	s2 =	sld [smem:$0x3F97];
	s0 =	simm.s32 @p1 $0x1  }
0x15: {  	[smem:$0x3FB4] =	sst s0;
	s0 =	simm.s32 @!p2 $0x0  }
0x16: {  	s3 =	sld [smem:$0x3FDB];
	s0 =	simm.s32 @p2 $0x1  }
0x17: {  	s4 =	simm.s32 $0x1BF5;
	[smem:$0x3FB6] =	sst s0  }
0x18: {  	s0 =	sld [smem:$0x3F99];
	_ =	swait.ge [sflag:s4], $0x0  }
0x19: {  	s7 =	sld [smem:$0x3F9A]  }
0x1a: {  	s8 =	sadd.s32 $0xFFFFE003, lr  }
0x1b: {  	s9 =	sadd.s32 $0xFFFFFEF7, lr;
	s5 =	simm.s32 $0xFFFFFFFF;
	p2 =	slt.u32 s8, $0xFFFFF086  }
0x1c: {  	p1 =	slt.u32 s9, $0xF7A;
	s5 =	simm.s32 @!p2 $0x0  }
0x1d: {  	s5 =	simm.s32 @p1 $0x1;
	p0 =	seq.s32 s7, s2  }
0x1e: {  	s7 =	smul.u32 @!p0 $0xF7A, s2;
	p2 =	seq.s32 @!p0 s5, $0x0  }
0x1f: {  	s9 =	smul.u32 $0xF7A, s1;
	s8 =	simm.s32 @!p0 $0x1BF5;
	p2 =	por !p2, p0  }
0x20: {  	[sflag:s8] =	ssyncset.s32 @!p0 $0xFFFFF086;
	s6 =	sadd.s32 @!p0 s3, s7;
	s7 =	simm.s32 @!p0 $0x108  }
0x21: {  	s3 =	sadd.s32 s3, s9;
	s6 =	sadd.s32 @!p0 $0x88, s6;
	s7 =	simm.s32 @p2 $0x1082  }
0x22: {  	[simem:s7], [sflag:s8] =	dma.local @!p0 [hbm:s6], $0xF7A  }
0x23: {  	s9 =	sor.u32 $0xD0000000, s2;
	s6 =	simm.s32 $0x108;
	_ =	swait.ge @!p0 [sflag:s8], $0x0  }
0x24: {  	s3 =	sadd.s32 $0x88, s3;
	s6 =	simm.s32 @!p1 $0x1082;
	[sflag:s4] =	ssyncset.s32 $0xFFFFF086  }
0x25: {  	[simem:s6], [sflag:s4] =	dma.local [hbm:s3], $0xF7A  }
0x26: {  	[smem:$0x3F9A] =	sst s1;
	(tag) =	ssettag s2;
	_ =	strace s9  }
0x27: {  	s1 =	sld [smem:$0x3FAA]  }
0x28: {  	s2 =	sld [smem:$0x3FAB]  }
0x29: {  	s4 =	sld [smem:$0x3FAD]  }
0x2a: {  	p0 =	seq.s32 s5, $0x0;
	s5 =	sld [smem:$0x3FAE]  }
0x2b: {  	s6 =	sld [smem:$0x3FAF]  }
0x2c: {  	s7 =	sld [smem:$0x3FB0]  }
0x2d: {  	s3 =	simm.s32 $0x108;
	s8 =	sld [smem:$0x3FB1]  }
0x2e: {  	s3 =	simm.s32 @!p0 $0x1082;
	s9 =	sld [smem:$0x3FB2]  }
0x2f: {  	lr =	sadd.s32 s0, s3;
	s0 =	sld [smem:$0x3FA9]  }
0x30: {  	s3 =	sld [smem:$0x3FAC]  }
0x31: {  	[smem:$0x3FB5] =	sst s10  }
0x32: {  	s10 =	sld [smem:$0x3FB3];
	_ =	sdelay $0x3  }
0x33: {  	p0 =	seq.s32 s10, $0x1;
	s10 =	sld [smem:$0x3FB5];
	_ =	sdelay $0x3  }
0x34: {  	[smem:$0x3FB5] =	sst s10  }
0x35: {  	s10 =	sld [smem:$0x3FB4];
	_ =	sdelay $0x3  }
0x36: {  	p1 =	seq.s32 s10, $0x1;
	s10 =	sld [smem:$0x3FB5];
	_ =	sdelay $0x3  }
0x37: {  	[smem:$0x3FB5] =	sst s10  }
0x38: {  	s10 =	sld [smem:$0x3FB6]  }
0x39: {  	_ = 	snop;
	(pc) =	sbr.ind lr, $3  }
0x3a: {  	_ = 	snop  }
0x3b: {  	_ = 	snop  }
0x3c: {  	p2 =	seq.s32 s10, $0x1;
	s10 =	sld [smem:$0x3FB5]  }
0x3d: {  	_ =	shalt  }
0x3e: {  	_ =	shalt  }
0x3f: {  	_ =	shalt  }
0x40: {  	_ =	shalt  }
0x41: {  	_ =	shalt  }
0x42: {  	_ =	shalt  }
0x43: {  	_ =	shalt  }
0x44: {  	_ =	shalt  }
0x45: {  	_ =	shalt  }
0x46: {  	_ =	shalt  }
0x47: {  	_ =	shalt  }
0x48: {  	_ =	shalt  }
0x49: {  	_ =	shalt  }
0x4a: {  	_ =	shalt  }
0x4b: {  	_ =	shalt  }
0x4c: {  	_ =	shalt  }
0x4d: {  	_ =	shalt  }
0x4e: {  	_ =	shalt  }
0x4f: {  	_ =	shalt  }
0x50: {  	_ =	shalt  }
0x51: {  	_ =	shalt  }
0x52: {  	_ =	shalt  }
0x53: {  	_ =	shalt  }
0x54: {  	_ =	shalt  }
0x55: {  	_ =	shalt  }
0x56: {  	_ =	shalt  }
0x57: {  	_ =	shalt  }
0x58: {  	_ =	shalt  }
0x59: {  	_ =	shalt  }
0x5a: {  	_ =	shalt  }
0x5b: {  	_ =	shalt  }
0x5c: {  	_ =	shalt  }
0x5d: {  	_ =	shalt  }
0x5e: {  	_ =	shalt  }
0x5f: {  	_ =	shalt  }
0x60: {  	_ =	shalt  }
0x61: {  	_ =	shalt  }
0x62: {  	_ =	shalt  }
0x63: {  	_ =	shalt  }
0x64: {  	_ =	shalt  }
0x65: {  	_ =	shalt  }
0x66: {  	_ =	shalt  }
0x67: {  	_ =	shalt  }
0x68: {  	_ =	shalt  }
0x69: {  	_ =	shalt  }
0x6a: {  	_ =	shalt  }
0x6b: {  	_ =	shalt  }
0x6c: {  	_ =	shalt  }
0x6d: {  	_ =	shalt  }
0x6e: {  	_ =	shalt  }
0x6f: {  	_ =	shalt  }
0x70: {  	_ =	shalt  }
0x71: {  	_ =	shalt  }
0x72: {  	_ =	shalt  }
0x73: {  	_ =	shalt  }
0x74: {  	_ =	shalt  }
0x75: {  	_ =	shalt  }
0x76: {  	_ =	shalt  }
0x77: {  	_ =	shalt  }
0x78: {  	_ =	shalt  }
0x79: {  	_ =	shalt  }
0x7a: {  	_ =	shalt  }
0x7b: {  	_ =	shalt  }
0x7c: {  	_ =	shalt  }
0x7d: {  	_ =	shalt  }
0x7e: {  	_ =	shalt  }
0x7f: {  	_ =	shalt  }
0x80: {  	_ =	shalt  }
0x81: {  	_ =	shalt  }
0x82: {  	_ =	shalt  }
0x83: {  	_ =	shalt  }
0x84: {  	_ =	shalt  }
0x85: {  	_ =	shalt  }
0x86: {  	_ =	shalt  }
0x87: {  	_ =	shalt  }
.Lfunc_end0:
.L_simem_size_0:
called_computation.1_lowered:
.L_overlay_start_0:
0x88: {  	s2 =	sld [smem:$0x3FD9]  }
0x89: {  	s3 =	sld [smem:$0x3FFE];
	_ =	sdelay $0x1  }
0x8a: {  	s1 =	srdreg.scid  }
0x8b: {  	s0 =	sand.u32 $0x1, s1  }
0x8c: {  	s17 =	sshll.u32 s0, $0xA;
	s2 =	sadd.s32 s3, s2  }
0x8d: {  	s2 =	sadd.s32 s2, s17  }
0x8e: {  	[smem:$0x3FC1] =	sst s2  }
0x8f: {  	_ = 	snop  }
0x90: {  	s2 =	sld [smem:$0x3FD0];
	(tm) =	ssettm $0x1  }
0x91: {  	s18 =	sld [smem:$0x3FFB];
	_ =	sdelay $0x3  }
0x92: {  	_ =	strace s18  }
0x93: {  	s3 =	sld [smem:$0x3FFC];
	_ =	sdelay $0x3  }
0x94: {  	_ =	strace s3  }
0x95: {  	s3 =	sld [smem:$0x3FFD];
	_ =	sdelay $0x3  }
0x96: {  	_ =	strace s3  }
0x97: {  	_ =	strace $0x8FFFFFFF  }
0x98: {  	s19 =	sld [smem:$0x3FDB];
	_ =	sdelay $0x1  }
0x99: {  	s4 =	simm.s32 $_scs_section_size  }
0x9a: {  	s5 =	simm.s32 $_size__tile_overlayer_lowered;
	s6 =	simm.s32 $_tile_overlayer_lowered  }
0x9b: {  	s22 =	simm.s32 $0x1BFF;
	s21 =	sshll.u32 s6, $0x1;
	s3 =	sadd.s32 s4, s19  }
0x9c: {  	s7 =	simm.s32 $0x0;
	s20 =	sshll.u32 s5, $0x1;
	s5 =	sadd.s32 s21, s3  }
0x9d: {  	[timem:s7], [sflag:s22] =	dma.local [hbm:s5], s20  }
0x9e: {  	_ =	swait.ge [sflag:s22], s20  }
0x9f: {  	s4 =	ssub.s32 $0x0, s20;
	[sflag:s22] =	ssyncset.done $0x0  }
0xa0: {  	[sflag:s22] =	ssyncadd.s32 s4;
	_ =	sdelay $0x1  }
0xa1: {  	s23 =	simm.s32 $0x1B8B  }
0xa2: {  	_ =	swait.ge [sflag:s23], $0x1  }
0xa3: {  	[sflag:s23] =	ssyncset.done $0x0  }
0xa4: {  	s25 =	simm.s32 $0x1B8E;
	s24 =	sld [smem:$0x3FFE];
	[sflag:s23] =	ssyncadd.s32 $0xFFFFFFFF  }
0xa5: {  	s26 =	simm.s32 $execute0_lowered;
	[smem:$0x3FD2] =	sst s25  }
0xa6: {  	s5 =	sshll.u32 s26, $0x1;
	_ =	strace $0x80000049;
	[dreg:$0x1] =	wrdreg $0xFFFFFFFF  }
0xa7: {  	s28 =	simm.s32 $_size_execute0_lowered;
	s3 =	sadd.s32 s3, s5;
	[dreg:$0x0] =	wrdreg $0x0  }
0xa8: {  	s5 =	sshll.u32 s28, $0x1;
	[dreg:$0x2] =	wrdreg s3  }
0xa9: {  	[dreg:$0x3] =	wrdreg s5  }
0xaa: {  	[dreg:$0x4] =	wrdreg $0xC0  }
0xab: {  	_ =	task [dreg:s7], $0x5FFFF  }
0xac: {  	[dreg:$0x1] =	wrdreg $0xFFFFFFFF  }
0xad: {  	[dreg:$0x0] =	wrdreg $0x60  }
0xae: {  	[dreg:$0x2] =	wrdreg s24  }
0xaf: {  	[dreg:$0x3] =	wrdreg s2  }
0xb0: {  	[dreg:$0x4] =	wrdreg $0x9  }
0xb1: {  	_ =	task.clear_ibuf [dreg:s7], $0x5FFFF;
	_ =	strace $0x90000049  }
0xb2: {  	s29 =	simm.s32 $0x9;
	_ =	strace $0x8000004B  }
0xb3: {  	_ =	swait.ge [sflag:s29], $0x1  }
0xb4: {  	[sflag:s29] =	ssyncadd.s32 $0xFFFFFFFF  }
0xb5: {  	_ =	strace $0x9000004B  }
0xb6: {  	_ =	sfence  }
0xb7: {  	s30 =	sld [smem:$0x0];
	_ =	sdelay $0x2  }
0xb8: {  	s31 =	sshll.u32 s1, $0xD;
	s1 =	sshrl.u32 s1, $0x2  }
0xb9: {  	s3 =	sand.u32 $0x4000, s31;
	s1 =	sadd.s32 s1, s30  }
0xba: {  	s0 =	sor.u32 s3, s0;
	s1 =	sshll.u32 s1, $0x11  }
0xbb: {  	s0 =	sor.u32 s1, s0  }
0xbc: {  	s0 =	sadd.s32 $0x8F2B, s0  }
0xbd: {  	[sflag:s0] =	ssyncadd.remote.s32 $0x1  }
0xbe: {  	_ =	sfence.sel $0xFFFF  }
0xbf: {  	[dreg:$0x0] =	wrdreg $0xFFFFFFFF;
	(pc) =	sbr.abs _section_cstart, $3  }
0xc0: {  	[dreg:$0x1] =	wrdreg $0xFFFFFFFF  }
0xc1: {  	_ =	task.clear_ibuf [dreg:s7], $0x2FFFF;
	_ =	strace $0x9FFFFFFF  }
0xc2: {  	(tm) =	ssettm $0x7FFFFFFF  }
0xc3: {  	_ =	shalt  }
tec
execute0_lowered:
.L_overlay_start_1:
0x0: {  	(tag) =	ssettag $0x1  }
0x1: {  	s0 =	srdreg.scid;
	s2 =	stileid.u32  }
0x2: {  	s0 =	sand.u32 $0x1, s0;
	s2 =	sshll.u32 s2, $0x1  }
0x3: {  	s1 =	rddreg [dreg:$0x0];
	s2 =	sor.u32 s0, s2  }
0x4: {  	s3 =	rddreg [dreg:$0x1];
	s0 =	ssub.s32 $0x2, s0;
	s4 =	smul.u32 $0x180, s2  }
0x5: {  	s28 =	simm.s32 $0x0;
	s2 =	smul.u32 $0x30, s2;
	s5 =	sshrl.u32 s0, $0x1  }
0x6: {  	[smem:$0x7FF] =	sst s28;
	s0 =	ssub.s32 s0, s5  }
0x7: {  	s4 =	sadd.s32 s4, s1;
	s1 =	sadd.s32 s2, s1;
	s2 =	sadd.s32 s3, s2  }
0x8: {  	_ =	strace $0x8000004A;
	s0 =	smax.u32 s0, $0x1;
	[smem:$0x7FB] =	sst s2  }
0x9: {  	s29 =	simm.s32 $0x3000;
	s4 =	sadd.s32 $0x16C00, s4;
	[smem:$0x7FD] =	sst s0  }
0xa: {  	s30 =	simm.s32 $0x3180;
	s1 =	sadd.s32 $0x22C00, s1;
	[smem:$0x7FA] =	sst s4  }
0xb: {  	s3 =	simm.s32 $0x1;
	[smem:$0x7FC] =	sst s1;
	s1 =	simm.s32 $0x0  }
.LBB2_1:
0xc: {  	s0 =	sld [smem:$0x7FA];
	_ =	sdelay $0x1  }
0xd: {  	[smem:$0x7F9] =	sst s1;
	s24 =	simm.s32 $0xC00;
	s2 =	simm.s32 $0x18000  }
0xe: {  	[tilespmem:s28], [sflag:$0x1] =	stream.strided.gather [hbm4b:s0+s24], $0x3000, s2, s24, $0x38;
	[tilespmem:$0x3300] =	vst v63  }
0xf: {  	_ =	swait.ge [sflag:s3], $0x3000  }
0x10: {  	s2 =	sand.u32 $0x60, s28;
	s0 =	sand.u32 $0xC00, s28;
	[sflag:s3] =	ssyncset.done $0x0  }
0x11: {  	s25 =	sor.u32 s2, s0;
	[sflag:s3] =	ssyncadd.s32 $0xFFFFD000  }
0x12: {  	v0 =	vld [tilespmem:s25+$0x0]  }
0x13: {  	v1 =	vld [tilespmem:s25+$0x80];
	_ =	sdelay $0x1  }
0x14: {  	v2 =	vld [tilespmem:s25+$0x100];
	_ =	sdelay $0x1  }
0x15: {  	v3 =	vld [tilespmem:s25+$0x180]  }
0x16: {  	v0 =	vadd.f32 v1, v0  }
0x17: {  	v1 =	vld [tilespmem:s25+$0x200]  }
0x18: {  	v0 =	vadd.f32 v2, v0  }
0x19: {  	v2 =	vld [tilespmem:s25+$0x280]  }
0x1a: {  	v0 =	vadd.f32 v3, v0  }
0x1b: {  	v3 =	vld [tilespmem:s25+$0x300]  }
0x1c: {  	v0 =	vadd.f32 v1, v0  }
0x1d: {  	s1 =	sadd.s32 $0xC00, s0;
	v1 =	vld [tilespmem:s25+$0x380]  }
0x1e: {  	s4 =	sor.u32 s2, s1;
	v0 =	vadd.f32 v2, v0  }
0x1f: {  	s3 =	sadd.s32 $0xC80, s0;
	v2 =	vld [tilespmem:s4+$0x0]  }
0x20: {  	s5 =	sor.u32 s2, s3;
	v0 =	vadd.f32 v3, v0  }
0x21: {  	s4 =	sadd.s32 $0xD00, s0;
	v3 =	vld [tilespmem:s5+$0x0]  }
0x22: {  	s6 =	sor.u32 s2, s4;
	v0 =	vadd.f32 v1, v0  }
0x23: {  	s5 =	sadd.s32 $0xD80, s0;
	v1 =	vld [tilespmem:s6+$0x0]  }
0x24: {  	s7 =	sor.u32 s2, s5;
	v0 =	vadd.f32 v2, v0  }
0x25: {  	s6 =	sadd.s32 $0xE00, s0;
	v2 =	vld [tilespmem:s7+$0x0]  }
0x26: {  	s8 =	sor.u32 s2, s6;
	v0 =	vadd.f32 v3, v0  }
0x27: {  	s7 =	sadd.s32 $0xE80, s0;
	v3 =	vld [tilespmem:s8+$0x0]  }
0x28: {  	s9 =	sor.u32 s2, s7;
	v0 =	vadd.f32 v1, v0  }
0x29: {  	s8 =	sadd.s32 $0xF00, s0;
	v1 =	vld [tilespmem:s9+$0x0]  }
0x2a: {  	s10 =	sor.u32 s2, s8;
	v0 =	vadd.f32 v2, v0  }
0x2b: {  	s9 =	sadd.s32 $0xF80, s0;
	v2 =	vld [tilespmem:s10+$0x0]  }
0x2c: {  	s11 =	sor.u32 s2, s9;
	v0 =	vadd.f32 v3, v0  }
0x2d: {  	s10 =	sadd.s32 $0x1800, s0;
	v3 =	vld [tilespmem:s11+$0x0]  }
0x2e: {  	s12 =	sor.u32 s2, s10;
	v0 =	vadd.f32 v1, v0  }
0x2f: {  	s11 =	sadd.s32 $0x1880, s0;
	v1 =	vld [tilespmem:s12+$0x0]  }
0x30: {  	s13 =	sor.u32 s2, s11;
	v0 =	vadd.f32 v2, v0  }
0x31: {  	s12 =	sadd.s32 $0x1900, s0;
	v2 =	vld [tilespmem:s13+$0x0]  }
0x32: {  	s14 =	sor.u32 s2, s12;
	v0 =	vadd.f32 v3, v0  }
0x33: {  	s13 =	sadd.s32 $0x1980, s0;
	v3 =	vld [tilespmem:s14+$0x0]  }
0x34: {  	s15 =	sor.u32 s2, s13;
	v0 =	vadd.f32 v1, v0  }
0x35: {  	s14 =	sadd.s32 $0x1A00, s0;
	v1 =	vld [tilespmem:s15+$0x0]  }
0x36: {  	s16 =	sor.u32 s2, s14;
	v0 =	vadd.f32 v2, v0  }
0x37: {  	s15 =	sadd.s32 $0x1A80, s0;
	v2 =	vld [tilespmem:s16+$0x0]  }
0x38: {  	s17 =	sor.u32 s2, s15;
	v0 =	vadd.f32 v3, v0  }
0x39: {  	s16 =	sadd.s32 $0x1B00, s0;
	v3 =	vld [tilespmem:s17+$0x0]  }
0x3a: {  	s18 =	sor.u32 s2, s16;
	v0 =	vadd.f32 v1, v0  }
0x3b: {  	s17 =	sadd.s32 $0x1B80, s0;
	v1 =	vld [tilespmem:s18+$0x0]  }
0x3c: {  	s19 =	sor.u32 s2, s17;
	v0 =	vadd.f32 v2, v0  }
0x3d: {  	s18 =	sadd.s32 $0x2400, s0;
	v2 =	vld [tilespmem:s19+$0x0]  }
0x3e: {  	s20 =	sor.u32 s2, s18;
	v0 =	vadd.f32 v3, v0  }
0x3f: {  	s19 =	sadd.s32 $0x2480, s0;
	v3 =	vld [tilespmem:s20+$0x0]  }
0x40: {  	s21 =	sor.u32 s2, s19;
	v0 =	vadd.f32 v1, v0  }
0x41: {  	s20 =	sadd.s32 $0x2500, s0;
	v1 =	vld [tilespmem:s21+$0x0]  }
0x42: {  	s22 =	sor.u32 s2, s20;
	v0 =	vadd.f32 v2, v0  }
0x43: {  	s21 =	sadd.s32 $0x2580, s0;
	v2 =	vld [tilespmem:s22+$0x0]  }
0x44: {  	s23 =	sor.u32 s2, s21;
	v0 =	vadd.f32 v3, v0  }
0x45: {  	s22 =	sadd.s32 $0x2600, s0;
	v3 =	vld [tilespmem:s23+$0x0]  }
0x46: {  	s24 =	sor.u32 s2, s22;
	v0 =	vadd.f32 v1, v0  }
0x47: {  	s23 =	sadd.s32 $0x2680, s0;
	v1 =	vld [tilespmem:s24+$0x0]  }
0x48: {  	s25 =	sor.u32 s2, s23;
	v0 =	vadd.f32 v2, v0  }
0x49: {  	s24 =	sadd.s32 $0x2700, s0;
	v2 =	vld [tilespmem:s25+$0x0]  }
0x4a: {  	s26 =	sor.u32 s2, s24;
	v0 =	vadd.f32 v3, v0  }
0x4b: {  	s31 =	sadd.s32 $0x2780, s0;
	v3 =	vld [tilespmem:s26+$0x0]  }
0x4c: {  	s26 =	sor.u32 s2, s31;
	v0 =	vadd.f32 v1, v0  }
0x4d: {  	v1 =	vld [tilespmem:s26+$0x0]  }
0x4e: {  	v0 =	vadd.f32 v2, v0;
	_ =	sdelay $0x1  }
0x4f: {  	v0 =	vadd.f32 v3, v0;
	_ =	sdelay $0x1  }
0x50: {  	v0 =	vadd.f32 v1, v0;
	_ =	sdelay $0x1  }
0x51: {  	v0 =	vadd.f32 $1.000000000e+00, v0;
	_ =	sdelay $0x1  }
0x52: {  	v1 =	vshra.s32 v0, $0x1;
	v0 =	vmul.f32 $5.000000000e-01, v0  }
0x53: {  	v1 =	vsub.s32 $0x5F3759DF, v1  }
0x54: {  	v2 =	vmul.f32 v1, v0;
	_ =	sdelay $0x1  }
0x55: {  	v2 =	vmul.f32 v1, v2;
	_ =	sdelay $0x1  }
0x56: {  	v2 =	vsub.f32 $1.500000000e+00, v2;
	_ =	sdelay $0x1  }
0x57: {  	v1 =	vmul.f32 v1, v2;
	_ =	sdelay $0x1  }
0x58: {  	v2 =	vmul.f32 v1, v0;
	_ =	sdelay $0x1  }
0x59: {  	v2 =	vmul.f32 v2, v1;
	_ =	sdelay $0x1  }
0x5a: {  	v2 =	vsub.f32 $1.500000000e+00, v2;
	_ =	sdelay $0x1  }
0x5b: {  	v1 =	vmul.f32 v2, v1;
	_ =	sdelay $0x1  }
0x5c: {  	v0 =	vmul.f32 v1, v0;
	_ =	sdelay $0x1  }
0x5d: {  	v0 =	vmul.f32 v0, v1;
	_ =	sdelay $0x1  }
0x5e: {  	v0 =	vsub.f32 $1.500000000e+00, v0;
	_ =	sdelay $0x1  }
0x5f: {  	v0 =	vmul.f32 v0, v1;
	_ =	sdelay $0x1  }
0x60: {  	v1 =	vmul.f32 v0, v0  }
0x61: {  	s2 =	sor.u32 $0x10, s2;
	[tilespmem:s29+$0x0] =	vst v0  }
0x62: {  	s0 =	sor.u32 s2, s0;
	[tilespmem:s30+$0x0] =	vst v1  }
0x63: {  	v0 =	vld [tilespmem:s0+$0x0]  }
0x64: {  	v1 =	vld [tilespmem:s0+$0x80];
	_ =	sdelay $0x1  }
0x65: {  	v2 =	vld [tilespmem:s0+$0x100];
	_ =	sdelay $0x1  }
0x66: {  	v3 =	vld [tilespmem:s0+$0x180]  }
0x67: {  	v0 =	vadd.f32 v1, v0  }
0x68: {  	v1 =	vld [tilespmem:s0+$0x200]  }
0x69: {  	v0 =	vadd.f32 v2, v0  }
0x6a: {  	v2 =	vld [tilespmem:s0+$0x280]  }
0x6b: {  	v0 =	vadd.f32 v3, v0  }
0x6c: {  	v3 =	vld [tilespmem:s0+$0x300]  }
0x6d: {  	v0 =	vadd.f32 v1, v0  }
0x6e: {  	v1 =	vld [tilespmem:s0+$0x380]  }
0x6f: {  	s1 =	sor.u32 s2, s1;
	v0 =	vadd.f32 v2, v0  }
0x70: {  	v2 =	vld [tilespmem:s1+$0x0]  }
0x71: {  	s3 =	sor.u32 s2, s3;
	v0 =	vadd.f32 v3, v0  }
0x72: {  	v3 =	vld [tilespmem:s3+$0x0]  }
0x73: {  	s4 =	sor.u32 s2, s4;
	v0 =	vadd.f32 v1, v0  }
0x74: {  	v1 =	vld [tilespmem:s4+$0x0]  }
0x75: {  	s5 =	sor.u32 s2, s5;
	v0 =	vadd.f32 v2, v0  }
0x76: {  	v2 =	vld [tilespmem:s5+$0x0]  }
0x77: {  	s6 =	sor.u32 s2, s6;
	v0 =	vadd.f32 v3, v0  }
0x78: {  	v3 =	vld [tilespmem:s6+$0x0]  }
0x79: {  	s7 =	sor.u32 s2, s7;
	v0 =	vadd.f32 v1, v0  }
0x7a: {  	v1 =	vld [tilespmem:s7+$0x0]  }
0x7b: {  	s8 =	sor.u32 s2, s8;
	v0 =	vadd.f32 v2, v0  }
0x7c: {  	v2 =	vld [tilespmem:s8+$0x0]  }
0x7d: {  	s9 =	sor.u32 s2, s9;
	v0 =	vadd.f32 v3, v0  }
0x7e: {  	v3 =	vld [tilespmem:s9+$0x0]  }
0x7f: {  	s10 =	sor.u32 s2, s10;
	v0 =	vadd.f32 v1, v0  }
0x80: {  	v1 =	vld [tilespmem:s10+$0x0]  }
0x81: {  	s11 =	sor.u32 s2, s11;
	v0 =	vadd.f32 v2, v0  }
0x82: {  	v2 =	vld [tilespmem:s11+$0x0]  }
0x83: {  	s12 =	sor.u32 s2, s12;
	v0 =	vadd.f32 v3, v0  }
0x84: {  	v3 =	vld [tilespmem:s12+$0x0]  }
0x85: {  	s13 =	sor.u32 s2, s13;
	v0 =	vadd.f32 v1, v0  }
0x86: {  	v1 =	vld [tilespmem:s13+$0x0]  }
0x87: {  	s14 =	sor.u32 s2, s14;
	v0 =	vadd.f32 v2, v0  }
0x88: {  	v2 =	vld [tilespmem:s14+$0x0]  }
0x89: {  	s15 =	sor.u32 s2, s15;
	v0 =	vadd.f32 v3, v0  }
0x8a: {  	v3 =	vld [tilespmem:s15+$0x0]  }
0x8b: {  	s16 =	sor.u32 s2, s16;
	v0 =	vadd.f32 v1, v0  }
0x8c: {  	v1 =	vld [tilespmem:s16+$0x0]  }
0x8d: {  	s17 =	sor.u32 s2, s17;
	v0 =	vadd.f32 v2, v0  }
0x8e: {  	v2 =	vld [tilespmem:s17+$0x0]  }
0x8f: {  	s18 =	sor.u32 s2, s18;
	v0 =	vadd.f32 v3, v0  }
0x90: {  	v3 =	vld [tilespmem:s18+$0x0]  }
0x91: {  	s19 =	sor.u32 s2, s19;
	v0 =	vadd.f32 v1, v0  }
0x92: {  	v1 =	vld [tilespmem:s19+$0x0]  }
0x93: {  	s20 =	sor.u32 s2, s20;
	v0 =	vadd.f32 v2, v0  }
0x94: {  	v2 =	vld [tilespmem:s20+$0x0]  }
0x95: {  	s21 =	sor.u32 s2, s21;
	v0 =	vadd.f32 v3, v0  }
0x96: {  	v3 =	vld [tilespmem:s21+$0x0]  }
0x97: {  	s22 =	sor.u32 s2, s22;
	v0 =	vadd.f32 v1, v0  }
0x98: {  	v1 =	vld [tilespmem:s22+$0x0]  }
0x99: {  	s23 =	sor.u32 s2, s23;
	v0 =	vadd.f32 v2, v0  }
0x9a: {  	v2 =	vld [tilespmem:s23+$0x0]  }
0x9b: {  	s24 =	sor.u32 s2, s24;
	v0 =	vadd.f32 v3, v0  }
0x9c: {  	v3 =	vld [tilespmem:s24+$0x0]  }
0x9d: {  	s26 =	sor.u32 s2, s31;
	v0 =	vadd.f32 v1, v0  }
0x9e: {  	v1 =	vld [tilespmem:s26+$0x0]  }
0x9f: {  	v0 =	vadd.f32 v2, v0;
	_ =	sdelay $0x1  }
0xa0: {  	v0 =	vadd.f32 v3, v0;
	_ =	sdelay $0x1  }
0xa1: {  	v0 =	vadd.f32 v1, v0;
	_ =	sdelay $0x1  }
0xa2: {  	v0 =	vadd.f32 $1.000000000e+00, v0;
	_ =	sdelay $0x1  }
0xa3: {  	v1 =	vshra.s32 v0, $0x1;
	v0 =	vmul.f32 $5.000000000e-01, v0  }
0xa4: {  	v1 =	vsub.s32 $0x5F3759DF, v1  }
0xa5: {  	v2 =	vmul.f32 v1, v0;
	_ =	sdelay $0x1  }
0xa6: {  	v2 =	vmul.f32 v1, v2;
	_ =	sdelay $0x1  }
0xa7: {  	v2 =	vsub.f32 $1.500000000e+00, v2;
	_ =	sdelay $0x1  }
0xa8: {  	v1 =	vmul.f32 v1, v2;
	_ =	sdelay $0x1  }
0xa9: {  	v2 =	vmul.f32 v1, v0;
	_ =	sdelay $0x1  }
0xaa: {  	v2 =	vmul.f32 v2, v1;
	_ =	sdelay $0x1  }
0xab: {  	v2 =	vsub.f32 $1.500000000e+00, v2;
	_ =	sdelay $0x1  }
0xac: {  	v1 =	vmul.f32 v2, v1;
	_ =	sdelay $0x1  }
0xad: {  	v0 =	vmul.f32 v1, v0;
	_ =	sdelay $0x1  }
0xae: {  	v0 =	vmul.f32 v0, v1  }
0xaf: {  	s31 =	simm.s32 $0x0  }
0xb0: {  	[dreg:$0x3] =	wrdreg s31;
	s29 =	sand.u32 $0x180, s28;
	s30 =	simm.s32 $0x0;
	v0 =	vsub.f32 $1.500000000e+00, v0  }
0xb1: {  	[dreg:$0xd] =	wrdreg s30;
	s1 =	sor.u32 s29, s2  }
0xb2: {  	s2 =	simm.s32 $0x0;
	s6 =	simm.s32 $0x31A0;
	s13 =	simm.s32 $0x3020;
	v0 =	vmul.f32 v0, v1  }
.LBB2_2:
0xb3: {  	s3 =	rddreg [dreg:$0xd]  }
0xb4: {  	s2 =	sadd.s32 $0x100, s2;
	s5 =	rddreg [dreg:$0x3];
	s3 =	sadd.s32 $0x2, s3  }
0xb5: {  	s5 =	sadd.s32 $0x20, s5;
	s19 =	sand.u32 $0xC00, s2;
	[dreg:$0xd] =	wrdreg s3  }
0xb6: {  	s0 =	sand.u32 $0x60, s5;
	p0 =	slt.u32 s3, $0x16;
	s12 =	sadd.s32 $0xC00, s19  }
0xb7: {  	s4 =	sadd.s32 $0xC80, s19;
	s3 =	sadd.s32 $0xD00, s19;
	s25 =	sor.u32 s0, s12  }
0xb8: {  	s18 =	sadd.s32 $0xD80, s19;
	s26 =	sor.u32 s0, s4;
	[smem:$0x7F5] =	sst s25  }
0xb9: {  	s23 =	sadd.s32 $0xE00, s19;
	s29 =	sor.u32 s0, s3;
	[smem:$0x7F6] =	sst s26  }
0xba: {  	s24 =	sadd.s32 $0xE80, s19;
	s30 =	sor.u32 s0, s18;
	[smem:$0x7F7] =	sst s29  }
0xbb: {  	s21 =	sadd.s32 $0x1980, s19;
	s31 =	sor.u32 s0, s23;
	[smem:$0x7F8] =	sst s30  }
0xbc: {  	s22 =	sadd.s32 $0x1A00, s19;
	s7 =	sor.u32 s0, s24;
	[dreg:$0x1f] =	wrdreg s31  }
0xbd: {  	s28 =	sor.u32 s0, s19;
	s15 =	sor.u32 s0, s21;
	[dreg:$0x1d] =	wrdreg s7  }
0xbe: {  	[tilespmem:s1+$0x3000] =	vst v0;
	v0 =	vmul.f32 v0, v0;
	s16 =	sor.u32 s0, s22;
	s25 =	sadd.s32 $0xF00, s19;
	[dreg:$0x18] =	wrdreg s15  }
0xbf: {  	s26 =	sadd.s32 $0xF80, s19;
	[dreg:$0x19] =	wrdreg s16;
	s8 =	sor.u32 s0, s25  }
0xc0: {  	[tilespmem:s1+$0x3180] =	vst v0;
	s29 =	sadd.s32 $0x1800, s19;
	s9 =	sor.u32 s0, s26;
	[dreg:$0x1e] =	wrdreg s8  }
0xc1: {  	v0 =	vld [tilespmem:s28+$0x0];
	s30 =	sadd.s32 $0x1880, s19;
	s10 =	sor.u32 s0, s29;
	[dreg:$0x1b] =	wrdreg s9  }
0xc2: {  	v1 =	vld [tilespmem:s28+$0x80];
	s31 =	sadd.s32 $0x1900, s19;
	s11 =	sor.u32 s0, s30;
	[dreg:$0x1a] =	wrdreg s10  }
0xc3: {  	s15 =	sadd.s32 $0x1B00, s19;
	s14 =	sor.u32 s0, s31;
	[dreg:$0x1c] =	wrdreg s11  }
0xc4: {  	v2 =	vld [tilespmem:s28+$0x100];
	s16 =	sadd.s32 $0x2400, s19;
	s20 =	sor.u32 s0, s15;
	[dreg:$0x17] =	wrdreg s14  }
0xc5: {  	s14 =	sadd.s32 $0x1A80, s19;
	[dreg:$0x15] =	wrdreg s20;
	s8 =	sor.u32 s0, s16  }
0xc6: {  	v3 =	vld [tilespmem:s28+$0x180];
	s20 =	sadd.s32 $0x1B80, s19;
	s17 =	sor.u32 s0, s14;
	[dreg:$0x11] =	wrdreg s8  }
0xc7: {  	s10 =	sadd.s32 $0x2580, s19;
	s7 =	sor.u32 s0, s20;
	[dreg:$0x14] =	wrdreg s17;
	v0 =	vadd.f32 v1, v0  }
0xc8: {  	s1 =	sadd.s32 $0x2480, s19;
	s11 =	sor.u32 s0, s10;
	[dreg:$0x16] =	wrdreg s7;
	v1 =	vld [tilespmem:s28+$0x200]  }
0xc9: {  	s7 =	sor.u32 s0, s1;
	[dreg:$0xe] =	wrdreg s11;
	s11 =	sadd.s32 $0x2600, s19;
	v0 =	vadd.f32 v2, v0  }
0xca: {  	s17 =	sadd.s32 $0x2500, s19;
	[dreg:$0x12] =	wrdreg s7;
	s8 =	sor.u32 s0, s11  }
0xcb: {  	s9 =	sor.u32 s0, s17;
	[dreg:$0xf] =	wrdreg s8;
	s8 =	sadd.s32 $0x2680, s19;
	v2 =	vld [tilespmem:s28+$0x280];
	v0 =	vadd.f32 v3, v0  }
0xcc: {  	s7 =	sadd.s32 $0x2700, s19;
	[dreg:$0x13] =	wrdreg s9;
	s9 =	sor.u32 s0, s8;
	v3 =	vld [tilespmem:s28+$0x300]  }
0xcd: {  	[dreg:$0x10] =	wrdreg s9;
	s9 =	sor.u32 s0, s7;
	v0 =	vadd.f32 v1, v0;
	v1 =	vld [tilespmem:s28+$0x380];
	s28 =	sadd.s32 $0x2780, s19  }
0xce: {  	[dreg:$0xb] =	wrdreg s9;
	s9 =	sor.u32 s0, s28  }
0xcf: {  	[dreg:$0xc] =	wrdreg s9  }
0xd0: {  	s9 =	sld [smem:$0x7F5];
	_ =	sdelay $0x1  }
0xd1: {  	s0 =	sor.u32 $0x10, s0  }
0xd2: {  	v0 =	vadd.f32 v2, v0;
	v2 =	vld [tilespmem:s9+$0x0];
	s9 =	sor.u32 s0, s18  }
0xd3: {  	s18 =	sor.u32 s0, s23;
	s23 =	sor.u32 s0, s24;
	s24 =	sld [smem:$0x7F6]  }
0xd4: {  	[dreg:$0x8] =	wrdreg s9  }
0xd5: {  	v0 =	vadd.f32 v3, v0;
	s9 =	sld [smem:$0x7F7]  }
0xd6: {  	[dreg:$0x6] =	wrdreg s23;
	v3 =	vld [tilespmem:s24+$0x0]  }
0xd7: {  	v0 =	vadd.f32 v1, v0;
	s23 =	sor.u32 s0, s22;
	s22 =	sor.u32 s0, s14;
	s14 =	sld [smem:$0x7F8]  }
0xd8: {  	v1 =	vld [tilespmem:s9+$0x0]  }
0xd9: {  	[dreg:$0x3] =	wrdreg s5;
	v0 =	vadd.f32 v2, v0  }
0xda: {  	[dreg:$0x7] =	wrdreg s18;
	v2 =	vld [tilespmem:s14+$0x0]  }
0xdb: {  	s3 =	sor.u32 s0, s3;
	s18 =	sor.u32 s0, s20;
	s20 =	rddreg [dreg:$0x1f];
	v0 =	vadd.f32 v3, v0  }
0xdc: {  	[dreg:$0x9] =	wrdreg s3;
	v3 =	vld [tilespmem:s20+$0x0]  }
0xdd: {  	s4 =	sor.u32 s0, s4;
	s3 =	sor.u32 s0, s28;
	s28 =	rddreg [dreg:$0x1d];
	v0 =	vadd.f32 v1, v0  }
0xde: {  	s25 =	sor.u32 s0, s25;
	[dreg:$0xa] =	wrdreg s4;
	v1 =	vld [tilespmem:s28+$0x0]  }
0xdf: {  	s4 =	sor.u32 s0, s26;
	s26 =	sor.u32 s0, s30;
	s30 =	rddreg [dreg:$0x1e];
	v0 =	vadd.f32 v2, v0  }
0xe0: {  	[dreg:$0x5] =	wrdreg s25;
	v2 =	vld [tilespmem:s30+$0x0]  }
0xe1: {  	s25 =	sor.u32 s0, s31;
	s31 =	rddreg [dreg:$0x1b];
	v0 =	vadd.f32 v3, v0  }
0xe2: {  	s5 =	sand.u32 $0x180, s5;
	s24 =	sor.u32 s0, s21;
	s21 =	sor.u32 s0, s15;
	v3 =	vld [tilespmem:s31+$0x0]  }
0xe3: {  	s15 =	sor.u32 s0, s1;
	s1 =	sor.u32 s5, s0;
	s5 =	rddreg [dreg:$0x1a];
	v0 =	vadd.f32 v1, v0  }
0xe4: {  	v1 =	vld [tilespmem:s5+$0x0]  }
0xe5: {  	s9 =	sor.u32 s0, s11;
	s11 =	rddreg [dreg:$0x1c];
	v0 =	vadd.f32 v2, v0  }
0xe6: {  	v2 =	vld [tilespmem:s11+$0x0]  }
0xe7: {  	s14 =	sor.u32 s0, s17;
	s17 =	rddreg [dreg:$0x17];
	v0 =	vadd.f32 v3, v0  }
0xe8: {  	v3 =	vld [tilespmem:s17+$0x0]  }
0xe9: {  	s20 =	rddreg [dreg:$0x18];
	v0 =	vadd.f32 v1, v0  }
0xea: {  	v1 =	vld [tilespmem:s20+$0x0]  }
0xeb: {  	s28 =	rddreg [dreg:$0x19];
	v0 =	vadd.f32 v2, v0  }
0xec: {  	v2 =	vld [tilespmem:s28+$0x0]  }
0xed: {  	s30 =	rddreg [dreg:$0x14];
	v0 =	vadd.f32 v3, v0  }
0xee: {  	v3 =	vld [tilespmem:s30+$0x0]  }
0xef: {  	s31 =	rddreg [dreg:$0x15];
	v0 =	vadd.f32 v1, v0  }
0xf0: {  	v1 =	vld [tilespmem:s31+$0x0]  }
0xf1: {  	s5 =	rddreg [dreg:$0x16];
	v0 =	vadd.f32 v2, v0  }
0xf2: {  	v2 =	vld [tilespmem:s5+$0x0]  }
0xf3: {  	s11 =	rddreg [dreg:$0x11];
	v0 =	vadd.f32 v3, v0  }
0xf4: {  	v3 =	vld [tilespmem:s11+$0x0]  }
0xf5: {  	s17 =	rddreg [dreg:$0x12];
	v0 =	vadd.f32 v1, v0  }
0xf6: {  	v1 =	vld [tilespmem:s17+$0x0]  }
0xf7: {  	s20 =	rddreg [dreg:$0x13];
	v0 =	vadd.f32 v2, v0  }
0xf8: {  	v2 =	vld [tilespmem:s20+$0x0]  }
0xf9: {  	s28 =	rddreg [dreg:$0xe];
	v0 =	vadd.f32 v3, v0  }
0xfa: {  	v3 =	vld [tilespmem:s28+$0x0]  }
0xfb: {  	s30 =	rddreg [dreg:$0xf];
	v0 =	vadd.f32 v1, v0  }
0xfc: {  	v1 =	vld [tilespmem:s30+$0x0]  }
0xfd: {  	s31 =	rddreg [dreg:$0x10];
	v0 =	vadd.f32 v2, v0  }
0xfe: {  	[dreg:$0x4] =	wrdreg s4;
	v2 =	vld [tilespmem:s31+$0x0]  }
0xff: {  	s4 =	rddreg [dreg:$0xb];
	v0 =	vadd.f32 v3, v0  }
0x100: {  	v3 =	vld [tilespmem:s4+$0x0]  }
0x101: {  	s11 =	rddreg [dreg:$0xc];
	v0 =	vadd.f32 v1, v0  }
0x102: {  	v1 =	vld [tilespmem:s11+$0x0]  }
0x103: {  	v0 =	vadd.f32 v2, v0;
	_ =	sdelay $0x1  }
0x104: {  	v0 =	vadd.f32 v3, v0;
	_ =	sdelay $0x1  }
0x105: {  	v0 =	vadd.f32 v1, v0;
	_ =	sdelay $0x1  }
0x106: {  	v0 =	vadd.f32 $1.000000000e+00, v0;
	_ =	sdelay $0x1  }
0x107: {  	v1 =	vshra.s32 v0, $0x1;
	v0 =	vmul.f32 $5.000000000e-01, v0  }
0x108: {  	v1 =	vsub.s32 $0x5F3759DF, v1  }
0x109: {  	v2 =	vmul.f32 v1, v0;
	_ =	sdelay $0x1  }
0x10a: {  	v2 =	vmul.f32 v1, v2;
	_ =	sdelay $0x1  }
0x10b: {  	v2 =	vsub.f32 $1.500000000e+00, v2;
	_ =	sdelay $0x1  }
0x10c: {  	v1 =	vmul.f32 v1, v2;
	_ =	sdelay $0x1  }
0x10d: {  	v2 =	vmul.f32 v1, v0;
	_ =	sdelay $0x1  }
0x10e: {  	v2 =	vmul.f32 v2, v1;
	_ =	sdelay $0x1  }
0x10f: {  	v2 =	vsub.f32 $1.500000000e+00, v2;
	_ =	sdelay $0x1  }
0x110: {  	v1 =	vmul.f32 v2, v1;
	_ =	sdelay $0x1  }
0x111: {  	v0 =	vmul.f32 v1, v0;
	_ =	sdelay $0x1  }
0x112: {  	v0 =	vmul.f32 v0, v1;
	_ =	sdelay $0x1  }
0x113: {  	v0 =	vsub.f32 $1.500000000e+00, v0;
	_ =	sdelay $0x1  }
0x114: {  	v0 =	vmul.f32 v0, v1;
	_ =	sdelay $0x1  }
0x115: {  	s12 =	sor.u32 s0, s12;
	v1 =	vmul.f32 v0, v0  }
0x116: {  	s29 =	sor.u32 s0, s29;
	s16 =	sor.u32 s0, s16;
	s10 =	sor.u32 s0, s10;
	[tilespmem:s13+$0x0] =	vst v0  }
0x117: {  	s8 =	sor.u32 s0, s8;
	s7 =	sor.u32 s0, s7;
	s0 =	sor.u32 s0, s19;
	[tilespmem:s6+$0x0] =	vst v1  }
0x118: {  	v0 =	vld [tilespmem:s0+$0x0]  }
0x119: {  	v1 =	vld [tilespmem:s0+$0x80];
	_ =	sdelay $0x1  }
0x11a: {  	v2 =	vld [tilespmem:s0+$0x100];
	_ =	sdelay $0x1  }
0x11b: {  	v3 =	vld [tilespmem:s0+$0x180]  }
0x11c: {  	v0 =	vadd.f32 v1, v0  }
0x11d: {  	v1 =	vld [tilespmem:s0+$0x200]  }
0x11e: {  	v0 =	vadd.f32 v2, v0  }
0x11f: {  	v2 =	vld [tilespmem:s0+$0x280]  }
0x120: {  	v0 =	vadd.f32 v3, v0  }
0x121: {  	v3 =	vld [tilespmem:s0+$0x300]  }
0x122: {  	v0 =	vadd.f32 v1, v0  }
0x123: {  	v1 =	vld [tilespmem:s0+$0x380]  }
0x124: {  	v0 =	vadd.f32 v2, v0  }
0x125: {  	v2 =	vld [tilespmem:s12+$0x0]  }
0x126: {  	s12 =	rddreg [dreg:$0xa];
	v0 =	vadd.f32 v3, v0  }
0x127: {  	v3 =	vld [tilespmem:s12+$0x0]  }
0x128: {  	s17 =	rddreg [dreg:$0x9];
	v0 =	vadd.f32 v1, v0  }
0x129: {  	v1 =	vld [tilespmem:s17+$0x0]  }
0x12a: {  	s19 =	rddreg [dreg:$0x8];
	v0 =	vadd.f32 v2, v0  }
0x12b: {  	v2 =	vld [tilespmem:s19+$0x0]  }
0x12c: {  	s20 =	rddreg [dreg:$0x7];
	v0 =	vadd.f32 v3, v0  }
0x12d: {  	v3 =	vld [tilespmem:s20+$0x0]  }
0x12e: {  	s28 =	rddreg [dreg:$0x6];
	v0 =	vadd.f32 v1, v0  }
0x12f: {  	v1 =	vld [tilespmem:s28+$0x0]  }
0x130: {  	s30 =	rddreg [dreg:$0x5];
	v0 =	vadd.f32 v2, v0  }
0x131: {  	v2 =	vld [tilespmem:s30+$0x0]  }
0x132: {  	s31 =	rddreg [dreg:$0x4];
	v0 =	vadd.f32 v3, v0  }
0x133: {  	v3 =	vld [tilespmem:s31+$0x0]  }
0x134: {  	v0 =	vadd.f32 v1, v0  }
0x135: {  	v1 =	vld [tilespmem:s29+$0x0]  }
0x136: {  	v0 =	vadd.f32 v2, v0  }
0x137: {  	v2 =	vld [tilespmem:s26+$0x0]  }
0x138: {  	v0 =	vadd.f32 v3, v0  }
0x139: {  	v3 =	vld [tilespmem:s25+$0x0]  }
0x13a: {  	v0 =	vadd.f32 v1, v0  }
0x13b: {  	v1 =	vld [tilespmem:s24+$0x0]  }
0x13c: {  	v0 =	vadd.f32 v2, v0  }
0x13d: {  	v2 =	vld [tilespmem:s23+$0x0]  }
0x13e: {  	v0 =	vadd.f32 v3, v0  }
0x13f: {  	v3 =	vld [tilespmem:s22+$0x0]  }
0x140: {  	v0 =	vadd.f32 v1, v0  }
0x141: {  	v1 =	vld [tilespmem:s21+$0x0]  }
0x142: {  	v0 =	vadd.f32 v2, v0  }
0x143: {  	v2 =	vld [tilespmem:s18+$0x0]  }
0x144: {  	v0 =	vadd.f32 v3, v0  }
0x145: {  	v3 =	vld [tilespmem:s16+$0x0]  }
0x146: {  	v0 =	vadd.f32 v1, v0  }
0x147: {  	v1 =	vld [tilespmem:s15+$0x0]  }
0x148: {  	v0 =	vadd.f32 v2, v0  }
0x149: {  	v2 =	vld [tilespmem:s14+$0x0]  }
0x14a: {  	v0 =	vadd.f32 v3, v0  }
0x14b: {  	v3 =	vld [tilespmem:s10+$0x0]  }
0x14c: {  	v0 =	vadd.f32 v1, v0  }
0x14d: {  	v1 =	vld [tilespmem:s9+$0x0]  }
0x14e: {  	v0 =	vadd.f32 v2, v0  }
0x14f: {  	v2 =	vld [tilespmem:s8+$0x0]  }
0x150: {  	v0 =	vadd.f32 v3, v0  }
0x151: {  	v3 =	vld [tilespmem:s7+$0x0]  }
0x152: {  	v0 =	vadd.f32 v1, v0  }
0x153: {  	v1 =	vld [tilespmem:s3+$0x0]  }
0x154: {  	v0 =	vadd.f32 v2, v0;
	_ =	sdelay $0x1  }
0x155: {  	v0 =	vadd.f32 v3, v0;
	_ =	sdelay $0x1  }
0x156: {  	v0 =	vadd.f32 v1, v0;
	_ =	sdelay $0x1  }
0x157: {  	v0 =	vadd.f32 $1.000000000e+00, v0;
	_ =	sdelay $0x1  }
0x158: {  	v1 =	vshra.s32 v0, $0x1;
	v0 =	vmul.f32 $5.000000000e-01, v0  }
0x159: {  	v1 =	vsub.s32 $0x5F3759DF, v1  }
0x15a: {  	v2 =	vmul.f32 v1, v0;
	_ =	sdelay $0x1  }
0x15b: {  	v2 =	vmul.f32 v1, v2;
	_ =	sdelay $0x1  }
0x15c: {  	v2 =	vsub.f32 $1.500000000e+00, v2;
	_ =	sdelay $0x1  }
0x15d: {  	v1 =	vmul.f32 v1, v2;
	_ =	sdelay $0x1  }
0x15e: {  	v2 =	vmul.f32 v1, v0;
	_ =	sdelay $0x1  }
0x15f: {  	v2 =	vmul.f32 v2, v1;
	_ =	sdelay $0x1  }
0x160: {  	v2 =	vsub.f32 $1.500000000e+00, v2;
	_ =	sdelay $0x1  }
0x161: {  	v1 =	vmul.f32 v2, v1;
	_ =	sdelay $0x1  }
0x162: {  	v0 =	vmul.f32 v1, v0;
	_ =	sdelay $0x1  }
.Ltmp0:
0x163: {  	v0 =	vmul.f32 v0, v1;
	(pc) =	sbr.rel @p0 .LBB2_2-.Ltmp0, $3  }
0x164: {  	_ = 	snop  }
0x165: {  	v0 =	vsub.f32 $1.500000000e+00, v0;
	_ =	sdelay $0x1  }
0x166: {  	s13 =	sadd.s32 $0x20, s13;
	s6 =	sadd.s32 $0x20, s6;
	v0 =	vmul.f32 v0, v1  }
0x167: {  	_ = 	snop  }
0x168: {  	s0 =	sld [smem:$0x7FB];
	v1 =	vmul.f32 v0, v0  }
0x169: {  	[tilespmem:s1+$0x3000] =	vst v0  }
0x16a: {  	s28 =	simm.s32 $0x0;
	s29 =	simm.s32 $0x3000;
	s3 =	simm.s32 $0x1;
	[tilespmem:s1+$0x3180] =	vst v1  }
0x16b: {  	[hbm4b:s0+s28] =	stream.linear.scatter [tilespmem:s29], [sflag:$0x1], $0x180, $0x38;
	[tilespmem:$0x3300] =	vst v63  }
0x16c: {  	_ =	swait.ge [sflag:s3], $0x180  }
0x16d: {  	s25 =	sld [smem:$0x7FC]  }
0x16e: {  	[sflag:s3] =	ssyncset.done $0x0  }
0x16f: {  	s30 =	simm.s32 $0x3180;
	[sflag:s3] =	ssyncadd.s32 $0xFFFFFE80  }
0x170: {  	[hbm4b:s25+s28] =	stream.linear.scatter [tilespmem:s30], [sflag:$0x1], $0x180, $0x38;
	[tilespmem:$0x3300] =	vst v63  }
0x171: {  	_ =	swait.ge [sflag:s3], $0x180  }
0x172: {  	s26 =	sld [smem:$0x7F9]  }
0x173: {  	s31 =	sld [smem:$0x7FD];
	_ =	sdelay $0x1  }
0x174: {  	s1 =	sadd.s32 $0x1, s26  }
0x175: {  	p0 =	sne.s32 s1, s31  }
.Ltmp1:
0x176: {  	_ = 	snop;
	(pc) =	sbr.rel @p0 .LBB2_1-.Ltmp1, $3  }
0x177: {  	_ =	sdelay $0x1  }
0x178: {  	[sflag:s3] =	ssyncset.done $0x0  }
0x179: {  	[sflag:s3] =	ssyncadd.s32 $0xFFFFFE80  }
0x17a: {  	_ =	sfence.sel $0x180000  }
0x17b: {  	[bflag:$0x0] =	sbarrier.arrive $0xFFFF  }
0x17c: {  	_ =	strace $0x9000004A  }
0x17d: {  	s0 =	stileid.u32;
	[bflag:$0x2] =	sbarrier.arrive $0xFFFF  }
0x17e: {  	p0 =	sne.s32 s0, $0x0;
	s0 =	rddreg [dreg:$0x2]  }
0x17f: {  	s0 =	sadd.s32 @!p0 $0x100000, s0  }
0x180: {  	[sflag:s0] =	ssyncadd.tile.s32 @!p0 $0x1;
	_ =	shalt  }
.Lfunc_end2:
_tile_overlayer_lowered:
.L_overlay_start_2:
0x181: {  	(tag) =	ssettag $0x2  }
0x182: {  	s0 =	rddreg [dreg:$0x0];
	s2 =	stileid.u32  }
0x183: {  	s1 =	rddreg [dreg:$0x1];
	p0 =	sne.s32 s2, $0x0  }
0x184: {  	s3 =	rddreg [dreg:$0x2];
	[bflag:$0x3] =	sbarrier.arrive $0xFFFF;
	s2 =	simm.s32 @!p0 $0x1C01  }
0x185: {  	[timem:s3], [sflag:s2] =	dma.local @!p0 [hbm:s0], s1  }
0x186: {  	s0 =	simm.s32 @!p0 $0x1  }
0x187: {  	_ =	swait.ge @!p0 [sflag:s0], s1  }
0x188: {  	s1 =	ssub.s32 @!p0 $0x0, s1;
	[sflag:s0] =	ssyncset.done @!p0 $0x0  }
0x189: {  	[sflag:s0] =	ssyncadd.s32 @!p0 s1  }
0x18a: {  	[bflag:$0x3] =	sbarrier.arrive $0xFFFF  }
0x18b: {  	_ =	shalt  }

// kernel: kernel.16.cloned.1.call-start
scs
__scs_entry_jumppad:
0x0: {  	(pc) =	sbr.rel $0x88, $3  }
0x1: {  	(tag) =	ssettag $0x0;
	lr =	simm.s32 $0x1  }
0x2: {  	[smem:$0x3F9A] =	sst lr;
	_ =	strace $0xD0000000  }
0x3: {  	_ = 	snop  }
0x4: {  	_ = 	snop  }
0x5: {  	_ = 	snop  }
0x6: {  	_ = 	snop  }
0x7: {  	_ = 	snop  }
__scs_overlays_trampoline_lowered:
0x8: {  	[smem:$0x3FA9] =	sst s0  }
0x9: {  	[smem:$0x3FAA] =	sst s1  }
0xa: {  	[smem:$0x3FAB] =	sst s2  }
0xb: {  	[smem:$0x3FAC] =	sst s3  }
0xc: {  	[smem:$0x3FAD] =	sst s4  }
0xd: {  	[smem:$0x3FAE] =	sst s5  }
0xe: {  	[smem:$0x3FAF] =	sst s6  }
0xf: {  	[smem:$0x3FB0] =	sst s7  }
0x10: {  	[smem:$0x3FB1] =	sst s8  }
0x11: {  	[smem:$0x3FB2] =	sst s9;
	s0 =	simm.s32 @!p0 $0x0  }
0x12: {  	s1 =	sld [smem:$0x3F98];
	s0 =	simm.s32 @p0 $0x1  }
0x13: {  	[smem:$0x3FB3] =	sst s0;
	s0 =	simm.s32 @!p1 $0x0  }
0x14: {  	s2 =	sld [smem:$0x3F97];
	s0 =	simm.s32 @p1 $0x1  }
0x15: {  	[smem:$0x3FB4] =	sst s0;
	s0 =	simm.s32 @!p2 $0x0  }
0x16: {  	s3 =	sld [smem:$0x3FDB];
	s0 =	simm.s32 @p2 $0x1  }
0x17: {  	s4 =	simm.s32 $0x1BF5;
	[smem:$0x3FB6] =	sst s0  }
0x18: {  	s0 =	sld [smem:$0x3F99];
	_ =	swait.ge [sflag:s4], $0x0  }
0x19: {  	s7 =	sld [smem:$0x3F9A]  }
0x1a: {  	s8 =	sadd.s32 $0xFFFFE003, lr  }
0x1b: {  	s9 =	sadd.s32 $0xFFFFFEF7, lr;
	s5 =	simm.s32 $0xFFFFFFFF;
	p2 =	slt.u32 s8, $0xFFFFF086  }
0x1c: {  	p1 =	slt.u32 s9, $0xF7A;
	s5 =	simm.s32 @!p2 $0x0  }
0x1d: {  	s5 =	simm.s32 @p1 $0x1;
	p0 =	seq.s32 s7, s2  }
0x1e: {  	s7 =	smul.u32 @!p0 $0xF7A, s2;
	p2 =	seq.s32 @!p0 s5, $0x0  }
0x1f: {  	s9 =	smul.u32 $0xF7A, s1;
	s8 =	simm.s32 @!p0 $0x1BF5;
	p2 =	por !p2, p0  }
0x20: {  	[sflag:s8] =	ssyncset.s32 @!p0 $0xFFFFF086;
	s6 =	sadd.s32 @!p0 s3, s7;
	s7 =	simm.s32 @!p0 $0x108  }
0x21: {  	s3 =	sadd.s32 s3, s9;
	s6 =	sadd.s32 @!p0 $0x88, s6;
	s7 =	simm.s32 @p2 $0x1082  }
0x22: {  	[simem:s7], [sflag:s8] =	dma.local @!p0 [hbm:s6], $0xF7A  }
0x23: {  	s9 =	sor.u32 $0xD0000000, s2;
	s6 =	simm.s32 $0x108;
	_ =	swait.ge @!p0 [sflag:s8], $0x0  }
0x24: {  	s3 =	sadd.s32 $0x88, s3;
	s6 =	simm.s32 @!p1 $0x1082;
	[sflag:s4] =	ssyncset.s32 $0xFFFFF086  }
0x25: {  	[simem:s6], [sflag:s4] =	dma.local [hbm:s3], $0xF7A  }
0x26: {  	[smem:$0x3F9A] =	sst s1;
	(tag) =	ssettag s2;
	_ =	strace s9  }
0x27: {  	s1 =	sld [smem:$0x3FAA]  }
0x28: {  	s2 =	sld [smem:$0x3FAB]  }
0x29: {  	s4 =	sld [smem:$0x3FAD]  }
0x2a: {  	p0 =	seq.s32 s5, $0x0;
	s5 =	sld [smem:$0x3FAE]  }
0x2b: {  	s6 =	sld [smem:$0x3FAF]  }
0x2c: {  	s7 =	sld [smem:$0x3FB0]  }
0x2d: {  	s3 =	simm.s32 $0x108;
	s8 =	sld [smem:$0x3FB1]  }
0x2e: {  	s3 =	simm.s32 @!p0 $0x1082;
	s9 =	sld [smem:$0x3FB2]  }
0x2f: {  	lr =	sadd.s32 s0, s3;
	s0 =	sld [smem:$0x3FA9]  }
0x30: {  	s3 =	sld [smem:$0x3FAC]  }
0x31: {  	[smem:$0x3FB5] =	sst s10  }
0x32: {  	s10 =	sld [smem:$0x3FB3];
	_ =	sdelay $0x3  }
0x33: {  	p0 =	seq.s32 s10, $0x1;
	s10 =	sld [smem:$0x3FB5];
	_ =	sdelay $0x3  }
0x34: {  	[smem:$0x3FB5] =	sst s10  }
0x35: {  	s10 =	sld [smem:$0x3FB4];
	_ =	sdelay $0x3  }
0x36: {  	p1 =	seq.s32 s10, $0x1;
	s10 =	sld [smem:$0x3FB5];
	_ =	sdelay $0x3  }
0x37: {  	[smem:$0x3FB5] =	sst s10  }
0x38: {  	s10 =	sld [smem:$0x3FB6]  }
0x39: {  	_ = 	snop;
	(pc) =	sbr.ind lr, $3  }
0x3a: {  	_ = 	snop  }
0x3b: {  	_ = 	snop  }
0x3c: {  	p2 =	seq.s32 s10, $0x1;
	s10 =	sld [smem:$0x3FB5]  }
0x3d: {  	_ =	shalt  }
0x3e: {  	_ =	shalt  }
0x3f: {  	_ =	shalt  }
0x40: {  	_ =	shalt  }
0x41: {  	_ =	shalt  }
0x42: {  	_ =	shalt  }
0x43: {  	_ =	shalt  }
0x44: {  	_ =	shalt  }
0x45: {  	_ =	shalt  }
0x46: {  	_ =	shalt  }
0x47: {  	_ =	shalt  }
0x48: {  	_ =	shalt  }
0x49: {  	_ =	shalt  }
0x4a: {  	_ =	shalt  }
0x4b: {  	_ =	shalt  }
0x4c: {  	_ =	shalt  }
0x4d: {  	_ =	shalt  }
0x4e: {  	_ =	shalt  }
0x4f: {  	_ =	shalt  }
0x50: {  	_ =	shalt  }
0x51: {  	_ =	shalt  }
0x52: {  	_ =	shalt  }
0x53: {  	_ =	shalt  }
0x54: {  	_ =	shalt  }
0x55: {  	_ =	shalt  }
0x56: {  	_ =	shalt  }
0x57: {  	_ =	shalt  }
0x58: {  	_ =	shalt  }
0x59: {  	_ =	shalt  }
0x5a: {  	_ =	shalt  }
0x5b: {  	_ =	shalt  }
0x5c: {  	_ =	shalt  }
0x5d: {  	_ =	shalt  }
0x5e: {  	_ =	shalt  }
0x5f: {  	_ =	shalt  }
0x60: {  	_ =	shalt  }
0x61: {  	_ =	shalt  }
0x62: {  	_ =	shalt  }
0x63: {  	_ =	shalt  }
0x64: {  	_ =	shalt  }
0x65: {  	_ =	shalt  }
0x66: {  	_ =	shalt  }
0x67: {  	_ =	shalt  }
0x68: {  	_ =	shalt  }
0x69: {  	_ =	shalt  }
0x6a: {  	_ =	shalt  }
0x6b: {  	_ =	shalt  }
0x6c: {  	_ =	shalt  }
0x6d: {  	_ =	shalt  }
0x6e: {  	_ =	shalt  }
0x6f: {  	_ =	shalt  }
0x70: {  	_ =	shalt  }
0x71: {  	_ =	shalt  }
0x72: {  	_ =	shalt  }
0x73: {  	_ =	shalt  }
0x74: {  	_ =	shalt  }
0x75: {  	_ =	shalt  }
0x76: {  	_ =	shalt  }
0x77: {  	_ =	shalt  }
0x78: {  	_ =	shalt  }
0x79: {  	_ =	shalt  }
0x7a: {  	_ =	shalt  }
0x7b: {  	_ =	shalt  }
0x7c: {  	_ =	shalt  }
0x7d: {  	_ =	shalt  }
0x7e: {  	_ =	shalt  }
0x7f: {  	_ =	shalt  }
0x80: {  	_ =	shalt  }
0x81: {  	_ =	shalt  }
0x82: {  	_ =	shalt  }
0x83: {  	_ =	shalt  }
0x84: {  	_ =	shalt  }
0x85: {  	_ =	shalt  }
0x86: {  	_ =	shalt  }
0x87: {  	_ =	shalt  }
.Lfunc_end0:
.L_simem_size_0:
called_computation.2_lowered:
.L_overlay_start_0:
0x88: {  	s2 =	sld [smem:$0x3FD9]  }
0x89: {  	s3 =	sld [smem:$0x3FFE];
	_ =	sdelay $0x1  }
0x8a: {  	s1 =	srdreg.scid  }
0x8b: {  	s0 =	sand.u32 $0x1, s1  }
0x8c: {  	s17 =	sshll.u32 s0, $0xA;
	s2 =	sadd.s32 s3, s2  }
0x8d: {  	s2 =	sadd.s32 s2, s17  }
0x8e: {  	[smem:$0x3FC1] =	sst s2  }
0x8f: {  	_ = 	snop  }
0x90: {  	s2 =	sld [smem:$0x3FC7]  }
0x91: {  	s18 =	sld [smem:$0x3FD0];
	(tm) =	ssettm $0x1  }
0x92: {  	s4 =	sld [smem:$0x3FFB];
	_ =	sdelay $0x3  }
0x93: {  	_ =	strace s4  }
0x94: {  	s4 =	sld [smem:$0x3FFC];
	_ =	sdelay $0x3  }
0x95: {  	_ =	strace s4  }
0x96: {  	s4 =	sld [smem:$0x3FFD];
	_ =	sdelay $0x3  }
0x97: {  	_ =	strace s4  }
0x98: {  	_ =	strace $0x8FFFFFFF  }
0x99: {  	s19 =	sld [smem:$0x3FDB];
	_ =	sdelay $0x1  }
0x9a: {  	s5 =	simm.s32 $_scs_section_size  }
0x9b: {  	s6 =	simm.s32 $_size__tile_overlayer_lowered;
	s7 =	simm.s32 $_tile_overlayer_lowered  }
0x9c: {  	s22 =	simm.s32 $0x1BFF;
	s21 =	sshll.u32 s7, $0x1;
	s4 =	sadd.s32 s5, s19  }
0x9d: {  	s8 =	simm.s32 $0x0;
	s20 =	sshll.u32 s6, $0x1;
	s6 =	sadd.s32 s21, s4  }
0x9e: {  	[timem:s8], [sflag:s22] =	dma.local [hbm:s6], s20  }
0x9f: {  	_ =	swait.ge [sflag:s22], s20  }
0xa0: {  	s5 =	ssub.s32 $0x0, s20;
	[sflag:s22] =	ssyncset.done $0x0  }
0xa1: {  	[sflag:s22] =	ssyncadd.s32 s5;
	_ =	sdelay $0x1  }
0xa2: {  	s23 =	simm.s32 $0x1B8B  }
0xa3: {  	_ =	swait.ge [sflag:s23], $0x1  }
0xa4: {  	[sflag:s23] =	ssyncset.done $0x0  }
0xa5: {  	s25 =	simm.s32 $0x1B8E;
	s24 =	sld [smem:$0x3FFE];
	[sflag:s23] =	ssyncadd.s32 $0xFFFFFFFF  }
0xa6: {  	s26 =	simm.s32 $execute0_lowered;
	[smem:$0x3FD2] =	sst s25  }
0xa7: {  	s6 =	sshll.u32 s26, $0x1;
	_ =	strace $0x8000004C;
	[dreg:$0x1] =	wrdreg $0xFFFFFFFF  }
0xa8: {  	s28 =	simm.s32 $_size_execute0_lowered;
	s4 =	sadd.s32 s4, s6;
	[dreg:$0x0] =	wrdreg $0x0  }
0xa9: {  	s6 =	sshll.u32 s28, $0x1;
	[dreg:$0x2] =	wrdreg s4  }
0xaa: {  	[dreg:$0x3] =	wrdreg s6  }
0xab: {  	[dreg:$0x4] =	wrdreg $0xC0  }
0xac: {  	_ =	task [dreg:s8], $0x5FFFF  }
0xad: {  	[dreg:$0x1] =	wrdreg $0xFFFFFFFF  }
0xae: {  	[dreg:$0x0] =	wrdreg $0x60  }
0xaf: {  	[dreg:$0x2] =	wrdreg s18  }
0xb0: {  	[dreg:$0x3] =	wrdreg s24  }
0xb1: {  	[dreg:$0x4] =	wrdreg s2  }
0xb2: {  	[dreg:$0x5] =	wrdreg $0x9  }
0xb3: {  	_ =	task.clear_ibuf [dreg:s8], $0x6FFFF;
	_ =	strace $0x9000004C  }
0xb4: {  	s29 =	simm.s32 $0x9;
	_ =	strace $0x8000004E  }
0xb5: {  	_ =	swait.ge [sflag:s29], $0x1  }
0xb6: {  	[sflag:s29] =	ssyncadd.s32 $0xFFFFFFFF  }
0xb7: {  	_ =	strace $0x9000004E  }
0xb8: {  	_ =	sfence  }
0xb9: {  	s30 =	sld [smem:$0x0];
	_ =	sdelay $0x2  }
0xba: {  	s31 =	sshll.u32 s1, $0xD;
	s1 =	sshrl.u32 s1, $0x2  }
0xbb: {  	s3 =	sand.u32 $0x4000, s31;
	s1 =	sadd.s32 s1, s30  }
0xbc: {  	s0 =	sor.u32 s3, s0;
	s1 =	sshll.u32 s1, $0x11  }
0xbd: {  	s0 =	sor.u32 s1, s0  }
0xbe: {  	s0 =	sadd.s32 $0x8F2B, s0  }
0xbf: {  	[sflag:s0] =	ssyncadd.remote.s32 $0x1  }
0xc0: {  	_ =	sfence.sel $0xFFFF  }
0xc1: {  	[dreg:$0x0] =	wrdreg $0xFFFFFFFF;
	(pc) =	sbr.abs _section_cstart, $3  }
0xc2: {  	[dreg:$0x1] =	wrdreg $0xFFFFFFFF  }
0xc3: {  	_ =	task.clear_ibuf [dreg:s8], $0x2FFFF;
	_ =	strace $0x9FFFFFFF  }
0xc4: {  	(tm) =	ssettm $0x7FFFFFFF  }
0xc5: {  	_ =	shalt  }
tec
execute0_lowered:
.L_overlay_start_1:
0x0: {  	(tag) =	ssettag $0x1  }
0x1: {  	s1 =	rddreg [dreg:$0x0]  }
0x2: {  	s2 =	srdreg.scid;
	s5 =	rddreg [dreg:$0x1]  }
0x3: {  	s0 =	stileid.u32;
	s6 =	rddreg [dreg:$0x2];
	s3 =	simm.s32 $0x0  }
0x4: {  	s10 =	simm.s32 $0x1;
	s11 =	simm.s32 $0x3000;
	s12 =	simm.s32 $0x5780  }
0x5: {  	s13 =	simm.s32 $0x7F00;
	s4 =	sand.u32 $0x1, s2;
	s30 =	sshll.u32 s0, $0x1  }
0x6: {  	s14 =	simm.s32 $0xA680;
	s15 =	simm.s32 $0xCE00;
	s2 =	sor.u32 s4, s30  }
0x7: {  	[smem:$0x7FF] =	sst s3;
	s4 =	ssub.s32 $0x2, s4;
	s7 =	smul.u32 $0x4E2, s2  }
0x8: {  	s16 =	simm.s32 $0x0;
	s2 =	rddreg [dreg:$0x3];
	s31 =	sshrl.u32 s4, $0x1  }
0x9: {  	_ =	strace $0x8000004D;
	s9 =	ssub.s32 s4, s31;
	s8 =	sadd.s32 s7, s5  }
0xa: {  	s6 =	sadd.s32 s6, s7;
	s9 =	smax.u32 s9, $0x1;
	s4 =	sadd.s32 $0x3000, s8  }
0xb: {  	s5 =	sadd.s32 $0xCE00, s8;
	s7 =	sadd.s32 $0x16C00, s8;
	s8 =	sadd.s32 $0x23200, s8  }
.LBB2_1:
0xc: {  	[tilespmem:s3], [sflag:$0x1] =	stream.linear.gather [hbm4b:s1+s3], $0x3000, $0x38;
	[tilespmem:$0xF580] =	vst v63  }
0xd: {  	_ =	swait.ge [sflag:s10], $0x3000  }
0xe: {  	[sflag:s10] =	ssyncset.done $0x0  }
0xf: {  	[sflag:s10] =	ssyncadd.s32 $0xFFFFD000  }
0x10: {  	[tilespmem:s11], [sflag:$0x1] =	stream.linear.gather [hbm4b:s4+s3], $0x2710, $0x38;
	[tilespmem:$0xF580] =	vst v63  }
0x11: {  	_ =	swait.ge [sflag:s10], $0x2710  }
0x12: {  	[sflag:s10] =	ssyncset.done $0x0  }
0x13: {  	[sflag:s10] =	ssyncadd.s32 $0xFFFFD8F0  }
0x14: {  	[tilespmem:s12], [sflag:$0x1] =	stream.linear.gather [hbm4b:s5+s3], $0x2710, $0x38;
	[tilespmem:$0xF580] =	vst v63  }
0x15: {  	_ =	swait.ge [sflag:s10], $0x2710  }
0x16: {  	[sflag:s10] =	ssyncset.done $0x0  }
0x17: {  	[sflag:s10] =	ssyncadd.s32 $0xFFFFD8F0  }
0x18: {  	[tilespmem:s13], [sflag:$0x1] =	stream.linear.gather [hbm4b:s6+s3], $0x2710, $0x38;
	[tilespmem:$0xF580] =	vst v63  }
0x19: {  	s17 =	simm.s32 $0xFFFFFFFC;
	s18 =	simm.s32 $0xCE20;
	_ =	swait.ge [sflag:s10], $0x2710  }
0x1a: {  	s19 =	simm.s32 $0xA6A0;
	s20 =	simm.s32 $0x7F20;
	[sflag:s10] =	ssyncset.done $0x0  }
0x1b: {  	s21 =	simm.s32 $0x57A0;
	s22 =	simm.s32 $0x3020;
	[sflag:s10] =	ssyncadd.s32 $0xFFFFD8F0  }
.LBB2_2:
0x1c: {  	v0 =	vld [tilespmem:s22+$0xFFFFFFE0];
	_ =	sdelay $0x1  }
0x1d: {  	v1 =	vld [tilespmem:s21+$0xFFFFFFE0];
	_ =	sdelay $0x4  }
0x1e: {  	v3 =	vld [tilespmem:s20+$0xFFFFFFE0]  }
0x1f: {  	v2 =	vld.idx.msk [tilespmem:v0+s3+$0x0], $0xffff;
	_ =	sdelay $0x1  }
0x20: {  	v4 =	vld.idx.msk [tilespmem:v1+s3+$0x0], $0xffff;
	_ =	sdelay $0x2  }
0x21: {  	v2 =	vmul.f32 v3, v2;
	_ =	sdelay $0x1  }
0x22: {  	v2 =	vmul.f32 v2, v4  }
0x23: {  	v1 =	vshll.u32 v1, $0x10  }
0x24: {  	v0 =	vor.u32 v0, v1;
	[tilespmem:s19+$0xFFFFFFE0] =	vst v2  }
0x25: {  	[tilespmem:s18+$0xFFFFFFE0] =	vst v0  }
0x26: {  	v0 =	vld [tilespmem:s22+$0xFFFFFFF0];
	_ =	sdelay $0x1  }
0x27: {  	v55 =	vld [tilespmem:s21+$0xFFFFFFF0];
	_ =	sdelay $0x4  }
0x28: {  	v56 =	vld [tilespmem:s20+$0xFFFFFFF0]  }
0x29: {  	v2 =	vld.idx.msk [tilespmem:v0+s3+$0x0], $0xffff;
	_ =	sdelay $0x1  }
0x2a: {  	v57 =	vld.idx.msk [tilespmem:v55+s3+$0x0], $0xffff;
	_ =	sdelay $0x2  }
0x2b: {  	v2 =	vmul.f32 v56, v2;
	_ =	sdelay $0x1  }
0x2c: {  	v2 =	vmul.f32 v2, v57  }
0x2d: {  	v1 =	vshll.u32 v55, $0x10  }
0x2e: {  	v0 =	vor.u32 v0, v1;
	[tilespmem:s19+$0xFFFFFFF0] =	vst v2  }
0x2f: {  	[tilespmem:s18+$0xFFFFFFF0] =	vst v0  }
0x30: {  	v0 =	vld [tilespmem:s22+$0x0];
	_ =	sdelay $0x1  }
0x31: {  	v58 =	vld [tilespmem:s21+$0x0];
	_ =	sdelay $0x4  }
0x32: {  	v59 =	vld [tilespmem:s20+$0x0]  }
0x33: {  	v2 =	vld.idx.msk [tilespmem:v0+s3+$0x0], $0xffff;
	_ =	sdelay $0x1  }
0x34: {  	v60 =	vld.idx.msk [tilespmem:v58+s3+$0x0], $0xffff;
	_ =	sdelay $0x2  }
0x35: {  	v2 =	vmul.f32 v59, v2;
	_ =	sdelay $0x1  }
0x36: {  	v2 =	vmul.f32 v2, v60  }
0x37: {  	v1 =	vshll.u32 v58, $0x10  }
0x38: {  	v0 =	vor.u32 v0, v1;
	[tilespmem:s19+$0x0] =	vst v2  }
0x39: {  	[tilespmem:s18+$0x0] =	vst v0  }
0x3a: {  	v0 =	vld [tilespmem:s22+$0x10];
	_ =	sdelay $0x1  }
0x3b: {  	v61 =	vld [tilespmem:s21+$0x10];
	_ =	sdelay $0x4  }
0x3c: {  	v62 =	vld [tilespmem:s20+$0x10]  }
0x3d: {  	v2 =	vld.idx.msk [tilespmem:v0+s3+$0x0], $0xffff;
	_ =	sdelay $0x1  }
0x3e: {  	v63 =	vld.idx.msk [tilespmem:v61+s3+$0x0], $0xffff;
	_ =	sdelay $0x1  }
0x3f: {  	s17 =	sadd.s32 $0x4, s17  }
0x40: {  	p0 =	slt.u32 s17, $0x26C;
	v2 =	vmul.f32 v62, v2  }
.Ltmp0:
0x41: {  	_ = 	snop;
	(pc) =	sbr.rel @p0 .LBB2_2-.Ltmp0, $4  }
0x42: {  	v2 =	vmul.f32 v2, v63  }
0x43: {  	v1 =	vshll.u32 v61, $0x10  }
0x44: {  	s20 =	sadd.s32 $0x40, s20;
	s21 =	sadd.s32 $0x40, s21;
	v0 =	vor.u32 v0, v1;
	[tilespmem:s19+$0x10] =	vst v2  }
0x45: {  	s22 =	sadd.s32 $0x40, s22;
	s19 =	sadd.s32 $0x40, s19;
	[tilespmem:s18+$0x10] =	vst v0;
	s18 =	sadd.s32 $0x40, s18  }
0x46: {  	v0 =	vld [tilespmem:$0x5700];
	_ =	sdelay $0x1  }
0x47: {  	v1 =	vld [tilespmem:$0x7E80];
	_ =	sdelay $0x4  }
0x48: {  	v3 =	vld [tilespmem:$0xA600]  }
0x49: {  	v2 =	vld.idx.msk [tilespmem:v0+s3+$0x0], $0xffff;
	_ =	sdelay $0x1  }
0x4a: {  	v4 =	vld.idx.msk [tilespmem:v1+s3+$0x0], $0xffff;
	_ =	sdelay $0x2  }
0x4b: {  	v2 =	vmul.f32 v3, v2  }
0x4c: {  	v1 =	vshll.u32 v1, $0x10  }
0x4d: {  	v0 =	vor.u32 v0, v1;
	v2 =	vmul.f32 v2, v4  }
0x4e: {  	[tilespmem:$0xF500] =	vst v0  }
0x4f: {  	[tilespmem:$0xCD80] =	vst v2  }
0x50: {  	[hbm4b:s7+s3] =	stream.linear.scatter [tilespmem:s14], [sflag:$0x1], $0x2710, $0x38;
	[tilespmem:$0xF580] =	vst v63  }
0x51: {  	s16 =	sadd.s32 $0x1, s16;
	_ =	swait.ge [sflag:s10], $0x2710  }
0x52: {  	p0 =	sne.s32 s16, s9;
	[sflag:s10] =	ssyncset.done $0x0  }
.Ltmp1:
0x53: {  	[sflag:s10] =	ssyncadd.s32 $0xFFFFD8F0;
	(pc) =	sbr.rel @p0 .LBB2_1-.Ltmp1, $4  }
0x54: {  	[hbm4b:s8+s3] =	stream.linear.scatter [tilespmem:s15], [sflag:$0x1], $0x2710, $0x38;
	[tilespmem:$0xF580] =	vst v63  }
0x55: {  	_ =	swait.ge [sflag:s10], $0x2710  }
0x56: {  	[sflag:s10] =	ssyncset.done $0x0  }
0x57: {  	[sflag:s10] =	ssyncadd.s32 $0xFFFFD8F0  }
0x58: {  	_ =	sfence.sel $0x180000  }
0x59: {  	[bflag:$0x0] =	sbarrier.arrive $0xFFFF  }
0x5a: {  	p0 =	sne.s32 s0, $0x0;
	_ =	strace $0x9000004D  }
0x5b: {  	s0 =	sadd.s32 @!p0 $0x100000, s2;
	[bflag:$0x2] =	sbarrier.arrive $0xFFFF  }
0x5c: {  	[sflag:s0] =	ssyncadd.tile.s32 @!p0 $0x1;
	_ =	shalt  }
.Lfunc_end2:
_tile_overlayer_lowered:
.L_overlay_start_2:
0x5d: {  	(tag) =	ssettag $0x2  }
0x5e: {  	s0 =	rddreg [dreg:$0x0];
	s2 =	stileid.u32  }
0x5f: {  	s1 =	rddreg [dreg:$0x1];
	p0 =	sne.s32 s2, $0x0  }
0x60: {  	s3 =	rddreg [dreg:$0x2];
	[bflag:$0x3] =	sbarrier.arrive $0xFFFF;
	s2 =	simm.s32 @!p0 $0x1C01  }
0x61: {  	[timem:s3], [sflag:s2] =	dma.local @!p0 [hbm:s0], s1  }
0x62: {  	s0 =	simm.s32 @!p0 $0x1  }
0x63: {  	_ =	swait.ge @!p0 [sflag:s0], s1  }
0x64: {  	s1 =	ssub.s32 @!p0 $0x0, s1;
	[sflag:s0] =	ssyncset.done @!p0 $0x0  }
0x65: {  	[sflag:s0] =	ssyncadd.s32 @!p0 s1  }
0x66: {  	[bflag:$0x3] =	sbarrier.arrive $0xFFFF  }
0x67: {  	_ =	shalt  }

// kernel: kernel.19.cloned.1.call-start
scs
__scs_entry_jumppad:
0x0: {  	(pc) =	sbr.rel $0x88, $3  }
0x1: {  	(tag) =	ssettag $0x0;
	lr =	simm.s32 $0x1  }
0x2: {  	[smem:$0x3F9A] =	sst lr;
	_ =	strace $0xD0000000  }
0x3: {  	_ = 	snop  }
0x4: {  	_ = 	snop  }
0x5: {  	_ = 	snop  }
0x6: {  	_ = 	snop  }
0x7: {  	_ = 	snop  }
__scs_overlays_trampoline_lowered:
0x8: {  	[smem:$0x3FA9] =	sst s0  }
0x9: {  	[smem:$0x3FAA] =	sst s1  }
0xa: {  	[smem:$0x3FAB] =	sst s2  }
0xb: {  	[smem:$0x3FAC] =	sst s3  }
0xc: {  	[smem:$0x3FAD] =	sst s4  }
0xd: {  	[smem:$0x3FAE] =	sst s5  }
0xe: {  	[smem:$0x3FAF] =	sst s6  }
0xf: {  	[smem:$0x3FB0] =	sst s7  }
0x10: {  	[smem:$0x3FB1] =	sst s8  }
0x11: {  	[smem:$0x3FB2] =	sst s9;
	s0 =	simm.s32 @!p0 $0x0  }
0x12: {  	s1 =	sld [smem:$0x3F98];
	s0 =	simm.s32 @p0 $0x1  }
0x13: {  	[smem:$0x3FB3] =	sst s0;
	s0 =	simm.s32 @!p1 $0x0  }
0x14: {  	s2 =	sld [smem:$0x3F97];
	s0 =	simm.s32 @p1 $0x1  }
0x15: {  	[smem:$0x3FB4] =	sst s0;
	s0 =	simm.s32 @!p2 $0x0  }
0x16: {  	s3 =	sld [smem:$0x3FDB];
	s0 =	simm.s32 @p2 $0x1  }
0x17: {  	s4 =	simm.s32 $0x1BF5;
	[smem:$0x3FB6] =	sst s0  }
0x18: {  	s0 =	sld [smem:$0x3F99];
	_ =	swait.ge [sflag:s4], $0x0  }
0x19: {  	s7 =	sld [smem:$0x3F9A]  }
0x1a: {  	s8 =	sadd.s32 $0xFFFFE003, lr  }
0x1b: {  	s9 =	sadd.s32 $0xFFFFFEF7, lr;
	s5 =	simm.s32 $0xFFFFFFFF;
	p2 =	slt.u32 s8, $0xFFFFF086  }
0x1c: {  	p1 =	slt.u32 s9, $0xF7A;
	s5 =	simm.s32 @!p2 $0x0  }
0x1d: {  	s5 =	simm.s32 @p1 $0x1;
	p0 =	seq.s32 s7, s2  }
0x1e: {  	s7 =	smul.u32 @!p0 $0xF7A, s2;
	p2 =	seq.s32 @!p0 s5, $0x0  }
0x1f: {  	s9 =	smul.u32 $0xF7A, s1;
	s8 =	simm.s32 @!p0 $0x1BF5;
	p2 =	por !p2, p0  }
0x20: {  	[sflag:s8] =	ssyncset.s32 @!p0 $0xFFFFF086;
	s6 =	sadd.s32 @!p0 s3, s7;
	s7 =	simm.s32 @!p0 $0x108  }
0x21: {  	s3 =	sadd.s32 s3, s9;
	s6 =	sadd.s32 @!p0 $0x88, s6;
	s7 =	simm.s32 @p2 $0x1082  }
0x22: {  	[simem:s7], [sflag:s8] =	dma.local @!p0 [hbm:s6], $0xF7A  }
0x23: {  	s9 =	sor.u32 $0xD0000000, s2;
	s6 =	simm.s32 $0x108;
	_ =	swait.ge @!p0 [sflag:s8], $0x0  }
0x24: {  	s3 =	sadd.s32 $0x88, s3;
	s6 =	simm.s32 @!p1 $0x1082;
	[sflag:s4] =	ssyncset.s32 $0xFFFFF086  }
0x25: {  	[simem:s6], [sflag:s4] =	dma.local [hbm:s3], $0xF7A  }
0x26: {  	[smem:$0x3F9A] =	sst s1;
	(tag) =	ssettag s2;
	_ =	strace s9  }
0x27: {  	s1 =	sld [smem:$0x3FAA]  }
0x28: {  	s2 =	sld [smem:$0x3FAB]  }
0x29: {  	s4 =	sld [smem:$0x3FAD]  }
0x2a: {  	p0 =	seq.s32 s5, $0x0;
	s5 =	sld [smem:$0x3FAE]  }
0x2b: {  	s6 =	sld [smem:$0x3FAF]  }
0x2c: {  	s7 =	sld [smem:$0x3FB0]  }
0x2d: {  	s3 =	simm.s32 $0x108;
	s8 =	sld [smem:$0x3FB1]  }
0x2e: {  	s3 =	simm.s32 @!p0 $0x1082;
	s9 =	sld [smem:$0x3FB2]  }
0x2f: {  	lr =	sadd.s32 s0, s3;
	s0 =	sld [smem:$0x3FA9]  }
0x30: {  	s3 =	sld [smem:$0x3FAC]  }
0x31: {  	[smem:$0x3FB5] =	sst s10  }
0x32: {  	s10 =	sld [smem:$0x3FB3];
	_ =	sdelay $0x3  }
0x33: {  	p0 =	seq.s32 s10, $0x1;
	s10 =	sld [smem:$0x3FB5];
	_ =	sdelay $0x3  }
0x34: {  	[smem:$0x3FB5] =	sst s10  }
0x35: {  	s10 =	sld [smem:$0x3FB4];
	_ =	sdelay $0x3  }
0x36: {  	p1 =	seq.s32 s10, $0x1;
	s10 =	sld [smem:$0x3FB5];
	_ =	sdelay $0x3  }
0x37: {  	[smem:$0x3FB5] =	sst s10  }
0x38: {  	s10 =	sld [smem:$0x3FB6]  }
0x39: {  	_ = 	snop;
	(pc) =	sbr.ind lr, $3  }
0x3a: {  	_ = 	snop  }
0x3b: {  	_ = 	snop  }
0x3c: {  	p2 =	seq.s32 s10, $0x1;
	s10 =	sld [smem:$0x3FB5]  }
0x3d: {  	_ =	shalt  }
0x3e: {  	_ =	shalt  }
0x3f: {  	_ =	shalt  }
0x40: {  	_ =	shalt  }
0x41: {  	_ =	shalt  }
0x42: {  	_ =	shalt  }
0x43: {  	_ =	shalt  }
0x44: {  	_ =	shalt  }
0x45: {  	_ =	shalt  }
0x46: {  	_ =	shalt  }
0x47: {  	_ =	shalt  }
0x48: {  	_ =	shalt  }
0x49: {  	_ =	shalt  }
0x4a: {  	_ =	shalt  }
0x4b: {  	_ =	shalt  }
0x4c: {  	_ =	shalt  }
0x4d: {  	_ =	shalt  }
0x4e: {  	_ =	shalt  }
0x4f: {  	_ =	shalt  }
0x50: {  	_ =	shalt  }
0x51: {  	_ =	shalt  }
0x52: {  	_ =	shalt  }
0x53: {  	_ =	shalt  }
0x54: {  	_ =	shalt  }
0x55: {  	_ =	shalt  }
0x56: {  	_ =	shalt  }
0x57: {  	_ =	shalt  }
0x58: {  	_ =	shalt  }
0x59: {  	_ =	shalt  }
0x5a: {  	_ =	shalt  }
0x5b: {  	_ =	shalt  }
0x5c: {  	_ =	shalt  }
0x5d: {  	_ =	shalt  }
0x5e: {  	_ =	shalt  }
0x5f: {  	_ =	shalt  }
0x60: {  	_ =	shalt  }
0x61: {  	_ =	shalt  }
0x62: {  	_ =	shalt  }
0x63: {  	_ =	shalt  }
0x64: {  	_ =	shalt  }
0x65: {  	_ =	shalt  }
0x66: {  	_ =	shalt  }
0x67: {  	_ =	shalt  }
0x68: {  	_ =	shalt  }
0x69: {  	_ =	shalt  }
0x6a: {  	_ =	shalt  }
0x6b: {  	_ =	shalt  }
0x6c: {  	_ =	shalt  }
0x6d: {  	_ =	shalt  }
0x6e: {  	_ =	shalt  }
0x6f: {  	_ =	shalt  }
0x70: {  	_ =	shalt  }
0x71: {  	_ =	shalt  }
0x72: {  	_ =	shalt  }
0x73: {  	_ =	shalt  }
0x74: {  	_ =	shalt  }
0x75: {  	_ =	shalt  }
0x76: {  	_ =	shalt  }
0x77: {  	_ =	shalt  }
0x78: {  	_ =	shalt  }
0x79: {  	_ =	shalt  }
0x7a: {  	_ =	shalt  }
0x7b: {  	_ =	shalt  }
0x7c: {  	_ =	shalt  }
0x7d: {  	_ =	shalt  }
0x7e: {  	_ =	shalt  }
0x7f: {  	_ =	shalt  }
0x80: {  	_ =	shalt  }
0x81: {  	_ =	shalt  }
0x82: {  	_ =	shalt  }
0x83: {  	_ =	shalt  }
0x84: {  	_ =	shalt  }
0x85: {  	_ =	shalt  }
0x86: {  	_ =	shalt  }
0x87: {  	_ =	shalt  }
.Lfunc_end0:
.L_simem_size_0:
called_computation.3_lowered:
.L_overlay_start_0:
0x88: {  	s2 =	sld [smem:$0x3FD9]  }
0x89: {  	s3 =	sld [smem:$0x3FFE];
	_ =	sdelay $0x1  }
0x8a: {  	s1 =	srdreg.scid  }
0x8b: {  	s0 =	sand.u32 $0x1, s1  }
0x8c: {  	s16 =	sshll.u32 s0, $0xA;
	s2 =	sadd.s32 s3, s2  }
0x8d: {  	s2 =	sadd.s32 s2, s16  }
0x8e: {  	[smem:$0x3FC1] =	sst s2  }
0x8f: {  	_ = 	snop  }
0x90: {  	(tm) =	ssettm $0x1  }
0x91: {  	s17 =	sld [smem:$0x3FFB];
	_ =	sdelay $0x3  }
0x92: {  	_ =	strace s17  }
0x93: {  	s2 =	sld [smem:$0x3FFC];
	_ =	sdelay $0x3  }
0x94: {  	_ =	strace s2  }
0x95: {  	s2 =	sld [smem:$0x3FFD];
	_ =	sdelay $0x3  }
0x96: {  	_ =	strace s2  }
0x97: {  	_ =	strace $0x8FFFFFFF  }
0x98: {  	s18 =	sld [smem:$0x3FDB];
	_ =	sdelay $0x1  }
0x99: {  	s19 =	simm.s32 $_scs_section_size  }
0x9a: {  	s4 =	simm.s32 $_size__tile_overlayer_lowered;
	s5 =	simm.s32 $_tile_overlayer_lowered  }
0x9b: {  	s22 =	simm.s32 $0x1BFF;
	s21 =	sshll.u32 s5, $0x1;
	s2 =	sadd.s32 s19, s18  }
0x9c: {  	s6 =	simm.s32 $0x0;
	s20 =	sshll.u32 s4, $0x1;
	s4 =	sadd.s32 s21, s2  }
0x9d: {  	[timem:s6], [sflag:s22] =	dma.local [hbm:s4], s20  }
0x9e: {  	_ =	swait.ge [sflag:s22], s20  }
0x9f: {  	s3 =	ssub.s32 $0x0, s20;
	[sflag:s22] =	ssyncset.done $0x0  }
0xa0: {  	[sflag:s22] =	ssyncadd.s32 s3;
	_ =	sdelay $0x1  }
0xa1: {  	s23 =	simm.s32 $0x1B8B  }
0xa2: {  	_ =	swait.ge [sflag:s23], $0x1  }
0xa3: {  	[sflag:s23] =	ssyncset.done $0x0  }
0xa4: {  	s25 =	simm.s32 $0x1B8E;
	s24 =	sld [smem:$0x3FFE];
	[sflag:s23] =	ssyncadd.s32 $0xFFFFFFFF  }
0xa5: {  	s26 =	simm.s32 $execute0_lowered;
	[smem:$0x3FD2] =	sst s25  }
0xa6: {  	s4 =	sshll.u32 s26, $0x1;
	_ =	strace $0x8000004F;
	[dreg:$0x1] =	wrdreg $0xFFFFFFFF  }
0xa7: {  	s28 =	simm.s32 $_size_execute0_lowered;
	s2 =	sadd.s32 s2, s4;
	[dreg:$0x0] =	wrdreg $0x0  }
0xa8: {  	s4 =	sshll.u32 s28, $0x1;
	[dreg:$0x2] =	wrdreg s2  }
0xa9: {  	[dreg:$0x3] =	wrdreg s4  }
0xaa: {  	[dreg:$0x4] =	wrdreg $0xC0  }
0xab: {  	_ =	task [dreg:s6], $0x5FFFF  }
0xac: {  	[dreg:$0x1] =	wrdreg $0xFFFFFFFF  }
0xad: {  	[dreg:$0x0] =	wrdreg $0x60  }
0xae: {  	[dreg:$0x2] =	wrdreg s24  }
0xaf: {  	[dreg:$0x3] =	wrdreg $0x9  }
0xb0: {  	_ =	task.clear_ibuf [dreg:s6], $0x4FFFF;
	_ =	strace $0x9000004F  }
0xb1: {  	s29 =	simm.s32 $0x9;
	_ =	strace $0x80000051  }
0xb2: {  	_ =	swait.ge [sflag:s29], $0x1  }
0xb3: {  	[sflag:s29] =	ssyncadd.s32 $0xFFFFFFFF  }
0xb4: {  	_ =	strace $0x90000051  }
0xb5: {  	_ =	sfence  }
0xb6: {  	s30 =	sld [smem:$0x0];
	_ =	sdelay $0x2  }
0xb7: {  	s31 =	sshll.u32 s1, $0xD;
	s1 =	sshrl.u32 s1, $0x2  }
0xb8: {  	s3 =	sand.u32 $0x4000, s31;
	s1 =	sadd.s32 s1, s30  }
0xb9: {  	s0 =	sor.u32 s3, s0;
	s1 =	sshll.u32 s1, $0x11  }
0xba: {  	s0 =	sor.u32 s1, s0  }
0xbb: {  	s0 =	sadd.s32 $0x8F2B, s0  }
0xbc: {  	[sflag:s0] =	ssyncadd.remote.s32 $0x1  }
0xbd: {  	_ =	sfence.sel $0xFFFF  }
0xbe: {  	[dreg:$0x0] =	wrdreg $0xFFFFFFFF;
	(pc) =	sbr.abs _section_cstart, $3  }
0xbf: {  	[dreg:$0x1] =	wrdreg $0xFFFFFFFF  }
0xc0: {  	_ =	task.clear_ibuf [dreg:s6], $0x2FFFF;
	_ =	strace $0x9FFFFFFF  }
0xc1: {  	(tm) =	ssettm $0x7FFFFFFF  }
tec
execute0_lowered:
.L_overlay_start_1:
0x0: {  	(tag) =	ssettag $0x1  }
0x1: {  	s0 =	rddreg [dreg:$0x0]  }
0x2: {  	s2 =	simm.s32 $0x0;
	s11 =	stileid.u32;
	s4 =	srdreg.scid  }
0x3: {  	s28 =	simm.s32 $0x2780;
	s29 =	simm.s32 $0x4F00;
	s30 =	simm.s32 $0x7680  }
0x4: {  	s31 =	simm.s32 $0x1ED80;
	[smem:$0x7FF] =	sst s2;
	s1 =	sshll.u32 s11, $0x1  }
0x5: {  	s5 =	sadd.s32 $0x2D000, s0;
	s3 =	sadd.s32 $0x23200, s0;
	s7 =	sand.u32 $0x1, s4  }
0x6: {  	s4 =	sadd.s32 $0x16C00, s0;
	s0 =	sadd.s32 $0x40C00, s0;
	s24 =	sshrl.u32 s11, $0x3  }
0x7: {  	_ =	strace $0x80000050;
	s6 =	sand.u32 $0xE, s1;
	s8 =	ssub.s32 $0x2, s7  }
0x8: {  	s10 =	sshll.u32 s7, $0x9;
	s1 =	sshrl.u32 s6, $0x1;
	s23 =	sshrl.u32 s8, $0x1  }
0x9: {  	s6 =	sor.u32 s7, s6;
	s7 =	smul.u32 $0x27100, s24;
	s26 =	sor.u32 $0x80, s10  }
0xa: {  	s13 =	sor.u32 $0x100, s10;
	s14 =	sor.u32 $0x180, s10;
	s9 =	smul.u32 $0x13C00, s1  }
0xb: {  	s1 =	ssub.s32 s8, s23;
	s6 =	sshll.u32 s6, $0x2;
	s8 =	smul.u32 $0x13C000, s24  }
0xc: {  	s17 =	sor.u32 $0x41, s6;
	s18 =	sshrl.u32 s7, $0x3;
	s22 =	sor.u32 $0x42, s6  }
0xd: {  	s6 =	sor.u32 $0x43, s6;
	s25 =	sor.u32 s10, s9;
	s12 =	sor.u32 s26, s9  }
0xe: {  	s15 =	sor.u32 s13, s9;
	s16 =	sor.u32 s14, s9;
	s19 =	sshrl.u32 s17, $0x3  }
0xf: {  	s20 =	sadd.s32 s3, s18;
	s21 =	sadd.s32 s4, s18;
	s23 =	sor.u32 s10, s8  }
0x10: {  	s24 =	sshrl.u32 s6, $0x3;
	s6 =	sshll.u32 s6, $0x7;
	s11 =	sshrl.u32 s25, $0x3  }
0x11: {  	s12 =	sshrl.u32 s12, $0x3;
	s15 =	sshrl.u32 s15, $0x3;
	[dreg:$0x6] =	wrdreg s20  }
0x12: {  	s16 =	sshrl.u32 s16, $0x3;
	[dreg:$0x7] =	wrdreg s21;
	s11 =	sadd.s32 s5, s11  }
0x13: {  	s25 =	smul.u32 $0x13C00, s24;
	s12 =	sadd.s32 s5, s12;
	[dreg:$0x2] =	wrdreg s11  }
0x14: {  	s6 =	sand.u32 $0x380, s6;
	[dreg:$0x3] =	wrdreg s12;
	s12 =	sadd.s32 s5, s15  }
0x15: {  	s5 =	sadd.s32 s5, s16;
	s15 =	smul.u32 $0x13C00, s19;
	[dreg:$0x4] =	wrdreg s12  }
0x16: {  	s16 =	sshll.u32 s22, $0x7;
	[dreg:$0x5] =	wrdreg s5;
	s12 =	sadd.s32 $0xC8, s18  }
0x17: {  	s5 =	sshll.u32 s17, $0x7;
	s17 =	sshrl.u32 s22, $0x3;
	s16 =	sand.u32 $0x300, s16  }
0x18: {  	s15 =	sadd.s32 s8, s15;
	s5 =	sand.u32 $0x280, s5;
	s17 =	smul.u32 $0x13C00, s17  }
0x19: {  	s5 =	sor.u32 s5, s15;
	s15 =	sadd.s32 s9, s23;
	s9 =	sadd.s32 s8, s9  }
0x1a: {  	s17 =	sadd.s32 s8, s17;
	s10 =	sor.u32 s10, s9;
	s11 =	sor.u32 s26, s9  }
0x1b: {  	s18 =	sor.u32 s13, s9;
	s9 =	sor.u32 s14, s9;
	s26 =	sadd.s32 s3, s12  }
0x1c: {  	s12 =	sadd.s32 s4, s12;
	s8 =	sadd.s32 s8, s25;
	s13 =	sadd.s32 $0xC80, s7  }
0x1d: {  	s14 =	sadd.s32 $0x12C0, s7;
	s5 =	sshrl.u32 s5, $0x3;
	[dreg:$0x8] =	wrdreg s26  }
0x1e: {  	s16 =	sor.u32 s16, s17;
	[dreg:$0x9] =	wrdreg s12;
	s17 =	sadd.s32 $0x9E000, s15  }
0x1f: {  	s19 =	sshrl.u32 s10, $0x3;
	s22 =	sshrl.u32 s11, $0x3;
	s5 =	sadd.s32 s0, s5  }
0x20: {  	s23 =	sshrl.u32 s18, $0x3;
	s6 =	sor.u32 s6, s8;
	s25 =	sshrl.u32 s9, $0x3  }
0x21: {  	s26 =	smax.u32 s1, $0x1;
	s18 =	simm.s32 $0x80;
	s1 =	simm.s32 $0x1E080  }
0x22: {  	s8 =	simm.s32 $0x11480;
	s9 =	simm.s32 $0x13C00;
	s10 =	simm.s32 $0x16380  }
0x23: {  	s11 =	simm.s32 $0x18B00;
	s12 =	simm.s32 $0x1B280;
	s15 =	simm.s32 $0x2  }
0x24: {  	s20 =	sshrl.u32 s17, $0x3;
	s7 =	sadd.s32 s0, s19;
	[dreg:$0xd] =	wrdreg s5  }
0x25: {  	s5 =	sadd.s32 s0, s23;
	s24 =	sshrl.u32 s16, $0x3;
	[dreg:$0x12] =	wrdreg s26  }
0x26: {  	s6 =	sshrl.u32 s6, $0x3;
	s19 =	simm.s32 $0x400;
	[dreg:$0xa] =	wrdreg s7  }
0x27: {  	s26 =	simm.s32 $0x3;
	s21 =	sadd.s32 s0, s20;
	[dreg:$0xe] =	wrdreg s5  }
.Ltmp0:
0x28: {  	s7 =	sadd.s32 s0, s22;
	[dreg:$0xb] =	wrdreg s21;
	(pc) =	sbr.rel .LBB2_1-.Ltmp0, $4  }
0x29: {  	s16 =	simm.s32 $0x0;
	s5 =	sadd.s32 s0, s24;
	[dreg:$0xc] =	wrdreg s7  }
0x2a: {  	[dreg:$0xf] =	wrdreg s5;
	s5 =	sadd.s32 s0, s25;
	s0 =	sadd.s32 s0, s6  }
0x2b: {  	s6 =	simm.s32 $0xC580;
	s7 =	simm.s32 $0xED00;
	[dreg:$0x10] =	wrdreg s5  }
0x2c: {  	v0 =	vimm.f32 $0.0e+00;
	[dreg:$0x11] =	wrdreg s0;
	s0 =	simm.s32 $0x1;
	s5 =	simm.s32 $0x9E00  }
.LBB2_10:
0x2d: {  	s17 =	rddreg [dreg:$0xa];
	s18 =	simm.s32 $0x80;
	s19 =	simm.s32 $0x400  }
0x2e: {  	[hbm4b:s17+s18] =	stream.strided.scatter [tilespmem:s5], [sflag:$0x3], $0x2780, s19, s18, $0x38;
	[tilespmem:$0x1F400] =	vst v63  }
0x2f: {  	_ =	swait.ge [sflag:s26], $0x2780  }
0x30: {  	[sflag:s26] =	ssyncset.done $0x0  }
0x31: {  	s24 =	rddreg [dreg:$0xb];
	[sflag:s26] =	ssyncadd.s32 $0xFFFFD880  }
0x32: {  	[hbm4b:s24+s18] =	stream.strided.scatter [tilespmem:s6], [sflag:$0x3], $0x2780, s19, s18, $0x38;
	[tilespmem:$0x1F400] =	vst v63  }
0x33: {  	_ =	swait.ge [sflag:s26], $0x2780  }
0x34: {  	[sflag:s26] =	ssyncset.done $0x0  }
0x35: {  	s25 =	rddreg [dreg:$0xc];
	[sflag:s26] =	ssyncadd.s32 $0xFFFFD880  }
0x36: {  	[hbm4b:s25+s18] =	stream.strided.scatter [tilespmem:s7], [sflag:$0x3], $0x2780, s19, s18, $0x38;
	[tilespmem:$0x1F400] =	vst v63  }
0x37: {  	_ =	swait.ge [sflag:s26], $0x2780  }
0x38: {  	[sflag:s26] =	ssyncset.done $0x0  }
0x39: {  	s20 =	rddreg [dreg:$0xd];
	[sflag:s26] =	ssyncadd.s32 $0xFFFFD880  }
0x3a: {  	[hbm4b:s20+s18] =	stream.strided.scatter [tilespmem:s8], [sflag:$0x3], $0x2780, s19, s18, $0x38;
	[tilespmem:$0x1F400] =	vst v63  }
0x3b: {  	_ =	swait.ge [sflag:s26], $0x2780  }
0x3c: {  	[sflag:s26] =	ssyncset.done $0x0  }
0x3d: {  	s21 =	rddreg [dreg:$0xe];
	[sflag:s26] =	ssyncadd.s32 $0xFFFFD880  }
0x3e: {  	[hbm4b:s21+s18] =	stream.strided.scatter [tilespmem:s9], [sflag:$0x3], $0x2780, s19, s18, $0x38;
	[tilespmem:$0x1F400] =	vst v63  }
0x3f: {  	_ =	swait.ge [sflag:s26], $0x2780  }
0x40: {  	[sflag:s26] =	ssyncset.done $0x0  }
0x41: {  	s22 =	rddreg [dreg:$0xf];
	[sflag:s26] =	ssyncadd.s32 $0xFFFFD880  }
0x42: {  	[hbm4b:s22+s18] =	stream.strided.scatter [tilespmem:s10], [sflag:$0x3], $0x2780, s19, s18, $0x38;
	[tilespmem:$0x1F400] =	vst v63  }
0x43: {  	_ =	swait.ge [sflag:s26], $0x2780  }
0x44: {  	[sflag:s26] =	ssyncset.done $0x0  }
0x45: {  	s23 =	rddreg [dreg:$0x10];
	[sflag:s26] =	ssyncadd.s32 $0xFFFFD880  }
0x46: {  	[hbm4b:s23+s18] =	stream.strided.scatter [tilespmem:s11], [sflag:$0x3], $0x2780, s19, s18, $0x38;
	[tilespmem:$0x1F400] =	vst v63  }
0x47: {  	_ =	swait.ge [sflag:s26], $0x2780  }
0x48: {  	[sflag:s26] =	ssyncset.done $0x0  }
0x49: {  	s24 =	rddreg [dreg:$0x11];
	[sflag:s26] =	ssyncadd.s32 $0xFFFFD880  }
0x4a: {  	[hbm4b:s24+s18] =	stream.strided.scatter [tilespmem:s12], [sflag:$0x3], $0x2780, s19, s18, $0x38;
	[tilespmem:$0x1F400] =	vst v63  }
0x4b: {  	_ =	swait.ge [sflag:s26], $0x2780  }
0x4c: {  	s16 =	sadd.s32 $0x1, s16;
	s25 =	rddreg [dreg:$0x12]  }
0x4d: {  	p0 =	sne.s32 s16, s25  }
.Ltmp1:
0x4e: {  	_ = 	snop;
	(pc) =	sbr.rel @!p0 .LBB2_11-.Ltmp1, $3  }
0x4f: {  	_ =	sdelay $0x1  }
0x50: {  	[sflag:s26] =	ssyncset.done $0x0  }
0x51: {  	[sflag:s26] =	ssyncadd.s32 $0xFFFFD880  }
.LBB2_1:
0x52: {  	s17 =	rddreg [dreg:$0x2]  }
0x53: {  	[tilespmem:s2], [sflag:$0x3] =	stream.strided.gather [hbm4b:s17+s18], $0x2780, s19, s18, $0x38;
	[tilespmem:$0x1F400] =	vst v63  }
0x54: {  	_ =	swait.ge [sflag:s26], $0x2780  }
0x55: {  	[sflag:s26] =	ssyncset.done $0x0  }
0x56: {  	s23 =	rddreg [dreg:$0x3];
	[sflag:s26] =	ssyncadd.s32 $0xFFFFD880  }
0x57: {  	[tilespmem:s28], [sflag:$0x3] =	stream.strided.gather [hbm4b:s23+s18], $0x2780, s19, s18, $0x38;
	[tilespmem:$0x1F400] =	vst v63  }
0x58: {  	_ =	swait.ge [sflag:s26], $0x2780  }
0x59: {  	[sflag:s26] =	ssyncset.done $0x0  }
0x5a: {  	s24 =	rddreg [dreg:$0x4];
	[sflag:s26] =	ssyncadd.s32 $0xFFFFD880  }
0x5b: {  	[tilespmem:s29], [sflag:$0x3] =	stream.strided.gather [hbm4b:s24+s18], $0x2780, s19, s18, $0x38;
	[tilespmem:$0x1F400] =	vst v63  }
0x5c: {  	_ =	swait.ge [sflag:s26], $0x2780  }
0x5d: {  	[sflag:s26] =	ssyncset.done $0x0  }
0x5e: {  	s25 =	rddreg [dreg:$0x5];
	[sflag:s26] =	ssyncadd.s32 $0xFFFFD880  }
0x5f: {  	[tilespmem:s30], [sflag:$0x3] =	stream.strided.gather [hbm4b:s25+s18], $0x2780, s19, s18, $0x38;
	[tilespmem:$0x1F400] =	vst v63  }
0x60: {  	_ =	swait.ge [sflag:s26], $0x2780  }
0x61: {  	[sflag:s26] =	ssyncset.done $0x0  }
0x62: {  	s24 =	simm.s32 $0x9E20;
	[sflag:s26] =	ssyncadd.s32 $0xFFFFD880  }
0x63: {  	[tilespmem:s24+$0xFFFFFFF0] =	vst v0  }
0x64: {  	[tilespmem:s24+$0x0] =	vst v0  }
0x65: {  	[tilespmem:s24+$0x10] =	vst v0  }
0x66: {  	s17 =	simm.s32 $0xC5A0;
	[tilespmem:s24+$0xFFFFFFE0] =	vst v0  }
0x67: {  	[tilespmem:s17+$0xFFFFFFF0] =	vst v0  }
0x68: {  	[tilespmem:s17+$0x0] =	vst v0  }
0x69: {  	[tilespmem:s17+$0x10] =	vst v0  }
0x6a: {  	s18 =	simm.s32 $0xED20;
	[tilespmem:s17+$0xFFFFFFE0] =	vst v0  }
0x6b: {  	[tilespmem:s18+$0xFFFFFFF0] =	vst v0  }
0x6c: {  	[tilespmem:s18+$0x0] =	vst v0  }
0x6d: {  	[tilespmem:s18+$0x10] =	vst v0  }
0x6e: {  	s19 =	simm.s32 $0x114A0;
	[tilespmem:s18+$0xFFFFFFE0] =	vst v0  }
0x6f: {  	[tilespmem:s19+$0xFFFFFFF0] =	vst v0  }
0x70: {  	[tilespmem:s19+$0x0] =	vst v0  }
0x71: {  	[tilespmem:s19+$0x10] =	vst v0  }
0x72: {  	s20 =	simm.s32 $0x13C20;
	[tilespmem:s19+$0xFFFFFFE0] =	vst v0  }
0x73: {  	[tilespmem:s20+$0xFFFFFFF0] =	vst v0  }
0x74: {  	[tilespmem:s20+$0x0] =	vst v0  }
0x75: {  	[tilespmem:s20+$0x10] =	vst v0  }
0x76: {  	s21 =	simm.s32 $0x163A0;
	[tilespmem:s20+$0xFFFFFFE0] =	vst v0  }
0x77: {  	[tilespmem:s21+$0xFFFFFFF0] =	vst v0  }
0x78: {  	[tilespmem:s21+$0x0] =	vst v0  }
0x79: {  	[tilespmem:s21+$0x10] =	vst v0  }
0x7a: {  	s22 =	simm.s32 $0x18B20;
	[tilespmem:s21+$0xFFFFFFE0] =	vst v0  }
0x7b: {  	[tilespmem:s22+$0xFFFFFFF0] =	vst v0  }
0x7c: {  	[tilespmem:s22+$0x0] =	vst v0  }
0x7d: {  	[tilespmem:s22+$0x10] =	vst v0  }
0x7e: {  	s23 =	simm.s32 $0x1B2A0;
	[tilespmem:s22+$0xFFFFFFE0] =	vst v0  }
0x7f: {  	[tilespmem:s23+$0xFFFFFFF0] =	vst v0  }
0x80: {  	[tilespmem:s23+$0x0] =	vst v0  }
0x81: {  	[tilespmem:s23+$0x10] =	vst v0  }
0x82: {  	s25 =	simm.s32 $0x9E60;
	s24 =	simm.s32 $0x0;
	[tilespmem:s23+$0xFFFFFFE0] =	vst v0  }
.LBB2_2:
0x83: {  	[tilespmem:s25+$0xFFFFFFF0] =	vst v0;
	s17 =	sadd.s32 $0x40, s17  }
0x84: {  	s18 =	sadd.s32 $0x40, s18;
	[tilespmem:s17+$0xFFFFFFF0] =	vst v0  }
0x85: {  	s19 =	sadd.s32 $0x40, s19;
	[tilespmem:s18+$0xFFFFFFF0] =	vst v0  }
0x86: {  	s20 =	sadd.s32 $0x40, s20;
	[tilespmem:s19+$0xFFFFFFF0] =	vst v0  }
0x87: {  	s21 =	sadd.s32 $0x40, s21;
	[tilespmem:s20+$0xFFFFFFF0] =	vst v0  }
0x88: {  	s22 =	sadd.s32 $0x40, s22;
	[tilespmem:s21+$0xFFFFFFF0] =	vst v0  }
0x89: {  	s23 =	sadd.s32 $0x40, s23;
	[tilespmem:s22+$0xFFFFFFF0] =	vst v0  }
0x8a: {  	[tilespmem:s23+$0xFFFFFFF0] =	vst v0  }
0x8b: {  	[tilespmem:s25+$0x0] =	vst v0  }
0x8c: {  	[tilespmem:s17+$0x0] =	vst v0  }
0x8d: {  	[tilespmem:s18+$0x0] =	vst v0  }
0x8e: {  	[tilespmem:s19+$0x0] =	vst v0  }
0x8f: {  	[tilespmem:s20+$0x0] =	vst v0  }
0x90: {  	[tilespmem:s21+$0x0] =	vst v0  }
0x91: {  	[tilespmem:s22+$0x0] =	vst v0  }
0x92: {  	[tilespmem:s23+$0x0] =	vst v0  }
0x93: {  	[tilespmem:s25+$0x10] =	vst v0  }
0x94: {  	[tilespmem:s17+$0x10] =	vst v0  }
0x95: {  	[tilespmem:s18+$0x10] =	vst v0  }
0x96: {  	[tilespmem:s19+$0x10] =	vst v0  }
0x97: {  	[tilespmem:s20+$0x10] =	vst v0  }
0x98: {  	[tilespmem:s21+$0x10] =	vst v0  }
0x99: {  	[tilespmem:s22+$0x10] =	vst v0  }
0x9a: {  	[tilespmem:s23+$0x10] =	vst v0  }
0x9b: {  	[tilespmem:s25+$0xFFFFFFE0] =	vst v0  }
0x9c: {  	s24 =	sadd.s32 $0x40, s24;
	[tilespmem:s17+$0xFFFFFFE0] =	vst v0  }
0x9d: {  	p0 =	slt.u32 s24, $0x26C0;
	[tilespmem:s18+$0xFFFFFFE0] =	vst v0  }
.Ltmp2:
0x9e: {  	[tilespmem:s19+$0xFFFFFFE0] =	vst v0;
	(pc) =	sbr.rel @p0 .LBB2_2-.Ltmp2, $4  }
0x9f: {  	[tilespmem:s20+$0xFFFFFFE0] =	vst v0  }
0xa0: {  	[tilespmem:s21+$0xFFFFFFE0] =	vst v0  }
0xa1: {  	[tilespmem:s22+$0xFFFFFFE0] =	vst v0  }
0xa2: {  	s25 =	sadd.s32 $0x40, s25;
	[tilespmem:s23+$0xFFFFFFE0] =	vst v0  }
0xa3: {  	[tilespmem:$0xC500] =	vst v0  }
0xa4: {  	[tilespmem:$0xEC80] =	vst v0  }
0xa5: {  	[tilespmem:$0x11400] =	vst v0  }
0xa6: {  	[tilespmem:$0x13B80] =	vst v0  }
0xa7: {  	[tilespmem:$0x16300] =	vst v0  }
0xa8: {  	[tilespmem:$0x18A80] =	vst v0  }
0xa9: {  	[tilespmem:$0x1B200] =	vst v0  }
0xaa: {  	[tilespmem:$0x1D980] =	vst v0;
	s17 =	simm.s32 $0x0;
	s18 =	rddreg [dreg:$0x6];
	s19 =	simm.s32 $0x1DA00  }
0xab: {  	[tilespmem:s19], [sflag:$0x1] =	stream.linear.gather [hbm4b:s18+s17], $0x640, $0x38;
	[tilespmem:$0x1F400] =	vst v63  }
0xac: {  	s22 =	rddreg [dreg:$0x7];
	s23 =	simm.s32 $0x1E700  }
0xad: {  	[tilespmem:s23], [sflag:$0x1] =	stream.linear.gather [hbm4b:s22+s17], $0x640, $0x38;
	[tilespmem:$0x1F400] =	vst v63  }
0xae: {  	s24 =	rddreg [dreg:$0x8]  }
0xaf: {  	[tilespmem:s1], [sflag:$0x2] =	stream.linear.gather [hbm4b:s24+s17], $0x640, $0x38;
	[tilespmem:$0x1F400] =	vst v63  }
0xb0: {  	s25 =	rddreg [dreg:$0x9]  }
0xb1: {  	[tilespmem:s31], [sflag:$0x2] =	stream.linear.gather [hbm4b:s25+s17], $0x640, $0x38;
	[tilespmem:$0x1F400] =	vst v63  }
.LBB2_4:
0xb2: {  	_ =	swait.ge [sflag:s0], $0x640  }
0xb3: {  	[sflag:s0] =	ssyncset.done $0x0  }
0xb4: {  	[sflag:s0] =	ssyncadd.s32 $0xFFFFF9C0  }
0xb5: {  	_ =	swait.ge [sflag:s0], $0x640  }
0xb6: {  	[sflag:s0] =	ssyncset.done $0x0  }
0xb7: {  	s18 =	simm.s32 $0x1DA20;
	[sflag:s0] =	ssyncadd.s32 $0xFFFFF9C0  }
0xb8: {  	v1 =	vld [tilespmem:s18+$0x10];
	_ =	sdelay $0x3  }
0xb9: {  	v3 =	vld [tilespmem:s18+$0xFFFFFFE0]  }
0xba: {  	v7 =	vld [tilespmem:s18+$0xFFFFFFF0];
	v10 =	vand.u32 $0xFFFF, v1  }
0xbb: {  	v8 =	vld [tilespmem:s18+$0x0];
	_ =	sdelay $0x2  }
0xbc: {  	v6 =	vand.u32 $0xFFFF, v3  }
0xbd: {  	s18 =	simm.s32 $0x1E720;
	v2 =	vand.u32 $0xFFFF, v7;
	v5 =	vld.idx.msk [tilespmem:v10+s2+$0x0], $0xffff  }
0xbe: {  	v11 =	vld [tilespmem:s18+$0x10];
	v4 =	vand.u32 $0xFFFF, v8;
	_ =	sdelay $0x1  }
0xbf: {  	v9 =	vld [tilespmem:s18+$0xFFFFFFE0];
	v13 =	vshra.s32 v1, $0x10  }
0xc0: {  	v14 =	vld.idx.msk [tilespmem:v6+s2+$0x0], $0xffff  }
0xc1: {  	v12 =	vld.idx.msk [tilespmem:v2+s2+$0x0], $0xffff;
	v1 =	vand.u32 $0xFFFF0000, v5  }
0xc2: {  	v15 =	vld.idx.msk [tilespmem:v4+s2+$0x0], $0xffff;
	v16 =	vshll.u32 v5, $0x10;
	v1 =	vmul.f32 v1, v11  }
0xc3: {  	v3 =	vshra.s32 v3, $0x10;
	v5 =	vld [tilespmem:s18+$0xFFFFFFF0];
	v16 =	vmul.f32 v16, v11  }
0xc4: {  	[tilespmem:v13+s5+$0x0] =	vst.idx.add.f32.msk $0xffff, v1  }
0xc5: {  	v1 =	vshra.s32 v7, $0x10;
	v7 =	vand.u32 $0xFFFF0000, v14;
	[tilespmem:v13+s6+$0x0] =	vst.idx.add.f32.msk $0xffff, v16  }
0xc6: {  	v14 =	vshll.u32 v14, $0x10;
	v54 =	vmul.f32 v7, v9;
	v17 =	vld.idx.msk [tilespmem:v10+s28+$0x0], $0xffff  }
0xc7: {  	v18 =	vand.u32 $0xFFFF0000, v12;
	v7 =	vld [tilespmem:s18+$0x0];
	v14 =	vmul.f32 v14, v9  }
0xc8: {  	v12 =	vshll.u32 v12, $0x10;
	v18 =	vmul.f32 v18, v5;
	[tilespmem:v3+s5+$0x0] =	vst.idx.add.f32.msk $0xffff, v54  }
0xc9: {  	v12 =	vmul.f32 v12, v5;
	[tilespmem:v3+s6+$0x0] =	vst.idx.add.f32.msk $0xffff, v14  }
0xca: {  	[tilespmem:v1+s5+$0x0] =	vst.idx.add.f32.msk $0xffff, v18  }
0xcb: {  	[tilespmem:v1+s6+$0x0] =	vst.idx.add.f32.msk $0xffff, v12;
	v12 =	vand.u32 $0xFFFF0000, v17  }
0xcc: {  	v8 =	vshra.s32 v8, $0x10;
	v14 =	vld.idx.msk [tilespmem:v6+s28+$0x0], $0xffff;
	v55 =	vshll.u32 v17, $0x10;
	v12 =	vmul.f32 v12, v11  }
0xcd: {  	v56 =	vld.idx.msk [tilespmem:v2+s28+$0x0], $0xffff;
	v16 =	vmul.f32 v55, v11  }
0xce: {  	v57 =	vand.u32 $0xFFFF0000, v15;
	[tilespmem:v13+s7+$0x0] =	vst.idx.add.f32.msk $0xffff, v12  }
0xcf: {  	v12 =	vshll.u32 v15, $0x10;
	v15 =	vmul.f32 v57, v7;
	[tilespmem:v13+s8+$0x0] =	vst.idx.add.f32.msk $0xffff, v16  }
0xd0: {  	v12 =	vmul.f32 v12, v7;
	v16 =	vld.idx.msk [tilespmem:v10+s29+$0x0], $0xffff  }
0xd1: {  	[tilespmem:v8+s5+$0x0] =	vst.idx.add.f32.msk $0xffff, v15;
	v15 =	vand.u32 $0xFFFF0000, v14  }
0xd2: {  	[tilespmem:v8+s6+$0x0] =	vst.idx.add.f32.msk $0xffff, v12;
	v12 =	vshll.u32 v14, $0x10;
	v14 =	vmul.f32 v15, v9  }
0xd3: {  	v58 =	vand.u32 $0xFFFF0000, v56;
	v15 =	vld.idx.msk [tilespmem:v4+s28+$0x0], $0xffff;
	v12 =	vmul.f32 v12, v9  }
0xd4: {  	v17 =	vshll.u32 v56, $0x10;
	v18 =	vmul.f32 v58, v5;
	[tilespmem:v3+s7+$0x0] =	vst.idx.add.f32.msk $0xffff, v14  }
0xd5: {  	v14 =	vmul.f32 v17, v5;
	[tilespmem:v3+s8+$0x0] =	vst.idx.add.f32.msk $0xffff, v12;
	v12 =	vand.u32 $0xFFFF0000, v16  }
0xd6: {  	[tilespmem:v1+s7+$0x0] =	vst.idx.add.f32.msk $0xffff, v18;
	v16 =	vshll.u32 v16, $0x10;
	v12 =	vmul.f32 v12, v11  }
0xd7: {  	[tilespmem:v1+s8+$0x0] =	vst.idx.add.f32.msk $0xffff, v14;
	v14 =	vmul.f32 v16, v11  }
0xd8: {  	v59 =	vand.u32 $0xFFFF0000, v15;
	[tilespmem:v13+s9+$0x0] =	vst.idx.add.f32.msk $0xffff, v12  }
0xd9: {  	v12 =	vmul.f32 v59, v7;
	[tilespmem:v13+s10+$0x0] =	vst.idx.add.f32.msk $0xffff, v14  }
0xda: {  	v15 =	vshll.u32 v15, $0x10;
	v10 =	vld.idx.msk [tilespmem:v10+s30+$0x0], $0xffff  }
0xdb: {  	v14 =	vmul.f32 v15, v7;
	[tilespmem:v8+s7+$0x0] =	vst.idx.add.f32.msk $0xffff, v12  }
0xdc: {  	v12 =	vld.idx.msk [tilespmem:v6+s29+$0x0], $0xffff  }
0xdd: {  	[tilespmem:v8+s8+$0x0] =	vst.idx.add.f32.msk $0xffff, v14  }
0xde: {  	v14 =	vld.idx.msk [tilespmem:v2+s29+$0x0], $0xffff  }
0xdf: {  	v15 =	vld.idx.msk [tilespmem:v4+s29+$0x0], $0xffff  }
0xe0: {  	v60 =	vand.u32 $0xFFFF0000, v10  }
0xe1: {  	v10 =	vshll.u32 v10, $0x10;
	v16 =	vmul.f32 v60, v11  }
0xe2: {  	v10 =	vmul.f32 v10, v11;
	v11 =	vand.u32 $0xFFFF0000, v12  }
0xe3: {  	v12 =	vshll.u32 v12, $0x10;
	v62 =	vand.u32 $0xFFFF0000, v14;
	v61 =	vmul.f32 v11, v9;
	[tilespmem:v13+s11+$0x0] =	vst.idx.add.f32.msk $0xffff, v16  }
0xe4: {  	v63 =	vshll.u32 v14, $0x10;
	v11 =	vmul.f32 v12, v9;
	v14 =	vand.u32 $0xFFFF0000, v15;
	[tilespmem:v13+s12+$0x0] =	vst.idx.add.f32.msk $0xffff, v10  }
0xe5: {  	s19 =	simm.s32 $0x0;
	s20 =	simm.s32 $0x1DA60;
	v12 =	vmul.f32 v62, v5;
	v13 =	vshll.u32 v15, $0x10;
	[tilespmem:v3+s9+$0x0] =	vst.idx.add.f32.msk $0xffff, v61;
	v10 =	vmul.f32 v63, v5  }
.LBB2_5:
0xe6: {  	v15 =	vld [tilespmem:s20+$0x10];
	v14 =	vmul.f32 v14, v7;
	v16 =	vmul.f32 v13, v7  }
0xe7: {  	v17 =	vld [tilespmem:s20+$0xFFFFFFF0]  }
0xe8: {  	v18 =	vld [tilespmem:s20+$0x0]  }
0xe9: {  	v19 =	vld [tilespmem:s20+$0xFFFFFFE0]  }
0xea: {  	s19 =	sadd.s32 $0x40, s19;
	[tilespmem:v3+s10+$0x0] =	vst.idx.add.f32.msk $0xffff, v11  }
0xeb: {  	p0 =	slt.u32 s19, $0x600;
	v13 =	vand.u32 $0xFFFF, v15;
	[tilespmem:v1+s9+$0x0] =	vst.idx.add.f32.msk $0xffff, v12  }
0xec: {  	v11 =	vshra.s32 v17, $0x10;
	v17 =	vand.u32 $0xFFFF, v17;
	[tilespmem:v1+s10+$0x0] =	vst.idx.add.f32.msk $0xffff, v10  }
0xed: {  	v10 =	vshra.s32 v18, $0x10;
	v18 =	vand.u32 $0xFFFF, v18;
	[tilespmem:v8+s9+$0x0] =	vst.idx.add.f32.msk $0xffff, v14  }
0xee: {  	v20 =	vshra.s32 v19, $0x10;
	v12 =	vand.u32 $0xFFFF, v19;
	[tilespmem:v8+s10+$0x0] =	vst.idx.add.f32.msk $0xffff, v16  }
0xef: {  	v16 =	vld.idx.msk [tilespmem:v6+s30+$0x0], $0xffff;
	v6 =	vmov v12  }
0xf0: {  	v19 =	vld.idx.msk [tilespmem:v13+s2+$0x0], $0xffff  }
0xf1: {  	s18 =	sadd.s32 $0x40, s18;
	v21 =	vld.idx.msk [tilespmem:v17+s2+$0x0], $0xffff  }
0xf2: {  	v14 =	vld [tilespmem:s18+$0x10]  }
0xf3: {  	v22 =	vld.idx.msk [tilespmem:v12+s2+$0x0], $0xffff  }
0xf4: {  	v12 =	vshra.s32 v15, $0x10;
	v23 =	vld.idx.msk [tilespmem:v18+s2+$0x0], $0xffff  }
0xf5: {  	v24 =	vand.u32 $0xFFFF0000, v16;
	v16 =	vshll.u32 v16, $0x10;
	v15 =	vld [tilespmem:s18+$0xFFFFFFE0]  }
0xf6: {  	v26 =	vand.u32 $0xFFFF0000, v19;
	v24 =	vmul.f32 v24, v9;
	v16 =	vmul.f32 v16, v9;
	v25 =	vld [tilespmem:s18+$0xFFFFFFF0]  }
0xf7: {  	v19 =	vshll.u32 v19, $0x10;
	v27 =	vand.u32 $0xFFFF0000, v21;
	v28 =	vld [tilespmem:s18+$0x0];
	v30 =	vmul.f32 v26, v14  }
0xf8: {  	v21 =	vshll.u32 v21, $0x10;
	v19 =	vmul.f32 v19, v14;
	v26 =	vld.idx.msk [tilespmem:v2+s30+$0x0], $0xffff;
	v2 =	vmov v17  }
0xf9: {  	v17 =	vand.u32 $0xFFFF0000, v22;
	v22 =	vshll.u32 v22, $0x10;
	[tilespmem:v12+s5+$0x0] =	vst.idx.add.f32.msk $0xffff, v30  }
0xfa: {  	v29 =	vand.u32 $0xFFFF0000, v23;
	v23 =	vshll.u32 v23, $0x10;
	v17 =	vmul.f32 v17, v15;
	[tilespmem:v12+s6+$0x0] =	vst.idx.add.f32.msk $0xffff, v19;
	v9 =	vmovc v15  }
0xfb: {  	v15 =	vmul.f32 v22, v9;
	v19 =	vmul.f32 v27, v25;
	v22 =	vld.idx.msk [tilespmem:v13+s28+$0x0], $0xffff  }
0xfc: {  	[tilespmem:v20+s5+$0x0] =	vst.idx.add.f32.msk $0xffff, v17;
	v17 =	vmul.f32 v21, v25;
	v21 =	vmul.f32 v29, v28  }
0xfd: {  	[tilespmem:v20+s6+$0x0] =	vst.idx.add.f32.msk $0xffff, v15;
	v15 =	vmul.f32 v23, v28  }
0xfe: {  	v23 =	vshll.u32 v26, $0x10;
	[tilespmem:v11+s5+$0x0] =	vst.idx.add.f32.msk $0xffff, v19;
	v19 =	vand.u32 $0xFFFF0000, v26  }
0xff: {  	[tilespmem:v11+s6+$0x0] =	vst.idx.add.f32.msk $0xffff, v17;
	v17 =	vmul.f32 v19, v5;
	v19 =	vmul.f32 v23, v5;
	v5 =	vmov v25  }
0x100: {  	[tilespmem:v10+s5+$0x0] =	vst.idx.add.f32.msk $0xffff, v21  }
0x101: {  	[tilespmem:v10+s6+$0x0] =	vst.idx.add.f32.msk $0xffff, v15;
	v15 =	vand.u32 $0xFFFF0000, v22  }
0x102: {  	v22 =	vshll.u32 v22, $0x10;
	v21 =	vld.idx.msk [tilespmem:v6+s28+$0x0], $0xffff;
	v15 =	vmul.f32 v15, v14  }
0x103: {  	v22 =	vmul.f32 v22, v14;
	v23 =	vld.idx.msk [tilespmem:v2+s28+$0x0], $0xffff  }
0x104: {  	[tilespmem:v12+s7+$0x0] =	vst.idx.add.f32.msk $0xffff, v15  }
0x105: {  	[tilespmem:v12+s8+$0x0] =	vst.idx.add.f32.msk $0xffff, v22  }
0x106: {  	v15 =	vld.idx.msk [tilespmem:v13+s29+$0x0], $0xffff  }
0x107: {  	v22 =	vld.idx.msk [tilespmem:v18+s28+$0x0], $0xffff  }
0x108: {  	v25 =	vand.u32 $0xFFFF0000, v21;
	v21 =	vshll.u32 v21, $0x10;
	v26 =	vld.idx.msk [tilespmem:v4+s30+$0x0], $0xffff;
	v4 =	vmov v18  }
0x109: {  	v18 =	vmul.f32 v25, v9;
	v25 =	vand.u32 $0xFFFF0000, v23;
	v23 =	vshll.u32 v23, $0x10;
	[tilespmem:v3+s11+$0x0] =	vst.idx.add.f32.msk $0xffff, v24  }
0x10a: {  	v21 =	vmul.f32 v21, v9;
	v24 =	vmul.f32 v25, v5;
	[tilespmem:v3+s12+$0x0] =	vst.idx.add.f32.msk $0xffff, v16;
	v3 =	vmov v20  }
0x10b: {  	v16 =	vmul.f32 v23, v5;
	[tilespmem:v20+s7+$0x0] =	vst.idx.add.f32.msk $0xffff, v18  }
0x10c: {  	v18 =	vand.u32 $0xFFFF0000, v15;
	[tilespmem:v20+s8+$0x0] =	vst.idx.add.f32.msk $0xffff, v21  }
0x10d: {  	v15 =	vshll.u32 v15, $0x10;
	v20 =	vand.u32 $0xFFFF0000, v22;
	v18 =	vmul.f32 v18, v14;
	[tilespmem:v11+s7+$0x0] =	vst.idx.add.f32.msk $0xffff, v24  }
0x10e: {  	v15 =	vmul.f32 v15, v14;
	[tilespmem:v11+s8+$0x0] =	vst.idx.add.f32.msk $0xffff, v16;
	v16 =	vmul.f32 v20, v28;
	v20 =	vshll.u32 v22, $0x10  }
0x10f: {  	v21 =	vshll.u32 v26, $0x10;
	v20 =	vmul.f32 v20, v28;
	[tilespmem:v12+s9+$0x0] =	vst.idx.add.f32.msk $0xffff, v18;
	v18 =	vand.u32 $0xFFFF0000, v26  }
0x110: {  	[tilespmem:v12+s10+$0x0] =	vst.idx.add.f32.msk $0xffff, v15;
	v15 =	vmul.f32 v18, v7;
	v18 =	vmul.f32 v21, v7;
	v7 =	vmov v28  }
0x111: {  	v13 =	vld.idx.msk [tilespmem:v13+s30+$0x0], $0xffff  }
0x112: {  	[tilespmem:v10+s7+$0x0] =	vst.idx.add.f32.msk $0xffff, v16  }
0x113: {  	[tilespmem:v10+s8+$0x0] =	vst.idx.add.f32.msk $0xffff, v20  }
0x114: {  	v16 =	vld.idx.msk [tilespmem:v6+s29+$0x0], $0xffff  }
0x115: {  	v20 =	vld.idx.msk [tilespmem:v2+s29+$0x0], $0xffff  }
0x116: {  	v21 =	vld.idx.msk [tilespmem:v4+s29+$0x0], $0xffff  }
0x117: {  	v22 =	vand.u32 $0xFFFF0000, v13;
	[tilespmem:v1+s11+$0x0] =	vst.idx.add.f32.msk $0xffff, v17  }
0x118: {  	v13 =	vshll.u32 v13, $0x10;
	v17 =	vmul.f32 v22, v14;
	[tilespmem:v1+s12+$0x0] =	vst.idx.add.f32.msk $0xffff, v19;
	v1 =	vmov v11  }
.Ltmp3:
0x119: {  	v11 =	vmul.f32 v13, v14;
	[tilespmem:v8+s11+$0x0] =	vst.idx.add.f32.msk $0xffff, v15;
	(pc) =	sbr.rel @p0 .LBB2_5-.Ltmp3, $4  }
0x11a: {  	v13 =	vand.u32 $0xFFFF0000, v16;
	v14 =	vshll.u32 v16, $0x10;
	[tilespmem:v12+s11+$0x0] =	vst.idx.add.f32.msk $0xffff, v17  }
0x11b: {  	v15 =	vmul.f32 v13, v9;
	v16 =	vand.u32 $0xFFFF0000, v20;
	v17 =	vshll.u32 v20, $0x10;
	[tilespmem:v12+s12+$0x0] =	vst.idx.add.f32.msk $0xffff, v11  }
0x11c: {  	v11 =	vmul.f32 v14, v9;
	v14 =	vand.u32 $0xFFFF0000, v21;
	v13 =	vshll.u32 v21, $0x10;
	[tilespmem:v8+s12+$0x0] =	vst.idx.add.f32.msk $0xffff, v18;
	v8 =	vmovc v10  }
0x11d: {  	s20 =	sadd.s32 $0x40, s20;
	v12 =	vmul.f32 v16, v5;
	v10 =	vmul.f32 v17, v5;
	[tilespmem:v3+s9+$0x0] =	vst.idx.add.f32.msk $0xffff, v15  }
0x11e: {  	_ =	sdelay $0x3  }
0x11f: {  	[tilespmem:v3+s10+$0x0] =	vst.idx.add.f32.msk $0xffff, v11  }
0x120: {  	[tilespmem:v1+s9+$0x0] =	vst.idx.add.f32.msk $0xffff, v12  }
0x121: {  	v11 =	vmul.f32 v14, v7;
	v6 =	vld.idx.msk [tilespmem:v6+s30+$0x0], $0xffff  }
0x122: {  	[tilespmem:v1+s10+$0x0] =	vst.idx.add.f32.msk $0xffff, v10  }
0x123: {  	v10 =	vmul.f32 v13, v7;
	[tilespmem:v8+s9+$0x0] =	vst.idx.add.f32.msk $0xffff, v11  }
0x124: {  	v2 =	vld.idx.msk [tilespmem:v2+s30+$0x0], $0xffff  }
0x125: {  	[tilespmem:v8+s10+$0x0] =	vst.idx.add.f32.msk $0xffff, v10  }
0x126: {  	v4 =	vld.idx.msk [tilespmem:v4+s30+$0x0], $0xffff  }
0x127: {  	v10 =	vand.u32 $0xFFFF0000, v6  }
0x128: {  	v6 =	vshll.u32 v6, $0x10;
	v10 =	vmul.f32 v10, v9  }
0x129: {  	v6 =	vmul.f32 v6, v9;
	v9 =	vand.u32 $0xFFFF0000, v2  }
0x12a: {  	p0 =	seq.s32 s17, $0x31;
	v2 =	vshll.u32 v2, $0x10;
	v9 =	vmul.f32 v9, v5;
	[tilespmem:v3+s11+$0x0] =	vst.idx.add.f32.msk $0xffff, v10  }
0x12b: {  	s18 =	smul.u32 @!p0 $0xC80, s17;
	v2 =	vmul.f32 v2, v5;
	[tilespmem:v3+s12+$0x0] =	vst.idx.add.f32.msk $0xffff, v6;
	v3 =	vand.u32 $0xFFFF0000, v4  }
0x12c: {  	v4 =	vshll.u32 v4, $0x10;
	v3 =	vmul.f32 v3, v7;
	[tilespmem:v1+s11+$0x0] =	vst.idx.add.f32.msk $0xffff, v9  }
0x12d: {  	s18 =	sadd.s32 @!p0 s18, s13;
	v4 =	vmul.f32 v4, v7;
	[tilespmem:v1+s12+$0x0] =	vst.idx.add.f32.msk $0xffff, v2  }
0x12e: {  	s18 =	sshrl.u32 @!p0 s18, $0x3;
	[tilespmem:v8+s11+$0x0] =	vst.idx.add.f32.msk $0xffff, v3  }
0x12f: {  	s20 =	simm.s32 @!p0 $0x0;
	s21 =	simm.s32 @!p0 $0x1DA00;
	s19 =	sadd.s32 @!p0 s3, s18;
	[tilespmem:v8+s12+$0x0] =	vst.idx.add.f32.msk $0xffff, v4  }
0x130: {  	[tilespmem:s21], [sflag:$0x1] =	stream.linear.gather @!p0 [hbm4b:s19+s20], $0x640, $0x38;
	[tilespmem:$0x1F400] =	vst v63  }
0x131: {  	s18 =	sadd.s32 @!p0 s4, s18;
	s19 =	simm.s32 @!p0 $0x1E700  }
0x132: {  	[tilespmem:s19], [sflag:$0x1] =	stream.linear.gather @!p0 [hbm4b:s18+s20], $0x640, $0x38;
	[tilespmem:$0x1F400] =	vst v63  }
0x133: {  	_ =	swait.ge [sflag:s15], $0x640  }
0x134: {  	[sflag:s15] =	ssyncset.done $0x0  }
0x135: {  	[sflag:s15] =	ssyncadd.s32 $0xFFFFF9C0  }
0x136: {  	_ =	swait.ge [sflag:s15], $0x640  }
0x137: {  	[sflag:s15] =	ssyncset.done $0x0  }
0x138: {  	s25 =	simm.s32 $0x1E0A0;
	[sflag:s15] =	ssyncadd.s32 $0xFFFFF9C0  }
0x139: {  	v1 =	vld [tilespmem:s25+$0x10];
	_ =	sdelay $0x3  }
0x13a: {  	v3 =	vld [tilespmem:s25+$0xFFFFFFE0]  }
0x13b: {  	v7 =	vld [tilespmem:s25+$0xFFFFFFF0];
	v10 =	vand.u32 $0xFFFF, v1  }
0x13c: {  	v8 =	vld [tilespmem:s25+$0x0];
	_ =	sdelay $0x2  }
0x13d: {  	v5 =	vand.u32 $0xFFFF, v3  }
0x13e: {  	s18 =	simm.s32 $0x1EDA0;
	v2 =	vand.u32 $0xFFFF, v7;
	v6 =	vld.idx.msk [tilespmem:v10+s2+$0x0], $0xffff  }
0x13f: {  	v11 =	vld [tilespmem:s18+$0x10];
	v4 =	vand.u32 $0xFFFF, v8;
	_ =	sdelay $0x1  }
0x140: {  	v9 =	vld [tilespmem:s18+$0xFFFFFFE0];
	v13 =	vshra.s32 v1, $0x10  }
0x141: {  	v14 =	vld.idx.msk [tilespmem:v5+s2+$0x0], $0xffff  }
0x142: {  	v12 =	vld.idx.msk [tilespmem:v2+s2+$0x0], $0xffff;
	v1 =	vand.u32 $0xFFFF0000, v6  }
0x143: {  	v15 =	vld.idx.msk [tilespmem:v4+s2+$0x0], $0xffff;
	v16 =	vshll.u32 v6, $0x10;
	v1 =	vmul.f32 v1, v11  }
0x144: {  	v3 =	vshra.s32 v3, $0x10;
	v6 =	vld [tilespmem:s18+$0xFFFFFFF0];
	v16 =	vmul.f32 v16, v11  }
0x145: {  	[tilespmem:v13+s5+$0x0] =	vst.idx.add.f32.msk $0xffff, v1  }
0x146: {  	v1 =	vshra.s32 v7, $0x10;
	v7 =	vand.u32 $0xFFFF0000, v14;
	[tilespmem:v13+s6+$0x0] =	vst.idx.add.f32.msk $0xffff, v16  }
0x147: {  	v14 =	vshll.u32 v14, $0x10;
	v54 =	vmul.f32 v7, v9;
	v17 =	vld.idx.msk [tilespmem:v10+s28+$0x0], $0xffff  }
0x148: {  	v18 =	vand.u32 $0xFFFF0000, v12;
	v7 =	vld [tilespmem:s18+$0x0];
	v14 =	vmul.f32 v14, v9  }
0x149: {  	v12 =	vshll.u32 v12, $0x10;
	v18 =	vmul.f32 v18, v6;
	[tilespmem:v3+s5+$0x0] =	vst.idx.add.f32.msk $0xffff, v54  }
0x14a: {  	v12 =	vmul.f32 v12, v6;
	[tilespmem:v3+s6+$0x0] =	vst.idx.add.f32.msk $0xffff, v14  }
0x14b: {  	[tilespmem:v1+s5+$0x0] =	vst.idx.add.f32.msk $0xffff, v18  }
0x14c: {  	[tilespmem:v1+s6+$0x0] =	vst.idx.add.f32.msk $0xffff, v12;
	v12 =	vand.u32 $0xFFFF0000, v17  }
0x14d: {  	v8 =	vshra.s32 v8, $0x10;
	v14 =	vld.idx.msk [tilespmem:v5+s28+$0x0], $0xffff;
	v55 =	vshll.u32 v17, $0x10;
	v12 =	vmul.f32 v12, v11  }
0x14e: {  	v56 =	vld.idx.msk [tilespmem:v2+s28+$0x0], $0xffff;
	v16 =	vmul.f32 v55, v11  }
0x14f: {  	v57 =	vand.u32 $0xFFFF0000, v15;
	[tilespmem:v13+s7+$0x0] =	vst.idx.add.f32.msk $0xffff, v12  }
0x150: {  	v12 =	vshll.u32 v15, $0x10;
	v15 =	vmul.f32 v57, v7;
	[tilespmem:v13+s8+$0x0] =	vst.idx.add.f32.msk $0xffff, v16  }
0x151: {  	v12 =	vmul.f32 v12, v7;
	v16 =	vld.idx.msk [tilespmem:v10+s29+$0x0], $0xffff  }
0x152: {  	[tilespmem:v8+s5+$0x0] =	vst.idx.add.f32.msk $0xffff, v15;
	v15 =	vand.u32 $0xFFFF0000, v14  }
0x153: {  	[tilespmem:v8+s6+$0x0] =	vst.idx.add.f32.msk $0xffff, v12;
	v12 =	vshll.u32 v14, $0x10;
	v14 =	vmul.f32 v15, v9  }
0x154: {  	v58 =	vand.u32 $0xFFFF0000, v56;
	v15 =	vld.idx.msk [tilespmem:v4+s28+$0x0], $0xffff;
	v12 =	vmul.f32 v12, v9  }
0x155: {  	v17 =	vshll.u32 v56, $0x10;
	v18 =	vmul.f32 v58, v6;
	[tilespmem:v3+s7+$0x0] =	vst.idx.add.f32.msk $0xffff, v14  }
0x156: {  	v14 =	vmul.f32 v17, v6;
	[tilespmem:v3+s8+$0x0] =	vst.idx.add.f32.msk $0xffff, v12;
	v12 =	vand.u32 $0xFFFF0000, v16  }
0x157: {  	[tilespmem:v1+s7+$0x0] =	vst.idx.add.f32.msk $0xffff, v18;
	v16 =	vshll.u32 v16, $0x10;
	v12 =	vmul.f32 v12, v11  }
0x158: {  	[tilespmem:v1+s8+$0x0] =	vst.idx.add.f32.msk $0xffff, v14;
	v14 =	vmul.f32 v16, v11  }
0x159: {  	v59 =	vand.u32 $0xFFFF0000, v15;
	[tilespmem:v13+s9+$0x0] =	vst.idx.add.f32.msk $0xffff, v12  }
0x15a: {  	v12 =	vmul.f32 v59, v7;
	[tilespmem:v13+s10+$0x0] =	vst.idx.add.f32.msk $0xffff, v14  }
0x15b: {  	v15 =	vshll.u32 v15, $0x10;
	v10 =	vld.idx.msk [tilespmem:v10+s30+$0x0], $0xffff  }
0x15c: {  	v14 =	vmul.f32 v15, v7;
	[tilespmem:v8+s7+$0x0] =	vst.idx.add.f32.msk $0xffff, v12  }
0x15d: {  	v12 =	vld.idx.msk [tilespmem:v5+s29+$0x0], $0xffff  }
0x15e: {  	[tilespmem:v8+s8+$0x0] =	vst.idx.add.f32.msk $0xffff, v14  }
0x15f: {  	v14 =	vld.idx.msk [tilespmem:v2+s29+$0x0], $0xffff  }
0x160: {  	v15 =	vld.idx.msk [tilespmem:v4+s29+$0x0], $0xffff  }
0x161: {  	v60 =	vand.u32 $0xFFFF0000, v10  }
0x162: {  	v10 =	vshll.u32 v10, $0x10;
	v16 =	vmul.f32 v60, v11  }
0x163: {  	v10 =	vmul.f32 v10, v11;
	v11 =	vand.u32 $0xFFFF0000, v12  }
0x164: {  	v12 =	vshll.u32 v12, $0x10;
	v62 =	vand.u32 $0xFFFF0000, v14;
	v61 =	vmul.f32 v11, v9;
	[tilespmem:v13+s11+$0x0] =	vst.idx.add.f32.msk $0xffff, v16  }
0x165: {  	v63 =	vshll.u32 v14, $0x10;
	v11 =	vmul.f32 v12, v9;
	v14 =	vand.u32 $0xFFFF0000, v15;
	[tilespmem:v13+s12+$0x0] =	vst.idx.add.f32.msk $0xffff, v10  }
0x166: {  	s19 =	simm.s32 $0x0;
	s20 =	simm.s32 $0x1E0E0;
	v12 =	vmul.f32 v62, v6;
	v13 =	vshll.u32 v15, $0x10;
	[tilespmem:v3+s9+$0x0] =	vst.idx.add.f32.msk $0xffff, v61;
	v10 =	vmul.f32 v63, v6  }
.LBB2_7:
0x167: {  	v15 =	vld [tilespmem:s20+$0x10];
	v14 =	vmul.f32 v14, v7;
	v16 =	vmul.f32 v13, v7  }
0x168: {  	v17 =	vld [tilespmem:s20+$0xFFFFFFF0]  }
0x169: {  	v18 =	vld [tilespmem:s20+$0x0]  }
0x16a: {  	v19 =	vld [tilespmem:s20+$0xFFFFFFE0]  }
0x16b: {  	s19 =	sadd.s32 $0x40, s19;
	[tilespmem:v3+s10+$0x0] =	vst.idx.add.f32.msk $0xffff, v11  }
0x16c: {  	p1 =	slt.u32 s19, $0x600;
	v13 =	vand.u32 $0xFFFF, v15;
	[tilespmem:v1+s9+$0x0] =	vst.idx.add.f32.msk $0xffff, v12  }
0x16d: {  	v11 =	vshra.s32 v17, $0x10;
	v17 =	vand.u32 $0xFFFF, v17;
	[tilespmem:v1+s10+$0x0] =	vst.idx.add.f32.msk $0xffff, v10  }
0x16e: {  	v10 =	vshra.s32 v18, $0x10;
	v18 =	vand.u32 $0xFFFF, v18;
	[tilespmem:v8+s9+$0x0] =	vst.idx.add.f32.msk $0xffff, v14  }
0x16f: {  	v20 =	vshra.s32 v19, $0x10;
	v12 =	vand.u32 $0xFFFF, v19;
	[tilespmem:v8+s10+$0x0] =	vst.idx.add.f32.msk $0xffff, v16  }
0x170: {  	v16 =	vld.idx.msk [tilespmem:v5+s30+$0x0], $0xffff;
	v5 =	vmov v12  }
0x171: {  	v19 =	vld.idx.msk [tilespmem:v13+s2+$0x0], $0xffff  }
0x172: {  	s18 =	sadd.s32 $0x40, s18;
	v21 =	vld.idx.msk [tilespmem:v17+s2+$0x0], $0xffff  }
0x173: {  	v14 =	vld [tilespmem:s18+$0x10]  }
0x174: {  	v22 =	vld.idx.msk [tilespmem:v12+s2+$0x0], $0xffff  }
0x175: {  	v12 =	vshra.s32 v15, $0x10;
	v23 =	vld.idx.msk [tilespmem:v18+s2+$0x0], $0xffff  }
0x176: {  	v24 =	vand.u32 $0xFFFF0000, v16;
	v16 =	vshll.u32 v16, $0x10;
	v15 =	vld [tilespmem:s18+$0xFFFFFFE0]  }
0x177: {  	v26 =	vand.u32 $0xFFFF0000, v19;
	v24 =	vmul.f32 v24, v9;
	v16 =	vmul.f32 v16, v9;
	v25 =	vld [tilespmem:s18+$0xFFFFFFF0]  }
0x178: {  	v19 =	vshll.u32 v19, $0x10;
	v27 =	vand.u32 $0xFFFF0000, v21;
	v28 =	vld [tilespmem:s18+$0x0];
	v30 =	vmul.f32 v26, v14  }
0x179: {  	v21 =	vshll.u32 v21, $0x10;
	v19 =	vmul.f32 v19, v14;
	v26 =	vld.idx.msk [tilespmem:v2+s30+$0x0], $0xffff;
	v2 =	vmov v17  }
0x17a: {  	v17 =	vand.u32 $0xFFFF0000, v22;
	v22 =	vshll.u32 v22, $0x10;
	[tilespmem:v12+s5+$0x0] =	vst.idx.add.f32.msk $0xffff, v30  }
0x17b: {  	v29 =	vand.u32 $0xFFFF0000, v23;
	v23 =	vshll.u32 v23, $0x10;
	v17 =	vmul.f32 v17, v15;
	[tilespmem:v12+s6+$0x0] =	vst.idx.add.f32.msk $0xffff, v19;
	v9 =	vmovc v15  }
0x17c: {  	v15 =	vmul.f32 v22, v9;
	v19 =	vmul.f32 v27, v25;
	v22 =	vld.idx.msk [tilespmem:v13+s28+$0x0], $0xffff  }
0x17d: {  	[tilespmem:v20+s5+$0x0] =	vst.idx.add.f32.msk $0xffff, v17;
	v17 =	vmul.f32 v21, v25;
	v21 =	vmul.f32 v29, v28  }
0x17e: {  	[tilespmem:v20+s6+$0x0] =	vst.idx.add.f32.msk $0xffff, v15;
	v15 =	vmul.f32 v23, v28  }
0x17f: {  	v23 =	vshll.u32 v26, $0x10;
	[tilespmem:v11+s5+$0x0] =	vst.idx.add.f32.msk $0xffff, v19;
	v19 =	vand.u32 $0xFFFF0000, v26  }
0x180: {  	[tilespmem:v11+s6+$0x0] =	vst.idx.add.f32.msk $0xffff, v17;
	v17 =	vmul.f32 v19, v6;
	v19 =	vmul.f32 v23, v6;
	v6 =	vmov v25  }
0x181: {  	[tilespmem:v10+s5+$0x0] =	vst.idx.add.f32.msk $0xffff, v21  }
0x182: {  	[tilespmem:v10+s6+$0x0] =	vst.idx.add.f32.msk $0xffff, v15;
	v15 =	vand.u32 $0xFFFF0000, v22  }
0x183: {  	v22 =	vshll.u32 v22, $0x10;
	v21 =	vld.idx.msk [tilespmem:v5+s28+$0x0], $0xffff;
	v15 =	vmul.f32 v15, v14  }
0x184: {  	v22 =	vmul.f32 v22, v14;
	v23 =	vld.idx.msk [tilespmem:v2+s28+$0x0], $0xffff  }
0x185: {  	[tilespmem:v12+s7+$0x0] =	vst.idx.add.f32.msk $0xffff, v15  }
0x186: {  	[tilespmem:v12+s8+$0x0] =	vst.idx.add.f32.msk $0xffff, v22  }
0x187: {  	v15 =	vld.idx.msk [tilespmem:v13+s29+$0x0], $0xffff  }
0x188: {  	v22 =	vld.idx.msk [tilespmem:v18+s28+$0x0], $0xffff  }
0x189: {  	v25 =	vand.u32 $0xFFFF0000, v21;
	v21 =	vshll.u32 v21, $0x10;
	v26 =	vld.idx.msk [tilespmem:v4+s30+$0x0], $0xffff;
	v4 =	vmov v18  }
0x18a: {  	v18 =	vmul.f32 v25, v9;
	v25 =	vand.u32 $0xFFFF0000, v23;
	v23 =	vshll.u32 v23, $0x10;
	[tilespmem:v3+s11+$0x0] =	vst.idx.add.f32.msk $0xffff, v24  }
0x18b: {  	v21 =	vmul.f32 v21, v9;
	v24 =	vmul.f32 v25, v6;
	[tilespmem:v3+s12+$0x0] =	vst.idx.add.f32.msk $0xffff, v16;
	v3 =	vmov v20  }
0x18c: {  	v16 =	vmul.f32 v23, v6;
	[tilespmem:v20+s7+$0x0] =	vst.idx.add.f32.msk $0xffff, v18  }
0x18d: {  	v18 =	vand.u32 $0xFFFF0000, v15;
	[tilespmem:v20+s8+$0x0] =	vst.idx.add.f32.msk $0xffff, v21  }
0x18e: {  	v15 =	vshll.u32 v15, $0x10;
	v20 =	vand.u32 $0xFFFF0000, v22;
	v18 =	vmul.f32 v18, v14;
	[tilespmem:v11+s7+$0x0] =	vst.idx.add.f32.msk $0xffff, v24  }
0x18f: {  	v15 =	vmul.f32 v15, v14;
	[tilespmem:v11+s8+$0x0] =	vst.idx.add.f32.msk $0xffff, v16;
	v16 =	vmul.f32 v20, v28;
	v20 =	vshll.u32 v22, $0x10  }
0x190: {  	v21 =	vshll.u32 v26, $0x10;
	v20 =	vmul.f32 v20, v28;
	[tilespmem:v12+s9+$0x0] =	vst.idx.add.f32.msk $0xffff, v18;
	v18 =	vand.u32 $0xFFFF0000, v26  }
0x191: {  	[tilespmem:v12+s10+$0x0] =	vst.idx.add.f32.msk $0xffff, v15;
	v15 =	vmul.f32 v18, v7;
	v18 =	vmul.f32 v21, v7;
	v7 =	vmov v28  }
0x192: {  	v13 =	vld.idx.msk [tilespmem:v13+s30+$0x0], $0xffff  }
0x193: {  	[tilespmem:v10+s7+$0x0] =	vst.idx.add.f32.msk $0xffff, v16  }
0x194: {  	[tilespmem:v10+s8+$0x0] =	vst.idx.add.f32.msk $0xffff, v20  }
0x195: {  	v16 =	vld.idx.msk [tilespmem:v5+s29+$0x0], $0xffff  }
0x196: {  	v20 =	vld.idx.msk [tilespmem:v2+s29+$0x0], $0xffff  }
0x197: {  	v21 =	vld.idx.msk [tilespmem:v4+s29+$0x0], $0xffff  }
0x198: {  	v22 =	vand.u32 $0xFFFF0000, v13;
	[tilespmem:v1+s11+$0x0] =	vst.idx.add.f32.msk $0xffff, v17  }
0x199: {  	v13 =	vshll.u32 v13, $0x10;
	v17 =	vmul.f32 v22, v14;
	[tilespmem:v1+s12+$0x0] =	vst.idx.add.f32.msk $0xffff, v19;
	v1 =	vmov v11  }
.Ltmp4:
0x19a: {  	v11 =	vmul.f32 v13, v14;
	[tilespmem:v8+s11+$0x0] =	vst.idx.add.f32.msk $0xffff, v15;
	(pc) =	sbr.rel @p1 .LBB2_7-.Ltmp4, $4  }
0x19b: {  	v13 =	vand.u32 $0xFFFF0000, v16;
	v14 =	vshll.u32 v16, $0x10;
	[tilespmem:v12+s11+$0x0] =	vst.idx.add.f32.msk $0xffff, v17  }
0x19c: {  	v15 =	vmul.f32 v13, v9;
	v16 =	vand.u32 $0xFFFF0000, v20;
	v17 =	vshll.u32 v20, $0x10;
	[tilespmem:v12+s12+$0x0] =	vst.idx.add.f32.msk $0xffff, v11  }
0x19d: {  	v11 =	vmul.f32 v14, v9;
	v14 =	vand.u32 $0xFFFF0000, v21;
	v13 =	vshll.u32 v21, $0x10;
	[tilespmem:v8+s12+$0x0] =	vst.idx.add.f32.msk $0xffff, v18;
	v8 =	vmovc v10  }
0x19e: {  	s20 =	sadd.s32 $0x40, s20;
	v12 =	vmul.f32 v16, v6;
	v10 =	vmul.f32 v17, v6;
	[tilespmem:v3+s9+$0x0] =	vst.idx.add.f32.msk $0xffff, v15  }
0x19f: {  	_ =	sdelay $0x3  }
0x1a0: {  	[tilespmem:v3+s10+$0x0] =	vst.idx.add.f32.msk $0xffff, v11  }
0x1a1: {  	[tilespmem:v1+s9+$0x0] =	vst.idx.add.f32.msk $0xffff, v12  }
0x1a2: {  	v60 =	vmul.f32 v14, v7;
	v5 =	vld.idx.msk [tilespmem:v5+s30+$0x0], $0xffff  }
0x1a3: {  	[tilespmem:v1+s10+$0x0] =	vst.idx.add.f32.msk $0xffff, v10  }
0x1a4: {  	v61 =	vmul.f32 v13, v7;
	[tilespmem:v8+s9+$0x0] =	vst.idx.add.f32.msk $0xffff, v60  }
0x1a5: {  	v2 =	vld.idx.msk [tilespmem:v2+s30+$0x0], $0xffff  }
0x1a6: {  	[tilespmem:v8+s10+$0x0] =	vst.idx.add.f32.msk $0xffff, v61  }
0x1a7: {  	v4 =	vld.idx.msk [tilespmem:v4+s30+$0x0], $0xffff  }
0x1a8: {  	v62 =	vand.u32 $0xFFFF0000, v5  }
0x1a9: {  	v5 =	vshll.u32 v5, $0x10;
	v10 =	vmul.f32 v62, v9  }
0x1aa: {  	v5 =	vmul.f32 v5, v9;
	v63 =	vand.u32 $0xFFFF0000, v2  }
0x1ab: {  	v2 =	vshll.u32 v2, $0x10;
	v9 =	vmul.f32 v63, v6;
	[tilespmem:v3+s11+$0x0] =	vst.idx.add.f32.msk $0xffff, v10  }
.Ltmp5:
0x1ac: {  	v2 =	vmul.f32 v2, v6;
	[tilespmem:v3+s12+$0x0] =	vst.idx.add.f32.msk $0xffff, v5;
	v3 =	vand.u32 $0xFFFF0000, v4;
	(pc) =	sbr.rel @p0 .LBB2_10-.Ltmp5, $4  }
0x1ad: {  	v4 =	vshll.u32 v4, $0x10;
	v3 =	vmul.f32 v3, v7;
	[tilespmem:v1+s11+$0x0] =	vst.idx.add.f32.msk $0xffff, v9  }
0x1ae: {  	v4 =	vmul.f32 v4, v7;
	[tilespmem:v1+s12+$0x0] =	vst.idx.add.f32.msk $0xffff, v2  }
0x1af: {  	[tilespmem:v8+s11+$0x0] =	vst.idx.add.f32.msk $0xffff, v3  }
0x1b0: {  	[tilespmem:v8+s12+$0x0] =	vst.idx.add.f32.msk $0xffff, v4  }
0x1b1: {  	s18 =	smul.u32 $0xC80, s17;
	_ =	sdelay $0x1  }
0x1b2: {  	s18 =	sadd.s32 s18, s14  }
.Ltmp6:
0x1b3: {  	s18 =	sshrl.u32 s18, $0x3;
	(pc) =	sbr.rel .LBB2_4-.Ltmp6, $4  }
0x1b4: {  	s19 =	sadd.s32 s3, s18  }
0x1b5: {  	[tilespmem:s1], [sflag:$0x2] =	stream.linear.gather [hbm4b:s19+s2], $0x640, $0x38;
	[tilespmem:$0x1F400] =	vst v63  }
0x1b6: {  	s17 =	sadd.s32 $0x1, s17;
	s18 =	sadd.s32 s4, s18  }
0x1b7: {  	[tilespmem:s31], [sflag:$0x2] =	stream.linear.gather [hbm4b:s18+s2], $0x640, $0x38;
	[tilespmem:$0x1F400] =	vst v63  }
.LBB2_11:
0x1b8: {  	_ =	sfence.sel $0x180000  }
0x1b9: {  	[bflag:$0x0] =	sbarrier.arrive $0xFFFF  }
0x1ba: {  	_ =	strace $0x90000050  }
0x1bb: {  	s0 =	stileid.u32;
	[bflag:$0x2] =	sbarrier.arrive $0xFFFF  }
0x1bc: {  	p0 =	sne.s32 s0, $0x0;
	s0 =	rddreg [dreg:$0x1]  }
0x1bd: {  	s0 =	sadd.s32 @!p0 $0x100000, s0  }
0x1be: {  	[sflag:s0] =	ssyncadd.tile.s32 @!p0 $0x1;
	_ =	shalt  }
.Lfunc_end2:
_tile_overlayer_lowered:
.L_overlay_start_2:
0x1bf: {  	(tag) =	ssettag $0x2  }
0x1c0: {  	s0 =	rddreg [dreg:$0x0];
	s2 =	stileid.u32  }
0x1c1: {  	s1 =	rddreg [dreg:$0x1];
	p0 =	sne.s32 s2, $0x0  }
0x1c2: {  	s3 =	rddreg [dreg:$0x2];
	[bflag:$0x3] =	sbarrier.arrive $0xFFFF;
	s2 =	simm.s32 @!p0 $0x1C03  }
0x1c3: {  	[timem:s3], [sflag:s2] =	dma.local @!p0 [hbm:s0], s1  }
0x1c4: {  	s0 =	simm.s32 @!p0 $0x3  }
0x1c5: {  	_ =	swait.ge @!p0 [sflag:s0], s1  }
0x1c6: {  	s1 =	ssub.s32 @!p0 $0x0, s1;
	[sflag:s0] =	ssyncset.done @!p0 $0x0  }
0x1c7: {  	[sflag:s0] =	ssyncadd.s32 @!p0 s1  }
0x1c8: {  	[bflag:$0x3] =	sbarrier.arrive $0xFFFF  }
0x1c9: {  	_ =	shalt  }

// kernel: kernel.22.cloned.1.call-start
scs
__scs_entry_jumppad:
0x0: {  	(pc) =	sbr.rel $0x88, $3  }
0x1: {  	(tag) =	ssettag $0x0;
	lr =	simm.s32 $0x1  }
0x2: {  	[smem:$0x3F9A] =	sst lr;
	_ =	strace $0xD0000000  }
0x3: {  	_ = 	snop  }
0x4: {  	_ = 	snop  }
0x5: {  	_ = 	snop  }
0x6: {  	_ = 	snop  }
0x7: {  	_ = 	snop  }
__scs_overlays_trampoline_lowered:
0x8: {  	[smem:$0x3FA9] =	sst s0  }
0x9: {  	[smem:$0x3FAA] =	sst s1  }
0xa: {  	[smem:$0x3FAB] =	sst s2  }
0xb: {  	[smem:$0x3FAC] =	sst s3  }
0xc: {  	[smem:$0x3FAD] =	sst s4  }
0xd: {  	[smem:$0x3FAE] =	sst s5  }
0xe: {  	[smem:$0x3FAF] =	sst s6  }
0xf: {  	[smem:$0x3FB0] =	sst s7  }
0x10: {  	[smem:$0x3FB1] =	sst s8  }
0x11: {  	[smem:$0x3FB2] =	sst s9;
	s0 =	simm.s32 @!p0 $0x0  }
0x12: {  	s1 =	sld [smem:$0x3F98];
	s0 =	simm.s32 @p0 $0x1  }
0x13: {  	[smem:$0x3FB3] =	sst s0;
	s0 =	simm.s32 @!p1 $0x0  }
0x14: {  	s2 =	sld [smem:$0x3F97];
	s0 =	simm.s32 @p1 $0x1  }
0x15: {  	[smem:$0x3FB4] =	sst s0;
	s0 =	simm.s32 @!p2 $0x0  }
0x16: {  	s3 =	sld [smem:$0x3FDB];
	s0 =	simm.s32 @p2 $0x1  }
0x17: {  	s4 =	simm.s32 $0x1BF5;
	[smem:$0x3FB6] =	sst s0  }
0x18: {  	s0 =	sld [smem:$0x3F99];
	_ =	swait.ge [sflag:s4], $0x0  }
0x19: {  	s7 =	sld [smem:$0x3F9A]  }
0x1a: {  	s8 =	sadd.s32 $0xFFFFE003, lr  }
0x1b: {  	s9 =	sadd.s32 $0xFFFFFEF7, lr;
	s5 =	simm.s32 $0xFFFFFFFF;
	p2 =	slt.u32 s8, $0xFFFFF086  }
0x1c: {  	p1 =	slt.u32 s9, $0xF7A;
	s5 =	simm.s32 @!p2 $0x0  }
0x1d: {  	s5 =	simm.s32 @p1 $0x1;
	p0 =	seq.s32 s7, s2  }
0x1e: {  	s7 =	smul.u32 @!p0 $0xF7A, s2;
	p2 =	seq.s32 @!p0 s5, $0x0  }
0x1f: {  	s9 =	smul.u32 $0xF7A, s1;
	s8 =	simm.s32 @!p0 $0x1BF5;
	p2 =	por !p2, p0  }
0x20: {  	[sflag:s8] =	ssyncset.s32 @!p0 $0xFFFFF086;
	s6 =	sadd.s32 @!p0 s3, s7;
	s7 =	simm.s32 @!p0 $0x108  }
0x21: {  	s3 =	sadd.s32 s3, s9;
	s6 =	sadd.s32 @!p0 $0x88, s6;
	s7 =	simm.s32 @p2 $0x1082  }
0x22: {  	[simem:s7], [sflag:s8] =	dma.local @!p0 [hbm:s6], $0xF7A  }
0x23: {  	s9 =	sor.u32 $0xD0000000, s2;
	s6 =	simm.s32 $0x108;
	_ =	swait.ge @!p0 [sflag:s8], $0x0  }
0x24: {  	s3 =	sadd.s32 $0x88, s3;
	s6 =	simm.s32 @!p1 $0x1082;
	[sflag:s4] =	ssyncset.s32 $0xFFFFF086  }
0x25: {  	[simem:s6], [sflag:s4] =	dma.local [hbm:s3], $0xF7A  }
0x26: {  	[smem:$0x3F9A] =	sst s1;
	(tag) =	ssettag s2;
	_ =	strace s9  }
0x27: {  	s1 =	sld [smem:$0x3FAA]  }
0x28: {  	s2 =	sld [smem:$0x3FAB]  }
0x29: {  	s4 =	sld [smem:$0x3FAD]  }
0x2a: {  	p0 =	seq.s32 s5, $0x0;
	s5 =	sld [smem:$0x3FAE]  }
0x2b: {  	s6 =	sld [smem:$0x3FAF]  }
0x2c: {  	s7 =	sld [smem:$0x3FB0]  }
0x2d: {  	s3 =	simm.s32 $0x108;
	s8 =	sld [smem:$0x3FB1]  }
0x2e: {  	s3 =	simm.s32 @!p0 $0x1082;
	s9 =	sld [smem:$0x3FB2]  }
0x2f: {  	lr =	sadd.s32 s0, s3;
	s0 =	sld [smem:$0x3FA9]  }
0x30: {  	s3 =	sld [smem:$0x3FAC]  }
0x31: {  	[smem:$0x3FB5] =	sst s10  }
0x32: {  	s10 =	sld [smem:$0x3FB3];
	_ =	sdelay $0x3  }
0x33: {  	p0 =	seq.s32 s10, $0x1;
	s10 =	sld [smem:$0x3FB5];
	_ =	sdelay $0x3  }
0x34: {  	[smem:$0x3FB5] =	sst s10  }
0x35: {  	s10 =	sld [smem:$0x3FB4];
	_ =	sdelay $0x3  }
0x36: {  	p1 =	seq.s32 s10, $0x1;
	s10 =	sld [smem:$0x3FB5];
	_ =	sdelay $0x3  }
0x37: {  	[smem:$0x3FB5] =	sst s10  }
0x38: {  	s10 =	sld [smem:$0x3FB6]  }
0x39: {  	_ = 	snop;
	(pc) =	sbr.ind lr, $3  }
0x3a: {  	_ = 	snop  }
0x3b: {  	_ = 	snop  }
0x3c: {  	p2 =	seq.s32 s10, $0x1;
	s10 =	sld [smem:$0x3FB5]  }
0x3d: {  	_ =	shalt  }
0x3e: {  	_ =	shalt  }
0x3f: {  	_ =	shalt  }
0x40: {  	_ =	shalt  }
0x41: {  	_ =	shalt  }
0x42: {  	_ =	shalt  }
0x43: {  	_ =	shalt  }
0x44: {  	_ =	shalt  }
0x45: {  	_ =	shalt  }
0x46: {  	_ =	shalt  }
0x47: {  	_ =	shalt  }
0x48: {  	_ =	shalt  }
0x49: {  	_ =	shalt  }
0x4a: {  	_ =	shalt  }
0x4b: {  	_ =	shalt  }
0x4c: {  	_ =	shalt  }
0x4d: {  	_ =	shalt  }
0x4e: {  	_ =	shalt  }
0x4f: {  	_ =	shalt  }
0x50: {  	_ =	shalt  }
0x51: {  	_ =	shalt  }
0x52: {  	_ =	shalt  }
0x53: {  	_ =	shalt  }
0x54: {  	_ =	shalt  }
0x55: {  	_ =	shalt  }
0x56: {  	_ =	shalt  }
0x57: {  	_ =	shalt  }
0x58: {  	_ =	shalt  }
0x59: {  	_ =	shalt  }
0x5a: {  	_ =	shalt  }
0x5b: {  	_ =	shalt  }
0x5c: {  	_ =	shalt  }
0x5d: {  	_ =	shalt  }
0x5e: {  	_ =	shalt  }
0x5f: {  	_ =	shalt  }
0x60: {  	_ =	shalt  }
0x61: {  	_ =	shalt  }
0x62: {  	_ =	shalt  }
0x63: {  	_ =	shalt  }
0x64: {  	_ =	shalt  }
0x65: {  	_ =	shalt  }
0x66: {  	_ =	shalt  }
0x67: {  	_ =	shalt  }
0x68: {  	_ =	shalt  }
0x69: {  	_ =	shalt  }
0x6a: {  	_ =	shalt  }
0x6b: {  	_ =	shalt  }
0x6c: {  	_ =	shalt  }
0x6d: {  	_ =	shalt  }
0x6e: {  	_ =	shalt  }
0x6f: {  	_ =	shalt  }
0x70: {  	_ =	shalt  }
0x71: {  	_ =	shalt  }
0x72: {  	_ =	shalt  }
0x73: {  	_ =	shalt  }
0x74: {  	_ =	shalt  }
0x75: {  	_ =	shalt  }
0x76: {  	_ =	shalt  }
0x77: {  	_ =	shalt  }
0x78: {  	_ =	shalt  }
0x79: {  	_ =	shalt  }
0x7a: {  	_ =	shalt  }
0x7b: {  	_ =	shalt  }
0x7c: {  	_ =	shalt  }
0x7d: {  	_ =	shalt  }
0x7e: {  	_ =	shalt  }
0x7f: {  	_ =	shalt  }
0x80: {  	_ =	shalt  }
0x81: {  	_ =	shalt  }
0x82: {  	_ =	shalt  }
0x83: {  	_ =	shalt  }
0x84: {  	_ =	shalt  }
0x85: {  	_ =	shalt  }
0x86: {  	_ =	shalt  }
0x87: {  	_ =	shalt  }
.Lfunc_end0:
.L_simem_size_0:
called_computation.4_lowered:
.L_overlay_start_0:
0x88: {  	s2 =	sld [smem:$0x3FD9]  }
0x89: {  	s3 =	sld [smem:$0x3FFE];
	_ =	sdelay $0x1  }
0x8a: {  	s1 =	srdreg.scid  }
0x8b: {  	s0 =	sand.u32 $0x1, s1  }
0x8c: {  	s17 =	sshll.u32 s0, $0xA;
	s2 =	sadd.s32 s3, s2  }
0x8d: {  	s2 =	sadd.s32 s2, s17  }
0x8e: {  	[smem:$0x3FC1] =	sst s2  }
0x8f: {  	_ = 	snop  }
0x90: {  	s2 =	sld [smem:$0x3FD0];
	(tm) =	ssettm $0x1  }
0x91: {  	s18 =	sld [smem:$0x3FFB];
	_ =	sdelay $0x3  }
0x92: {  	_ =	strace s18  }
0x93: {  	s3 =	sld [smem:$0x3FFC];
	_ =	sdelay $0x3  }
0x94: {  	_ =	strace s3  }
0x95: {  	s3 =	sld [smem:$0x3FFD];
	_ =	sdelay $0x3  }
0x96: {  	_ =	strace s3  }
0x97: {  	_ =	strace $0x8FFFFFFF  }
0x98: {  	s19 =	sld [smem:$0x3FDB];
	_ =	sdelay $0x1  }
0x99: {  	s4 =	simm.s32 $_scs_section_size  }
0x9a: {  	s5 =	simm.s32 $_size__tile_overlayer_lowered;
	s6 =	simm.s32 $_tile_overlayer_lowered  }
0x9b: {  	s22 =	simm.s32 $0x1BFF;
	s21 =	sshll.u32 s6, $0x1;
	s3 =	sadd.s32 s4, s19  }
0x9c: {  	s7 =	simm.s32 $0x0;
	s20 =	sshll.u32 s5, $0x1;
	s5 =	sadd.s32 s21, s3  }
0x9d: {  	[timem:s7], [sflag:s22] =	dma.local [hbm:s5], s20  }
0x9e: {  	_ =	swait.ge [sflag:s22], s20  }
0x9f: {  	s4 =	ssub.s32 $0x0, s20;
	[sflag:s22] =	ssyncset.done $0x0  }
0xa0: {  	[sflag:s22] =	ssyncadd.s32 s4;
	_ =	sdelay $0x1  }
0xa1: {  	s23 =	simm.s32 $0x1B8B  }
0xa2: {  	_ =	swait.ge [sflag:s23], $0x1  }
0xa3: {  	[sflag:s23] =	ssyncset.done $0x0  }
0xa4: {  	s25 =	simm.s32 $0x1B8E;
	s24 =	sld [smem:$0x3FFE];
	[sflag:s23] =	ssyncadd.s32 $0xFFFFFFFF  }
0xa5: {  	s26 =	simm.s32 $execute0_lowered;
	[smem:$0x3FD2] =	sst s25  }
0xa6: {  	s5 =	sshll.u32 s26, $0x1;
	_ =	strace $0x80000052;
	[dreg:$0x1] =	wrdreg $0xFFFFFFFF  }
0xa7: {  	s28 =	simm.s32 $_size_execute0_lowered;
	s3 =	sadd.s32 s3, s5;
	[dreg:$0x0] =	wrdreg $0x0  }
0xa8: {  	s5 =	sshll.u32 s28, $0x1;
	[dreg:$0x2] =	wrdreg s3  }
0xa9: {  	[dreg:$0x3] =	wrdreg s5  }
0xaa: {  	[dreg:$0x4] =	wrdreg $0xC0  }
0xab: {  	_ =	task [dreg:s7], $0x5FFFF  }
0xac: {  	[dreg:$0x1] =	wrdreg $0xFFFFFFFF  }
0xad: {  	[dreg:$0x0] =	wrdreg $0x60  }
0xae: {  	[dreg:$0x2] =	wrdreg s2  }
0xaf: {  	[dreg:$0x3] =	wrdreg s24  }
0xb0: {  	[dreg:$0x4] =	wrdreg $0x9  }
0xb1: {  	_ =	task.clear_ibuf [dreg:s7], $0x5FFFF;
	_ =	strace $0x90000052  }
0xb2: {  	s29 =	simm.s32 $0x9;
	_ =	strace $0x80000054  }
0xb3: {  	_ =	swait.ge [sflag:s29], $0x1  }
0xb4: {  	[sflag:s29] =	ssyncadd.s32 $0xFFFFFFFF  }
0xb5: {  	_ =	strace $0x90000054  }
0xb6: {  	_ =	sfence  }
0xb7: {  	s30 =	sld [smem:$0x0];
	_ =	sdelay $0x2  }
0xb8: {  	s31 =	sshll.u32 s1, $0xD;
	s1 =	sshrl.u32 s1, $0x2  }
0xb9: {  	s3 =	sand.u32 $0x4000, s31;
	s1 =	sadd.s32 s1, s30  }
0xba: {  	s0 =	sor.u32 s3, s0;
	s1 =	sshll.u32 s1, $0x11  }
0xbb: {  	s0 =	sor.u32 s1, s0  }
0xbc: {  	s0 =	sadd.s32 $0x8F2B, s0  }
0xbd: {  	[sflag:s0] =	ssyncadd.remote.s32 $0x1  }
0xbe: {  	_ =	sfence.sel $0xFFFF  }
0xbf: {  	[dreg:$0x0] =	wrdreg $0xFFFFFFFF;
	(pc) =	sbr.abs _section_cstart, $3  }
0xc0: {  	[dreg:$0x1] =	wrdreg $0xFFFFFFFF  }
0xc1: {  	_ =	task.clear_ibuf [dreg:s7], $0x2FFFF;
	_ =	strace $0x9FFFFFFF  }
0xc2: {  	(tm) =	ssettm $0x7FFFFFFF  }
0xc3: {  	_ =	shalt  }
tec
execute0_lowered:
.L_overlay_start_1:
0x0: {  	(tag) =	ssettag $0x1  }
0x1: {  	s0 =	rddreg [dreg:$0x0]  }
0x2: {  	s1 =	rddreg [dreg:$0x1];
	s2 =	simm.s32 $0x0;
	s10 =	stileid.u32  }
0x3: {  	s5 =	srdreg.scid;
	s28 =	simm.s32 $0x4F00;
	s29 =	simm.s32 $0x7680  }
0x4: {  	s30 =	simm.s32 $0x9E00;
	s31 =	simm.s32 $0xC580;
	[smem:$0x7FF] =	sst s2  }
0x5: {  	s3 =	sadd.s32 $0x23200, s1;
	s6 =	sshll.u32 s10, $0x1;
	s4 =	sadd.s32 $0x16C00, s1  }
0x6: {  	s5 =	sand.u32 $0x1, s5;
	s1 =	sadd.s32 $0x2D000, s1;
	s17 =	sshrl.u32 s10, $0x2  }
0x7: {  	_ =	strace $0x80000053;
	s6 =	sand.u32 $0x6, s6;
	s7 =	ssub.s32 $0x2, s5  }
0x8: {  	s12 =	smul.u32 $0x13880, s17;
	s5 =	sor.u32 s5, s6;
	s6 =	sshrl.u32 s6, $0x2  }
0x9: {  	s8 =	sshrl.u32 s7, $0x1;
	s6 =	smul.u32 $0x13C00, s6;
	s9 =	sshll.u32 s5, $0x8  }
0xa: {  	s7 =	ssub.s32 s7, s8;
	s5 =	sshll.u32 s5, $0x1;
	s20 =	sshrl.u32 s12, $0x3  }
0xb: {  	s16 =	sand.u32 $0x300, s9;
	s9 =	smul.u32 $0x4F000, s17;
	s21 =	sadd.s32 s3, s20  }
0xc: {  	s22 =	sadd.s32 s4, s20;
	s5 =	sor.u32 $0x11, s5;
	s17 =	smax.u32 s7, $0x1  }
0xd: {  	s18 =	sor.u32 s6, s16;
	s14 =	sor.u32 $0x80, s16;
	[dreg:$0x5] =	wrdreg s21  }
0xe: {  	[dreg:$0x6] =	wrdreg s22;
	s25 =	sshrl.u32 s5, $0x3;
	s5 =	sshll.u32 s5, $0x7  }
0xf: {  	s21 =	simm.s32 $0x2780;
	s10 =	sshrl.u32 s18, $0x3;
	s11 =	sor.u32 s6, s14  }
0x10: {  	s6 =	sadd.s32 s9, s6;
	s8 =	smul.u32 $0x13C00, s25;
	s5 =	sand.u32 $0x380, s5  }
0x11: {  	s18 =	simm.s32 $0x80;
	s25 =	simm.s32 $0x11D00;
	s10 =	sadd.s32 s0, s10  }
0x12: {  	s19 =	sshrl.u32 s11, $0x3;
	s24 =	sor.u32 s16, s6;
	s11 =	sadd.s32 $0x1F40, s12  }
0x13: {  	s12 =	sadd.s32 $0x2EE0, s12;
	s6 =	sor.u32 s6, s14;
	[dreg:$0x3] =	wrdreg s10  }
0x14: {  	s0 =	sadd.s32 s0, s19;
	s13 =	sshrl.u32 s24, $0x3;
	s8 =	sadd.s32 s9, s8  }
0x15: {  	s26 =	sshrl.u32 s6, $0x3;
	s19 =	simm.s32 $0x400;
	[dreg:$0x4] =	wrdreg s0  }
0x16: {  	s0 =	sadd.s32 $0x1F4, s20;
	s13 =	sadd.s32 s1, s13;
	s5 =	sor.u32 s5, s8  }
.Ltmp0:
0x17: {  	s15 =	sadd.s32 s1, s26;
	s20 =	simm.s32 $0x3;
	(pc) =	sbr.rel .LBB2_1-.Ltmp0, $4  }
0x18: {  	s26 =	simm.s32 $0x1;
	s23 =	sadd.s32 s3, s0;
	s10 =	sadd.s32 s4, s0  }
0x19: {  	s0 =	sadd.s32 $0x27800, s24;
	s5 =	sshrl.u32 s5, $0x3;
	s24 =	simm.s32 $0xFD00  }
0x1a: {  	[dreg:$0x7] =	wrdreg s23;
	s0 =	sshrl.u32 s0, $0x3;
	s16 =	sadd.s32 s1, s5  }
0x1b: {  	v0 =	vimm.f32 $0.0e+00;
	s14 =	sadd.s32 s1, s0;
	s0 =	simm.s32 $0x2;
	s1 =	simm.s32 $0x0  }
.LBB2_14:
0x1c: {  	[hbm4b:s13+s18] =	stream.strided.scatter [tilespmem:s28], [sflag:$0x3], $0x2780, s19, s18, $0x38;
	[tilespmem:$0x12D00] =	vst v63  }
0x1d: {  	_ =	swait.ge [sflag:s20], $0x2780  }
0x1e: {  	[sflag:s20] =	ssyncset.done $0x0  }
0x1f: {  	[sflag:s20] =	ssyncadd.s32 $0xFFFFD880  }
0x20: {  	[hbm4b:s14+s18] =	stream.strided.scatter [tilespmem:s29], [sflag:$0x3], $0x2780, s19, s18, $0x38;
	[tilespmem:$0x12D00] =	vst v63  }
0x21: {  	_ =	swait.ge [sflag:s20], $0x2780  }
0x22: {  	[sflag:s20] =	ssyncset.done $0x0  }
0x23: {  	[sflag:s20] =	ssyncadd.s32 $0xFFFFD880  }
0x24: {  	[hbm4b:s15+s18] =	stream.strided.scatter [tilespmem:s30], [sflag:$0x3], $0x2780, s19, s18, $0x38;
	[tilespmem:$0x12D00] =	vst v63  }
0x25: {  	s1 =	sadd.s32 $0x1, s1;
	_ =	swait.ge [sflag:s20], $0x2780  }
0x26: {  	p0 =	sne.s32 s1, s17;
	[sflag:s20] =	ssyncset.done $0x0  }
.Ltmp1:
0x27: {  	[sflag:s20] =	ssyncadd.s32 $0xFFFFD880;
	(pc) =	sbr.rel @!p0 .LBB2_15-.Ltmp1, $4  }
0x28: {  	[hbm4b:s16+s18] =	stream.strided.scatter [tilespmem:s31], [sflag:$0x3], $0x2780, s19, s18, $0x38;
	[tilespmem:$0x12D00] =	vst v63  }
0x29: {  	_ =	swait.ge [sflag:s20], $0x2780  }
0x2a: {  	[sflag:s20] =	ssyncset.done $0x0  }
0x2b: {  	[sflag:s20] =	ssyncadd.s32 $0xFFFFD880  }
.LBB2_1:
0x2c: {  	s5 =	rddreg [dreg:$0x3]  }
0x2d: {  	[tilespmem:s2], [sflag:$0x3] =	stream.strided.gather [hbm4b:s5+s18], $0x2780, s19, s18, $0x38;
	[tilespmem:$0x12D00] =	vst v63  }
0x2e: {  	_ =	swait.ge [sflag:s20], $0x2780  }
0x2f: {  	[sflag:s20] =	ssyncset.done $0x0  }
0x30: {  	s23 =	rddreg [dreg:$0x4];
	[sflag:s20] =	ssyncadd.s32 $0xFFFFD880  }
0x31: {  	[tilespmem:s21], [sflag:$0x3] =	stream.strided.gather [hbm4b:s23+s18], $0x2780, s19, s18, $0x38;
	[tilespmem:$0x12D00] =	vst v63  }
0x32: {  	_ =	swait.ge [sflag:s20], $0x2780  }
0x33: {  	[sflag:s20] =	ssyncset.done $0x0  }
0x34: {  	s8 =	simm.s32 $0x4F20;
	[sflag:s20] =	ssyncadd.s32 $0xFFFFD880  }
0x35: {  	[tilespmem:s8+$0xFFFFFFF0] =	vst v0  }
0x36: {  	[tilespmem:s8+$0x0] =	vst v0  }
0x37: {  	[tilespmem:s8+$0x10] =	vst v0  }
0x38: {  	s5 =	simm.s32 $0x76A0;
	[tilespmem:s8+$0xFFFFFFE0] =	vst v0  }
0x39: {  	[tilespmem:s5+$0xFFFFFFF0] =	vst v0  }
0x3a: {  	[tilespmem:s5+$0x0] =	vst v0  }
0x3b: {  	[tilespmem:s5+$0x10] =	vst v0  }
0x3c: {  	s6 =	simm.s32 $0x9E20;
	[tilespmem:s5+$0xFFFFFFE0] =	vst v0  }
0x3d: {  	[tilespmem:s6+$0xFFFFFFF0] =	vst v0  }
0x3e: {  	[tilespmem:s6+$0x0] =	vst v0  }
0x3f: {  	[tilespmem:s6+$0x10] =	vst v0  }
0x40: {  	s7 =	simm.s32 $0xC5A0;
	[tilespmem:s6+$0xFFFFFFE0] =	vst v0  }
0x41: {  	[tilespmem:s7+$0xFFFFFFF0] =	vst v0  }
0x42: {  	[tilespmem:s7+$0x0] =	vst v0  }
0x43: {  	[tilespmem:s7+$0x10] =	vst v0  }
0x44: {  	s9 =	simm.s32 $0x4F60;
	s8 =	simm.s32 $0x0;
	[tilespmem:s7+$0xFFFFFFE0] =	vst v0  }
.LBB2_2:
0x45: {  	[tilespmem:s9+$0xFFFFFFF0] =	vst v0;
	s5 =	sadd.s32 $0x40, s5  }
0x46: {  	s6 =	sadd.s32 $0x40, s6;
	[tilespmem:s5+$0xFFFFFFF0] =	vst v0  }
0x47: {  	s7 =	sadd.s32 $0x40, s7;
	[tilespmem:s6+$0xFFFFFFF0] =	vst v0  }
0x48: {  	[tilespmem:s7+$0xFFFFFFF0] =	vst v0  }
0x49: {  	[tilespmem:s9+$0x0] =	vst v0  }
0x4a: {  	[tilespmem:s5+$0x0] =	vst v0  }
0x4b: {  	[tilespmem:s6+$0x0] =	vst v0  }
0x4c: {  	[tilespmem:s7+$0x0] =	vst v0  }
0x4d: {  	[tilespmem:s9+$0x10] =	vst v0  }
0x4e: {  	s8 =	sadd.s32 $0x40, s8;
	[tilespmem:s5+$0x10] =	vst v0  }
0x4f: {  	p0 =	slt.u32 s8, $0x26C0;
	[tilespmem:s6+$0x10] =	vst v0  }
.Ltmp2:
0x50: {  	[tilespmem:s7+$0x10] =	vst v0;
	(pc) =	sbr.rel @p0 .LBB2_2-.Ltmp2, $4  }
0x51: {  	[tilespmem:s9+$0xFFFFFFE0] =	vst v0  }
0x52: {  	[tilespmem:s5+$0xFFFFFFE0] =	vst v0  }
0x53: {  	[tilespmem:s6+$0xFFFFFFE0] =	vst v0  }
0x54: {  	s9 =	sadd.s32 $0x40, s9;
	[tilespmem:s7+$0xFFFFFFE0] =	vst v0  }
0x55: {  	[tilespmem:$0x7600] =	vst v0  }
0x56: {  	[tilespmem:$0x9D80] =	vst v0  }
0x57: {  	[tilespmem:$0xC500] =	vst v0  }
0x58: {  	[tilespmem:$0xEC80] =	vst v0;
	s22 =	simm.s32 $0x0;
	s5 =	rddreg [dreg:$0x5];
	s6 =	simm.s32 $0xED00  }
0x59: {  	[tilespmem:s6], [sflag:$0x1] =	stream.linear.gather [hbm4b:s5+s22], $0xFA0, $0x38;
	[tilespmem:$0x12D00] =	vst v63  }
0x5a: {  	s8 =	rddreg [dreg:$0x6];
	s9 =	simm.s32 $0x10D00  }
0x5b: {  	[tilespmem:s9], [sflag:$0x1] =	stream.linear.gather [hbm4b:s8+s22], $0xFA0, $0x38;
	[tilespmem:$0x12D00] =	vst v63  }
0x5c: {  	s23 =	rddreg [dreg:$0x7]  }
0x5d: {  	[tilespmem:s24], [sflag:$0x2] =	stream.linear.gather [hbm4b:s23+s22], $0xFA0, $0x38;
	[tilespmem:$0x12D00] =	vst v63  }
0x5e: {  	_ = 	snop  }
0x5f: {  	[tilespmem:s25], [sflag:$0x2] =	stream.linear.gather [hbm4b:s10+s22], $0xFA0, $0x38;
	[tilespmem:$0x12D00] =	vst v63  }
.LBB2_4:
0x60: {  	_ =	swait.ge [sflag:s26], $0xFA0  }
0x61: {  	[sflag:s26] =	ssyncset.done $0x0  }
0x62: {  	[sflag:s26] =	ssyncadd.s32 $0xFFFFF060  }
0x63: {  	_ =	swait.ge [sflag:s26], $0xFA0  }
0x64: {  	[sflag:s26] =	ssyncset.done $0x0  }
0x65: {  	s5 =	simm.s32 $0xED20;
	[sflag:s26] =	ssyncadd.s32 $0xFFFFF060  }
0x66: {  	v1 =	vld [tilespmem:s5+$0x10]  }
0x67: {  	v3 =	vld [tilespmem:s5+$0xFFFFFFE0];
	_ =	sdelay $0x3  }
0x68: {  	v2 =	vld [tilespmem:s5+$0xFFFFFFF0];
	v5 =	vand.u32 $0xFFFF, v1  }
0x69: {  	v7 =	vand.u32 $0xFFFF, v3  }
0x6a: {  	v4 =	vld [tilespmem:s5+$0x0]  }
0x6b: {  	s9 =	simm.s32 $0x10D20  }
0x6c: {  	v10 =	vld [tilespmem:s9+$0x10]  }
0x6d: {  	v6 =	vand.u32 $0xFFFF, v2;
	v9 =	vld.idx.msk [tilespmem:v5+s2+$0x0], $0xffff  }
0x6e: {  	v12 =	vld.idx.msk [tilespmem:v7+s2+$0x0], $0xffff  }
0x6f: {  	v14 =	vld [tilespmem:s9+$0xFFFFFFE0];
	v8 =	vand.u32 $0xFFFF, v4  }
0x70: {  	v16 =	vld [tilespmem:s9+$0xFFFFFFF0];
	v13 =	vshra.s32 v1, $0x10  }
0x71: {  	v17 =	vld [tilespmem:s9+$0x0];
	v3 =	vshra.s32 v3, $0x10  }
0x72: {  	s6 =	simm.s32 $0x10D60;
	v11 =	vld.idx.msk [tilespmem:v6+s2+$0x0], $0xffff;
	v1 =	vand.u32 $0xFFFF0000, v9  }
0x73: {  	v61 =	vld [tilespmem:s6+$0x10];
	v18 =	vand.u32 $0xFFFF0000, v12;
	v1 =	vmul.f32 v1, v10  }
0x74: {  	v15 =	vld.idx.msk [tilespmem:v8+s2+$0x0], $0xffff;
	v9 =	vshll.u32 v9, $0x10;
	v18 =	vmul.f32 v18, v14  }
0x75: {  	v2 =	vshra.s32 v2, $0x10;
	v9 =	vmul.f32 v9, v10;
	[tilespmem:v13+s28+$0x0] =	vst.idx.add.f32.msk $0xffff, v1  }
0x76: {  	v12 =	vshll.u32 v12, $0x10;
	[tilespmem:v3+s28+$0x0] =	vst.idx.add.f32.msk $0xffff, v18  }
0x77: {  	v1 =	vshra.s32 v4, $0x10;
	v4 =	vand.u32 $0xFFFF0000, v11;
	[tilespmem:v13+s29+$0x0] =	vst.idx.add.f32.msk $0xffff, v9;
	v9 =	vmul.f32 v12, v14  }
0x78: {  	v11 =	vshll.u32 v11, $0x10;
	v4 =	vmul.f32 v4, v16;
	v5 =	vld.idx.msk [tilespmem:v5+s21+$0x0], $0xffff  }
0x79: {  	v54 =	vand.u32 $0xFFFF0000, v15;
	v11 =	vmul.f32 v11, v16;
	[tilespmem:v3+s29+$0x0] =	vst.idx.add.f32.msk $0xffff, v9  }
0x7a: {  	v12 =	vmul.f32 v54, v17;
	v9 =	vshll.u32 v15, $0x10;
	[tilespmem:v2+s28+$0x0] =	vst.idx.add.f32.msk $0xffff, v4  }
0x7b: {  	v4 =	vmul.f32 v9, v17;
	[tilespmem:v2+s29+$0x0] =	vst.idx.add.f32.msk $0xffff, v11  }
0x7c: {  	[tilespmem:v1+s28+$0x0] =	vst.idx.add.f32.msk $0xffff, v12  }
0x7d: {  	[tilespmem:v1+s29+$0x0] =	vst.idx.add.f32.msk $0xffff, v4;
	v4 =	vand.u32 $0xFFFF0000, v5  }
0x7e: {  	v7 =	vld.idx.msk [tilespmem:v7+s21+$0x0], $0xffff;
	v4 =	vmul.f32 v4, v10  }
0x7f: {  	v6 =	vld.idx.msk [tilespmem:v6+s21+$0x0], $0xffff  }
0x80: {  	s23 =	simm.s32 $0xED60;
	v5 =	vshll.u32 v5, $0x10;
	[tilespmem:v13+s30+$0x0] =	vst.idx.add.f32.msk $0xffff, v4  }
0x81: {  	v4 =	vmul.f32 v5, v10;
	v5 =	vld [tilespmem:s23+$0x10]  }
0x82: {  	v9 =	vld [tilespmem:s23+$0xFFFFFFF0]  }
0x83: {  	v10 =	vld [tilespmem:s23+$0xFFFFFFE0]  }
0x84: {  	v11 =	vld [tilespmem:s23+$0x0];
	v55 =	vand.u32 $0xFFFF0000, v6  }
0x85: {  	v56 =	vld.idx.msk [tilespmem:v8+s21+$0x0], $0xffff;
	v8 =	vmul.f32 v55, v16  }
0x86: {  	v6 =	vshll.u32 v6, $0x10;
	[tilespmem:v13+s31+$0x0] =	vst.idx.add.f32.msk $0xffff, v4;
	v57 =	vand.u32 $0xFFFF, v5  }
0x87: {  	v6 =	vmul.f32 v6, v16;
	v4 =	vand.u32 $0xFFFF0000, v7;
	[tilespmem:v2+s30+$0x0] =	vst.idx.add.f32.msk $0xffff, v8  }
0x88: {  	v4 =	vmul.f32 v4, v14;
	v8 =	vld [tilespmem:s6+$0xFFFFFFE0];
	v59 =	vand.u32 $0xFFFF, v10  }
0x89: {  	v58 =	vand.u32 $0xFFFF, v9;
	v7 =	vshll.u32 v7, $0x10;
	[tilespmem:v2+s31+$0x0] =	vst.idx.add.f32.msk $0xffff, v6  }
0x8a: {  	v7 =	vmul.f32 v7, v14;
	[tilespmem:v3+s30+$0x0] =	vst.idx.add.f32.msk $0xffff, v4  }
0x8b: {  	v2 =	vld.idx.msk [tilespmem:v57+s2+$0x0], $0xffff  }
0x8c: {  	[tilespmem:v3+s31+$0x0] =	vst.idx.add.f32.msk $0xffff, v7  }
0x8d: {  	v4 =	vand.u32 $0xFFFF, v11;
	v3 =	vld.idx.msk [tilespmem:v59+s2+$0x0], $0xffff  }
0x8e: {  	v60 =	vld.idx.msk [tilespmem:v58+s2+$0x0], $0xffff;
	v20 =	vshra.s32 v5, $0x10;
	v5 =	vand.u32 $0xFFFF0000, v56  }
0x8f: {  	v6 =	vld [tilespmem:s6+$0x0];
	v21 =	vmul.f32 v5, v17  }
0x90: {  	v7 =	vld [tilespmem:s6+$0xFFFFFFF0];
	v5 =	vshra.s32 v10, $0x10;
	v22 =	vand.u32 $0xFFFF0000, v2  }
0x91: {  	[tilespmem:v1+s30+$0x0] =	vst.idx.add.f32.msk $0xffff, v21;
	v2 =	vshll.u32 v2, $0x10;
	v10 =	vmul.f32 v22, v61  }
0x92: {  	v19 =	vld.idx.msk [tilespmem:v4+s2+$0x0], $0xffff;
	v62 =	vmul.f32 v2, v61;
	v2 =	vshra.s32 v9, $0x10;
	v9 =	vand.u32 $0xFFFF0000, v3  }
0x93: {  	v9 =	vmul.f32 v9, v8;
	[tilespmem:v20+s28+$0x0] =	vst.idx.add.f32.msk $0xffff, v10  }
0x94: {  	v10 =	vshll.u32 v3, $0x10;
	[tilespmem:v20+s29+$0x0] =	vst.idx.add.f32.msk $0xffff, v62  }
0x95: {  	v3 =	vshra.s32 v11, $0x10;
	v11 =	vand.u32 $0xFFFF0000, v60;
	v10 =	vmul.f32 v10, v8;
	[tilespmem:v5+s28+$0x0] =	vst.idx.add.f32.msk $0xffff, v9  }
0x96: {  	v16 =	vshll.u32 v60, $0x10;
	v11 =	vmul.f32 v11, v7;
	v14 =	vld.idx.msk [tilespmem:v57+s21+$0x0], $0xffff  }
0x97: {  	v16 =	vmul.f32 v16, v7;
	[tilespmem:v5+s29+$0x0] =	vst.idx.add.f32.msk $0xffff, v10  }
0x98: {  	v9 =	vand.u32 $0xFFFF0000, v19;
	[tilespmem:v2+s28+$0x0] =	vst.idx.add.f32.msk $0xffff, v11  }
0x99: {  	v9 =	vmul.f32 v9, v6;
	v10 =	vshll.u32 v19, $0x10;
	[tilespmem:v2+s29+$0x0] =	vst.idx.add.f32.msk $0xffff, v16  }
0x9a: {  	v10 =	vmul.f32 v10, v6;
	v11 =	vld.idx.msk [tilespmem:v59+s21+$0x0], $0xffff  }
0x9b: {  	[tilespmem:v3+s28+$0x0] =	vst.idx.add.f32.msk $0xffff, v9;
	v9 =	vand.u32 $0xFFFF0000, v14  }
0x9c: {  	[tilespmem:v3+s29+$0x0] =	vst.idx.add.f32.msk $0xffff, v10;
	v14 =	vshll.u32 v14, $0x10;
	v9 =	vmul.f32 v9, v61  }
0x9d: {  	v10 =	vld.idx.msk [tilespmem:v58+s21+$0x0], $0xffff;
	v63 =	vmul.f32 v14, v61  }
0x9e: {  	s7 =	simm.s32 $0x11C80;
	s8 =	simm.s32 $0x40;
	v13 =	vshll.u32 v56, $0x10;
	[tilespmem:v20+s30+$0x0] =	vst.idx.add.f32.msk $0xffff, v9  }
0x9f: {  	s5 =	simm.s32 $0xF70;
	s9 =	simm.s32 $0xEDA0;
	s23 =	simm.s32 $0xFC80;
	v9 =	vmul.f32 v13, v17;
	[tilespmem:v20+s31+$0x0] =	vst.idx.add.f32.msk $0xffff, v63  }
.LBB2_5:
0xa0: {  	v12 =	vld [tilespmem:s9+$0x10]  }
0xa1: {  	v13 =	vld [tilespmem:s9+$0xFFFFFFF0]  }
0xa2: {  	s8 =	sadd.s32 $0x40, s8;
	v15 =	vand.u32 $0xFFFF0000, v11;
	v11 =	vshll.u32 v11, $0x10;
	v14 =	vld [tilespmem:s9+$0x0]  }
0xa3: {  	p0 =	slt.u32 s8, $0xF40;
	v15 =	vmul.f32 v15, v8;
	v17 =	vand.u32 $0xFFFF0000, v10;
	v10 =	vshll.u32 v10, $0x10;
	v16 =	vld [tilespmem:s9+$0xFFFFFFE0]  }
0xa4: {  	v8 =	vmul.f32 v11, v8;
	v11 =	vmul.f32 v17, v7;
	v17 =	vld.idx.msk [tilespmem:v4+s21+$0x0], $0xffff  }
0xa5: {  	v7 =	vmul.f32 v10, v7;
	v18 =	vand.u32 $0xFFFF, v12;
	[tilespmem:v5+s30+$0x0] =	vst.idx.add.f32.msk $0xffff, v15  }
0xa6: {  	v10 =	vshra.s32 v13, $0x10;
	v13 =	vand.u32 $0xFFFF, v13;
	[tilespmem:v5+s31+$0x0] =	vst.idx.add.f32.msk $0xffff, v8  }
0xa7: {  	v8 =	vshra.s32 v14, $0x10;
	v4 =	vand.u32 $0xFFFF, v14;
	[tilespmem:v2+s30+$0x0] =	vst.idx.add.f32.msk $0xffff, v11  }
0xa8: {  	v5 =	vshra.s32 v16, $0x10;
	v11 =	vand.u32 $0xFFFF, v16;
	[tilespmem:v2+s31+$0x0] =	vst.idx.add.f32.msk $0xffff, v7;
	v2 =	vmov v10  }
0xa9: {  	[tilespmem:v1+s31+$0x0] =	vst.idx.add.f32.msk $0xffff, v9;
	v1 =	vmov v3;
	v3 =	vmov v8  }
0xaa: {  	v7 =	vand.u32 $0xFFFF0000, v17;
	v8 =	vshll.u32 v17, $0x10;
	v10 =	vld.idx.msk [tilespmem:v18+s2+$0x0], $0xffff  }
0xab: {  	s6 =	sadd.s32 $0x40, s6;
	v15 =	vmul.f32 v7, v6;
	v9 =	vmul.f32 v8, v6;
	v14 =	vld.idx.msk [tilespmem:v13+s2+$0x0], $0xffff  }
0xac: {  	v16 =	vld [tilespmem:s6+$0x10]  }
0xad: {  	v17 =	vld.idx.msk [tilespmem:v11+s2+$0x0], $0xffff  }
0xae: {  	v12 =	vshra.s32 v12, $0x10;
	v19 =	vld.idx.msk [tilespmem:v4+s2+$0x0], $0xffff  }
0xaf: {  	v8 =	vld [tilespmem:s6+$0xFFFFFFE0]  }
0xb0: {  	v20 =	vand.u32 $0xFFFF0000, v10;
	v7 =	vld [tilespmem:s6+$0xFFFFFFF0]  }
0xb1: {  	v10 =	vshll.u32 v10, $0x10;
	v21 =	vand.u32 $0xFFFF0000, v14;
	v6 =	vld [tilespmem:s6+$0x0];
	v20 =	vmul.f32 v20, v16  }
0xb2: {  	v14 =	vshll.u32 v14, $0x10;
	v10 =	vmul.f32 v10, v16;
	[tilespmem:v1+s30+$0x0] =	vst.idx.add.f32.msk $0xffff, v15  }
0xb3: {  	v15 =	vand.u32 $0xFFFF0000, v17;
	v17 =	vshll.u32 v17, $0x10;
	[tilespmem:v12+s28+$0x0] =	vst.idx.add.f32.msk $0xffff, v20  }
0xb4: {  	v20 =	vand.u32 $0xFFFF0000, v19;
	v19 =	vshll.u32 v19, $0x10;
	v15 =	vmul.f32 v15, v8;
	[tilespmem:v12+s29+$0x0] =	vst.idx.add.f32.msk $0xffff, v10  }
0xb5: {  	v10 =	vmul.f32 v17, v8;
	v17 =	vmul.f32 v21, v7;
	v18 =	vld.idx.msk [tilespmem:v18+s21+$0x0], $0xffff  }
0xb6: {  	v14 =	vmul.f32 v14, v7;
	[tilespmem:v5+s28+$0x0] =	vst.idx.add.f32.msk $0xffff, v15;
	v15 =	vmul.f32 v20, v6  }
0xb7: {  	[tilespmem:v5+s29+$0x0] =	vst.idx.add.f32.msk $0xffff, v10;
	v10 =	vmul.f32 v19, v6  }
0xb8: {  	[tilespmem:v2+s28+$0x0] =	vst.idx.add.f32.msk $0xffff, v17  }
0xb9: {  	[tilespmem:v2+s29+$0x0] =	vst.idx.add.f32.msk $0xffff, v14  }
0xba: {  	[tilespmem:v3+s28+$0x0] =	vst.idx.add.f32.msk $0xffff, v15  }
.Ltmp3:
0xbb: {  	[tilespmem:v3+s29+$0x0] =	vst.idx.add.f32.msk $0xffff, v10;
	v10 =	vand.u32 $0xFFFF0000, v18;
	(pc) =	sbr.rel @p0 .LBB2_5-.Ltmp3, $4  }
0xbc: {  	v15 =	vshll.u32 v18, $0x10;
	v11 =	vld.idx.msk [tilespmem:v11+s21+$0x0], $0xffff;
	v14 =	vmul.f32 v10, v16  }
0xbd: {  	v10 =	vld.idx.msk [tilespmem:v13+s21+$0x0], $0xffff;
	v13 =	vmul.f32 v15, v16  }
0xbe: {  	[tilespmem:v12+s30+$0x0] =	vst.idx.add.f32.msk $0xffff, v14  }
0xbf: {  	s9 =	sadd.s32 $0x40, s9;
	[tilespmem:v12+s31+$0x0] =	vst.idx.add.f32.msk $0xffff, v13  }
0xc0: {  	_ =	sdelay $0x3  }
0xc1: {  	v4 =	vld.idx.msk [tilespmem:v4+s21+$0x0], $0xffff  }
0xc2: {  	v12 =	vand.u32 $0xFFFF0000, v11  }
0xc3: {  	v12 =	vmul.f32 v12, v8;
	v13 =	vand.u32 $0xFFFF0000, v10  }
0xc4: {  	[tilespmem:v1+s31+$0x0] =	vst.idx.add.f32.msk $0xffff, v9;
	v59 =	vshll.u32 v10, $0x10;
	v60 =	vmul.f32 v13, v7  }
0xc5: {  	v57 =	vshll.u32 v11, $0x10;
	v61 =	vmul.f32 v59, v7;
	[tilespmem:v5+s30+$0x0] =	vst.idx.add.f32.msk $0xffff, v12  }
0xc6: {  	v58 =	vmul.f32 v57, v8;
	[tilespmem:v2+s30+$0x0] =	vst.idx.add.f32.msk $0xffff, v60;
	v62 =	vand.u32 $0xFFFF0000, v4  }
0xc7: {  	[tilespmem:v2+s31+$0x0] =	vst.idx.add.f32.msk $0xffff, v61;
	v2 =	vshll.u32 v4, $0x10;
	v63 =	vmul.f32 v62, v6  }
0xc8: {  	[tilespmem:v5+s31+$0x0] =	vst.idx.add.f32.msk $0xffff, v58;
	v1 =	vmul.f32 v2, v6  }
0xc9: {  	[tilespmem:v3+s30+$0x0] =	vst.idx.add.f32.msk $0xffff, v63  }
0xca: {  	[tilespmem:v3+s31+$0x0] =	vst.idx.add.f32.msk $0xffff, v1  }
.LBB2_7:
0xcb: {  	v1 =	vld [tilespmem:s23+$0x0];
	_ =	sdelay $0x4  }
0xcc: {  	v2 =	vand.u32 $0xFFFF, v1;
	_ =	sdelay $0x4  }
0xcd: {  	v3 =	vld.idx.msk [tilespmem:v2+s2+$0x0], $0xffff  }
0xce: {  	v4 =	vld [tilespmem:s7+$0x0];
	_ =	sdelay $0x1  }
0xcf: {  	v1 =	vshra.s32 v1, $0x10;
	_ =	sdelay $0x1  }
0xd0: {  	v5 =	vand.u32 $0xFFFF0000, v3  }
0xd1: {  	v3 =	vshll.u32 v3, $0x10;
	v5 =	vmul.f32 v5, v4  }
0xd2: {  	v3 =	vmul.f32 v3, v4  }
0xd3: {  	[tilespmem:v1+s28+$0x0] =	vst.idx.add.f32.msk $0xffff, v5  }
0xd4: {  	[tilespmem:v1+s29+$0x0] =	vst.idx.add.f32.msk $0xffff, v3  }
0xd5: {  	v2 =	vld.idx.msk [tilespmem:v2+s21+$0x0], $0xffff;
	_ =	sdelay $0x2  }
0xd6: {  	s5 =	sadd.s32 $0x10, s5  }
0xd7: {  	p0 =	slt.u32 s5, $0xF90  }
.Ltmp4:
0xd8: {  	v3 =	vand.u32 $0xFFFF0000, v2;
	(pc) =	sbr.rel @p0 .LBB2_7-.Ltmp4, $4  }
0xd9: {  	v2 =	vshll.u32 v2, $0x10;
	v3 =	vmul.f32 v3, v4  }
0xda: {  	v2 =	vmul.f32 v2, v4  }
0xdb: {  	[tilespmem:v1+s30+$0x0] =	vst.idx.add.f32.msk $0xffff, v3  }
0xdc: {  	s7 =	sadd.s32 $0x10, s7;
	s23 =	sadd.s32 $0x10, s23;
	[tilespmem:v1+s31+$0x0] =	vst.idx.add.f32.msk $0xffff, v2  }
0xdd: {  	p0 =	seq.s32 s22, $0x9  }
0xde: {  	s5 =	smul.u32 @!p0 $0x1F40, s22;
	_ =	sdelay $0x1  }
0xdf: {  	s5 =	sadd.s32 @!p0 s5, s11  }
0xe0: {  	s5 =	sshrl.u32 @!p0 s5, $0x3  }
0xe1: {  	s7 =	simm.s32 @!p0 $0x0;
	s8 =	simm.s32 @!p0 $0xED00;
	s6 =	sadd.s32 @!p0 s3, s5  }
0xe2: {  	[tilespmem:s8], [sflag:$0x1] =	stream.linear.gather @!p0 [hbm4b:s6+s7], $0xFA0, $0x38;
	[tilespmem:$0x12D00] =	vst v63  }
0xe3: {  	s5 =	sadd.s32 @!p0 s4, s5;
	s6 =	simm.s32 @!p0 $0x10D00  }
0xe4: {  	[tilespmem:s6], [sflag:$0x1] =	stream.linear.gather @!p0 [hbm4b:s5+s7], $0xFA0, $0x38;
	[tilespmem:$0x12D00] =	vst v63  }
0xe5: {  	_ =	swait.ge [sflag:s0], $0xFA0  }
0xe6: {  	[sflag:s0] =	ssyncset.done $0x0  }
0xe7: {  	[sflag:s0] =	ssyncadd.s32 $0xFFFFF060  }
0xe8: {  	_ =	swait.ge [sflag:s0], $0xFA0  }
0xe9: {  	[sflag:s0] =	ssyncset.done $0x0  }
0xea: {  	s8 =	simm.s32 $0xFD20;
	[sflag:s0] =	ssyncadd.s32 $0xFFFFF060  }
0xeb: {  	v1 =	vld [tilespmem:s8+$0x10]  }
0xec: {  	v3 =	vld [tilespmem:s8+$0xFFFFFFE0];
	_ =	sdelay $0x3  }
0xed: {  	v2 =	vld [tilespmem:s8+$0xFFFFFFF0];
	v5 =	vand.u32 $0xFFFF, v1  }
0xee: {  	v7 =	vand.u32 $0xFFFF, v3  }
0xef: {  	v4 =	vld [tilespmem:s8+$0x0]  }
0xf0: {  	s9 =	simm.s32 $0x11D20  }
0xf1: {  	v10 =	vld [tilespmem:s9+$0x10]  }
0xf2: {  	v6 =	vand.u32 $0xFFFF, v2;
	v9 =	vld.idx.msk [tilespmem:v5+s2+$0x0], $0xffff  }
0xf3: {  	v12 =	vld.idx.msk [tilespmem:v7+s2+$0x0], $0xffff  }
0xf4: {  	v14 =	vld [tilespmem:s9+$0xFFFFFFE0];
	v8 =	vand.u32 $0xFFFF, v4  }
0xf5: {  	v16 =	vld [tilespmem:s9+$0xFFFFFFF0];
	v13 =	vshra.s32 v1, $0x10  }
0xf6: {  	v17 =	vld [tilespmem:s9+$0x0];
	v3 =	vshra.s32 v3, $0x10  }
0xf7: {  	s5 =	simm.s32 $0x11D60;
	v11 =	vld.idx.msk [tilespmem:v6+s2+$0x0], $0xffff;
	v1 =	vand.u32 $0xFFFF0000, v9  }
0xf8: {  	v61 =	vld [tilespmem:s5+$0x10];
	v18 =	vand.u32 $0xFFFF0000, v12;
	v1 =	vmul.f32 v1, v10  }
0xf9: {  	v15 =	vld.idx.msk [tilespmem:v8+s2+$0x0], $0xffff;
	v9 =	vshll.u32 v9, $0x10;
	v18 =	vmul.f32 v18, v14  }
0xfa: {  	v2 =	vshra.s32 v2, $0x10;
	v9 =	vmul.f32 v9, v10;
	[tilespmem:v13+s28+$0x0] =	vst.idx.add.f32.msk $0xffff, v1  }
0xfb: {  	v12 =	vshll.u32 v12, $0x10;
	[tilespmem:v3+s28+$0x0] =	vst.idx.add.f32.msk $0xffff, v18  }
0xfc: {  	v1 =	vshra.s32 v4, $0x10;
	v4 =	vand.u32 $0xFFFF0000, v11;
	[tilespmem:v13+s29+$0x0] =	vst.idx.add.f32.msk $0xffff, v9;
	v9 =	vmul.f32 v12, v14  }
0xfd: {  	v11 =	vshll.u32 v11, $0x10;
	v4 =	vmul.f32 v4, v16;
	v5 =	vld.idx.msk [tilespmem:v5+s21+$0x0], $0xffff  }
0xfe: {  	v54 =	vand.u32 $0xFFFF0000, v15;
	v11 =	vmul.f32 v11, v16;
	[tilespmem:v3+s29+$0x0] =	vst.idx.add.f32.msk $0xffff, v9  }
0xff: {  	v12 =	vmul.f32 v54, v17;
	v9 =	vshll.u32 v15, $0x10;
	[tilespmem:v2+s28+$0x0] =	vst.idx.add.f32.msk $0xffff, v4  }
0x100: {  	v4 =	vmul.f32 v9, v17;
	[tilespmem:v2+s29+$0x0] =	vst.idx.add.f32.msk $0xffff, v11  }
0x101: {  	[tilespmem:v1+s28+$0x0] =	vst.idx.add.f32.msk $0xffff, v12  }
0x102: {  	[tilespmem:v1+s29+$0x0] =	vst.idx.add.f32.msk $0xffff, v4;
	v4 =	vand.u32 $0xFFFF0000, v5  }
0x103: {  	v7 =	vld.idx.msk [tilespmem:v7+s21+$0x0], $0xffff;
	v4 =	vmul.f32 v4, v10  }
0x104: {  	v6 =	vld.idx.msk [tilespmem:v6+s21+$0x0], $0xffff  }
0x105: {  	s23 =	simm.s32 $0xFD60;
	v5 =	vshll.u32 v5, $0x10;
	[tilespmem:v13+s30+$0x0] =	vst.idx.add.f32.msk $0xffff, v4  }
0x106: {  	v4 =	vmul.f32 v5, v10;
	v5 =	vld [tilespmem:s23+$0x10]  }
0x107: {  	v9 =	vld [tilespmem:s23+$0xFFFFFFF0]  }
0x108: {  	v10 =	vld [tilespmem:s23+$0xFFFFFFE0]  }
0x109: {  	v11 =	vld [tilespmem:s23+$0x0];
	v55 =	vand.u32 $0xFFFF0000, v6  }
0x10a: {  	v56 =	vld.idx.msk [tilespmem:v8+s21+$0x0], $0xffff;
	v8 =	vmul.f32 v55, v16  }
0x10b: {  	v6 =	vshll.u32 v6, $0x10;
	[tilespmem:v13+s31+$0x0] =	vst.idx.add.f32.msk $0xffff, v4;
	v57 =	vand.u32 $0xFFFF, v5  }
0x10c: {  	v6 =	vmul.f32 v6, v16;
	v4 =	vand.u32 $0xFFFF0000, v7;
	[tilespmem:v2+s30+$0x0] =	vst.idx.add.f32.msk $0xffff, v8  }
0x10d: {  	v4 =	vmul.f32 v4, v14;
	v8 =	vld [tilespmem:s5+$0xFFFFFFE0];
	v59 =	vand.u32 $0xFFFF, v10  }
0x10e: {  	v58 =	vand.u32 $0xFFFF, v9;
	v7 =	vshll.u32 v7, $0x10;
	[tilespmem:v2+s31+$0x0] =	vst.idx.add.f32.msk $0xffff, v6  }
0x10f: {  	v7 =	vmul.f32 v7, v14;
	[tilespmem:v3+s30+$0x0] =	vst.idx.add.f32.msk $0xffff, v4  }
0x110: {  	v2 =	vld.idx.msk [tilespmem:v57+s2+$0x0], $0xffff  }
0x111: {  	[tilespmem:v3+s31+$0x0] =	vst.idx.add.f32.msk $0xffff, v7  }
0x112: {  	v4 =	vand.u32 $0xFFFF, v11;
	v3 =	vld.idx.msk [tilespmem:v59+s2+$0x0], $0xffff  }
0x113: {  	v60 =	vld.idx.msk [tilespmem:v58+s2+$0x0], $0xffff;
	v20 =	vshra.s32 v5, $0x10;
	v5 =	vand.u32 $0xFFFF0000, v56  }
0x114: {  	v6 =	vld [tilespmem:s5+$0x0];
	v21 =	vmul.f32 v5, v17  }
0x115: {  	v7 =	vld [tilespmem:s5+$0xFFFFFFF0];
	v5 =	vshra.s32 v10, $0x10;
	v22 =	vand.u32 $0xFFFF0000, v2  }
0x116: {  	[tilespmem:v1+s30+$0x0] =	vst.idx.add.f32.msk $0xffff, v21;
	v2 =	vshll.u32 v2, $0x10;
	v10 =	vmul.f32 v22, v61  }
0x117: {  	v19 =	vld.idx.msk [tilespmem:v4+s2+$0x0], $0xffff;
	v62 =	vmul.f32 v2, v61;
	v2 =	vshra.s32 v9, $0x10;
	v9 =	vand.u32 $0xFFFF0000, v3  }
0x118: {  	v9 =	vmul.f32 v9, v8;
	[tilespmem:v20+s28+$0x0] =	vst.idx.add.f32.msk $0xffff, v10  }
0x119: {  	v10 =	vshll.u32 v3, $0x10;
	[tilespmem:v20+s29+$0x0] =	vst.idx.add.f32.msk $0xffff, v62  }
0x11a: {  	v3 =	vshra.s32 v11, $0x10;
	v11 =	vand.u32 $0xFFFF0000, v60;
	v10 =	vmul.f32 v10, v8;
	[tilespmem:v5+s28+$0x0] =	vst.idx.add.f32.msk $0xffff, v9  }
0x11b: {  	v16 =	vshll.u32 v60, $0x10;
	v11 =	vmul.f32 v11, v7;
	v14 =	vld.idx.msk [tilespmem:v57+s21+$0x0], $0xffff  }
0x11c: {  	v16 =	vmul.f32 v16, v7;
	[tilespmem:v5+s29+$0x0] =	vst.idx.add.f32.msk $0xffff, v10  }
0x11d: {  	v9 =	vand.u32 $0xFFFF0000, v19;
	[tilespmem:v2+s28+$0x0] =	vst.idx.add.f32.msk $0xffff, v11  }
0x11e: {  	v9 =	vmul.f32 v9, v6;
	v10 =	vshll.u32 v19, $0x10;
	[tilespmem:v2+s29+$0x0] =	vst.idx.add.f32.msk $0xffff, v16  }
0x11f: {  	v10 =	vmul.f32 v10, v6;
	v11 =	vld.idx.msk [tilespmem:v59+s21+$0x0], $0xffff  }
0x120: {  	[tilespmem:v3+s28+$0x0] =	vst.idx.add.f32.msk $0xffff, v9;
	v9 =	vand.u32 $0xFFFF0000, v14  }
0x121: {  	[tilespmem:v3+s29+$0x0] =	vst.idx.add.f32.msk $0xffff, v10;
	v14 =	vshll.u32 v14, $0x10;
	v9 =	vmul.f32 v9, v61  }
0x122: {  	v10 =	vld.idx.msk [tilespmem:v58+s21+$0x0], $0xffff;
	v63 =	vmul.f32 v14, v61  }
0x123: {  	s6 =	simm.s32 $0x12C80;
	v13 =	vshll.u32 v56, $0x10;
	[tilespmem:v20+s30+$0x0] =	vst.idx.add.f32.msk $0xffff, v9  }
0x124: {  	s7 =	simm.s32 $0x40;
	s8 =	simm.s32 $0xFDA0;
	s23 =	simm.s32 $0x10C80;
	v9 =	vmul.f32 v13, v17;
	[tilespmem:v20+s31+$0x0] =	vst.idx.add.f32.msk $0xffff, v63  }
.LBB2_9:
0x125: {  	v12 =	vld [tilespmem:s8+$0x10]  }
0x126: {  	v13 =	vld [tilespmem:s8+$0xFFFFFFF0]  }
0x127: {  	s7 =	sadd.s32 $0x40, s7;
	v15 =	vand.u32 $0xFFFF0000, v11;
	v11 =	vshll.u32 v11, $0x10;
	v14 =	vld [tilespmem:s8+$0x0]  }
0x128: {  	p1 =	slt.u32 s7, $0xF40;
	v15 =	vmul.f32 v15, v8;
	v17 =	vand.u32 $0xFFFF0000, v10;
	v10 =	vshll.u32 v10, $0x10;
	v16 =	vld [tilespmem:s8+$0xFFFFFFE0]  }
0x129: {  	v8 =	vmul.f32 v11, v8;
	v11 =	vmul.f32 v17, v7;
	v17 =	vld.idx.msk [tilespmem:v4+s21+$0x0], $0xffff  }
0x12a: {  	v7 =	vmul.f32 v10, v7;
	v18 =	vand.u32 $0xFFFF, v12;
	[tilespmem:v5+s30+$0x0] =	vst.idx.add.f32.msk $0xffff, v15  }
0x12b: {  	v10 =	vshra.s32 v13, $0x10;
	v13 =	vand.u32 $0xFFFF, v13;
	[tilespmem:v5+s31+$0x0] =	vst.idx.add.f32.msk $0xffff, v8  }
0x12c: {  	v8 =	vshra.s32 v14, $0x10;
	v4 =	vand.u32 $0xFFFF, v14;
	[tilespmem:v2+s30+$0x0] =	vst.idx.add.f32.msk $0xffff, v11  }
0x12d: {  	v5 =	vshra.s32 v16, $0x10;
	v11 =	vand.u32 $0xFFFF, v16;
	[tilespmem:v2+s31+$0x0] =	vst.idx.add.f32.msk $0xffff, v7;
	v2 =	vmov v10  }
0x12e: {  	[tilespmem:v1+s31+$0x0] =	vst.idx.add.f32.msk $0xffff, v9;
	v1 =	vmov v3;
	v3 =	vmov v8  }
0x12f: {  	v7 =	vand.u32 $0xFFFF0000, v17;
	v8 =	vshll.u32 v17, $0x10;
	v10 =	vld.idx.msk [tilespmem:v18+s2+$0x0], $0xffff  }
0x130: {  	s5 =	sadd.s32 $0x40, s5;
	v15 =	vmul.f32 v7, v6;
	v9 =	vmul.f32 v8, v6;
	v14 =	vld.idx.msk [tilespmem:v13+s2+$0x0], $0xffff  }
0x131: {  	v16 =	vld [tilespmem:s5+$0x10]  }
0x132: {  	v17 =	vld.idx.msk [tilespmem:v11+s2+$0x0], $0xffff  }
0x133: {  	v12 =	vshra.s32 v12, $0x10;
	v19 =	vld.idx.msk [tilespmem:v4+s2+$0x0], $0xffff  }
0x134: {  	v8 =	vld [tilespmem:s5+$0xFFFFFFE0]  }
0x135: {  	v20 =	vand.u32 $0xFFFF0000, v10;
	v7 =	vld [tilespmem:s5+$0xFFFFFFF0]  }
0x136: {  	v10 =	vshll.u32 v10, $0x10;
	v21 =	vand.u32 $0xFFFF0000, v14;
	v6 =	vld [tilespmem:s5+$0x0];
	v20 =	vmul.f32 v20, v16  }
0x137: {  	v14 =	vshll.u32 v14, $0x10;
	v10 =	vmul.f32 v10, v16;
	[tilespmem:v1+s30+$0x0] =	vst.idx.add.f32.msk $0xffff, v15  }
0x138: {  	v15 =	vand.u32 $0xFFFF0000, v17;
	v17 =	vshll.u32 v17, $0x10;
	[tilespmem:v12+s28+$0x0] =	vst.idx.add.f32.msk $0xffff, v20  }
0x139: {  	v20 =	vand.u32 $0xFFFF0000, v19;
	v19 =	vshll.u32 v19, $0x10;
	v15 =	vmul.f32 v15, v8;
	[tilespmem:v12+s29+$0x0] =	vst.idx.add.f32.msk $0xffff, v10  }
0x13a: {  	v10 =	vmul.f32 v17, v8;
	v17 =	vmul.f32 v21, v7;
	v18 =	vld.idx.msk [tilespmem:v18+s21+$0x0], $0xffff  }
0x13b: {  	v14 =	vmul.f32 v14, v7;
	[tilespmem:v5+s28+$0x0] =	vst.idx.add.f32.msk $0xffff, v15;
	v15 =	vmul.f32 v20, v6  }
0x13c: {  	[tilespmem:v5+s29+$0x0] =	vst.idx.add.f32.msk $0xffff, v10;
	v10 =	vmul.f32 v19, v6  }
0x13d: {  	[tilespmem:v2+s28+$0x0] =	vst.idx.add.f32.msk $0xffff, v17  }
0x13e: {  	[tilespmem:v2+s29+$0x0] =	vst.idx.add.f32.msk $0xffff, v14  }
0x13f: {  	[tilespmem:v3+s28+$0x0] =	vst.idx.add.f32.msk $0xffff, v15  }
.Ltmp5:
0x140: {  	[tilespmem:v3+s29+$0x0] =	vst.idx.add.f32.msk $0xffff, v10;
	v10 =	vand.u32 $0xFFFF0000, v18;
	(pc) =	sbr.rel @p1 .LBB2_9-.Ltmp5, $4  }
0x141: {  	v15 =	vshll.u32 v18, $0x10;
	v11 =	vld.idx.msk [tilespmem:v11+s21+$0x0], $0xffff;
	v14 =	vmul.f32 v10, v16  }
0x142: {  	v10 =	vld.idx.msk [tilespmem:v13+s21+$0x0], $0xffff;
	v13 =	vmul.f32 v15, v16  }
0x143: {  	[tilespmem:v12+s30+$0x0] =	vst.idx.add.f32.msk $0xffff, v14  }
0x144: {  	s9 =	simm.s32 $0xF70;
	s8 =	sadd.s32 $0x40, s8;
	[tilespmem:v12+s31+$0x0] =	vst.idx.add.f32.msk $0xffff, v13  }
0x145: {  	_ =	sdelay $0x3  }
0x146: {  	v4 =	vld.idx.msk [tilespmem:v4+s21+$0x0], $0xffff  }
0x147: {  	v12 =	vand.u32 $0xFFFF0000, v11  }
0x148: {  	v12 =	vmul.f32 v12, v8;
	v13 =	vand.u32 $0xFFFF0000, v10  }
0x149: {  	[tilespmem:v1+s31+$0x0] =	vst.idx.add.f32.msk $0xffff, v9;
	v59 =	vshll.u32 v10, $0x10;
	v60 =	vmul.f32 v13, v7  }
0x14a: {  	v57 =	vshll.u32 v11, $0x10;
	v61 =	vmul.f32 v59, v7;
	[tilespmem:v5+s30+$0x0] =	vst.idx.add.f32.msk $0xffff, v12  }
0x14b: {  	v58 =	vmul.f32 v57, v8;
	[tilespmem:v2+s30+$0x0] =	vst.idx.add.f32.msk $0xffff, v60;
	v62 =	vand.u32 $0xFFFF0000, v4  }
0x14c: {  	[tilespmem:v2+s31+$0x0] =	vst.idx.add.f32.msk $0xffff, v61;
	v2 =	vshll.u32 v4, $0x10;
	v63 =	vmul.f32 v62, v6  }
0x14d: {  	[tilespmem:v5+s31+$0x0] =	vst.idx.add.f32.msk $0xffff, v58;
	v1 =	vmul.f32 v2, v6  }
0x14e: {  	[tilespmem:v3+s30+$0x0] =	vst.idx.add.f32.msk $0xffff, v63  }
0x14f: {  	[tilespmem:v3+s31+$0x0] =	vst.idx.add.f32.msk $0xffff, v1  }
.LBB2_11:
0x150: {  	v1 =	vld [tilespmem:s23+$0x0];
	_ =	sdelay $0x4  }
0x151: {  	v2 =	vand.u32 $0xFFFF, v1;
	_ =	sdelay $0x4  }
0x152: {  	v3 =	vld.idx.msk [tilespmem:v2+s2+$0x0], $0xffff  }
0x153: {  	v4 =	vld [tilespmem:s6+$0x0];
	_ =	sdelay $0x1  }
0x154: {  	v1 =	vshra.s32 v1, $0x10;
	_ =	sdelay $0x1  }
0x155: {  	v5 =	vand.u32 $0xFFFF0000, v3  }
0x156: {  	v3 =	vshll.u32 v3, $0x10;
	v5 =	vmul.f32 v5, v4  }
0x157: {  	v3 =	vmul.f32 v3, v4  }
0x158: {  	[tilespmem:v1+s28+$0x0] =	vst.idx.add.f32.msk $0xffff, v5  }
0x159: {  	[tilespmem:v1+s29+$0x0] =	vst.idx.add.f32.msk $0xffff, v3  }
0x15a: {  	v2 =	vld.idx.msk [tilespmem:v2+s21+$0x0], $0xffff;
	_ =	sdelay $0x2  }
0x15b: {  	s9 =	sadd.s32 $0x10, s9  }
0x15c: {  	p1 =	slt.u32 s9, $0xF90  }
.Ltmp6:
0x15d: {  	v3 =	vand.u32 $0xFFFF0000, v2;
	(pc) =	sbr.rel @p1 .LBB2_11-.Ltmp6, $4  }
0x15e: {  	v2 =	vshll.u32 v2, $0x10;
	v3 =	vmul.f32 v3, v4  }
0x15f: {  	v2 =	vmul.f32 v2, v4  }
0x160: {  	[tilespmem:v1+s30+$0x0] =	vst.idx.add.f32.msk $0xffff, v3  }
0x161: {  	s6 =	sadd.s32 $0x10, s6;
	s23 =	sadd.s32 $0x10, s23;
	[tilespmem:v1+s31+$0x0] =	vst.idx.add.f32.msk $0xffff, v2  }
.Ltmp7:
0x162: {  	(pc) =	sbr.rel @p0 .LBB2_14-.Ltmp7, $1  }
0x163: {  	_ =	sdelay $0x3  }
0x164: {  	s5 =	smul.u32 $0x1F40, s22;
	_ =	sdelay $0x1  }
0x165: {  	s5 =	sadd.s32 s5, s12  }
.Ltmp8:
0x166: {  	s5 =	sshrl.u32 s5, $0x3;
	(pc) =	sbr.rel .LBB2_4-.Ltmp8, $4  }
0x167: {  	s6 =	sadd.s32 s3, s5  }
0x168: {  	[tilespmem:s24], [sflag:$0x2] =	stream.linear.gather [hbm4b:s6+s2], $0xFA0, $0x38;
	[tilespmem:$0x12D00] =	vst v63  }
0x169: {  	s22 =	sadd.s32 $0x1, s22;
	s5 =	sadd.s32 s4, s5  }
0x16a: {  	[tilespmem:s25], [sflag:$0x2] =	stream.linear.gather [hbm4b:s5+s2], $0xFA0, $0x38;
	[tilespmem:$0x12D00] =	vst v63  }
.LBB2_15:
0x16b: {  	_ =	sfence.sel $0x180000  }
0x16c: {  	[bflag:$0x0] =	sbarrier.arrive $0xFFFF  }
0x16d: {  	_ =	strace $0x90000053  }
0x16e: {  	s0 =	stileid.u32;
	[bflag:$0x2] =	sbarrier.arrive $0xFFFF  }
0x16f: {  	p0 =	sne.s32 s0, $0x0;
	s0 =	rddreg [dreg:$0x2]  }
0x170: {  	s0 =	sadd.s32 @!p0 $0x100000, s0  }
0x171: {  	[sflag:s0] =	ssyncadd.tile.s32 @!p0 $0x1;
	_ =	shalt  }
.Lfunc_end2:
_tile_overlayer_lowered:
.L_overlay_start_2:
0x172: {  	(tag) =	ssettag $0x2  }
0x173: {  	s0 =	rddreg [dreg:$0x0];
	s2 =	stileid.u32  }
0x174: {  	s1 =	rddreg [dreg:$0x1];
	p0 =	sne.s32 s2, $0x0  }
0x175: {  	s3 =	rddreg [dreg:$0x2];
	[bflag:$0x3] =	sbarrier.arrive $0xFFFF;
	s2 =	simm.s32 @!p0 $0x1C03  }
0x176: {  	[timem:s3], [sflag:s2] =	dma.local @!p0 [hbm:s0], s1  }
0x177: {  	s0 =	simm.s32 @!p0 $0x3  }
0x178: {  	_ =	swait.ge @!p0 [sflag:s0], s1  }
0x179: {  	s1 =	ssub.s32 @!p0 $0x0, s1;
	[sflag:s0] =	ssyncset.done @!p0 $0x0  }
0x17a: {  	[sflag:s0] =	ssyncadd.s32 @!p0 s1  }
0x17b: {  	[bflag:$0x3] =	sbarrier.arrive $0xFFFF  }
0x17c: {  	_ =	shalt  }

</sc_bundles>
